<compile_context>
chip_gen: v7x
topology: tpu7x:2x2x1
jax: 0.10.2.dev20260603
libtpu: 0.0.44.dev20260713+nightly
codegen_flags: <defaults>
</compile_context>

<pallas_src>
import functools

import jax
import jax.numpy as jnp
from jax import lax
from jax.experimental import pallas as pl
from jax.experimental.pallas import tpu as pltpu
from jax.experimental.pallas import tpu_sc as plsc

N = 10000
E = 320000
D = 128
NC = 2
NS = 16
CH = 80
SCH = 25

NSUP = 10
NSUP2 = 5
NPAD = 10240
RPT = NPAD // NS


def _rsqrt_sc(d):
    i = lax.bitcast_convert_type(d, jnp.int32)
    y = lax.bitcast_convert_type(jnp.int32(0x5F3759DF) - (i >> 1), jnp.float32)
    for _ in range(3):
        t = (d * y) * y
        y = y * (1.5 - 0.5 * t)
    return jnp.where(d > 0.0, y, 0.0)


def _scale_rows(rows3, lwsup, par, cc):
    @plsc.parallel_loop(0, CH, unroll=8)
    def scale_body(e):
        lwb = plsc.load_gather(
            lwsup, [jnp.broadcast_to(cc, (16,)), jnp.broadcast_to(e, (16,))])
        for j in range(8):
            sl = pl.ds(j * 16, 16)
            rows3[par, e, sl] = rows3[par, e, sl] * lwb


def _spmm_super3(table, rsup, csup, lwsup, rows3, acc, sem, sem2, compute_lw):
    pltpu.async_copy(table.at[rsup.at[0]], rows3.at[0], sem)

    def ch_body(cc, _):
        par = lax.rem(cc, 3)
        nxt = lax.rem(cc + 1, 3)
        pltpu.make_async_copy(table.at[rsup.at[cc]], rows3.at[par], sem).wait()

        @pl.when(cc >= 2)
        def _():
            pltpu.make_async_copy(rows3.at[nxt], acc.at[csup.at[cc - 2]],
                                  sem2).wait()

        @pl.when(cc < SCH - 1)
        def _():
            pltpu.async_copy(table.at[rsup.at[cc + 1]], rows3.at[nxt], sem)

        compute_lw(cc)
        _scale_rows(rows3, lwsup, par, cc)
        pltpu.async_copy(rows3.at[par], acc.at[csup.at[cc]], sem2, add=True)
        return 0

    lax.fori_loop(0, SCH, ch_body, 0)
    pltpu.make_async_copy(rows3.at[(SCH - 2) % 3], acc.at[csup.at[SCH - 2]],
                          sem2).wait()
    pltpu.make_async_copy(rows3.at[(SCH - 1) % 3], acc.at[csup.at[SCH - 1]],
                          sem2).wait()


def _spmm_super2(table, rsup, csup, lwsup, rows2, acc, sem, sem2, compute_lw):
    pltpu.async_copy(table.at[rsup.at[0]], rows2.at[0], sem)

    def ch_body(cc, _):
        par = lax.rem(cc, 2)
        opp = lax.rem(cc + 1, 2)
        pltpu.make_async_copy(table.at[rsup.at[cc]], rows2.at[par], sem).wait()

        @pl.when(cc > 0)
        def _():
            pltpu.make_async_copy(rows2.at[opp], acc.at[csup.at[cc - 1]],
                                  sem2).wait()

        @pl.when(cc < SCH - 1)
        def _():
            pltpu.async_copy(table.at[rsup.at[cc + 1]], rows2.at[opp], sem)

        compute_lw(cc)
        _scale_rows(rows2, lwsup, par, cc)
        pltpu.async_copy(rows2.at[par], acc.at[csup.at[cc]], sem2, add=True)
        return 0

    lax.fori_loop(0, SCH, ch_body, 0)
    pltpu.make_async_copy(rows2.at[(SCH - 1) % 2], acc.at[csup.at[SCH - 1]],
                          sem2).wait()


def _conv_xh_body(x_hbm, h_hbm, r4, c4, e4, zf, z1, sx_o, sh_o, lw_o,
                  rsup, csup, esup, lwsup, dis_v, dtmp, rows2, acc, deg_sp,
                  sem, dsem):
    c = lax.axis_index("c")
    s = lax.axis_index("s")

    pltpu.sync_copy(z1.at[pl.ds(s * RPT, RPT)], deg_sp.at[pl.ds(s * RPT, RPT)])
    plsc.subcore_barrier()

    def deg_sup(sup, _):
        pltpu.sync_copy(r4.at[s, sup], rsup)
        pltpu.sync_copy(c4.at[s, sup], csup)
        pltpu.sync_copy(e4.at[s, sup], esup)

        def deg_ch(cc, _):
            for g in range(CH // 16):
                sl = pl.ds(g * 16, 16)
                esup[cc, sl] = jnp.where(
                    rsup[cc, sl] == csup[cc, sl], 0.0, esup[cc, sl])
            pltpu.async_copy(esup.at[cc], deg_sp.at[rsup.at[cc]], dsem,
                             add=True)
            return 0

        lax.fori_loop(0, SCH, deg_ch, 0)

        def deg_drain(cc, _):
            pltpu.make_async_copy(esup.at[cc], deg_sp.at[rsup.at[cc]],
                                  dsem).wait()
            return 0

        lax.fori_loop(0, SCH, deg_drain, 0)
        return 0

    lax.fori_loop(0, NSUP, deg_sup, 0)
    plsc.subcore_barrier()

    def dis_outer(k, _):
        pltpu.sync_copy(deg_sp.at[pl.ds(k * RPT, RPT)], dtmp)

        def dis_inner(v, _):
            d = dtmp[pl.ds(v * 16, 16)]
            dis_v[pl.ds(k * RPT + v * 16, 16)] = _rsqrt_sc(d)
            return 0

        lax.fori_loop(0, RPT // 16, dis_inner, 0)
        return 0

    lax.fori_loop(0, NS, dis_outer, 0)

    pltpu.sync_copy(zf.at[pl.ds(s * RPT, RPT)], acc.at[pl.ds(s * RPT, RPT)])
    plsc.subcore_barrier()

    def make_pass(table):
        def sup_body(sup, _):
            pltpu.sync_copy(r4.at[s, sup], rsup)
            pltpu.sync_copy(c4.at[s, sup], csup)
            pltpu.sync_copy(e4.at[s, sup], esup)

            def compute_lw(cc):
                for g in range(CH // 16):
                    sl = pl.ds(g * 16, 16)
                    r = rsup[cc, sl]
                    co = csup[cc, sl]
                    mew = jnp.where(r == co, 0.0, esup[cc, sl])
                    dr = plsc.load_gather(dis_v, [r])
                    dc = plsc.load_gather(dis_v, [co])
                    lwsup[cc, sl] = -(dr * mew * dc)

            _spmm_super2(table, rsup, csup, lwsup, rows2, acc, sem, dsem,
                         compute_lw)

            @pl.when(c == 0)
            def _():
                pltpu.sync_copy(lwsup, lw_o.at[s, sup])

            return 0

        lax.fori_loop(0, NSUP, sup_body, 0)

    @pl.when(c == 0)
    def _():
        make_pass(x_hbm)

    @pl.when(c == 1)
    def _():
        make_pass(h_hbm)

    plsc.subcore_barrier()
    sl_out = pl.ds(s * RPT, RPT)

    @pl.when(c == 0)
    def _():
        pltpu.sync_copy(acc.at[sl_out], sx_o.at[sl_out])

    @pl.when(c == 1)
    def _():
        pltpu.sync_copy(acc.at[sl_out], sh_o.at[sl_out])


def _conv_hr_body(hr_hbm, r4, c4, lw4, zf, shr_o,
                  rsup, csup, lwsup, rows3, acc, sem, sem2):
    c = lax.axis_index("c")
    s = lax.axis_index("s")
    w = c * NS + s

    pltpu.sync_copy(zf.at[pl.ds(s * RPT, RPT)], acc.at[pl.ds(s * RPT, RPT)])
    plsc.subcore_barrier()

    def sup_body(sup, _):
        pltpu.sync_copy(r4.at[w, sup], rsup)
        pltpu.sync_copy(c4.at[w, sup], csup)
        pltpu.sync_copy(lw4.at[w, sup], lwsup)
        _spmm_super3(hr_hbm, rsup, csup, lwsup, rows3, acc, sem, sem2,
                     lambda cc: None)
        return 0

    lax.fori_loop(0, NSUP2, sup_body, 0)
    plsc.subcore_barrier()
    pltpu.sync_copy(acc.at[pl.ds(s * RPT, RPT)],
                    shr_o.at[pl.ds(c * NPAD + s * RPT, RPT)])


_conv_xh = functools.partial(
    pl.kernel,
    out_type=(
        jax.ShapeDtypeStruct((NPAD, D), jnp.float32),
        jax.ShapeDtypeStruct((NPAD, D), jnp.float32),
        jax.ShapeDtypeStruct((NS, NSUP, SCH, CH), jnp.float32),
    ),
    mesh=plsc.VectorSubcoreMesh(core_axis_name="c", subcore_axis_name="s"),
    compiler_params=pltpu.CompilerParams(needs_layout_passes=False),
    scratch_types=[
        pltpu.VMEM((SCH, CH), jnp.int32),
        pltpu.VMEM((SCH, CH), jnp.int32),
        pltpu.VMEM((SCH, CH), jnp.float32),
        pltpu.VMEM((SCH, CH), jnp.float32),
        pltpu.VMEM((NPAD,), jnp.float32),
        pltpu.VMEM((RPT,), jnp.float32),
        pltpu.VMEM((2, CH, D), jnp.float32),
        pltpu.VMEM_SHARED((NPAD, D), jnp.float32),
        pltpu.VMEM_SHARED((NPAD,), jnp.float32),
        pltpu.SemaphoreType.DMA,
        pltpu.SemaphoreType.DMA,
    ],
)(_conv_xh_body)


_conv_hr = functools.partial(
    pl.kernel,
    out_type=jax.ShapeDtypeStruct((NC * NPAD, D), jnp.float32),
    mesh=plsc.VectorSubcoreMesh(core_axis_name="c", subcore_axis_name="s"),
    compiler_params=pltpu.CompilerParams(needs_layout_passes=False),
    scratch_types=[
        pltpu.VMEM((SCH, CH), jnp.int32),
        pltpu.VMEM((SCH, CH), jnp.int32),
        pltpu.VMEM((SCH, CH), jnp.float32),
        pltpu.VMEM((3, CH, D), jnp.float32),
        pltpu.VMEM_SHARED((NPAD, D), jnp.float32),
        pltpu.SemaphoreType.DMA,
        pltpu.SemaphoreType.DMA,
    ],
)(_conv_hr_body)


def _gates_body(x_ref, h_ref, sx_ref, sh_ref, wx_ref, w1x_ref, wh_ref,
                w1h_ref, b_ref, z_ref, hr_ref, ph_ref):
    x = x_ref[...]
    h = h_ref[...]
    f32 = jnp.float32
    a = (jnp.dot(x, wx_ref[...], preferred_element_type=f32)
         + jnp.dot(sx_ref[...], w1x_ref[...], preferred_element_type=f32)
         + b_ref[...])
    bm = (jnp.dot(h, wh_ref[...], preferred_element_type=f32)
          + jnp.dot(sh_ref[...], w1h_ref[...], preferred_element_type=f32))
    z = jax.nn.sigmoid(a[:, :D] + bm[:, :D])
    r = jax.nn.sigmoid(a[:, D:2 * D] + bm[:, D:2 * D])
    z_ref[...] = z
    hr_ref[...] = h * r
    ph_ref[...] = a[:, 2 * D:]


def _out_body(ph_ref, hr_ref, s0_ref, s1_ref, z_ref, h_ref, whh_ref,
              w1hh_ref, wlin_ref, bhh_ref, blin_ref, out_ref, h0_ref):
    f32 = jnp.float32
    shr = s0_ref[...] + s1_ref[...]
    ht = jnp.tanh(ph_ref[...]
                  + jnp.dot(hr_ref[...], whh_ref[...], preferred_element_type=f32)
                  + jnp.dot(shr, w1hh_ref[...], preferred_element_type=f32)
                  + bhh_ref[...])
    z = z_ref[...]
    h0 = z * h_ref[...] + (1.0 - z) * ht
    h0_ref[...] = h0
    out_ref[...] = (jnp.dot(jnp.maximum(h0, 0.0), wlin_ref[...],
                            preferred_element_type=f32) + blin_ref[...])


_RB = 1000


def _row_spec(ncols):
    return pl.BlockSpec((_RB, ncols), lambda i: (i, 0))


def _full_spec(shape):
    nd = len(shape)
    return pl.BlockSpec(shape, lambda i: (0,) * nd)


def kernel(x, edge_index, edge_weight, h, params):
    p = params
    row = edge_index[0]
    col = edge_index[1]
    r4 = row.reshape(NS, NSUP, SCH, CH)
    c4 = col.reshape(NS, NSUP, SCH, CH)
    e4 = edge_weight.reshape(NS, NSUP, SCH, CH).astype(jnp.float32)
    zf = jnp.zeros((NPAD, D), jnp.float32)
    z1 = jnp.zeros((NPAD,), jnp.float32)

    sx, sh, lw = _conv_xh(x, h, r4, c4, e4, zf, z1)

    wx = jnp.concatenate([p["W0_xz"], p["W0_xr"], p["W0_xh"]], axis=1)
    w1x = jnp.concatenate([p["W1_xz"], p["W1_xr"], p["W1_xh"]], axis=1)
    wh = jnp.concatenate([p["W0_hz"], p["W0_hr"]], axis=1)
    w1h = jnp.concatenate([p["W1_hz"], p["W1_hr"]], axis=1)
    b384 = jnp.concatenate(
        [p["b_xz"] + p["b_hz"], p["b_xr"] + p["b_hr"], p["b_xh"]]).reshape(1, 3 * D)

    z, hr, ph = pl.pallas_call(
        _gates_body,
        grid=(N // _RB,),
        in_specs=[
            _row_spec(D), _row_spec(D), _row_spec(D), _row_spec(D),
            _full_spec((D, 3 * D)), _full_spec((D, 3 * D)),
            _full_spec((D, 2 * D)), _full_spec((D, 2 * D)),
            _full_spec((1, 3 * D)),
        ],
        out_specs=[_row_spec(D), _row_spec(D), _row_spec(D)],
        out_shape=[
            jax.ShapeDtypeStruct((N, D), jnp.float32),
            jax.ShapeDtypeStruct((N, D), jnp.float32),
            jax.ShapeDtypeStruct((N, D), jnp.float32),
        ],
    )(x, h, sx[:N], sh[:N], wx, w1x, wh, w1h, b384)

    shrp = _conv_hr(hr, row.reshape(NC * NS, NSUP2, SCH, CH),
                    col.reshape(NC * NS, NSUP2, SCH, CH),
                    lw.reshape(NC * NS, NSUP2, SCH, CH), zf)

    bhh = p["b_hh"].reshape(1, D)
    blin = p["b_lin"].reshape(1, D)
    out, h0 = pl.pallas_call(
        _out_body,
        grid=(N // _RB,),
        in_specs=[
            _row_spec(D), _row_spec(D), _row_spec(D), _row_spec(D),
            _row_spec(D), _row_spec(D),
            _full_spec((D, D)), _full_spec((D, D)), _full_spec((D, D)),
            _full_spec((1, D)), _full_spec((1, D)),
        ],
        out_specs=[_row_spec(D), _row_spec(D)],
        out_shape=[
            jax.ShapeDtypeStruct((N, D), jnp.float32),
            jax.ShapeDtypeStruct((N, D), jnp.float32),
        ],
    )(ph, hr, shrp[:N], shrp[NPAD:NPAD + N], z, h, p["W0_hh"], p["W1_hh"],
      p["W_lin"], bhh, blin)
    return (out, h0)

# --- scband reference (transcript-rebuilt; emitter-appended) ---
"""Pipeline reference for scband-encoder-77799037599895 (READ-ONLY COPY).

The authoritative reference and input builder live on the scoring server;
editing this copy changes nothing except your own understanding.
"""

import jax, jax.numpy as jnp
import numpy as np

N, E, D_IN, D_H, D_L = 10000, 320000, 128, 128, 128


def _glorot(key, shape):
    lim = (6.0 / (shape[0] + shape[1])) ** 0.5
    return jax.random.uniform(key, shape, minval=-lim, maxval=lim, dtype=jnp.float32)


def setup_inputs(seed: int = 0):
    key = jax.random.key(seed)
    ks = jax.random.split(key, 32)
    x = jax.random.normal(ks[0], (N, D_IN), dtype=jnp.float32)
    edge_index = jax.random.randint(ks[1], (2, E), 0, N, dtype=jnp.int32)
    edge_weight = jax.random.uniform(ks[2], (E,), dtype=jnp.float32)
    h = jax.random.normal(ks[3], (N, D_H), dtype=jnp.float32)
    names = ["xz", "hz", "xr", "hr", "xh", "hh"]
    dims = [D_IN, D_H, D_IN, D_H, D_IN, D_H]
    params = {}
    i = 4
    for nm, din in zip(names, dims):
        params["W0_" + nm] = _glorot(ks[i], (din, D_H)); i += 1
        params["W1_" + nm] = _glorot(ks[i], (din, D_H)); i += 1
        params["b_" + nm] = jnp.zeros((D_H,), dtype=jnp.float32)
    params["W_lin"] = _glorot(ks[i], (D_H, D_L)); i += 1
    params["b_lin"] = jnp.zeros((D_L,), dtype=jnp.float32)
    return {"x": x, "edge_index": edge_index, "edge_weight": edge_weight, "h": h, "params": params}


def _lap_weights(row, col, ew, n):
    # ChebConv sym normalization with lambda_max=2.0:
    # remove self loops, L = I - D^{-1/2} A D^{-1/2}, L_hat = 2L/lambda_max - I
    # => off-diagonal weights are -d_i^{-1/2} w d_j^{-1/2}, diagonal is exactly 0 (omitted)
    ew = jnp.where(row == col, 0.0, ew)
    deg = jax.ops.segment_sum(ew, row, num_segments=n)
    safe = jnp.where(deg > 0, deg, 1.0)
    dis = jnp.where(deg > 0, 1.0 / jnp.sqrt(safe), 0.0)
    return -dis[row] * ew * dis[col]


def _cheb(xin, row, col, lw, W0, W1, b, n):
    # K=2 Chebyshev conv: Tx0 = x, Tx1 = L_hat @ x
    tx1 = jax.ops.segment_sum(lw[:, None] * xin[row], col, num_segments=n)
    return xin @ W0 + tx1 @ W1 + b


def reference(x, edge_index, edge_weight, h, params):
    row, col = edge_index[0], edge_index[1]
    lw = _lap_weights(row, col, edge_weight, N)
    p = params
    Z = jax.nn.sigmoid(_cheb(x, row, col, lw, p["W0_xz"], p["W1_xz"], p["b_xz"], N)
                       + _cheb(h, row, col, lw, p["W0_hz"], p["W1_hz"], p["b_hz"], N))
    R = jax.nn.sigmoid(_cheb(x, row, col, lw, p["W0_xr"], p["W1_xr"], p["b_xr"], N)
                       + _cheb(h, row, col, lw, p["W0_hr"], p["W1_hr"], p["b_hr"], N))
    Ht = jnp.tanh(_cheb(x, row, col, lw, p["W0_xh"], p["W1_xh"], p["b_xh"], N)
                  + _cheb(h * R, row, col, lw, p["W0_hh"], p["W1_hh"], p["b_hh"], N))
    h0 = Z * h + (1.0 - Z) * Ht
    out = jax.nn.relu(h0) @ p["W_lin"] + p["b_lin"]
    return (out, h0)

if __name__ == "__main__":
    import jax
    _d = setup_inputs()
    print(jax.jit(kernel)(*tuple(_d.values())))

</pallas_src>

<mosaic_0001>
#map = affine_map<(d0, d1) -> (0, 0)>
#map1 = affine_map<(d0, d1) -> (0, 0, 0, 0)>
module attributes {stable_mosaic.version = 14 : i64} {
  func.func @_conv_hr_body(%arg0: i32, %arg1: i32, %arg2: memref<10000x128xf32, #tpu.memory_space<hbm>>, %arg3: memref<32x5x25x80xi32, #tpu.memory_space<hbm>>, %arg4: memref<32x5x25x80xi32, #tpu.memory_space<hbm>>, %arg5: memref<32x5x25x80xf32, #tpu.memory_space<hbm>>, %arg6: memref<10240x128xf32, #tpu.memory_space<hbm>>, %arg7: memref<20480x128xf32, #tpu.memory_space<hbm>>, %arg8: memref<25x80xi32, #tpu.memory_space<vmem>>, %arg9: memref<25x80xi32, #tpu.memory_space<vmem>>, %arg10: memref<25x80xf32, #tpu.memory_space<vmem>>, %arg11: memref<3x80x128xf32, #tpu.memory_space<vmem>>, %arg12: memref<10240x128xf32, #tpu.memory_space<vmem_shared>>, %arg13: memref<!tpu.dma_semaphore, #tpu.memory_space<semaphore_mem>>, %arg14: memref<!tpu.dma_semaphore, #tpu.memory_space<semaphore_mem>>) attributes {dimension_semantics = [#tpu.dimension_semantics<core_parallel>, #tpu.dimension_semantics<subcore_parallel>], iteration_bounds = array<i64: 2, 16>, scalar_prefetch = 0 : i64, scratch_operands = 7 : i64, tpu.core_type = #tpu.core_type<sc_vector_subcore>, window_params = [{transform_indices = #map}, {transform_indices = #map1}, {transform_indices = #map1}, {transform_indices = #map1}, {transform_indices = #map}, {transform_indices = #map}]} {
    %mul3A = arith.constant 16 : i32
    %mul3A_0 = arith.muli %arg0, %mul3A : i32
    %add3A = arith.addi %mul3A_0, %arg1 : i32
    %mul3A_1 = arith.constant 640 : i32
    %mul3A_2 = arith.muli %arg1, %mul3A_1 : i32
    %mul3A_3 = arith.constant 640 : i32
    %mul3A_4 = arith.muli %arg1, %mul3A_3 : i32
    "tpu.region"() ({
      %run_scoped3A = tpu.sem_alloc : memref<!tpu.dma_semaphore, #tpu.memory_space<semaphore_mem>>
      %dma_start3A = arith.constant 0 : i32
      %dma_start3A_19 = tpu.memref_slice %arg12[%mul3A_4, %dma_start3A] : memref<10240x128xf32, #tpu.memory_space<vmem_shared>> -> memref<640x128xf32, #tpu.memory_space<vmem_shared>>
      %dma_start3A_20 = arith.constant 0 : i32
      %dma_start3A_21 = tpu.memref_slice %arg6[%mul3A_2, %dma_start3A_20] : memref<10240x128xf32, #tpu.memory_space<hbm>> -> memref<640x128xf32, #tpu.memory_space<hbm>>
      tpu.enqueue_dma source(%dma_start3A_21 : memref<640x128xf32, #tpu.memory_space<hbm>>) target(%dma_start3A_19 : memref<640x128xf32, #tpu.memory_space<vmem_shared>>) target_semaphore(%run_scoped3A : memref<!tpu.dma_semaphore, #tpu.memory_space<semaphore_mem>>)
      %dma_wait3A = arith.constant 0 : i32
      %dma_wait3A_22 = tpu.memref_slice %arg12[%mul3A_4, %dma_wait3A] : memref<10240x128xf32, #tpu.memory_space<vmem_shared>> -> memref<640x128xf32, #tpu.memory_space<vmem_shared>>
      %dma_wait3A_23 = arith.constant 0 : i32
      %dma_wait3A_24 = tpu.memref_slice %arg6[%mul3A_2, %dma_wait3A_23] : memref<10240x128xf32, #tpu.memory_space<hbm>> -> memref<640x128xf32, #tpu.memory_space<hbm>>
      tpu.wait_dma2 semaphore(%run_scoped3A : memref<!tpu.dma_semaphore, #tpu.memory_space<semaphore_mem>>) src(%dma_wait3A_24 : memref<640x128xf32, #tpu.memory_space<hbm>>) dst(%dma_wait3A_22 : memref<640x128xf32, #tpu.memory_space<vmem_shared>>)
      tpu.yield
    }) : () -> ()
    %barrier3A = arith.constant 0 : index
    tpu.barrier barrier_id(%barrier3A)
    %scan3A = arith.constant 0 : i32
    %scan3A_5 = arith.constant 0 : i32
    %scan3A_6 = arith.constant 5 : i32
    %scan3A_7 = arith.addi %scan3A_5, %scan3A_6 : i32
    %scan3A_8 = arith.constant 1 : i32
    %scan3A_9 = scf.for %scan3A_19 = %scan3A_5 to %scan3A_7 step %scan3A_8 iter_args(%scan3A_20 = %scan3A) -> (i32)  : i32 {
      "tpu.region"() ({
        %run_scoped3A = tpu.sem_alloc : memref<!tpu.dma_semaphore, #tpu.memory_space<semaphore_mem>>
        %dma_start3A_63 = arith.constant 0 : i32
        %dma_start3A_64 = arith.constant 0 : i32
        %dma_start3A_65 = tpu.memref_slice %arg3[%add3A, %scan3A_19, %dma_start3A_63, %dma_start3A_64] : memref<32x5x25x80xi32, #tpu.memory_space<hbm>> -> memref<1x1x25x80xi32, #tpu.memory_space<hbm>>
        %dma_start3A_66 = tpu.memref_squeeze %dma_start3A_65 : memref<1x1x25x80xi32, #tpu.memory_space<hbm>> -> memref<25x80xi32, #tpu.memory_space<hbm>>
        %dma_start3A_67 = arith.constant 0 : i32
        %dma_start3A_68 = arith.constant 0 : i32
        %dma_start3A_69 = tpu.memref_slice %arg3[%add3A, %scan3A_19, %dma_start3A_67, %dma_start3A_68] : memref<32x5x25x80xi32, #tpu.memory_space<hbm>> -> memref<1x1x25x80xi32, #tpu.memory_space<hbm>>
        %dma_start3A_70 = tpu.memref_squeeze %dma_start3A_69 : memref<1x1x25x80xi32, #tpu.memory_space<hbm>> -> memref<25x80xi32, #tpu.memory_space<hbm>>
        tpu.enqueue_dma source(%dma_start3A_70 : memref<25x80xi32, #tpu.memory_space<hbm>>) target(%arg8 : memref<25x80xi32, #tpu.memory_space<vmem>>) target_semaphore(%run_scoped3A : memref<!tpu.dma_semaphore, #tpu.memory_space<semaphore_mem>>)
        %dma_wait3A_71 = arith.constant 0 : i32
        %dma_wait3A_72 = arith.constant 0 : i32
        %dma_wait3A_73 = tpu.memref_slice %arg3[%add3A, %scan3A_19, %dma_wait3A_71, %dma_wait3A_72] : memref<32x5x25x80xi32, #tpu.memory_space<hbm>> -> memref<1x1x25x80xi32, #tpu.memory_space<hbm>>
        %dma_wait3A_74 = tpu.memref_squeeze %dma_wait3A_73 : memref<1x1x25x80xi32, #tpu.memory_space<hbm>> -> memref<25x80xi32, #tpu.memory_space<hbm>>
        %dma_wait3A_75 = arith.constant 0 : i32
        %dma_wait3A_76 = arith.constant 0 : i32
        %dma_wait3A_77 = tpu.memref_slice %arg3[%add3A, %scan3A_19, %dma_wait3A_75, %dma_wait3A_76] : memref<32x5x25x80xi32, #tpu.memory_space<hbm>> -> memref<1x1x25x80xi32, #tpu.memory_space<hbm>>
        %dma_wait3A_78 = tpu.memref_squeeze %dma_wait3A_77 : memref<1x1x25x80xi32, #tpu.memory_space<hbm>> -> memref<25x80xi32, #tpu.memory_space<hbm>>
        tpu.wait_dma2 semaphore(%run_scoped3A : memref<!tpu.dma_semaphore, #tpu.memory_space<semaphore_mem>>) src(%dma_wait3A_78 : memref<25x80xi32, #tpu.memory_space<hbm>>) dst(%arg8 : memref<25x80xi32, #tpu.memory_space<vmem>>)
        tpu.yield
      }) : () -> ()
      "tpu.region"() ({
        %run_scoped3A = tpu.sem_alloc : memref<!tpu.dma_semaphore, #tpu.memory_space<semaphore_mem>>
        %dma_start3A_63 = arith.constant 0 : i32
        %dma_start3A_64 = arith.constant 0 : i32
        %dma_start3A_65 = tpu.memref_slice %arg4[%add3A, %scan3A_19, %dma_start3A_63, %dma_start3A_64] : memref<32x5x25x80xi32, #tpu.memory_space<hbm>> -> memref<1x1x25x80xi32, #tpu.memory_space<hbm>>
        %dma_start3A_66 = tpu.memref_squeeze %dma_start3A_65 : memref<1x1x25x80xi32, #tpu.memory_space<hbm>> -> memref<25x80xi32, #tpu.memory_space<hbm>>
        %dma_start3A_67 = arith.constant 0 : i32
        %dma_start3A_68 = arith.constant 0 : i32
        %dma_start3A_69 = tpu.memref_slice %arg4[%add3A, %scan3A_19, %dma_start3A_67, %dma_start3A_68] : memref<32x5x25x80xi32, #tpu.memory_space<hbm>> -> memref<1x1x25x80xi32, #tpu.memory_space<hbm>>
        %dma_start3A_70 = tpu.memref_squeeze %dma_start3A_69 : memref<1x1x25x80xi32, #tpu.memory_space<hbm>> -> memref<25x80xi32, #tpu.memory_space<hbm>>
        tpu.enqueue_dma source(%dma_start3A_70 : memref<25x80xi32, #tpu.memory_space<hbm>>) target(%arg9 : memref<25x80xi32, #tpu.memory_space<vmem>>) target_semaphore(%run_scoped3A : memref<!tpu.dma_semaphore, #tpu.memory_space<semaphore_mem>>)
        %dma_wait3A_71 = arith.constant 0 : i32
        %dma_wait3A_72 = arith.constant 0 : i32
        %dma_wait3A_73 = tpu.memref_slice %arg4[%add3A, %scan3A_19, %dma_wait3A_71, %dma_wait3A_72] : memref<32x5x25x80xi32, #tpu.memory_space<hbm>> -> memref<1x1x25x80xi32, #tpu.memory_space<hbm>>
        %dma_wait3A_74 = tpu.memref_squeeze %dma_wait3A_73 : memref<1x1x25x80xi32, #tpu.memory_space<hbm>> -> memref<25x80xi32, #tpu.memory_space<hbm>>
        %dma_wait3A_75 = arith.constant 0 : i32
        %dma_wait3A_76 = arith.constant 0 : i32
        %dma_wait3A_77 = tpu.memref_slice %arg4[%add3A, %scan3A_19, %dma_wait3A_75, %dma_wait3A_76] : memref<32x5x25x80xi32, #tpu.memory_space<hbm>> -> memref<1x1x25x80xi32, #tpu.memory_space<hbm>>
        %dma_wait3A_78 = tpu.memref_squeeze %dma_wait3A_77 : memref<1x1x25x80xi32, #tpu.memory_space<hbm>> -> memref<25x80xi32, #tpu.memory_space<hbm>>
        tpu.wait_dma2 semaphore(%run_scoped3A : memref<!tpu.dma_semaphore, #tpu.memory_space<semaphore_mem>>) src(%dma_wait3A_78 : memref<25x80xi32, #tpu.memory_space<hbm>>) dst(%arg9 : memref<25x80xi32, #tpu.memory_space<vmem>>)
        tpu.yield
      }) : () -> ()
      "tpu.region"() ({
        %run_scoped3A = tpu.sem_alloc : memref<!tpu.dma_semaphore, #tpu.memory_space<semaphore_mem>>
        %dma_start3A_63 = arith.constant 0 : i32
        %dma_start3A_64 = arith.constant 0 : i32
        %dma_start3A_65 = tpu.memref_slice %arg5[%add3A, %scan3A_19, %dma_start3A_63, %dma_start3A_64] : memref<32x5x25x80xf32, #tpu.memory_space<hbm>> -> memref<1x1x25x80xf32, #tpu.memory_space<hbm>>
        %dma_start3A_66 = tpu.memref_squeeze %dma_start3A_65 : memref<1x1x25x80xf32, #tpu.memory_space<hbm>> -> memref<25x80xf32, #tpu.memory_space<hbm>>
        %dma_start3A_67 = arith.constant 0 : i32
        %dma_start3A_68 = arith.constant 0 : i32
        %dma_start3A_69 = tpu.memref_slice %arg5[%add3A, %scan3A_19, %dma_start3A_67, %dma_start3A_68] : memref<32x5x25x80xf32, #tpu.memory_space<hbm>> -> memref<1x1x25x80xf32, #tpu.memory_space<hbm>>
        %dma_start3A_70 = tpu.memref_squeeze %dma_start3A_69 : memref<1x1x25x80xf32, #tpu.memory_space<hbm>> -> memref<25x80xf32, #tpu.memory_space<hbm>>
        tpu.enqueue_dma source(%dma_start3A_70 : memref<25x80xf32, #tpu.memory_space<hbm>>) target(%arg10 : memref<25x80xf32, #tpu.memory_space<vmem>>) target_semaphore(%run_scoped3A : memref<!tpu.dma_semaphore, #tpu.memory_space<semaphore_mem>>)
        %dma_wait3A_71 = arith.constant 0 : i32
        %dma_wait3A_72 = arith.constant 0 : i32
        %dma_wait3A_73 = tpu.memref_slice %arg5[%add3A, %scan3A_19, %dma_wait3A_71, %dma_wait3A_72] : memref<32x5x25x80xf32, #tpu.memory_space<hbm>> -> memref<1x1x25x80xf32, #tpu.memory_space<hbm>>
        %dma_wait3A_74 = tpu.memref_squeeze %dma_wait3A_73 : memref<1x1x25x80xf32, #tpu.memory_space<hbm>> -> memref<25x80xf32, #tpu.memory_space<hbm>>
        %dma_wait3A_75 = arith.constant 0 : i32
        %dma_wait3A_76 = arith.constant 0 : i32
        %dma_wait3A_77 = tpu.memref_slice %arg5[%add3A, %scan3A_19, %dma_wait3A_75, %dma_wait3A_76] : memref<32x5x25x80xf32, #tpu.memory_space<hbm>> -> memref<1x1x25x80xf32, #tpu.memory_space<hbm>>
        %dma_wait3A_78 = tpu.memref_squeeze %dma_wait3A_77 : memref<1x1x25x80xf32, #tpu.memory_space<hbm>> -> memref<25x80xf32, #tpu.memory_space<hbm>>
        tpu.wait_dma2 semaphore(%run_scoped3A : memref<!tpu.dma_semaphore, #tpu.memory_space<semaphore_mem>>) src(%dma_wait3A_78 : memref<25x80xf32, #tpu.memory_space<hbm>>) dst(%arg10 : memref<25x80xf32, #tpu.memory_space<vmem>>)
        tpu.yield
      }) : () -> ()
      %dma_start3A = arith.constant 0 : i32
      %dma_start3A_21 = arith.constant 0 : i32
      %dma_start3A_22 = arith.constant 0 : i32
      %dma_start3A_23 = arith.constant 0 : i32
      %dma_start3A_24 = tpu.memref_slice %arg11[%dma_start3A_21, %dma_start3A_22, %dma_start3A_23] : memref<3x80x128xf32, #tpu.memory_space<vmem>> -> memref<1x80x128xf32, #tpu.memory_space<vmem>>
      %dma_start3A_25 = tpu.memref_squeeze %dma_start3A_24 : memref<1x80x128xf32, #tpu.memory_space<vmem>> -> memref<80x128xf32, #tpu.memory_space<vmem>>
      %dma_start3A_26 = arith.constant 0 : i32
      %dma_start3A_27 = tpu.memref_slice %arg8[%dma_start3A, %dma_start3A_26] : memref<25x80xi32, #tpu.memory_space<vmem>> -> memref<1x80xi32, #tpu.memory_space<vmem>>
      %dma_start3A_28 = tpu.memref_squeeze %dma_start3A_27 : memref<1x80xi32, #tpu.memory_space<vmem>> -> memref<80xi32, #tpu.memory_space<vmem>>
      %dma_start3A_29 = arith.constant 0 : i32
      %dma_start3A_30 = arith.constant 0 : i32
      %dma_start3A_31 = tpu.memref_slice %arg2[%dma_start3A_29, %dma_start3A_30] : memref<10000x128xf32, #tpu.memory_space<hbm>> -> memref<10000x128xf32, #tpu.memory_space<hbm>>
      tpu.enqueue_indirect_dma source(%dma_start3A_31 : memref<10000x128xf32, #tpu.memory_space<hbm>>) target(%dma_start3A_25 : memref<80x128xf32, #tpu.memory_space<vmem>>) offsets(%dma_start3A_28 : memref<80xi32, #tpu.memory_space<vmem>>) semaphore(%arg13 : memref<!tpu.dma_semaphore, #tpu.memory_space<semaphore_mem>>)
      %scan3A_32 = arith.constant 0 : i32
      %scan3A_33 = arith.constant 0 : i32
      %scan3A_34 = arith.constant 25 : i32
      %scan3A_35 = arith.addi %scan3A_33, %scan3A_34 : i32
      %scan3A_36 = arith.constant 1 : i32
      %scan3A_37 = scf.for %scan3A_63 = %scan3A_33 to %scan3A_35 step %scan3A_36 iter_args(%scan3A_64 = %scan3A_32) -> (i32)  : i32 {
        %rem3A = arith.constant 3 : i32
        %rem3A_65 = arith.remsi %scan3A_63, %rem3A : i32
        %add3A_66 = arith.constant 1 : i32
        %add3A_67 = arith.addi %scan3A_63, %add3A_66 : i32
        %rem3A_68 = arith.constant 3 : i32
        %rem3A_69 = arith.remsi %add3A_67, %rem3A_68 : i32
        %dma_wait3A_70 = arith.constant 0 : i32
        %dma_wait3A_71 = arith.constant 0 : i32
        %dma_wait3A_72 = tpu.memref_slice %arg11[%rem3A_65, %dma_wait3A_70, %dma_wait3A_71] : memref<3x80x128xf32, #tpu.memory_space<vmem>> -> memref<1x80x128xf32, #tpu.memory_space<vmem>>
        %dma_wait3A_73 = tpu.memref_squeeze %dma_wait3A_72 : memref<1x80x128xf32, #tpu.memory_space<vmem>> -> memref<80x128xf32, #tpu.memory_space<vmem>>
        %dma_wait3A_74 = arith.constant 0 : i32
        %dma_wait3A_75 = tpu.memref_slice %arg8[%scan3A_63, %dma_wait3A_74] : memref<25x80xi32, #tpu.memory_space<vmem>> -> memref<1x80xi32, #tpu.memory_space<vmem>>
        %dma_wait3A_76 = tpu.memref_squeeze %dma_wait3A_75 : memref<1x80xi32, #tpu.memory_space<vmem>> -> memref<80xi32, #tpu.memory_space<vmem>>
        %dma_wait3A_77 = arith.constant 0 : i32
        %dma_wait3A_78 = arith.constant 0 : i32
        %dma_wait3A_79 = tpu.memref_slice %arg2[%dma_wait3A_77, %dma_wait3A_78] : memref<10000x128xf32, #tpu.memory_space<hbm>> -> memref<10000x128xf32, #tpu.memory_space<hbm>>
        tpu.wait_indirect_dma semaphore(%arg13 : memref<!tpu.dma_semaphore, #tpu.memory_space<semaphore_mem>>) src(%dma_wait3A_79 : memref<10000x128xf32, #tpu.memory_space<hbm>>) dst(%dma_wait3A_73 : memref<80x128xf32, #tpu.memory_space<vmem>>)
        %ge3A = arith.constant 2 : i32
        %ge3A_80 = arith.cmpi sge, %scan3A_63, %ge3A : i32
        %convert_element_type3A = arith.extui %ge3A_80 : i1 to i32
        %cond3A = arith.constant 0 : i32
        %cond3A_81 = arith.cmpi ne, %convert_element_type3A, %cond3A : i32
        scf.if %cond3A_81 {
          %sub3A = arith.constant 2 : i32
          %sub3A_99 = arith.subi %scan3A_63, %sub3A : i32
          %dma_wait3A_100 = arith.constant 0 : i32
          %dma_wait3A_101 = arith.constant 0 : i32
          %dma_wait3A_102 = tpu.memref_slice %arg11[%rem3A_69, %dma_wait3A_100, %dma_wait3A_101] : memref<3x80x128xf32, #tpu.memory_space<vmem>> -> memref<1x80x128xf32, #tpu.memory_space<vmem>>
          %dma_wait3A_103 = tpu.memref_squeeze %dma_wait3A_102 : memref<1x80x128xf32, #tpu.memory_space<vmem>> -> memref<80x128xf32, #tpu.memory_space<vmem>>
          %dma_wait3A_104 = arith.constant 0 : i32
          %dma_wait3A_105 = tpu.memref_slice %arg9[%sub3A_99, %dma_wait3A_104] : memref<25x80xi32, #tpu.memory_space<vmem>> -> memref<1x80xi32, #tpu.memory_space<vmem>>
          %dma_wait3A_106 = tpu.memref_squeeze %dma_wait3A_105 : memref<1x80xi32, #tpu.memory_space<vmem>> -> memref<80xi32, #tpu.memory_space<vmem>>
          %dma_wait3A_107 = arith.constant 0 : i32
          %dma_wait3A_108 = arith.constant 0 : i32
          %dma_wait3A_109 = tpu.memref_slice %arg12[%dma_wait3A_107, %dma_wait3A_108] : memref<10240x128xf32, #tpu.memory_space<vmem_shared>> -> memref<10240x128xf32, #tpu.memory_space<vmem_shared>>
          tpu.wait_indirect_dma semaphore(%arg14 : memref<!tpu.dma_semaphore, #tpu.memory_space<semaphore_mem>>) src(%dma_wait3A_103 : memref<80x128xf32, #tpu.memory_space<vmem>>) dst(%dma_wait3A_109 : memref<10240x128xf32, #tpu.memory_space<vmem_shared>>)
        } else {
        }
        %lt3A = arith.constant 24 : i32
        %lt3A_82 = arith.cmpi slt, %scan3A_63, %lt3A : i32
        %convert_element_type3A_83 = arith.extui %lt3A_82 : i1 to i32
        %cond3A_84 = arith.constant 0 : i32
        %cond3A_85 = arith.cmpi ne, %convert_element_type3A_83, %cond3A_84 : i32
        scf.if %cond3A_85 {
          %add3A_99 = arith.constant 1 : i32
          %add3A_100 = arith.addi %scan3A_63, %add3A_99 : i32
          %dma_start3A_101 = arith.constant 0 : i32
          %dma_start3A_102 = arith.constant 0 : i32
          %dma_start3A_103 = tpu.memref_slice %arg11[%rem3A_69, %dma_start3A_101, %dma_start3A_102] : memref<3x80x128xf32, #tpu.memory_space<vmem>> -> memref<1x80x128xf32, #tpu.memory_space<vmem>>
          %dma_start3A_104 = tpu.memref_squeeze %dma_start3A_103 : memref<1x80x128xf32, #tpu.memory_space<vmem>> -> memref<80x128xf32, #tpu.memory_space<vmem>>
          %dma_start3A_105 = arith.constant 0 : i32
          %dma_start3A_106 = tpu.memref_slice %arg8[%add3A_100, %dma_start3A_105] : memref<25x80xi32, #tpu.memory_space<vmem>> -> memref<1x80xi32, #tpu.memory_space<vmem>>
          %dma_start3A_107 = tpu.memref_squeeze %dma_start3A_106 : memref<1x80xi32, #tpu.memory_space<vmem>> -> memref<80xi32, #tpu.memory_space<vmem>>
          %dma_start3A_108 = arith.constant 0 : i32
          %dma_start3A_109 = arith.constant 0 : i32
          %dma_start3A_110 = tpu.memref_slice %arg2[%dma_start3A_108, %dma_start3A_109] : memref<10000x128xf32, #tpu.memory_space<hbm>> -> memref<10000x128xf32, #tpu.memory_space<hbm>>
          tpu.enqueue_indirect_dma source(%dma_start3A_110 : memref<10000x128xf32, #tpu.memory_space<hbm>>) target(%dma_start3A_104 : memref<80x128xf32, #tpu.memory_space<vmem>>) offsets(%dma_start3A_107 : memref<80xi32, #tpu.memory_space<vmem>>) semaphore(%arg13 : memref<!tpu.dma_semaphore, #tpu.memory_space<semaphore_mem>>)
        } else {
        }
        %parallel_loop3A = arith.constant 0 : i32
        %parallel_loop3A_86 = arith.constant 80 : i32
        %parallel_loop3A_87 = arith.constant 1 : i32
        scf.for %parallel_loop3A_99 = %parallel_loop3A to %parallel_loop3A_86 step %parallel_loop3A_87  : i32 {
          %parallel_loop3A_100 = vector.broadcast %scan3A_63 : i32 to vector<16xi32>
          %parallel_loop3A_101 = vector.broadcast %parallel_loop3A_99 : i32 to vector<16xi32>
          %parallel_loop3A_102 = tpu.vector_load_idx %arg10[%parallel_loop3A_100, %parallel_loop3A_101] : memref<25x80xf32, #tpu.memory_space<vmem>>[vector<16xi32>, vector<16xi32>], vector<16xf32>,
          %parallel_loop3A_103 = arith.index_cast %rem3A_65 : i32 to index
          %parallel_loop3A_104 = arith.index_cast %parallel_loop3A_99 : i32 to index
          %parallel_loop3A_105 = arith.constant 0 : index
          %parallel_loop3A_106 = tpu.vector_load %arg11[%parallel_loop3A_103, %parallel_loop3A_104, %parallel_loop3A_105] {strides = array<i32>} : memref<3x80x128xf32, #tpu.memory_space<vmem>>, vector<16xf32>,
          %parallel_loop3A_107 = arith.mulf %parallel_loop3A_106, %parallel_loop3A_102 : vector<16xf32>
          %parallel_loop3A_108 = arith.index_cast %rem3A_65 : i32 to index
          %parallel_loop3A_109 = arith.index_cast %parallel_loop3A_99 : i32 to index
          %parallel_loop3A_110 = arith.constant 0 : index
          %parallel_loop3A_111 = tpu.vector_load %arg11[%parallel_loop3A_108, %parallel_loop3A_109, %parallel_loop3A_110] {strides = array<i32>} : memref<3x80x128xf32, #tpu.memory_space<vmem>>, vector<16xf32>,
          tpu.vector_store %arg11[%parallel_loop3A_108, %parallel_loop3A_109, %parallel_loop3A_110], %parallel_loop3A_107 {strides = array<i32>} : memref<3x80x128xf32, #tpu.memory_space<vmem>>, vector<16xf32>,
          %parallel_loop3A_112 = arith.index_cast %rem3A_65 : i32 to index
          %parallel_loop3A_113 = arith.index_cast %parallel_loop3A_99 : i32 to index
          %parallel_loop3A_114 = arith.constant 16 : index
          %parallel_loop3A_115 = tpu.vector_load %arg11[%parallel_loop3A_112, %parallel_loop3A_113, %parallel_loop3A_114] {strides = array<i32>} : memref<3x80x128xf32, #tpu.memory_space<vmem>>, vector<16xf32>,
          %parallel_loop3A_116 = arith.mulf %parallel_loop3A_115, %parallel_loop3A_102 : vector<16xf32>
          %parallel_loop3A_117 = arith.index_cast %rem3A_65 : i32 to index
          %parallel_loop3A_118 = arith.index_cast %parallel_loop3A_99 : i32 to index
          %parallel_loop3A_119 = arith.constant 16 : index
          %parallel_loop3A_120 = tpu.vector_load %arg11[%parallel_loop3A_117, %parallel_loop3A_118, %parallel_loop3A_119] {strides = array<i32>} : memref<3x80x128xf32, #tpu.memory_space<vmem>>, vector<16xf32>,
          tpu.vector_store %arg11[%parallel_loop3A_117, %parallel_loop3A_118, %parallel_loop3A_119], %parallel_loop3A_116 {strides = array<i32>} : memref<3x80x128xf32, #tpu.memory_space<vmem>>, vector<16xf32>,
          %parallel_loop3A_121 = arith.index_cast %rem3A_65 : i32 to index
          %parallel_loop3A_122 = arith.index_cast %parallel_loop3A_99 : i32 to index
          %parallel_loop3A_123 = arith.constant 32 : index
          %parallel_loop3A_124 = tpu.vector_load %arg11[%parallel_loop3A_121, %parallel_loop3A_122, %parallel_loop3A_123] {strides = array<i32>} : memref<3x80x128xf32, #tpu.memory_space<vmem>>, vector<16xf32>,
          %parallel_loop3A_125 = arith.mulf %parallel_loop3A_124, %parallel_loop3A_102 : vector<16xf32>
          %parallel_loop3A_126 = arith.index_cast %rem3A_65 : i32 to index
          %parallel_loop3A_127 = arith.index_cast %parallel_loop3A_99 : i32 to index
          %parallel_loop3A_128 = arith.constant 32 : index
          %parallel_loop3A_129 = tpu.vector_load %arg11[%parallel_loop3A_126, %parallel_loop3A_127, %parallel_loop3A_128] {strides = array<i32>} : memref<3x80x128xf32, #tpu.memory_space<vmem>>, vector<16xf32>,
          tpu.vector_store %arg11[%parallel_loop3A_126, %parallel_loop3A_127, %parallel_loop3A_128], %parallel_loop3A_125 {strides = array<i32>} : memref<3x80x128xf32, #tpu.memory_space<vmem>>, vector<16xf32>,
          %parallel_loop3A_130 = arith.index_cast %rem3A_65 : i32 to index
          %parallel_loop3A_131 = arith.index_cast %parallel_loop3A_99 : i32 to index
          %parallel_loop3A_132 = arith.constant 48 : index
          %parallel_loop3A_133 = tpu.vector_load %arg11[%parallel_loop3A_130, %parallel_loop3A_131, %parallel_loop3A_132] {strides = array<i32>} : memref<3x80x128xf32, #tpu.memory_space<vmem>>, vector<16xf32>,
          %parallel_loop3A_134 = arith.mulf %parallel_loop3A_133, %parallel_loop3A_102 : vector<16xf32>
          %parallel_loop3A_135 = arith.index_cast %rem3A_65 : i32 to index
          %parallel_loop3A_136 = arith.index_cast %parallel_loop3A_99 : i32 to index
          %parallel_loop3A_137 = arith.constant 48 : index
          %parallel_loop3A_138 = tpu.vector_load %arg11[%parallel_loop3A_135, %parallel_loop3A_136, %parallel_loop3A_137] {strides = array<i32>} : memref<3x80x128xf32, #tpu.memory_space<vmem>>, vector<16xf32>,
          tpu.vector_store %arg11[%parallel_loop3A_135, %parallel_loop3A_136, %parallel_loop3A_137], %parallel_loop3A_134 {strides = array<i32>} : memref<3x80x128xf32, #tpu.memory_space<vmem>>, vector<16xf32>,
          %parallel_loop3A_139 = arith.index_cast %rem3A_65 : i32 to index
          %parallel_loop3A_140 = arith.index_cast %parallel_loop3A_99 : i32 to index
          %parallel_loop3A_141 = arith.constant 64 : index
          %parallel_loop3A_142 = tpu.vector_load %arg11[%parallel_loop3A_139, %parallel_loop3A_140, %parallel_loop3A_141] {strides = array<i32>} : memref<3x80x128xf32, #tpu.memory_space<vmem>>, vector<16xf32>,
          %parallel_loop3A_143 = arith.mulf %parallel_loop3A_142, %parallel_loop3A_102 : vector<16xf32>
          %parallel_loop3A_144 = arith.index_cast %rem3A_65 : i32 to index
          %parallel_loop3A_145 = arith.index_cast %parallel_loop3A_99 : i32 to index
          %parallel_loop3A_146 = arith.constant 64 : index
          %parallel_loop3A_147 = tpu.vector_load %arg11[%parallel_loop3A_144, %parallel_loop3A_145, %parallel_loop3A_146] {strides = array<i32>} : memref<3x80x128xf32, #tpu.memory_space<vmem>>, vector<16xf32>,
          tpu.vector_store %arg11[%parallel_loop3A_144, %parallel_loop3A_145, %parallel_loop3A_146], %parallel_loop3A_143 {strides = array<i32>} : memref<3x80x128xf32, #tpu.memory_space<vmem>>, vector<16xf32>,
          %parallel_loop3A_148 = arith.index_cast %rem3A_65 : i32 to index
          %parallel_loop3A_149 = arith.index_cast %parallel_loop3A_99 : i32 to index
          %parallel_loop3A_150 = arith.constant 80 : index
          %parallel_loop3A_151 = tpu.vector_load %arg11[%parallel_loop3A_148, %parallel_loop3A_149, %parallel_loop3A_150] {strides = array<i32>} : memref<3x80x128xf32, #tpu.memory_space<vmem>>, vector<16xf32>,
          %parallel_loop3A_152 = arith.mulf %parallel_loop3A_151, %parallel_loop3A_102 : vector<16xf32>
          %parallel_loop3A_153 = arith.index_cast %rem3A_65 : i32 to index
          %parallel_loop3A_154 = arith.index_cast %parallel_loop3A_99 : i32 to index
          %parallel_loop3A_155 = arith.constant 80 : index
          %parallel_loop3A_156 = tpu.vector_load %arg11[%parallel_loop3A_153, %parallel_loop3A_154, %parallel_loop3A_155] {strides = array<i32>} : memref<3x80x128xf32, #tpu.memory_space<vmem>>, vector<16xf32>,
          tpu.vector_store %arg11[%parallel_loop3A_153, %parallel_loop3A_154, %parallel_loop3A_155], %parallel_loop3A_152 {strides = array<i32>} : memref<3x80x128xf32, #tpu.memory_space<vmem>>, vector<16xf32>,
          %parallel_loop3A_157 = arith.index_cast %rem3A_65 : i32 to index
          %parallel_loop3A_158 = arith.index_cast %parallel_loop3A_99 : i32 to index
          %parallel_loop3A_159 = arith.constant 96 : index
          %parallel_loop3A_160 = tpu.vector_load %arg11[%parallel_loop3A_157, %parallel_loop3A_158, %parallel_loop3A_159] {strides = array<i32>} : memref<3x80x128xf32, #tpu.memory_space<vmem>>, vector<16xf32>,
          %parallel_loop3A_161 = arith.mulf %parallel_loop3A_160, %parallel_loop3A_102 : vector<16xf32>
          %parallel_loop3A_162 = arith.index_cast %rem3A_65 : i32 to index
          %parallel_loop3A_163 = arith.index_cast %parallel_loop3A_99 : i32 to index
          %parallel_loop3A_164 = arith.constant 96 : index
          %parallel_loop3A_165 = tpu.vector_load %arg11[%parallel_loop3A_162, %parallel_loop3A_163, %parallel_loop3A_164] {strides = array<i32>} : memref<3x80x128xf32, #tpu.memory_space<vmem>>, vector<16xf32>,
          tpu.vector_store %arg11[%parallel_loop3A_162, %parallel_loop3A_163, %parallel_loop3A_164], %parallel_loop3A_161 {strides = array<i32>} : memref<3x80x128xf32, #tpu.memory_space<vmem>>, vector<16xf32>,
          %parallel_loop3A_166 = arith.index_cast %rem3A_65 : i32 to index
          %parallel_loop3A_167 = arith.index_cast %parallel_loop3A_99 : i32 to index
          %parallel_loop3A_168 = arith.constant 112 : index
          %parallel_loop3A_169 = tpu.vector_load %arg11[%parallel_loop3A_166, %parallel_loop3A_167, %parallel_loop3A_168] {strides = array<i32>} : memref<3x80x128xf32, #tpu.memory_space<vmem>>, vector<16xf32>,
          %parallel_loop3A_170 = arith.mulf %parallel_loop3A_169, %parallel_loop3A_102 : vector<16xf32>
          %parallel_loop3A_171 = arith.index_cast %rem3A_65 : i32 to index
          %parallel_loop3A_172 = arith.index_cast %parallel_loop3A_99 : i32 to index
          %parallel_loop3A_173 = arith.constant 112 : index
          %parallel_loop3A_174 = tpu.vector_load %arg11[%parallel_loop3A_171, %parallel_loop3A_172, %parallel_loop3A_173] {strides = array<i32>} : memref<3x80x128xf32, #tpu.memory_space<vmem>>, vector<16xf32>,
          tpu.vector_store %arg11[%parallel_loop3A_171, %parallel_loop3A_172, %parallel_loop3A_173], %parallel_loop3A_170 {strides = array<i32>} : memref<3x80x128xf32, #tpu.memory_space<vmem>>, vector<16xf32>,
        } {sc.loop_unroll_factor = 8 : i64, sc.parallel_access}
        %dma_start3A_88 = arith.constant 0 : i32
        %dma_start3A_89 = arith.constant 0 : i32
        %dma_start3A_90 = tpu.memref_slice %arg11[%rem3A_65, %dma_start3A_88, %dma_start3A_89] : memref<3x80x128xf32, #tpu.memory_space<vmem>> -> memref<1x80x128xf32, #tpu.memory_space<vmem>>
        %dma_start3A_91 = tpu.memref_squeeze %dma_start3A_90 : memref<1x80x128xf32, #tpu.memory_space<vmem>> -> memref<80x128xf32, #tpu.memory_space<vmem>>
        %dma_start3A_92 = arith.constant 0 : i32
        %dma_start3A_93 = tpu.memref_slice %arg9[%scan3A_63, %dma_start3A_92] : memref<25x80xi32, #tpu.memory_space<vmem>> -> memref<1x80xi32, #tpu.memory_space<vmem>>
        %dma_start3A_94 = tpu.memref_squeeze %dma_start3A_93 : memref<1x80xi32, #tpu.memory_space<vmem>> -> memref<80xi32, #tpu.memory_space<vmem>>
        %dma_start3A_95 = arith.constant 0 : i32
        %dma_start3A_96 = arith.constant 0 : i32
        %dma_start3A_97 = tpu.memref_slice %arg12[%dma_start3A_95, %dma_start3A_96] : memref<10240x128xf32, #tpu.memory_space<vmem_shared>> -> memref<10240x128xf32, #tpu.memory_space<vmem_shared>>
        tpu.enqueue_indirect_dma source(%dma_start3A_91 : memref<80x128xf32, #tpu.memory_space<vmem>>) target(%dma_start3A_97 : memref<10240x128xf32, #tpu.memory_space<vmem_shared>>) offsets(%dma_start3A_94 : memref<80xi32, #tpu.memory_space<vmem>>) semaphore(%arg14 : memref<!tpu.dma_semaphore, #tpu.memory_space<semaphore_mem>>) {add = true}
        %scan3A_98 = arith.constant 0 : i32
        scf.yield %scan3A_98 : i32
      }
      %scan3A_38 = arith.constant 25 : i32
      %dma_wait3A = arith.constant 2 : i32
      %dma_wait3A_39 = arith.constant 23 : i32
      %dma_wait3A_40 = arith.constant 0 : i32
      %dma_wait3A_41 = arith.constant 0 : i32
      %dma_wait3A_42 = tpu.memref_slice %arg11[%dma_wait3A, %dma_wait3A_40, %dma_wait3A_41] : memref<3x80x128xf32, #tpu.memory_space<vmem>> -> memref<1x80x128xf32, #tpu.memory_space<vmem>>
      %dma_wait3A_43 = tpu.memref_squeeze %dma_wait3A_42 : memref<1x80x128xf32, #tpu.memory_space<vmem>> -> memref<80x128xf32, #tpu.memory_space<vmem>>
      %dma_wait3A_44 = arith.constant 0 : i32
      %dma_wait3A_45 = tpu.memref_slice %arg9[%dma_wait3A_39, %dma_wait3A_44] : memref<25x80xi32, #tpu.memory_space<vmem>> -> memref<1x80xi32, #tpu.memory_space<vmem>>
      %dma_wait3A_46 = tpu.memref_squeeze %dma_wait3A_45 : memref<1x80xi32, #tpu.memory_space<vmem>> -> memref<80xi32, #tpu.memory_space<vmem>>
      %dma_wait3A_47 = arith.constant 0 : i32
      %dma_wait3A_48 = arith.constant 0 : i32
      %dma_wait3A_49 = tpu.memref_slice %arg12[%dma_wait3A_47, %dma_wait3A_48] : memref<10240x128xf32, #tpu.memory_space<vmem_shared>> -> memref<10240x128xf32, #tpu.memory_space<vmem_shared>>
      tpu.wait_indirect_dma semaphore(%arg14 : memref<!tpu.dma_semaphore, #tpu.memory_space<semaphore_mem>>) src(%dma_wait3A_43 : memref<80x128xf32, #tpu.memory_space<vmem>>) dst(%dma_wait3A_49 : memref<10240x128xf32, #tpu.memory_space<vmem_shared>>)
      %dma_wait3A_50 = arith.constant 0 : i32
      %dma_wait3A_51 = arith.constant 24 : i32
      %dma_wait3A_52 = arith.constant 0 : i32
      %dma_wait3A_53 = arith.constant 0 : i32
      %dma_wait3A_54 = tpu.memref_slice %arg11[%dma_wait3A_50, %dma_wait3A_52, %dma_wait3A_53] : memref<3x80x128xf32, #tpu.memory_space<vmem>> -> memref<1x80x128xf32, #tpu.memory_space<vmem>>
      %dma_wait3A_55 = tpu.memref_squeeze %dma_wait3A_54 : memref<1x80x128xf32, #tpu.memory_space<vmem>> -> memref<80x128xf32, #tpu.memory_space<vmem>>
      %dma_wait3A_56 = arith.constant 0 : i32
      %dma_wait3A_57 = tpu.memref_slice %arg9[%dma_wait3A_51, %dma_wait3A_56] : memref<25x80xi32, #tpu.memory_space<vmem>> -> memref<1x80xi32, #tpu.memory_space<vmem>>
      %dma_wait3A_58 = tpu.memref_squeeze %dma_wait3A_57 : memref<1x80xi32, #tpu.memory_space<vmem>> -> memref<80xi32, #tpu.memory_space<vmem>>
      %dma_wait3A_59 = arith.constant 0 : i32
      %dma_wait3A_60 = arith.constant 0 : i32
      %dma_wait3A_61 = tpu.memref_slice %arg12[%dma_wait3A_59, %dma_wait3A_60] : memref<10240x128xf32, #tpu.memory_space<vmem_shared>> -> memref<10240x128xf32, #tpu.memory_space<vmem_shared>>
      tpu.wait_indirect_dma semaphore(%arg14 : memref<!tpu.dma_semaphore, #tpu.memory_space<semaphore_mem>>) src(%dma_wait3A_55 : memref<80x128xf32, #tpu.memory_space<vmem>>) dst(%dma_wait3A_61 : memref<10240x128xf32, #tpu.memory_space<vmem_shared>>)
      %scan3A_62 = arith.constant 0 : i32
      scf.yield %scan3A_62 : i32
    }
    %scan3A_10 = arith.constant 5 : i32
    %barrier3A_11 = arith.constant 0 : index
    tpu.barrier barrier_id(%barrier3A_11)
    %mul3A_12 = arith.constant 640 : i32
    %mul3A_13 = arith.muli %arg1, %mul3A_12 : i32
    %mul3A_14 = arith.constant 10240 : i32
    %mul3A_15 = arith.muli %arg0, %mul3A_14 : i32
    %mul3A_16 = arith.constant 640 : i32
    %mul3A_17 = arith.muli %arg1, %mul3A_16 : i32
    %add3A_18 = arith.addi %mul3A_15, %mul3A_17 : i32
    "tpu.region"() ({
      %run_scoped3A = tpu.sem_alloc : memref<!tpu.dma_semaphore, #tpu.memory_space<semaphore_mem>>
      %dma_start3A = arith.constant 0 : i32
      %dma_start3A_19 = tpu.memref_slice %arg7[%add3A_18, %dma_start3A] : memref<20480x128xf32, #tpu.memory_space<hbm>> -> memref<640x128xf32, #tpu.memory_space<hbm>>
      %dma_start3A_20 = arith.constant 0 : i32
      %dma_start3A_21 = tpu.memref_slice %arg12[%mul3A_13, %dma_start3A_20] : memref<10240x128xf32, #tpu.memory_space<vmem_shared>> -> memref<640x128xf32, #tpu.memory_space<vmem_shared>>
      tpu.enqueue_dma source(%dma_start3A_21 : memref<640x128xf32, #tpu.memory_space<vmem_shared>>) target(%dma_start3A_19 : memref<640x128xf32, #tpu.memory_space<hbm>>) target_semaphore(%run_scoped3A : memref<!tpu.dma_semaphore, #tpu.memory_space<semaphore_mem>>)
      %dma_wait3A = arith.constant 0 : i32
      %dma_wait3A_22 = tpu.memref_slice %arg7[%add3A_18, %dma_wait3A] : memref<20480x128xf32, #tpu.memory_space<hbm>> -> memref<640x128xf32, #tpu.memory_space<hbm>>
      %dma_wait3A_23 = arith.constant 0 : i32
      %dma_wait3A_24 = tpu.memref_slice %arg12[%mul3A_13, %dma_wait3A_23] : memref<10240x128xf32, #tpu.memory_space<vmem_shared>> -> memref<640x128xf32, #tpu.memory_space<vmem_shared>>
      tpu.wait_dma2 semaphore(%run_scoped3A : memref<!tpu.dma_semaphore, #tpu.memory_space<semaphore_mem>>) src(%dma_wait3A_24 : memref<640x128xf32, #tpu.memory_space<vmem_shared>>) dst(%dma_wait3A_22 : memref<640x128xf32, #tpu.memory_space<hbm>>)
      tpu.yield
    }) : () -> ()
    return
  }
}

#map = affine_map<(d0, d1) -> (0, 0)>
#map1 = affine_map<(d0, d1) -> (0, 0, 0, 0)>
#map2 = affine_map<(d0, d1) -> (0)>
module attributes {stable_mosaic.version = 14 : i64} {
  func.func @_conv_xh_body(%arg0: i32, %arg1: i32, %arg2: memref<10000x128xf32, #tpu.memory_space<hbm>>, %arg3: memref<10000x128xf32, #tpu.memory_space<hbm>>, %arg4: memref<16x10x25x80xi32, #tpu.memory_space<hbm>>, %arg5: memref<16x10x25x80xi32, #tpu.memory_space<hbm>>, %arg6: memref<16x10x25x80xf32, #tpu.memory_space<hbm>>, %arg7: memref<10240x128xf32, #tpu.memory_space<hbm>>, %arg8: memref<10240xf32, #tpu.memory_space<hbm>>, %arg9: memref<10240x128xf32, #tpu.memory_space<hbm>>, %arg10: memref<10240x128xf32, #tpu.memory_space<hbm>>, %arg11: memref<16x10x25x80xf32, #tpu.memory_space<hbm>>, %arg12: memref<25x80xi32, #tpu.memory_space<vmem>>, %arg13: memref<25x80xi32, #tpu.memory_space<vmem>>, %arg14: memref<25x80xf32, #tpu.memory_space<vmem>>, %arg15: memref<25x80xf32, #tpu.memory_space<vmem>>, %arg16: memref<10240xf32, #tpu.memory_space<vmem>>, %arg17: memref<640xf32, #tpu.memory_space<vmem>>, %arg18: memref<2x80x128xf32, #tpu.memory_space<vmem>>, %arg19: memref<10240x128xf32, #tpu.memory_space<vmem_shared>>, %arg20: memref<10240xf32, #tpu.memory_space<vmem_shared>>, %arg21: memref<!tpu.dma_semaphore, #tpu.memory_space<semaphore_mem>>, %arg22: memref<!tpu.dma_semaphore, #tpu.memory_space<semaphore_mem>>) attributes {dimension_semantics = [#tpu.dimension_semantics<core_parallel>, #tpu.dimension_semantics<subcore_parallel>], iteration_bounds = array<i64: 2, 16>, scalar_prefetch = 0 : i64, scratch_operands = 11 : i64, tpu.core_type = #tpu.core_type<sc_vector_subcore>, window_params = [{transform_indices = #map}, {transform_indices = #map}, {transform_indices = #map1}, {transform_indices = #map1}, {transform_indices = #map1}, {transform_indices = #map}, {transform_indices = #map2}, {transform_indices = #map}, {transform_indices = #map}, {transform_indices = #map1}]} {
    %mul3A = arith.constant 640 : i32
    %mul3A_0 = arith.muli %arg1, %mul3A : i32
    %mul3A_1 = arith.constant 640 : i32
    %mul3A_2 = arith.muli %arg1, %mul3A_1 : i32
    "tpu.region"() ({
      %run_scoped3A = tpu.sem_alloc : memref<!tpu.dma_semaphore, #tpu.memory_space<semaphore_mem>>
      %dma_start3A = tpu.memref_slice %arg20[%mul3A_2] : memref<10240xf32, #tpu.memory_space<vmem_shared>> -> memref<640xf32, #tpu.memory_space<vmem_shared>>
      %dma_start3A_42 = tpu.memref_slice %arg8[%mul3A_0] : memref<10240xf32, #tpu.memory_space<hbm>> -> memref<640xf32, #tpu.memory_space<hbm>>
      tpu.enqueue_dma source(%dma_start3A_42 : memref<640xf32, #tpu.memory_space<hbm>>) target(%dma_start3A : memref<640xf32, #tpu.memory_space<vmem_shared>>) target_semaphore(%run_scoped3A : memref<!tpu.dma_semaphore, #tpu.memory_space<semaphore_mem>>)
      %dma_wait3A = tpu.memref_slice %arg20[%mul3A_2] : memref<10240xf32, #tpu.memory_space<vmem_shared>> -> memref<640xf32, #tpu.memory_space<vmem_shared>>
      %dma_wait3A_43 = tpu.memref_slice %arg8[%mul3A_0] : memref<10240xf32, #tpu.memory_space<hbm>> -> memref<640xf32, #tpu.memory_space<hbm>>
      tpu.wait_dma2 semaphore(%run_scoped3A : memref<!tpu.dma_semaphore, #tpu.memory_space<semaphore_mem>>) src(%dma_wait3A_43 : memref<640xf32, #tpu.memory_space<hbm>>) dst(%dma_wait3A : memref<640xf32, #tpu.memory_space<vmem_shared>>)
      tpu.yield
    }) : () -> ()
    %barrier3A = arith.constant 0 : index
    tpu.barrier barrier_id(%barrier3A)
    %scan3A = arith.constant 0 : i32
    %scan3A_3 = arith.constant 0 : i32
    %scan3A_4 = arith.constant 10 : i32
    %scan3A_5 = arith.addi %scan3A_3, %scan3A_4 : i32
    %scan3A_6 = arith.constant 1 : i32
    %scan3A_7 = scf.for %scan3A_42 = %scan3A_3 to %scan3A_5 step %scan3A_6 iter_args(%scan3A_43 = %scan3A) -> (i32)  : i32 {
      "tpu.region"() ({
        %run_scoped3A = tpu.sem_alloc : memref<!tpu.dma_semaphore, #tpu.memory_space<semaphore_mem>>
        %dma_start3A = arith.constant 0 : i32
        %dma_start3A_59 = arith.constant 0 : i32
        %dma_start3A_60 = tpu.memref_slice %arg4[%arg1, %scan3A_42, %dma_start3A, %dma_start3A_59] : memref<16x10x25x80xi32, #tpu.memory_space<hbm>> -> memref<1x1x25x80xi32, #tpu.memory_space<hbm>>
        %dma_start3A_61 = tpu.memref_squeeze %dma_start3A_60 : memref<1x1x25x80xi32, #tpu.memory_space<hbm>> -> memref<25x80xi32, #tpu.memory_space<hbm>>
        %dma_start3A_62 = arith.constant 0 : i32
        %dma_start3A_63 = arith.constant 0 : i32
        %dma_start3A_64 = tpu.memref_slice %arg4[%arg1, %scan3A_42, %dma_start3A_62, %dma_start3A_63] : memref<16x10x25x80xi32, #tpu.memory_space<hbm>> -> memref<1x1x25x80xi32, #tpu.memory_space<hbm>>
        %dma_start3A_65 = tpu.memref_squeeze %dma_start3A_64 : memref<1x1x25x80xi32, #tpu.memory_space<hbm>> -> memref<25x80xi32, #tpu.memory_space<hbm>>
        tpu.enqueue_dma source(%dma_start3A_65 : memref<25x80xi32, #tpu.memory_space<hbm>>) target(%arg12 : memref<25x80xi32, #tpu.memory_space<vmem>>) target_semaphore(%run_scoped3A : memref<!tpu.dma_semaphore, #tpu.memory_space<semaphore_mem>>)
        %dma_wait3A = arith.constant 0 : i32
        %dma_wait3A_66 = arith.constant 0 : i32
        %dma_wait3A_67 = tpu.memref_slice %arg4[%arg1, %scan3A_42, %dma_wait3A, %dma_wait3A_66] : memref<16x10x25x80xi32, #tpu.memory_space<hbm>> -> memref<1x1x25x80xi32, #tpu.memory_space<hbm>>
        %dma_wait3A_68 = tpu.memref_squeeze %dma_wait3A_67 : memref<1x1x25x80xi32, #tpu.memory_space<hbm>> -> memref<25x80xi32, #tpu.memory_space<hbm>>
        %dma_wait3A_69 = arith.constant 0 : i32
        %dma_wait3A_70 = arith.constant 0 : i32
        %dma_wait3A_71 = tpu.memref_slice %arg4[%arg1, %scan3A_42, %dma_wait3A_69, %dma_wait3A_70] : memref<16x10x25x80xi32, #tpu.memory_space<hbm>> -> memref<1x1x25x80xi32, #tpu.memory_space<hbm>>
        %dma_wait3A_72 = tpu.memref_squeeze %dma_wait3A_71 : memref<1x1x25x80xi32, #tpu.memory_space<hbm>> -> memref<25x80xi32, #tpu.memory_space<hbm>>
        tpu.wait_dma2 semaphore(%run_scoped3A : memref<!tpu.dma_semaphore, #tpu.memory_space<semaphore_mem>>) src(%dma_wait3A_72 : memref<25x80xi32, #tpu.memory_space<hbm>>) dst(%arg12 : memref<25x80xi32, #tpu.memory_space<vmem>>)
        tpu.yield
      }) : () -> ()
      "tpu.region"() ({
        %run_scoped3A = tpu.sem_alloc : memref<!tpu.dma_semaphore, #tpu.memory_space<semaphore_mem>>
        %dma_start3A = arith.constant 0 : i32
        %dma_start3A_59 = arith.constant 0 : i32
        %dma_start3A_60 = tpu.memref_slice %arg5[%arg1, %scan3A_42, %dma_start3A, %dma_start3A_59] : memref<16x10x25x80xi32, #tpu.memory_space<hbm>> -> memref<1x1x25x80xi32, #tpu.memory_space<hbm>>
        %dma_start3A_61 = tpu.memref_squeeze %dma_start3A_60 : memref<1x1x25x80xi32, #tpu.memory_space<hbm>> -> memref<25x80xi32, #tpu.memory_space<hbm>>
        %dma_start3A_62 = arith.constant 0 : i32
        %dma_start3A_63 = arith.constant 0 : i32
        %dma_start3A_64 = tpu.memref_slice %arg5[%arg1, %scan3A_42, %dma_start3A_62, %dma_start3A_63] : memref<16x10x25x80xi32, #tpu.memory_space<hbm>> -> memref<1x1x25x80xi32, #tpu.memory_space<hbm>>
        %dma_start3A_65 = tpu.memref_squeeze %dma_start3A_64 : memref<1x1x25x80xi32, #tpu.memory_space<hbm>> -> memref<25x80xi32, #tpu.memory_space<hbm>>
        tpu.enqueue_dma source(%dma_start3A_65 : memref<25x80xi32, #tpu.memory_space<hbm>>) target(%arg13 : memref<25x80xi32, #tpu.memory_space<vmem>>) target_semaphore(%run_scoped3A : memref<!tpu.dma_semaphore, #tpu.memory_space<semaphore_mem>>)
        %dma_wait3A = arith.constant 0 : i32
        %dma_wait3A_66 = arith.constant 0 : i32
        %dma_wait3A_67 = tpu.memref_slice %arg5[%arg1, %scan3A_42, %dma_wait3A, %dma_wait3A_66] : memref<16x10x25x80xi32, #tpu.memory_space<hbm>> -> memref<1x1x25x80xi32, #tpu.memory_space<hbm>>
        %dma_wait3A_68 = tpu.memref_squeeze %dma_wait3A_67 : memref<1x1x25x80xi32, #tpu.memory_space<hbm>> -> memref<25x80xi32, #tpu.memory_space<hbm>>
        %dma_wait3A_69 = arith.constant 0 : i32
        %dma_wait3A_70 = arith.constant 0 : i32
        %dma_wait3A_71 = tpu.memref_slice %arg5[%arg1, %scan3A_42, %dma_wait3A_69, %dma_wait3A_70] : memref<16x10x25x80xi32, #tpu.memory_space<hbm>> -> memref<1x1x25x80xi32, #tpu.memory_space<hbm>>
        %dma_wait3A_72 = tpu.memref_squeeze %dma_wait3A_71 : memref<1x1x25x80xi32, #tpu.memory_space<hbm>> -> memref<25x80xi32, #tpu.memory_space<hbm>>
        tpu.wait_dma2 semaphore(%run_scoped3A : memref<!tpu.dma_semaphore, #tpu.memory_space<semaphore_mem>>) src(%dma_wait3A_72 : memref<25x80xi32, #tpu.memory_space<hbm>>) dst(%arg13 : memref<25x80xi32, #tpu.memory_space<vmem>>)
        tpu.yield
      }) : () -> ()
      "tpu.region"() ({
        %run_scoped3A = tpu.sem_alloc : memref<!tpu.dma_semaphore, #tpu.memory_space<semaphore_mem>>
        %dma_start3A = arith.constant 0 : i32
        %dma_start3A_59 = arith.constant 0 : i32
        %dma_start3A_60 = tpu.memref_slice %arg6[%arg1, %scan3A_42, %dma_start3A, %dma_start3A_59] : memref<16x10x25x80xf32, #tpu.memory_space<hbm>> -> memref<1x1x25x80xf32, #tpu.memory_space<hbm>>
        %dma_start3A_61 = tpu.memref_squeeze %dma_start3A_60 : memref<1x1x25x80xf32, #tpu.memory_space<hbm>> -> memref<25x80xf32, #tpu.memory_space<hbm>>
        %dma_start3A_62 = arith.constant 0 : i32
        %dma_start3A_63 = arith.constant 0 : i32
        %dma_start3A_64 = tpu.memref_slice %arg6[%arg1, %scan3A_42, %dma_start3A_62, %dma_start3A_63] : memref<16x10x25x80xf32, #tpu.memory_space<hbm>> -> memref<1x1x25x80xf32, #tpu.memory_space<hbm>>
        %dma_start3A_65 = tpu.memref_squeeze %dma_start3A_64 : memref<1x1x25x80xf32, #tpu.memory_space<hbm>> -> memref<25x80xf32, #tpu.memory_space<hbm>>
        tpu.enqueue_dma source(%dma_start3A_65 : memref<25x80xf32, #tpu.memory_space<hbm>>) target(%arg14 : memref<25x80xf32, #tpu.memory_space<vmem>>) target_semaphore(%run_scoped3A : memref<!tpu.dma_semaphore, #tpu.memory_space<semaphore_mem>>)
        %dma_wait3A = arith.constant 0 : i32
        %dma_wait3A_66 = arith.constant 0 : i32
        %dma_wait3A_67 = tpu.memref_slice %arg6[%arg1, %scan3A_42, %dma_wait3A, %dma_wait3A_66] : memref<16x10x25x80xf32, #tpu.memory_space<hbm>> -> memref<1x1x25x80xf32, #tpu.memory_space<hbm>>
        %dma_wait3A_68 = tpu.memref_squeeze %dma_wait3A_67 : memref<1x1x25x80xf32, #tpu.memory_space<hbm>> -> memref<25x80xf32, #tpu.memory_space<hbm>>
        %dma_wait3A_69 = arith.constant 0 : i32
        %dma_wait3A_70 = arith.constant 0 : i32
        %dma_wait3A_71 = tpu.memref_slice %arg6[%arg1, %scan3A_42, %dma_wait3A_69, %dma_wait3A_70] : memref<16x10x25x80xf32, #tpu.memory_space<hbm>> -> memref<1x1x25x80xf32, #tpu.memory_space<hbm>>
        %dma_wait3A_72 = tpu.memref_squeeze %dma_wait3A_71 : memref<1x1x25x80xf32, #tpu.memory_space<hbm>> -> memref<25x80xf32, #tpu.memory_space<hbm>>
        tpu.wait_dma2 semaphore(%run_scoped3A : memref<!tpu.dma_semaphore, #tpu.memory_space<semaphore_mem>>) src(%dma_wait3A_72 : memref<25x80xf32, #tpu.memory_space<hbm>>) dst(%arg14 : memref<25x80xf32, #tpu.memory_space<vmem>>)
        tpu.yield
      }) : () -> ()
      %scan3A_44 = arith.constant 0 : i32
      %scan3A_45 = arith.constant 0 : i32
      %scan3A_46 = arith.constant 25 : i32
      %scan3A_47 = arith.addi %scan3A_45, %scan3A_46 : i32
      %scan3A_48 = arith.constant 1 : i32
      %scan3A_49 = scf.for %scan3A_59 = %scan3A_45 to %scan3A_47 step %scan3A_48 iter_args(%scan3A_60 = %scan3A_44) -> (i32)  : i32 {
        %get3A = arith.index_cast %scan3A_59 : i32 to index
        %get3A_61 = arith.constant 0 : index
        %get3A_62 = tpu.vector_load %arg12[%get3A, %get3A_61] {strides = array<i32>} : memref<25x80xi32, #tpu.memory_space<vmem>>, vector<16xi32>,
        %get3A_63 = arith.index_cast %scan3A_59 : i32 to index
        %get3A_64 = arith.constant 0 : index
        %get3A_65 = tpu.vector_load %arg13[%get3A_63, %get3A_64] {strides = array<i32>} : memref<25x80xi32, #tpu.memory_space<vmem>>, vector<16xi32>,
        %eq3A_66 = arith.cmpi eq, %get3A_62, %get3A_65 : vector<16xi32>
        %get3A_67 = arith.index_cast %scan3A_59 : i32 to index
        %get3A_68 = arith.constant 0 : index
        %get3A_69 = tpu.vector_load %arg14[%get3A_67, %get3A_68] {strides = array<i32>} : memref<25x80xf32, #tpu.memory_space<vmem>>, vector<16xf32>,
        %jit3A = arith.constant 0.000000e+00 : f32
        %broadcast_in_dim3A = vector.broadcast %jit3A : f32 to vector<16xf32>
        %select_n3A = arith.select %eq3A_66, %broadcast_in_dim3A, %get3A_69 : vector<16xi1>, vector<16xf32>
        %swap3A = arith.index_cast %scan3A_59 : i32 to index
        %swap3A_70 = arith.constant 0 : index
        %swap3A_71 = tpu.vector_load %arg14[%swap3A, %swap3A_70] {strides = array<i32>} : memref<25x80xf32, #tpu.memory_space<vmem>>, vector<16xf32>,
        tpu.vector_store %arg14[%swap3A, %swap3A_70], %select_n3A {strides = array<i32>} : memref<25x80xf32, #tpu.memory_space<vmem>>, vector<16xf32>,
        %get3A_72 = arith.index_cast %scan3A_59 : i32 to index
        %get3A_73 = arith.constant 16 : index
        %get3A_74 = tpu.vector_load %arg12[%get3A_72, %get3A_73] {strides = array<i32>} : memref<25x80xi32, #tpu.memory_space<vmem>>, vector<16xi32>,
        %get3A_75 = arith.index_cast %scan3A_59 : i32 to index
        %get3A_76 = arith.constant 16 : index
        %get3A_77 = tpu.vector_load %arg13[%get3A_75, %get3A_76] {strides = array<i32>} : memref<25x80xi32, #tpu.memory_space<vmem>>, vector<16xi32>,
        %eq3A_78 = arith.cmpi eq, %get3A_74, %get3A_77 : vector<16xi32>
        %get3A_79 = arith.index_cast %scan3A_59 : i32 to index
        %get3A_80 = arith.constant 16 : index
        %get3A_81 = tpu.vector_load %arg14[%get3A_79, %get3A_80] {strides = array<i32>} : memref<25x80xf32, #tpu.memory_space<vmem>>, vector<16xf32>,
        %jit3A_82 = arith.constant 0.000000e+00 : f32
        %broadcast_in_dim3A_83 = vector.broadcast %jit3A_82 : f32 to vector<16xf32>
        %select_n3A_84 = arith.select %eq3A_78, %broadcast_in_dim3A_83, %get3A_81 : vector<16xi1>, vector<16xf32>
        %swap3A_85 = arith.index_cast %scan3A_59 : i32 to index
        %swap3A_86 = arith.constant 16 : index
        %swap3A_87 = tpu.vector_load %arg14[%swap3A_85, %swap3A_86] {strides = array<i32>} : memref<25x80xf32, #tpu.memory_space<vmem>>, vector<16xf32>,
        tpu.vector_store %arg14[%swap3A_85, %swap3A_86], %select_n3A_84 {strides = array<i32>} : memref<25x80xf32, #tpu.memory_space<vmem>>, vector<16xf32>,
        %get3A_88 = arith.index_cast %scan3A_59 : i32 to index
        %get3A_89 = arith.constant 32 : index
        %get3A_90 = tpu.vector_load %arg12[%get3A_88, %get3A_89] {strides = array<i32>} : memref<25x80xi32, #tpu.memory_space<vmem>>, vector<16xi32>,
        %get3A_91 = arith.index_cast %scan3A_59 : i32 to index
        %get3A_92 = arith.constant 32 : index
        %get3A_93 = tpu.vector_load %arg13[%get3A_91, %get3A_92] {strides = array<i32>} : memref<25x80xi32, #tpu.memory_space<vmem>>, vector<16xi32>,
        %eq3A_94 = arith.cmpi eq, %get3A_90, %get3A_93 : vector<16xi32>
        %get3A_95 = arith.index_cast %scan3A_59 : i32 to index
        %get3A_96 = arith.constant 32 : index
        %get3A_97 = tpu.vector_load %arg14[%get3A_95, %get3A_96] {strides = array<i32>} : memref<25x80xf32, #tpu.memory_space<vmem>>, vector<16xf32>,
        %jit3A_98 = arith.constant 0.000000e+00 : f32
        %broadcast_in_dim3A_99 = vector.broadcast %jit3A_98 : f32 to vector<16xf32>
        %select_n3A_100 = arith.select %eq3A_94, %broadcast_in_dim3A_99, %get3A_97 : vector<16xi1>, vector<16xf32>
        %swap3A_101 = arith.index_cast %scan3A_59 : i32 to index
        %swap3A_102 = arith.constant 32 : index
        %swap3A_103 = tpu.vector_load %arg14[%swap3A_101, %swap3A_102] {strides = array<i32>} : memref<25x80xf32, #tpu.memory_space<vmem>>, vector<16xf32>,
        tpu.vector_store %arg14[%swap3A_101, %swap3A_102], %select_n3A_100 {strides = array<i32>} : memref<25x80xf32, #tpu.memory_space<vmem>>, vector<16xf32>,
        %get3A_104 = arith.index_cast %scan3A_59 : i32 to index
        %get3A_105 = arith.constant 48 : index
        %get3A_106 = tpu.vector_load %arg12[%get3A_104, %get3A_105] {strides = array<i32>} : memref<25x80xi32, #tpu.memory_space<vmem>>, vector<16xi32>,
        %get3A_107 = arith.index_cast %scan3A_59 : i32 to index
        %get3A_108 = arith.constant 48 : index
        %get3A_109 = tpu.vector_load %arg13[%get3A_107, %get3A_108] {strides = array<i32>} : memref<25x80xi32, #tpu.memory_space<vmem>>, vector<16xi32>,
        %eq3A_110 = arith.cmpi eq, %get3A_106, %get3A_109 : vector<16xi32>
        %get3A_111 = arith.index_cast %scan3A_59 : i32 to index
        %get3A_112 = arith.constant 48 : index
        %get3A_113 = tpu.vector_load %arg14[%get3A_111, %get3A_112] {strides = array<i32>} : memref<25x80xf32, #tpu.memory_space<vmem>>, vector<16xf32>,
        %jit3A_114 = arith.constant 0.000000e+00 : f32
        %broadcast_in_dim3A_115 = vector.broadcast %jit3A_114 : f32 to vector<16xf32>
        %select_n3A_116 = arith.select %eq3A_110, %broadcast_in_dim3A_115, %get3A_113 : vector<16xi1>, vector<16xf32>
        %swap3A_117 = arith.index_cast %scan3A_59 : i32 to index
        %swap3A_118 = arith.constant 48 : index
        %swap3A_119 = tpu.vector_load %arg14[%swap3A_117, %swap3A_118] {strides = array<i32>} : memref<25x80xf32, #tpu.memory_space<vmem>>, vector<16xf32>,
        tpu.vector_store %arg14[%swap3A_117, %swap3A_118], %select_n3A_116 {strides = array<i32>} : memref<25x80xf32, #tpu.memory_space<vmem>>, vector<16xf32>,
        %get3A_120 = arith.index_cast %scan3A_59 : i32 to index
        %get3A_121 = arith.constant 64 : index
        %get3A_122 = tpu.vector_load %arg12[%get3A_120, %get3A_121] {strides = array<i32>} : memref<25x80xi32, #tpu.memory_space<vmem>>, vector<16xi32>,
        %get3A_123 = arith.index_cast %scan3A_59 : i32 to index
        %get3A_124 = arith.constant 64 : index
        %get3A_125 = tpu.vector_load %arg13[%get3A_123, %get3A_124] {strides = array<i32>} : memref<25x80xi32, #tpu.memory_space<vmem>>, vector<16xi32>,
        %eq3A_126 = arith.cmpi eq, %get3A_122, %get3A_125 : vector<16xi32>
        %get3A_127 = arith.index_cast %scan3A_59 : i32 to index
        %get3A_128 = arith.constant 64 : index
        %get3A_129 = tpu.vector_load %arg14[%get3A_127, %get3A_128] {strides = array<i32>} : memref<25x80xf32, #tpu.memory_space<vmem>>, vector<16xf32>,
        %jit3A_130 = arith.constant 0.000000e+00 : f32
        %broadcast_in_dim3A_131 = vector.broadcast %jit3A_130 : f32 to vector<16xf32>
        %select_n3A_132 = arith.select %eq3A_126, %broadcast_in_dim3A_131, %get3A_129 : vector<16xi1>, vector<16xf32>
        %swap3A_133 = arith.index_cast %scan3A_59 : i32 to index
        %swap3A_134 = arith.constant 64 : index
        %swap3A_135 = tpu.vector_load %arg14[%swap3A_133, %swap3A_134] {strides = array<i32>} : memref<25x80xf32, #tpu.memory_space<vmem>>, vector<16xf32>,
        tpu.vector_store %arg14[%swap3A_133, %swap3A_134], %select_n3A_132 {strides = array<i32>} : memref<25x80xf32, #tpu.memory_space<vmem>>, vector<16xf32>,
        %dma_start3A = arith.constant 0 : i32
        %dma_start3A_136 = tpu.memref_slice %arg14[%scan3A_59, %dma_start3A] : memref<25x80xf32, #tpu.memory_space<vmem>> -> memref<1x80xf32, #tpu.memory_space<vmem>>
        %dma_start3A_137 = tpu.memref_squeeze %dma_start3A_136 : memref<1x80xf32, #tpu.memory_space<vmem>> -> memref<80xf32, #tpu.memory_space<vmem>>
        %dma_start3A_138 = arith.constant 0 : i32
        %dma_start3A_139 = tpu.memref_slice %arg12[%scan3A_59, %dma_start3A_138] : memref<25x80xi32, #tpu.memory_space<vmem>> -> memref<1x80xi32, #tpu.memory_space<vmem>>
        %dma_start3A_140 = tpu.memref_squeeze %dma_start3A_139 : memref<1x80xi32, #tpu.memory_space<vmem>> -> memref<80xi32, #tpu.memory_space<vmem>>
        %dma_start3A_141 = arith.constant 0 : i32
        %dma_start3A_142 = tpu.memref_slice %arg20[%dma_start3A_141] : memref<10240xf32, #tpu.memory_space<vmem_shared>> -> memref<10240xf32, #tpu.memory_space<vmem_shared>>
        tpu.enqueue_indirect_dma source(%dma_start3A_137 : memref<80xf32, #tpu.memory_space<vmem>>) target(%dma_start3A_142 : memref<10240xf32, #tpu.memory_space<vmem_shared>>) offsets(%dma_start3A_140 : memref<80xi32, #tpu.memory_space<vmem>>) semaphore(%arg22 : memref<!tpu.dma_semaphore, #tpu.memory_space<semaphore_mem>>) {add = true}
        %scan3A_143 = arith.constant 0 : i32
        scf.yield %scan3A_143 : i32
      }
      %scan3A_50 = arith.constant 25 : i32
      %scan3A_51 = arith.constant 0 : i32
      %scan3A_52 = arith.constant 0 : i32
      %scan3A_53 = arith.constant 25 : i32
      %scan3A_54 = arith.addi %scan3A_52, %scan3A_53 : i32
      %scan3A_55 = arith.constant 1 : i32
      %scan3A_56 = scf.for %scan3A_59 = %scan3A_52 to %scan3A_54 step %scan3A_55 iter_args(%scan3A_60 = %scan3A_51) -> (i32)  : i32 {
        %dma_wait3A = arith.constant 0 : i32
        %dma_wait3A_61 = tpu.memref_slice %arg14[%scan3A_59, %dma_wait3A] : memref<25x80xf32, #tpu.memory_space<vmem>> -> memref<1x80xf32, #tpu.memory_space<vmem>>
        %dma_wait3A_62 = tpu.memref_squeeze %dma_wait3A_61 : memref<1x80xf32, #tpu.memory_space<vmem>> -> memref<80xf32, #tpu.memory_space<vmem>>
        %dma_wait3A_63 = arith.constant 0 : i32
        %dma_wait3A_64 = tpu.memref_slice %arg12[%scan3A_59, %dma_wait3A_63] : memref<25x80xi32, #tpu.memory_space<vmem>> -> memref<1x80xi32, #tpu.memory_space<vmem>>
        %dma_wait3A_65 = tpu.memref_squeeze %dma_wait3A_64 : memref<1x80xi32, #tpu.memory_space<vmem>> -> memref<80xi32, #tpu.memory_space<vmem>>
        %dma_wait3A_66 = arith.constant 0 : i32
        %dma_wait3A_67 = tpu.memref_slice %arg20[%dma_wait3A_66] : memref<10240xf32, #tpu.memory_space<vmem_shared>> -> memref<10240xf32, #tpu.memory_space<vmem_shared>>
        tpu.wait_indirect_dma semaphore(%arg22 : memref<!tpu.dma_semaphore, #tpu.memory_space<semaphore_mem>>) src(%dma_wait3A_62 : memref<80xf32, #tpu.memory_space<vmem>>) dst(%dma_wait3A_67 : memref<10240xf32, #tpu.memory_space<vmem_shared>>)
        %scan3A_68 = arith.constant 0 : i32
        scf.yield %scan3A_68 : i32
      }
      %scan3A_57 = arith.constant 25 : i32
      %scan3A_58 = arith.constant 0 : i32
      scf.yield %scan3A_58 : i32
    }
    %scan3A_8 = arith.constant 10 : i32
    %barrier3A_9 = arith.constant 0 : index
    tpu.barrier barrier_id(%barrier3A_9)
    %scan3A_10 = arith.constant 0 : i32
    %scan3A_11 = arith.constant 0 : i32
    %scan3A_12 = arith.constant 16 : i32
    %scan3A_13 = arith.addi %scan3A_11, %scan3A_12 : i32
    %scan3A_14 = arith.constant 1 : i32
    %scan3A_15 = scf.for %scan3A_42 = %scan3A_11 to %scan3A_13 step %scan3A_14 iter_args(%scan3A_43 = %scan3A_10) -> (i32)  : i32 {
      %mul3A_44 = arith.constant 640 : i32
      %mul3A_45 = arith.muli %scan3A_42, %mul3A_44 : i32
      "tpu.region"() ({
        %run_scoped3A = tpu.sem_alloc : memref<!tpu.dma_semaphore, #tpu.memory_space<semaphore_mem>>
        %dma_start3A = tpu.memref_slice %arg20[%mul3A_45] : memref<10240xf32, #tpu.memory_space<vmem_shared>> -> memref<640xf32, #tpu.memory_space<vmem_shared>>
        %dma_start3A_54 = tpu.memref_slice %arg20[%mul3A_45] : memref<10240xf32, #tpu.memory_space<vmem_shared>> -> memref<640xf32, #tpu.memory_space<vmem_shared>>
        tpu.enqueue_dma source(%dma_start3A_54 : memref<640xf32, #tpu.memory_space<vmem_shared>>) target(%arg17 : memref<640xf32, #tpu.memory_space<vmem>>) target_semaphore(%run_scoped3A : memref<!tpu.dma_semaphore, #tpu.memory_space<semaphore_mem>>)
        %dma_wait3A = tpu.memref_slice %arg20[%mul3A_45] : memref<10240xf32, #tpu.memory_space<vmem_shared>> -> memref<640xf32, #tpu.memory_space<vmem_shared>>
        %dma_wait3A_55 = tpu.memref_slice %arg20[%mul3A_45] : memref<10240xf32, #tpu.memory_space<vmem_shared>> -> memref<640xf32, #tpu.memory_space<vmem_shared>>
        tpu.wait_dma2 semaphore(%run_scoped3A : memref<!tpu.dma_semaphore, #tpu.memory_space<semaphore_mem>>) src(%dma_wait3A_55 : memref<640xf32, #tpu.memory_space<vmem_shared>>) dst(%arg17 : memref<640xf32, #tpu.memory_space<vmem>>)
        tpu.yield
      }) : () -> ()
      %scan3A_46 = arith.constant 0 : i32
      %scan3A_47 = arith.constant 0 : i32
      %scan3A_48 = arith.constant 40 : i32
      %scan3A_49 = arith.addi %scan3A_47, %scan3A_48 : i32
      %scan3A_50 = arith.constant 1 : i32
      %scan3A_51 = scf.for %scan3A_54 = %scan3A_47 to %scan3A_49 step %scan3A_50 iter_args(%scan3A_55 = %scan3A_46) -> (i32)  : i32 {
        %mul3A_56 = arith.constant 16 : i32
        %mul3A_57 = arith.muli %scan3A_54, %mul3A_56 : i32
        %get3A = arith.index_cast %mul3A_57 : i32 to index
        %get3A_58 = tpu.vector_load %arg17[%get3A] {strides = array<i32>} : memref<640xf32, #tpu.memory_space<vmem>>, vector<16xf32>,
        %bitcast_convert_type3A = tpu.bitcast %get3A_58 : vector<16xf32> -> vector<16xi32>
        %shift_right_arithmetic3A = arith.constant 1 : i32
        %shift_right_arithmetic3A_59 = vector.broadcast %shift_right_arithmetic3A : i32 to vector<16xi32>
        %shift_right_arithmetic3A_60 = arith.shrsi %bitcast_convert_type3A, %shift_right_arithmetic3A_59 : vector<16xi32>
        %sub3A = arith.constant 1597463007 : i32
        %sub3A_61 = vector.broadcast %sub3A : i32 to vector<16xi32>
        %sub3A_62 = arith.subi %sub3A_61, %shift_right_arithmetic3A_60 : vector<16xi32>
        %bitcast_convert_type3A_63 = tpu.bitcast %sub3A_62 : vector<16xi32> -> vector<16xf32>
        %mul3A_64 = arith.mulf %get3A_58, %bitcast_convert_type3A_63 : vector<16xf32>
        %mul3A_65 = arith.mulf %mul3A_64, %bitcast_convert_type3A_63 : vector<16xf32>
        %mul3A_66 = arith.constant 5.000000e-01 : f32
        %mul3A_67 = vector.broadcast %mul3A_66 : f32 to vector<16xf32>
        %mul3A_68 = arith.mulf %mul3A_67, %mul3A_65 : vector<16xf32>
        %sub3A_69 = arith.constant 1.500000e+00 : f32
        %sub3A_70 = vector.broadcast %sub3A_69 : f32 to vector<16xf32>
        %sub3A_71 = arith.subf %sub3A_70, %mul3A_68 : vector<16xf32>
        %mul3A_72 = arith.mulf %bitcast_convert_type3A_63, %sub3A_71 : vector<16xf32>
        %mul3A_73 = arith.mulf %get3A_58, %mul3A_72 : vector<16xf32>
        %mul3A_74 = arith.mulf %mul3A_73, %mul3A_72 : vector<16xf32>
        %mul3A_75 = arith.constant 5.000000e-01 : f32
        %mul3A_76 = vector.broadcast %mul3A_75 : f32 to vector<16xf32>
        %mul3A_77 = arith.mulf %mul3A_76, %mul3A_74 : vector<16xf32>
        %sub3A_78 = arith.constant 1.500000e+00 : f32
        %sub3A_79 = vector.broadcast %sub3A_78 : f32 to vector<16xf32>
        %sub3A_80 = arith.subf %sub3A_79, %mul3A_77 : vector<16xf32>
        %mul3A_81 = arith.mulf %mul3A_72, %sub3A_80 : vector<16xf32>
        %mul3A_82 = arith.mulf %get3A_58, %mul3A_81 : vector<16xf32>
        %mul3A_83 = arith.mulf %mul3A_82, %mul3A_81 : vector<16xf32>
        %mul3A_84 = arith.constant 5.000000e-01 : f32
        %mul3A_85 = vector.broadcast %mul3A_84 : f32 to vector<16xf32>
        %mul3A_86 = arith.mulf %mul3A_85, %mul3A_83 : vector<16xf32>
        %sub3A_87 = arith.constant 1.500000e+00 : f32
        %sub3A_88 = vector.broadcast %sub3A_87 : f32 to vector<16xf32>
        %sub3A_89 = arith.subf %sub3A_88, %mul3A_86 : vector<16xf32>
        %mul3A_90 = arith.mulf %mul3A_81, %sub3A_89 : vector<16xf32>
        %gt3A = arith.constant 0.000000e+00 : f32
        %gt3A_91 = vector.broadcast %gt3A : f32 to vector<16xf32>
        %gt3A_92 = arith.cmpf ogt, %get3A_58, %gt3A_91 : vector<16xf32>
        %jit3A = arith.constant 0.000000e+00 : f32
        %broadcast_in_dim3A = vector.broadcast %jit3A : f32 to vector<16xf32>
        %select_n3A = arith.select %gt3A_92, %mul3A_90, %broadcast_in_dim3A : vector<16xi1>, vector<16xf32>
        %mul3A_93 = arith.constant 640 : i32
        %mul3A_94 = arith.muli %scan3A_42, %mul3A_93 : i32
        %mul3A_95 = arith.constant 16 : i32
        %mul3A_96 = arith.muli %scan3A_54, %mul3A_95 : i32
        %add3A = arith.addi %mul3A_94, %mul3A_96 : i32
        %swap3A = arith.index_cast %add3A : i32 to index
        %swap3A_97 = tpu.vector_load %arg16[%swap3A] {strides = array<i32>} : memref<10240xf32, #tpu.memory_space<vmem>>, vector<16xf32>,
        tpu.vector_store %arg16[%swap3A], %select_n3A {strides = array<i32>} : memref<10240xf32, #tpu.memory_space<vmem>>, vector<16xf32>,
        %scan3A_98 = arith.constant 0 : i32
        scf.yield %scan3A_98 : i32
      }
      %scan3A_52 = arith.constant 40 : i32
      %scan3A_53 = arith.constant 0 : i32
      scf.yield %scan3A_53 : i32
    }
    %scan3A_16 = arith.constant 16 : i32
    %mul3A_17 = arith.constant 640 : i32
    %mul3A_18 = arith.muli %arg1, %mul3A_17 : i32
    %mul3A_19 = arith.constant 640 : i32
    %mul3A_20 = arith.muli %arg1, %mul3A_19 : i32
    "tpu.region"() ({
      %run_scoped3A = tpu.sem_alloc : memref<!tpu.dma_semaphore, #tpu.memory_space<semaphore_mem>>
      %dma_start3A = arith.constant 0 : i32
      %dma_start3A_42 = tpu.memref_slice %arg19[%mul3A_20, %dma_start3A] : memref<10240x128xf32, #tpu.memory_space<vmem_shared>> -> memref<640x128xf32, #tpu.memory_space<vmem_shared>>
      %dma_start3A_43 = arith.constant 0 : i32
      %dma_start3A_44 = tpu.memref_slice %arg7[%mul3A_18, %dma_start3A_43] : memref<10240x128xf32, #tpu.memory_space<hbm>> -> memref<640x128xf32, #tpu.memory_space<hbm>>
      tpu.enqueue_dma source(%dma_start3A_44 : memref<640x128xf32, #tpu.memory_space<hbm>>) target(%dma_start3A_42 : memref<640x128xf32, #tpu.memory_space<vmem_shared>>) target_semaphore(%run_scoped3A : memref<!tpu.dma_semaphore, #tpu.memory_space<semaphore_mem>>)
      %dma_wait3A = arith.constant 0 : i32
      %dma_wait3A_45 = tpu.memref_slice %arg19[%mul3A_20, %dma_wait3A] : memref<10240x128xf32, #tpu.memory_space<vmem_shared>> -> memref<640x128xf32, #tpu.memory_space<vmem_shared>>
      %dma_wait3A_46 = arith.constant 0 : i32
      %dma_wait3A_47 = tpu.memref_slice %arg7[%mul3A_18, %dma_wait3A_46] : memref<10240x128xf32, #tpu.memory_space<hbm>> -> memref<640x128xf32, #tpu.memory_space<hbm>>
      tpu.wait_dma2 semaphore(%run_scoped3A : memref<!tpu.dma_semaphore, #tpu.memory_space<semaphore_mem>>) src(%dma_wait3A_47 : memref<640x128xf32, #tpu.memory_space<hbm>>) dst(%dma_wait3A_45 : memref<640x128xf32, #tpu.memory_space<vmem_shared>>)
      tpu.yield
    }) : () -> ()
    %barrier3A_21 = arith.constant 0 : index
    tpu.barrier barrier_id(%barrier3A_21)
    %eq3A = arith.constant 0 : i32
    %eq3A_22 = arith.cmpi eq, %arg0, %eq3A : i32
    %convert_element_type3A = arith.extui %eq3A_22 : i1 to i32
    %cond3A = arith.constant 0 : i32
    %cond3A_23 = arith.cmpi ne, %convert_element_type3A, %cond3A : i32
    scf.if %cond3A_23 {
      %scan3A_42 = arith.constant 0 : i32
      %scan3A_43 = arith.constant 0 : i32
      %scan3A_44 = arith.constant 10 : i32
      %scan3A_45 = arith.addi %scan3A_43, %scan3A_44 : i32
      %scan3A_46 = arith.constant 1 : i32
      %scan3A_47 = scf.for %scan3A_49 = %scan3A_43 to %scan3A_45 step %scan3A_46 iter_args(%scan3A_50 = %scan3A_42) -> (i32)  : i32 {
        "tpu.region"() ({
          %run_scoped3A = tpu.sem_alloc : memref<!tpu.dma_semaphore, #tpu.memory_space<semaphore_mem>>
          %dma_start3A_86 = arith.constant 0 : i32
          %dma_start3A_87 = arith.constant 0 : i32
          %dma_start3A_88 = tpu.memref_slice %arg4[%arg1, %scan3A_49, %dma_start3A_86, %dma_start3A_87] : memref<16x10x25x80xi32, #tpu.memory_space<hbm>> -> memref<1x1x25x80xi32, #tpu.memory_space<hbm>>
          %dma_start3A_89 = tpu.memref_squeeze %dma_start3A_88 : memref<1x1x25x80xi32, #tpu.memory_space<hbm>> -> memref<25x80xi32, #tpu.memory_space<hbm>>
          %dma_start3A_90 = arith.constant 0 : i32
          %dma_start3A_91 = arith.constant 0 : i32
          %dma_start3A_92 = tpu.memref_slice %arg4[%arg1, %scan3A_49, %dma_start3A_90, %dma_start3A_91] : memref<16x10x25x80xi32, #tpu.memory_space<hbm>> -> memref<1x1x25x80xi32, #tpu.memory_space<hbm>>
          %dma_start3A_93 = tpu.memref_squeeze %dma_start3A_92 : memref<1x1x25x80xi32, #tpu.memory_space<hbm>> -> memref<25x80xi32, #tpu.memory_space<hbm>>
          tpu.enqueue_dma source(%dma_start3A_93 : memref<25x80xi32, #tpu.memory_space<hbm>>) target(%arg12 : memref<25x80xi32, #tpu.memory_space<vmem>>) target_semaphore(%run_scoped3A : memref<!tpu.dma_semaphore, #tpu.memory_space<semaphore_mem>>)
          %dma_wait3A_94 = arith.constant 0 : i32
          %dma_wait3A_95 = arith.constant 0 : i32
          %dma_wait3A_96 = tpu.memref_slice %arg4[%arg1, %scan3A_49, %dma_wait3A_94, %dma_wait3A_95] : memref<16x10x25x80xi32, #tpu.memory_space<hbm>> -> memref<1x1x25x80xi32, #tpu.memory_space<hbm>>
          %dma_wait3A_97 = tpu.memref_squeeze %dma_wait3A_96 : memref<1x1x25x80xi32, #tpu.memory_space<hbm>> -> memref<25x80xi32, #tpu.memory_space<hbm>>
          %dma_wait3A_98 = arith.constant 0 : i32
          %dma_wait3A_99 = arith.constant 0 : i32
          %dma_wait3A_100 = tpu.memref_slice %arg4[%arg1, %scan3A_49, %dma_wait3A_98, %dma_wait3A_99] : memref<16x10x25x80xi32, #tpu.memory_space<hbm>> -> memref<1x1x25x80xi32, #tpu.memory_space<hbm>>
          %dma_wait3A_101 = tpu.memref_squeeze %dma_wait3A_100 : memref<1x1x25x80xi32, #tpu.memory_space<hbm>> -> memref<25x80xi32, #tpu.memory_space<hbm>>
          tpu.wait_dma2 semaphore(%run_scoped3A : memref<!tpu.dma_semaphore, #tpu.memory_space<semaphore_mem>>) src(%dma_wait3A_101 : memref<25x80xi32, #tpu.memory_space<hbm>>) dst(%arg12 : memref<25x80xi32, #tpu.memory_space<vmem>>)
          tpu.yield
        }) : () -> ()
        "tpu.region"() ({
          %run_scoped3A = tpu.sem_alloc : memref<!tpu.dma_semaphore, #tpu.memory_space<semaphore_mem>>
          %dma_start3A_86 = arith.constant 0 : i32
          %dma_start3A_87 = arith.constant 0 : i32
          %dma_start3A_88 = tpu.memref_slice %arg5[%arg1, %scan3A_49, %dma_start3A_86, %dma_start3A_87] : memref<16x10x25x80xi32, #tpu.memory_space<hbm>> -> memref<1x1x25x80xi32, #tpu.memory_space<hbm>>
          %dma_start3A_89 = tpu.memref_squeeze %dma_start3A_88 : memref<1x1x25x80xi32, #tpu.memory_space<hbm>> -> memref<25x80xi32, #tpu.memory_space<hbm>>
          %dma_start3A_90 = arith.constant 0 : i32
          %dma_start3A_91 = arith.constant 0 : i32
          %dma_start3A_92 = tpu.memref_slice %arg5[%arg1, %scan3A_49, %dma_start3A_90, %dma_start3A_91] : memref<16x10x25x80xi32, #tpu.memory_space<hbm>> -> memref<1x1x25x80xi32, #tpu.memory_space<hbm>>
          %dma_start3A_93 = tpu.memref_squeeze %dma_start3A_92 : memref<1x1x25x80xi32, #tpu.memory_space<hbm>> -> memref<25x80xi32, #tpu.memory_space<hbm>>
          tpu.enqueue_dma source(%dma_start3A_93 : memref<25x80xi32, #tpu.memory_space<hbm>>) target(%arg13 : memref<25x80xi32, #tpu.memory_space<vmem>>) target_semaphore(%run_scoped3A : memref<!tpu.dma_semaphore, #tpu.memory_space<semaphore_mem>>)
          %dma_wait3A_94 = arith.constant 0 : i32
          %dma_wait3A_95 = arith.constant 0 : i32
          %dma_wait3A_96 = tpu.memref_slice %arg5[%arg1, %scan3A_49, %dma_wait3A_94, %dma_wait3A_95] : memref<16x10x25x80xi32, #tpu.memory_space<hbm>> -> memref<1x1x25x80xi32, #tpu.memory_space<hbm>>
          %dma_wait3A_97 = tpu.memref_squeeze %dma_wait3A_96 : memref<1x1x25x80xi32, #tpu.memory_space<hbm>> -> memref<25x80xi32, #tpu.memory_space<hbm>>
          %dma_wait3A_98 = arith.constant 0 : i32
          %dma_wait3A_99 = arith.constant 0 : i32
          %dma_wait3A_100 = tpu.memref_slice %arg5[%arg1, %scan3A_49, %dma_wait3A_98, %dma_wait3A_99] : memref<16x10x25x80xi32, #tpu.memory_space<hbm>> -> memref<1x1x25x80xi32, #tpu.memory_space<hbm>>
          %dma_wait3A_101 = tpu.memref_squeeze %dma_wait3A_100 : memref<1x1x25x80xi32, #tpu.memory_space<hbm>> -> memref<25x80xi32, #tpu.memory_space<hbm>>
          tpu.wait_dma2 semaphore(%run_scoped3A : memref<!tpu.dma_semaphore, #tpu.memory_space<semaphore_mem>>) src(%dma_wait3A_101 : memref<25x80xi32, #tpu.memory_space<hbm>>) dst(%arg13 : memref<25x80xi32, #tpu.memory_space<vmem>>)
          tpu.yield
        }) : () -> ()
        "tpu.region"() ({
          %run_scoped3A = tpu.sem_alloc : memref<!tpu.dma_semaphore, #tpu.memory_space<semaphore_mem>>
          %dma_start3A_86 = arith.constant 0 : i32
          %dma_start3A_87 = arith.constant 0 : i32
          %dma_start3A_88 = tpu.memref_slice %arg6[%arg1, %scan3A_49, %dma_start3A_86, %dma_start3A_87] : memref<16x10x25x80xf32, #tpu.memory_space<hbm>> -> memref<1x1x25x80xf32, #tpu.memory_space<hbm>>
          %dma_start3A_89 = tpu.memref_squeeze %dma_start3A_88 : memref<1x1x25x80xf32, #tpu.memory_space<hbm>> -> memref<25x80xf32, #tpu.memory_space<hbm>>
          %dma_start3A_90 = arith.constant 0 : i32
          %dma_start3A_91 = arith.constant 0 : i32
          %dma_start3A_92 = tpu.memref_slice %arg6[%arg1, %scan3A_49, %dma_start3A_90, %dma_start3A_91] : memref<16x10x25x80xf32, #tpu.memory_space<hbm>> -> memref<1x1x25x80xf32, #tpu.memory_space<hbm>>
          %dma_start3A_93 = tpu.memref_squeeze %dma_start3A_92 : memref<1x1x25x80xf32, #tpu.memory_space<hbm>> -> memref<25x80xf32, #tpu.memory_space<hbm>>
          tpu.enqueue_dma source(%dma_start3A_93 : memref<25x80xf32, #tpu.memory_space<hbm>>) target(%arg14 : memref<25x80xf32, #tpu.memory_space<vmem>>) target_semaphore(%run_scoped3A : memref<!tpu.dma_semaphore, #tpu.memory_space<semaphore_mem>>)
          %dma_wait3A_94 = arith.constant 0 : i32
          %dma_wait3A_95 = arith.constant 0 : i32
          %dma_wait3A_96 = tpu.memref_slice %arg6[%arg1, %scan3A_49, %dma_wait3A_94, %dma_wait3A_95] : memref<16x10x25x80xf32, #tpu.memory_space<hbm>> -> memref<1x1x25x80xf32, #tpu.memory_space<hbm>>
          %dma_wait3A_97 = tpu.memref_squeeze %dma_wait3A_96 : memref<1x1x25x80xf32, #tpu.memory_space<hbm>> -> memref<25x80xf32, #tpu.memory_space<hbm>>
          %dma_wait3A_98 = arith.constant 0 : i32
          %dma_wait3A_99 = arith.constant 0 : i32
          %dma_wait3A_100 = tpu.memref_slice %arg6[%arg1, %scan3A_49, %dma_wait3A_98, %dma_wait3A_99] : memref<16x10x25x80xf32, #tpu.memory_space<hbm>> -> memref<1x1x25x80xf32, #tpu.memory_space<hbm>>
          %dma_wait3A_101 = tpu.memref_squeeze %dma_wait3A_100 : memref<1x1x25x80xf32, #tpu.memory_space<hbm>> -> memref<25x80xf32, #tpu.memory_space<hbm>>
          tpu.wait_dma2 semaphore(%run_scoped3A : memref<!tpu.dma_semaphore, #tpu.memory_space<semaphore_mem>>) src(%dma_wait3A_101 : memref<25x80xf32, #tpu.memory_space<hbm>>) dst(%arg14 : memref<25x80xf32, #tpu.memory_space<vmem>>)
          tpu.yield
        }) : () -> ()
        %dma_start3A = arith.constant 0 : i32
        %dma_start3A_51 = arith.constant 0 : i32
        %dma_start3A_52 = arith.constant 0 : i32
        %dma_start3A_53 = arith.constant 0 : i32
        %dma_start3A_54 = tpu.memref_slice %arg18[%dma_start3A_51, %dma_start3A_52, %dma_start3A_53] : memref<2x80x128xf32, #tpu.memory_space<vmem>> -> memref<1x80x128xf32, #tpu.memory_space<vmem>>
        %dma_start3A_55 = tpu.memref_squeeze %dma_start3A_54 : memref<1x80x128xf32, #tpu.memory_space<vmem>> -> memref<80x128xf32, #tpu.memory_space<vmem>>
        %dma_start3A_56 = arith.constant 0 : i32
        %dma_start3A_57 = tpu.memref_slice %arg12[%dma_start3A, %dma_start3A_56] : memref<25x80xi32, #tpu.memory_space<vmem>> -> memref<1x80xi32, #tpu.memory_space<vmem>>
        %dma_start3A_58 = tpu.memref_squeeze %dma_start3A_57 : memref<1x80xi32, #tpu.memory_space<vmem>> -> memref<80xi32, #tpu.memory_space<vmem>>
        %dma_start3A_59 = arith.constant 0 : i32
        %dma_start3A_60 = arith.constant 0 : i32
        %dma_start3A_61 = tpu.memref_slice %arg2[%dma_start3A_59, %dma_start3A_60] : memref<10000x128xf32, #tpu.memory_space<hbm>> -> memref<10000x128xf32, #tpu.memory_space<hbm>>
        tpu.enqueue_indirect_dma source(%dma_start3A_61 : memref<10000x128xf32, #tpu.memory_space<hbm>>) target(%dma_start3A_55 : memref<80x128xf32, #tpu.memory_space<vmem>>) offsets(%dma_start3A_58 : memref<80xi32, #tpu.memory_space<vmem>>) semaphore(%arg21 : memref<!tpu.dma_semaphore, #tpu.memory_space<semaphore_mem>>)
        %scan3A_62 = arith.constant 0 : i32
        %scan3A_63 = arith.constant 0 : i32
        %scan3A_64 = arith.constant 25 : i32
        %scan3A_65 = arith.addi %scan3A_63, %scan3A_64 : i32
        %scan3A_66 = arith.constant 1 : i32
        %scan3A_67 = scf.for %scan3A_86 = %scan3A_63 to %scan3A_65 step %scan3A_66 iter_args(%scan3A_87 = %scan3A_62) -> (i32)  : i32 {
          %rem3A = arith.constant 2 : i32
          %rem3A_88 = arith.remsi %scan3A_86, %rem3A : i32
          %add3A = arith.constant 1 : i32
          %add3A_89 = arith.addi %scan3A_86, %add3A : i32
          %rem3A_90 = arith.constant 2 : i32
          %rem3A_91 = arith.remsi %add3A_89, %rem3A_90 : i32
          %dma_wait3A_92 = arith.constant 0 : i32
          %dma_wait3A_93 = arith.constant 0 : i32
          %dma_wait3A_94 = tpu.memref_slice %arg18[%rem3A_88, %dma_wait3A_92, %dma_wait3A_93] : memref<2x80x128xf32, #tpu.memory_space<vmem>> -> memref<1x80x128xf32, #tpu.memory_space<vmem>>
          %dma_wait3A_95 = tpu.memref_squeeze %dma_wait3A_94 : memref<1x80x128xf32, #tpu.memory_space<vmem>> -> memref<80x128xf32, #tpu.memory_space<vmem>>
          %dma_wait3A_96 = arith.constant 0 : i32
          %dma_wait3A_97 = tpu.memref_slice %arg12[%scan3A_86, %dma_wait3A_96] : memref<25x80xi32, #tpu.memory_space<vmem>> -> memref<1x80xi32, #tpu.memory_space<vmem>>
          %dma_wait3A_98 = tpu.memref_squeeze %dma_wait3A_97 : memref<1x80xi32, #tpu.memory_space<vmem>> -> memref<80xi32, #tpu.memory_space<vmem>>
          %dma_wait3A_99 = arith.constant 0 : i32
          %dma_wait3A_100 = arith.constant 0 : i32
          %dma_wait3A_101 = tpu.memref_slice %arg2[%dma_wait3A_99, %dma_wait3A_100] : memref<10000x128xf32, #tpu.memory_space<hbm>> -> memref<10000x128xf32, #tpu.memory_space<hbm>>
          tpu.wait_indirect_dma semaphore(%arg21 : memref<!tpu.dma_semaphore, #tpu.memory_space<semaphore_mem>>) src(%dma_wait3A_101 : memref<10000x128xf32, #tpu.memory_space<hbm>>) dst(%dma_wait3A_95 : memref<80x128xf32, #tpu.memory_space<vmem>>)
          %gt3A = arith.constant 0 : i32
          %gt3A_102 = arith.cmpi sgt, %scan3A_86, %gt3A : i32
          %convert_element_type3A_103 = arith.extui %gt3A_102 : i1 to i32
          %cond3A_104 = arith.constant 0 : i32
          %cond3A_105 = arith.cmpi ne, %convert_element_type3A_103, %cond3A_104 : i32
          scf.if %cond3A_105 {
            %sub3A = arith.constant 1 : i32
            %sub3A_231 = arith.subi %scan3A_86, %sub3A : i32
            %dma_wait3A_232 = arith.constant 0 : i32
            %dma_wait3A_233 = arith.constant 0 : i32
            %dma_wait3A_234 = tpu.memref_slice %arg18[%rem3A_91, %dma_wait3A_232, %dma_wait3A_233] : memref<2x80x128xf32, #tpu.memory_space<vmem>> -> memref<1x80x128xf32, #tpu.memory_space<vmem>>
            %dma_wait3A_235 = tpu.memref_squeeze %dma_wait3A_234 : memref<1x80x128xf32, #tpu.memory_space<vmem>> -> memref<80x128xf32, #tpu.memory_space<vmem>>
            %dma_wait3A_236 = arith.constant 0 : i32
            %dma_wait3A_237 = tpu.memref_slice %arg13[%sub3A_231, %dma_wait3A_236] : memref<25x80xi32, #tpu.memory_space<vmem>> -> memref<1x80xi32, #tpu.memory_space<vmem>>
            %dma_wait3A_238 = tpu.memref_squeeze %dma_wait3A_237 : memref<1x80xi32, #tpu.memory_space<vmem>> -> memref<80xi32, #tpu.memory_space<vmem>>
            %dma_wait3A_239 = arith.constant 0 : i32
            %dma_wait3A_240 = arith.constant 0 : i32
            %dma_wait3A_241 = tpu.memref_slice %arg19[%dma_wait3A_239, %dma_wait3A_240] : memref<10240x128xf32, #tpu.memory_space<vmem_shared>> -> memref<10240x128xf32, #tpu.memory_space<vmem_shared>>
            tpu.wait_indirect_dma semaphore(%arg22 : memref<!tpu.dma_semaphore, #tpu.memory_space<semaphore_mem>>) src(%dma_wait3A_235 : memref<80x128xf32, #tpu.memory_space<vmem>>) dst(%dma_wait3A_241 : memref<10240x128xf32, #tpu.memory_space<vmem_shared>>)
          } else {
          }
          %lt3A = arith.constant 24 : i32
          %lt3A_106 = arith.cmpi slt, %scan3A_86, %lt3A : i32
          %convert_element_type3A_107 = arith.extui %lt3A_106 : i1 to i32
          %cond3A_108 = arith.constant 0 : i32
          %cond3A_109 = arith.cmpi ne, %convert_element_type3A_107, %cond3A_108 : i32
          scf.if %cond3A_109 {
            %add3A_231 = arith.constant 1 : i32
            %add3A_232 = arith.addi %scan3A_86, %add3A_231 : i32
            %dma_start3A_233 = arith.constant 0 : i32
            %dma_start3A_234 = arith.constant 0 : i32
            %dma_start3A_235 = tpu.memref_slice %arg18[%rem3A_91, %dma_start3A_233, %dma_start3A_234] : memref<2x80x128xf32, #tpu.memory_space<vmem>> -> memref<1x80x128xf32, #tpu.memory_space<vmem>>
            %dma_start3A_236 = tpu.memref_squeeze %dma_start3A_235 : memref<1x80x128xf32, #tpu.memory_space<vmem>> -> memref<80x128xf32, #tpu.memory_space<vmem>>
            %dma_start3A_237 = arith.constant 0 : i32
            %dma_start3A_238 = tpu.memref_slice %arg12[%add3A_232, %dma_start3A_237] : memref<25x80xi32, #tpu.memory_space<vmem>> -> memref<1x80xi32, #tpu.memory_space<vmem>>
            %dma_start3A_239 = tpu.memref_squeeze %dma_start3A_238 : memref<1x80xi32, #tpu.memory_space<vmem>> -> memref<80xi32, #tpu.memory_space<vmem>>
            %dma_start3A_240 = arith.constant 0 : i32
            %dma_start3A_241 = arith.constant 0 : i32
            %dma_start3A_242 = tpu.memref_slice %arg2[%dma_start3A_240, %dma_start3A_241] : memref<10000x128xf32, #tpu.memory_space<hbm>> -> memref<10000x128xf32, #tpu.memory_space<hbm>>
            tpu.enqueue_indirect_dma source(%dma_start3A_242 : memref<10000x128xf32, #tpu.memory_space<hbm>>) target(%dma_start3A_236 : memref<80x128xf32, #tpu.memory_space<vmem>>) offsets(%dma_start3A_239 : memref<80xi32, #tpu.memory_space<vmem>>) semaphore(%arg21 : memref<!tpu.dma_semaphore, #tpu.memory_space<semaphore_mem>>)
          } else {
          }
          %get3A = arith.index_cast %scan3A_86 : i32 to index
          %get3A_110 = arith.constant 0 : index
          %get3A_111 = tpu.vector_load %arg12[%get3A, %get3A_110] {strides = array<i32>} : memref<25x80xi32, #tpu.memory_space<vmem>>, vector<16xi32>,
          %get3A_112 = arith.index_cast %scan3A_86 : i32 to index
          %get3A_113 = arith.constant 0 : index
          %get3A_114 = tpu.vector_load %arg13[%get3A_112, %get3A_113] {strides = array<i32>} : memref<25x80xi32, #tpu.memory_space<vmem>>, vector<16xi32>,
          %eq3A_115 = arith.cmpi eq, %get3A_111, %get3A_114 : vector<16xi32>
          %get3A_116 = arith.index_cast %scan3A_86 : i32 to index
          %get3A_117 = arith.constant 0 : index
          %get3A_118 = tpu.vector_load %arg14[%get3A_116, %get3A_117] {strides = array<i32>} : memref<25x80xf32, #tpu.memory_space<vmem>>, vector<16xf32>,
          %jit3A = arith.constant 0.000000e+00 : f32
          %broadcast_in_dim3A = vector.broadcast %jit3A : f32 to vector<16xf32>
          %select_n3A = arith.select %eq3A_115, %broadcast_in_dim3A, %get3A_118 : vector<16xi1>, vector<16xf32>
          %gather3A = tpu.vector_load_idx %arg16[%get3A_111] : memref<10240xf32, #tpu.memory_space<vmem>>[vector<16xi32>], vector<16xf32>,
          %gather3A_119 = tpu.vector_load_idx %arg16[%get3A_114] : memref<10240xf32, #tpu.memory_space<vmem>>[vector<16xi32>], vector<16xf32>,
          %mul3A_120 = arith.mulf %gather3A, %select_n3A : vector<16xf32>
          %mul3A_121 = arith.mulf %mul3A_120, %gather3A_119 : vector<16xf32>
          %neg3A = arith.constant 0.000000e+00 : f32
          %neg3A_122 = vector.broadcast %neg3A : f32 to vector<16xf32>
          %neg3A_123 = arith.subf %neg3A_122, %mul3A_121 : vector<16xf32>
          %swap3A = arith.index_cast %scan3A_86 : i32 to index
          %swap3A_124 = arith.constant 0 : index
          %swap3A_125 = tpu.vector_load %arg15[%swap3A, %swap3A_124] {strides = array<i32>} : memref<25x80xf32, #tpu.memory_space<vmem>>, vector<16xf32>,
          tpu.vector_store %arg15[%swap3A, %swap3A_124], %neg3A_123 {strides = array<i32>} : memref<25x80xf32, #tpu.memory_space<vmem>>, vector<16xf32>,
          %get3A_126 = arith.index_cast %scan3A_86 : i32 to index
          %get3A_127 = arith.constant 16 : index
          %get3A_128 = tpu.vector_load %arg12[%get3A_126, %get3A_127] {strides = array<i32>} : memref<25x80xi32, #tpu.memory_space<vmem>>, vector<16xi32>,
          %get3A_129 = arith.index_cast %scan3A_86 : i32 to index
          %get3A_130 = arith.constant 16 : index
          %get3A_131 = tpu.vector_load %arg13[%get3A_129, %get3A_130] {strides = array<i32>} : memref<25x80xi32, #tpu.memory_space<vmem>>, vector<16xi32>,
          %eq3A_132 = arith.cmpi eq, %get3A_128, %get3A_131 : vector<16xi32>
          %get3A_133 = arith.index_cast %scan3A_86 : i32 to index
          %get3A_134 = arith.constant 16 : index
          %get3A_135 = tpu.vector_load %arg14[%get3A_133, %get3A_134] {strides = array<i32>} : memref<25x80xf32, #tpu.memory_space<vmem>>, vector<16xf32>,
          %jit3A_136 = arith.constant 0.000000e+00 : f32
          %broadcast_in_dim3A_137 = vector.broadcast %jit3A_136 : f32 to vector<16xf32>
          %select_n3A_138 = arith.select %eq3A_132, %broadcast_in_dim3A_137, %get3A_135 : vector<16xi1>, vector<16xf32>
          %gather3A_139 = tpu.vector_load_idx %arg16[%get3A_128] : memref<10240xf32, #tpu.memory_space<vmem>>[vector<16xi32>], vector<16xf32>,
          %gather3A_140 = tpu.vector_load_idx %arg16[%get3A_131] : memref<10240xf32, #tpu.memory_space<vmem>>[vector<16xi32>], vector<16xf32>,
          %mul3A_141 = arith.mulf %gather3A_139, %select_n3A_138 : vector<16xf32>
          %mul3A_142 = arith.mulf %mul3A_141, %gather3A_140 : vector<16xf32>
          %neg3A_143 = arith.constant 0.000000e+00 : f32
          %neg3A_144 = vector.broadcast %neg3A_143 : f32 to vector<16xf32>
          %neg3A_145 = arith.subf %neg3A_144, %mul3A_142 : vector<16xf32>
          %swap3A_146 = arith.index_cast %scan3A_86 : i32 to index
          %swap3A_147 = arith.constant 16 : index
          %swap3A_148 = tpu.vector_load %arg15[%swap3A_146, %swap3A_147] {strides = array<i32>} : memref<25x80xf32, #tpu.memory_space<vmem>>, vector<16xf32>,
          tpu.vector_store %arg15[%swap3A_146, %swap3A_147], %neg3A_145 {strides = array<i32>} : memref<25x80xf32, #tpu.memory_space<vmem>>, vector<16xf32>,
          %get3A_149 = arith.index_cast %scan3A_86 : i32 to index
          %get3A_150 = arith.constant 32 : index
          %get3A_151 = tpu.vector_load %arg12[%get3A_149, %get3A_150] {strides = array<i32>} : memref<25x80xi32, #tpu.memory_space<vmem>>, vector<16xi32>,
          %get3A_152 = arith.index_cast %scan3A_86 : i32 to index
          %get3A_153 = arith.constant 32 : index
          %get3A_154 = tpu.vector_load %arg13[%get3A_152, %get3A_153] {strides = array<i32>} : memref<25x80xi32, #tpu.memory_space<vmem>>, vector<16xi32>,
          %eq3A_155 = arith.cmpi eq, %get3A_151, %get3A_154 : vector<16xi32>
          %get3A_156 = arith.index_cast %scan3A_86 : i32 to index
          %get3A_157 = arith.constant 32 : index
          %get3A_158 = tpu.vector_load %arg14[%get3A_156, %get3A_157] {strides = array<i32>} : memref<25x80xf32, #tpu.memory_space<vmem>>, vector<16xf32>,
          %jit3A_159 = arith.constant 0.000000e+00 : f32
          %broadcast_in_dim3A_160 = vector.broadcast %jit3A_159 : f32 to vector<16xf32>
          %select_n3A_161 = arith.select %eq3A_155, %broadcast_in_dim3A_160, %get3A_158 : vector<16xi1>, vector<16xf32>
          %gather3A_162 = tpu.vector_load_idx %arg16[%get3A_151] : memref<10240xf32, #tpu.memory_space<vmem>>[vector<16xi32>], vector<16xf32>,
          %gather3A_163 = tpu.vector_load_idx %arg16[%get3A_154] : memref<10240xf32, #tpu.memory_space<vmem>>[vector<16xi32>], vector<16xf32>,
          %mul3A_164 = arith.mulf %gather3A_162, %select_n3A_161 : vector<16xf32>
          %mul3A_165 = arith.mulf %mul3A_164, %gather3A_163 : vector<16xf32>
          %neg3A_166 = arith.constant 0.000000e+00 : f32
          %neg3A_167 = vector.broadcast %neg3A_166 : f32 to vector<16xf32>
          %neg3A_168 = arith.subf %neg3A_167, %mul3A_165 : vector<16xf32>
          %swap3A_169 = arith.index_cast %scan3A_86 : i32 to index
          %swap3A_170 = arith.constant 32 : index
          %swap3A_171 = tpu.vector_load %arg15[%swap3A_169, %swap3A_170] {strides = array<i32>} : memref<25x80xf32, #tpu.memory_space<vmem>>, vector<16xf32>,
          tpu.vector_store %arg15[%swap3A_169, %swap3A_170], %neg3A_168 {strides = array<i32>} : memref<25x80xf32, #tpu.memory_space<vmem>>, vector<16xf32>,
          %get3A_172 = arith.index_cast %scan3A_86 : i32 to index
          %get3A_173 = arith.constant 48 : index
          %get3A_174 = tpu.vector_load %arg12[%get3A_172, %get3A_173] {strides = array<i32>} : memref<25x80xi32, #tpu.memory_space<vmem>>, vector<16xi32>,
          %get3A_175 = arith.index_cast %scan3A_86 : i32 to index
          %get3A_176 = arith.constant 48 : index
          %get3A_177 = tpu.vector_load %arg13[%get3A_175, %get3A_176] {strides = array<i32>} : memref<25x80xi32, #tpu.memory_space<vmem>>, vector<16xi32>,
          %eq3A_178 = arith.cmpi eq, %get3A_174, %get3A_177 : vector<16xi32>
          %get3A_179 = arith.index_cast %scan3A_86 : i32 to index
          %get3A_180 = arith.constant 48 : index
          %get3A_181 = tpu.vector_load %arg14[%get3A_179, %get3A_180] {strides = array<i32>} : memref<25x80xf32, #tpu.memory_space<vmem>>, vector<16xf32>,
          %jit3A_182 = arith.constant 0.000000e+00 : f32
          %broadcast_in_dim3A_183 = vector.broadcast %jit3A_182 : f32 to vector<16xf32>
          %select_n3A_184 = arith.select %eq3A_178, %broadcast_in_dim3A_183, %get3A_181 : vector<16xi1>, vector<16xf32>
          %gather3A_185 = tpu.vector_load_idx %arg16[%get3A_174] : memref<10240xf32, #tpu.memory_space<vmem>>[vector<16xi32>], vector<16xf32>,
          %gather3A_186 = tpu.vector_load_idx %arg16[%get3A_177] : memref<10240xf32, #tpu.memory_space<vmem>>[vector<16xi32>], vector<16xf32>,
          %mul3A_187 = arith.mulf %gather3A_185, %select_n3A_184 : vector<16xf32>
          %mul3A_188 = arith.mulf %mul3A_187, %gather3A_186 : vector<16xf32>
          %neg3A_189 = arith.constant 0.000000e+00 : f32
          %neg3A_190 = vector.broadcast %neg3A_189 : f32 to vector<16xf32>
          %neg3A_191 = arith.subf %neg3A_190, %mul3A_188 : vector<16xf32>
          %swap3A_192 = arith.index_cast %scan3A_86 : i32 to index
          %swap3A_193 = arith.constant 48 : index
          %swap3A_194 = tpu.vector_load %arg15[%swap3A_192, %swap3A_193] {strides = array<i32>} : memref<25x80xf32, #tpu.memory_space<vmem>>, vector<16xf32>,
          tpu.vector_store %arg15[%swap3A_192, %swap3A_193], %neg3A_191 {strides = array<i32>} : memref<25x80xf32, #tpu.memory_space<vmem>>, vector<16xf32>,
          %get3A_195 = arith.index_cast %scan3A_86 : i32 to index
          %get3A_196 = arith.constant 64 : index
          %get3A_197 = tpu.vector_load %arg12[%get3A_195, %get3A_196] {strides = array<i32>} : memref<25x80xi32, #tpu.memory_space<vmem>>, vector<16xi32>,
          %get3A_198 = arith.index_cast %scan3A_86 : i32 to index
          %get3A_199 = arith.constant 64 : index
          %get3A_200 = tpu.vector_load %arg13[%get3A_198, %get3A_199] {strides = array<i32>} : memref<25x80xi32, #tpu.memory_space<vmem>>, vector<16xi32>,
          %eq3A_201 = arith.cmpi eq, %get3A_197, %get3A_200 : vector<16xi32>
          %get3A_202 = arith.index_cast %scan3A_86 : i32 to index
          %get3A_203 = arith.constant 64 : index
          %get3A_204 = tpu.vector_load %arg14[%get3A_202, %get3A_203] {strides = array<i32>} : memref<25x80xf32, #tpu.memory_space<vmem>>, vector<16xf32>,
          %jit3A_205 = arith.constant 0.000000e+00 : f32
          %broadcast_in_dim3A_206 = vector.broadcast %jit3A_205 : f32 to vector<16xf32>
          %select_n3A_207 = arith.select %eq3A_201, %broadcast_in_dim3A_206, %get3A_204 : vector<16xi1>, vector<16xf32>
          %gather3A_208 = tpu.vector_load_idx %arg16[%get3A_197] : memref<10240xf32, #tpu.memory_space<vmem>>[vector<16xi32>], vector<16xf32>,
          %gather3A_209 = tpu.vector_load_idx %arg16[%get3A_200] : memref<10240xf32, #tpu.memory_space<vmem>>[vector<16xi32>], vector<16xf32>,
          %mul3A_210 = arith.mulf %gather3A_208, %select_n3A_207 : vector<16xf32>
          %mul3A_211 = arith.mulf %mul3A_210, %gather3A_209 : vector<16xf32>
          %neg3A_212 = arith.constant 0.000000e+00 : f32
          %neg3A_213 = vector.broadcast %neg3A_212 : f32 to vector<16xf32>
          %neg3A_214 = arith.subf %neg3A_213, %mul3A_211 : vector<16xf32>
          %swap3A_215 = arith.index_cast %scan3A_86 : i32 to index
          %swap3A_216 = arith.constant 64 : index
          %swap3A_217 = tpu.vector_load %arg15[%swap3A_215, %swap3A_216] {strides = array<i32>} : memref<25x80xf32, #tpu.memory_space<vmem>>, vector<16xf32>,
          tpu.vector_store %arg15[%swap3A_215, %swap3A_216], %neg3A_214 {strides = array<i32>} : memref<25x80xf32, #tpu.memory_space<vmem>>, vector<16xf32>,
          %parallel_loop3A = arith.constant 0 : i32
          %parallel_loop3A_218 = arith.constant 80 : i32
          %parallel_loop3A_219 = arith.constant 1 : i32
          scf.for %parallel_loop3A_231 = %parallel_loop3A to %parallel_loop3A_218 step %parallel_loop3A_219  : i32 {
            %parallel_loop3A_232 = vector.broadcast %scan3A_86 : i32 to vector<16xi32>
            %parallel_loop3A_233 = vector.broadcast %parallel_loop3A_231 : i32 to vector<16xi32>
            %parallel_loop3A_234 = tpu.vector_load_idx %arg15[%parallel_loop3A_232, %parallel_loop3A_233] : memref<25x80xf32, #tpu.memory_space<vmem>>[vector<16xi32>, vector<16xi32>], vector<16xf32>,
            %parallel_loop3A_235 = arith.index_cast %rem3A_88 : i32 to index
            %parallel_loop3A_236 = arith.index_cast %parallel_loop3A_231 : i32 to index
            %parallel_loop3A_237 = arith.constant 0 : index
            %parallel_loop3A_238 = tpu.vector_load %arg18[%parallel_loop3A_235, %parallel_loop3A_236, %parallel_loop3A_237] {strides = array<i32>} : memref<2x80x128xf32, #tpu.memory_space<vmem>>, vector<16xf32>,
            %parallel_loop3A_239 = arith.mulf %parallel_loop3A_238, %parallel_loop3A_234 : vector<16xf32>
            %parallel_loop3A_240 = arith.index_cast %rem3A_88 : i32 to index
            %parallel_loop3A_241 = arith.index_cast %parallel_loop3A_231 : i32 to index
            %parallel_loop3A_242 = arith.constant 0 : index
            %parallel_loop3A_243 = tpu.vector_load %arg18[%parallel_loop3A_240, %parallel_loop3A_241, %parallel_loop3A_242] {strides = array<i32>} : memref<2x80x128xf32, #tpu.memory_space<vmem>>, vector<16xf32>,
            tpu.vector_store %arg18[%parallel_loop3A_240, %parallel_loop3A_241, %parallel_loop3A_242], %parallel_loop3A_239 {strides = array<i32>} : memref<2x80x128xf32, #tpu.memory_space<vmem>>, vector<16xf32>,
            %parallel_loop3A_244 = arith.index_cast %rem3A_88 : i32 to index
            %parallel_loop3A_245 = arith.index_cast %parallel_loop3A_231 : i32 to index
            %parallel_loop3A_246 = arith.constant 16 : index
            %parallel_loop3A_247 = tpu.vector_load %arg18[%parallel_loop3A_244, %parallel_loop3A_245, %parallel_loop3A_246] {strides = array<i32>} : memref<2x80x128xf32, #tpu.memory_space<vmem>>, vector<16xf32>,
            %parallel_loop3A_248 = arith.mulf %parallel_loop3A_247, %parallel_loop3A_234 : vector<16xf32>
            %parallel_loop3A_249 = arith.index_cast %rem3A_88 : i32 to index
            %parallel_loop3A_250 = arith.index_cast %parallel_loop3A_231 : i32 to index
            %parallel_loop3A_251 = arith.constant 16 : index
            %parallel_loop3A_252 = tpu.vector_load %arg18[%parallel_loop3A_249, %parallel_loop3A_250, %parallel_loop3A_251] {strides = array<i32>} : memref<2x80x128xf32, #tpu.memory_space<vmem>>, vector<16xf32>,
            tpu.vector_store %arg18[%parallel_loop3A_249, %parallel_loop3A_250, %parallel_loop3A_251], %parallel_loop3A_248 {strides = array<i32>} : memref<2x80x128xf32, #tpu.memory_space<vmem>>, vector<16xf32>,
            %parallel_loop3A_253 = arith.index_cast %rem3A_88 : i32 to index
            %parallel_loop3A_254 = arith.index_cast %parallel_loop3A_231 : i32 to index
            %parallel_loop3A_255 = arith.constant 32 : index
            %parallel_loop3A_256 = tpu.vector_load %arg18[%parallel_loop3A_253, %parallel_loop3A_254, %parallel_loop3A_255] {strides = array<i32>} : memref<2x80x128xf32, #tpu.memory_space<vmem>>, vector<16xf32>,
            %parallel_loop3A_257 = arith.mulf %parallel_loop3A_256, %parallel_loop3A_234 : vector<16xf32>
            %parallel_loop3A_258 = arith.index_cast %rem3A_88 : i32 to index
            %parallel_loop3A_259 = arith.index_cast %parallel_loop3A_231 : i32 to index
            %parallel_loop3A_260 = arith.constant 32 : index
            %parallel_loop3A_261 = tpu.vector_load %arg18[%parallel_loop3A_258, %parallel_loop3A_259, %parallel_loop3A_260] {strides = array<i32>} : memref<2x80x128xf32, #tpu.memory_space<vmem>>, vector<16xf32>,
            tpu.vector_store %arg18[%parallel_loop3A_258, %parallel_loop3A_259, %parallel_loop3A_260], %parallel_loop3A_257 {strides = array<i32>} : memref<2x80x128xf32, #tpu.memory_space<vmem>>, vector<16xf32>,
            %parallel_loop3A_262 = arith.index_cast %rem3A_88 : i32 to index
            %parallel_loop3A_263 = arith.index_cast %parallel_loop3A_231 : i32 to index
            %parallel_loop3A_264 = arith.constant 48 : index
            %parallel_loop3A_265 = tpu.vector_load %arg18[%parallel_loop3A_262, %parallel_loop3A_263, %parallel_loop3A_264] {strides = array<i32>} : memref<2x80x128xf32, #tpu.memory_space<vmem>>, vector<16xf32>,
            %parallel_loop3A_266 = arith.mulf %parallel_loop3A_265, %parallel_loop3A_234 : vector<16xf32>
            %parallel_loop3A_267 = arith.index_cast %rem3A_88 : i32 to index
            %parallel_loop3A_268 = arith.index_cast %parallel_loop3A_231 : i32 to index
            %parallel_loop3A_269 = arith.constant 48 : index
            %parallel_loop3A_270 = tpu.vector_load %arg18[%parallel_loop3A_267, %parallel_loop3A_268, %parallel_loop3A_269] {strides = array<i32>} : memref<2x80x128xf32, #tpu.memory_space<vmem>>, vector<16xf32>,
            tpu.vector_store %arg18[%parallel_loop3A_267, %parallel_loop3A_268, %parallel_loop3A_269], %parallel_loop3A_266 {strides = array<i32>} : memref<2x80x128xf32, #tpu.memory_space<vmem>>, vector<16xf32>,
            %parallel_loop3A_271 = arith.index_cast %rem3A_88 : i32 to index
            %parallel_loop3A_272 = arith.index_cast %parallel_loop3A_231 : i32 to index
            %parallel_loop3A_273 = arith.constant 64 : index
            %parallel_loop3A_274 = tpu.vector_load %arg18[%parallel_loop3A_271, %parallel_loop3A_272, %parallel_loop3A_273] {strides = array<i32>} : memref<2x80x128xf32, #tpu.memory_space<vmem>>, vector<16xf32>,
            %parallel_loop3A_275 = arith.mulf %parallel_loop3A_274, %parallel_loop3A_234 : vector<16xf32>
            %parallel_loop3A_276 = arith.index_cast %rem3A_88 : i32 to index
            %parallel_loop3A_277 = arith.index_cast %parallel_loop3A_231 : i32 to index
            %parallel_loop3A_278 = arith.constant 64 : index
            %parallel_loop3A_279 = tpu.vector_load %arg18[%parallel_loop3A_276, %parallel_loop3A_277, %parallel_loop3A_278] {strides = array<i32>} : memref<2x80x128xf32, #tpu.memory_space<vmem>>, vector<16xf32>,
            tpu.vector_store %arg18[%parallel_loop3A_276, %parallel_loop3A_277, %parallel_loop3A_278], %parallel_loop3A_275 {strides = array<i32>} : memref<2x80x128xf32, #tpu.memory_space<vmem>>, vector<16xf32>,
            %parallel_loop3A_280 = arith.index_cast %rem3A_88 : i32 to index
            %parallel_loop3A_281 = arith.index_cast %parallel_loop3A_231 : i32 to index
            %parallel_loop3A_282 = arith.constant 80 : index
            %parallel_loop3A_283 = tpu.vector_load %arg18[%parallel_loop3A_280, %parallel_loop3A_281, %parallel_loop3A_282] {strides = array<i32>} : memref<2x80x128xf32, #tpu.memory_space<vmem>>, vector<16xf32>,
            %parallel_loop3A_284 = arith.mulf %parallel_loop3A_283, %parallel_loop3A_234 : vector<16xf32>
            %parallel_loop3A_285 = arith.index_cast %rem3A_88 : i32 to index
            %parallel_loop3A_286 = arith.index_cast %parallel_loop3A_231 : i32 to index
            %parallel_loop3A_287 = arith.constant 80 : index
            %parallel_loop3A_288 = tpu.vector_load %arg18[%parallel_loop3A_285, %parallel_loop3A_286, %parallel_loop3A_287] {strides = array<i32>} : memref<2x80x128xf32, #tpu.memory_space<vmem>>, vector<16xf32>,
            tpu.vector_store %arg18[%parallel_loop3A_285, %parallel_loop3A_286, %parallel_loop3A_287], %parallel_loop3A_284 {strides = array<i32>} : memref<2x80x128xf32, #tpu.memory_space<vmem>>, vector<16xf32>,
            %parallel_loop3A_289 = arith.index_cast %rem3A_88 : i32 to index
            %parallel_loop3A_290 = arith.index_cast %parallel_loop3A_231 : i32 to index
            %parallel_loop3A_291 = arith.constant 96 : index
            %parallel_loop3A_292 = tpu.vector_load %arg18[%parallel_loop3A_289, %parallel_loop3A_290, %parallel_loop3A_291] {strides = array<i32>} : memref<2x80x128xf32, #tpu.memory_space<vmem>>, vector<16xf32>,
            %parallel_loop3A_293 = arith.mulf %parallel_loop3A_292, %parallel_loop3A_234 : vector<16xf32>
            %parallel_loop3A_294 = arith.index_cast %rem3A_88 : i32 to index
            %parallel_loop3A_295 = arith.index_cast %parallel_loop3A_231 : i32 to index
            %parallel_loop3A_296 = arith.constant 96 : index
            %parallel_loop3A_297 = tpu.vector_load %arg18[%parallel_loop3A_294, %parallel_loop3A_295, %parallel_loop3A_296] {strides = array<i32>} : memref<2x80x128xf32, #tpu.memory_space<vmem>>, vector<16xf32>,
            tpu.vector_store %arg18[%parallel_loop3A_294, %parallel_loop3A_295, %parallel_loop3A_296], %parallel_loop3A_293 {strides = array<i32>} : memref<2x80x128xf32, #tpu.memory_space<vmem>>, vector<16xf32>,
            %parallel_loop3A_298 = arith.index_cast %rem3A_88 : i32 to index
            %parallel_loop3A_299 = arith.index_cast %parallel_loop3A_231 : i32 to index
            %parallel_loop3A_300 = arith.constant 112 : index
            %parallel_loop3A_301 = tpu.vector_load %arg18[%parallel_loop3A_298, %parallel_loop3A_299, %parallel_loop3A_300] {strides = array<i32>} : memref<2x80x128xf32, #tpu.memory_space<vmem>>, vector<16xf32>,
            %parallel_loop3A_302 = arith.mulf %parallel_loop3A_301, %parallel_loop3A_234 : vector<16xf32>
            %parallel_loop3A_303 = arith.index_cast %rem3A_88 : i32 to index
            %parallel_loop3A_304 = arith.index_cast %parallel_loop3A_231 : i32 to index
            %parallel_loop3A_305 = arith.constant 112 : index
            %parallel_loop3A_306 = tpu.vector_load %arg18[%parallel_loop3A_303, %parallel_loop3A_304, %parallel_loop3A_305] {strides = array<i32>} : memref<2x80x128xf32, #tpu.memory_space<vmem>>, vector<16xf32>,
            tpu.vector_store %arg18[%parallel_loop3A_303, %parallel_loop3A_304, %parallel_loop3A_305], %parallel_loop3A_302 {strides = array<i32>} : memref<2x80x128xf32, #tpu.memory_space<vmem>>, vector<16xf32>,
          } {sc.loop_unroll_factor = 8 : i64, sc.parallel_access}
          %dma_start3A_220 = arith.constant 0 : i32
          %dma_start3A_221 = arith.constant 0 : i32
          %dma_start3A_222 = tpu.memref_slice %arg18[%rem3A_88, %dma_start3A_220, %dma_start3A_221] : memref<2x80x128xf32, #tpu.memory_space<vmem>> -> memref<1x80x128xf32, #tpu.memory_space<vmem>>
          %dma_start3A_223 = tpu.memref_squeeze %dma_start3A_222 : memref<1x80x128xf32, #tpu.memory_space<vmem>> -> memref<80x128xf32, #tpu.memory_space<vmem>>
          %dma_start3A_224 = arith.constant 0 : i32
          %dma_start3A_225 = tpu.memref_slice %arg13[%scan3A_86, %dma_start3A_224] : memref<25x80xi32, #tpu.memory_space<vmem>> -> memref<1x80xi32, #tpu.memory_space<vmem>>
          %dma_start3A_226 = tpu.memref_squeeze %dma_start3A_225 : memref<1x80xi32, #tpu.memory_space<vmem>> -> memref<80xi32, #tpu.memory_space<vmem>>
          %dma_start3A_227 = arith.constant 0 : i32
          %dma_start3A_228 = arith.constant 0 : i32
          %dma_start3A_229 = tpu.memref_slice %arg19[%dma_start3A_227, %dma_start3A_228] : memref<10240x128xf32, #tpu.memory_space<vmem_shared>> -> memref<10240x128xf32, #tpu.memory_space<vmem_shared>>
          tpu.enqueue_indirect_dma source(%dma_start3A_223 : memref<80x128xf32, #tpu.memory_space<vmem>>) target(%dma_start3A_229 : memref<10240x128xf32, #tpu.memory_space<vmem_shared>>) offsets(%dma_start3A_226 : memref<80xi32, #tpu.memory_space<vmem>>) semaphore(%arg22 : memref<!tpu.dma_semaphore, #tpu.memory_space<semaphore_mem>>) {add = true}
          %scan3A_230 = arith.constant 0 : i32
          scf.yield %scan3A_230 : i32
        }
        %scan3A_68 = arith.constant 25 : i32
        %dma_wait3A = arith.constant 0 : i32
        %dma_wait3A_69 = arith.constant 24 : i32
        %dma_wait3A_70 = arith.constant 0 : i32
        %dma_wait3A_71 = arith.constant 0 : i32
        %dma_wait3A_72 = tpu.memref_slice %arg18[%dma_wait3A, %dma_wait3A_70, %dma_wait3A_71] : memref<2x80x128xf32, #tpu.memory_space<vmem>> -> memref<1x80x128xf32, #tpu.memory_space<vmem>>
        %dma_wait3A_73 = tpu.memref_squeeze %dma_wait3A_72 : memref<1x80x128xf32, #tpu.memory_space<vmem>> -> memref<80x128xf32, #tpu.memory_space<vmem>>
        %dma_wait3A_74 = arith.constant 0 : i32
        %dma_wait3A_75 = tpu.memref_slice %arg13[%dma_wait3A_69, %dma_wait3A_74] : memref<25x80xi32, #tpu.memory_space<vmem>> -> memref<1x80xi32, #tpu.memory_space<vmem>>
        %dma_wait3A_76 = tpu.memref_squeeze %dma_wait3A_75 : memref<1x80xi32, #tpu.memory_space<vmem>> -> memref<80xi32, #tpu.memory_space<vmem>>
        %dma_wait3A_77 = arith.constant 0 : i32
        %dma_wait3A_78 = arith.constant 0 : i32
        %dma_wait3A_79 = tpu.memref_slice %arg19[%dma_wait3A_77, %dma_wait3A_78] : memref<10240x128xf32, #tpu.memory_space<vmem_shared>> -> memref<10240x128xf32, #tpu.memory_space<vmem_shared>>
        tpu.wait_indirect_dma semaphore(%arg22 : memref<!tpu.dma_semaphore, #tpu.memory_space<semaphore_mem>>) src(%dma_wait3A_73 : memref<80x128xf32, #tpu.memory_space<vmem>>) dst(%dma_wait3A_79 : memref<10240x128xf32, #tpu.memory_space<vmem_shared>>)
        %eq3A_80 = arith.constant 0 : i32
        %eq3A_81 = arith.cmpi eq, %arg0, %eq3A_80 : i32
        %convert_element_type3A_82 = arith.extui %eq3A_81 : i1 to i32
        %cond3A_83 = arith.constant 0 : i32
        %cond3A_84 = arith.cmpi ne, %convert_element_type3A_82, %cond3A_83 : i32
        scf.if %cond3A_84 {
          "tpu.region"() ({
            %run_scoped3A = tpu.sem_alloc : memref<!tpu.dma_semaphore, #tpu.memory_space<semaphore_mem>>
            %dma_start3A_86 = arith.constant 0 : i32
            %dma_start3A_87 = arith.constant 0 : i32
            %dma_start3A_88 = tpu.memref_slice %arg11[%arg1, %scan3A_49, %dma_start3A_86, %dma_start3A_87] : memref<16x10x25x80xf32, #tpu.memory_space<hbm>> -> memref<1x1x25x80xf32, #tpu.memory_space<hbm>>
            %dma_start3A_89 = tpu.memref_squeeze %dma_start3A_88 : memref<1x1x25x80xf32, #tpu.memory_space<hbm>> -> memref<25x80xf32, #tpu.memory_space<hbm>>
            %dma_start3A_90 = arith.constant 0 : i32
            %dma_start3A_91 = arith.constant 0 : i32
            %dma_start3A_92 = tpu.memref_slice %arg11[%arg1, %scan3A_49, %dma_start3A_90, %dma_start3A_91] : memref<16x10x25x80xf32, #tpu.memory_space<hbm>> -> memref<1x1x25x80xf32, #tpu.memory_space<hbm>>
            %dma_start3A_93 = tpu.memref_squeeze %dma_start3A_92 : memref<1x1x25x80xf32, #tpu.memory_space<hbm>> -> memref<25x80xf32, #tpu.memory_space<hbm>>
            tpu.enqueue_dma source(%arg15 : memref<25x80xf32, #tpu.memory_space<vmem>>) target(%dma_start3A_93 : memref<25x80xf32, #tpu.memory_space<hbm>>) target_semaphore(%run_scoped3A : memref<!tpu.dma_semaphore, #tpu.memory_space<semaphore_mem>>)
            %dma_wait3A_94 = arith.constant 0 : i32
            %dma_wait3A_95 = arith.constant 0 : i32
            %dma_wait3A_96 = tpu.memref_slice %arg11[%arg1, %scan3A_49, %dma_wait3A_94, %dma_wait3A_95] : memref<16x10x25x80xf32, #tpu.memory_space<hbm>> -> memref<1x1x25x80xf32, #tpu.memory_space<hbm>>
            %dma_wait3A_97 = tpu.memref_squeeze %dma_wait3A_96 : memref<1x1x25x80xf32, #tpu.memory_space<hbm>> -> memref<25x80xf32, #tpu.memory_space<hbm>>
            %dma_wait3A_98 = arith.constant 0 : i32
            %dma_wait3A_99 = arith.constant 0 : i32
            %dma_wait3A_100 = tpu.memref_slice %arg11[%arg1, %scan3A_49, %dma_wait3A_98, %dma_wait3A_99] : memref<16x10x25x80xf32, #tpu.memory_space<hbm>> -> memref<1x1x25x80xf32, #tpu.memory_space<hbm>>
            %dma_wait3A_101 = tpu.memref_squeeze %dma_wait3A_100 : memref<1x1x25x80xf32, #tpu.memory_space<hbm>> -> memref<25x80xf32, #tpu.memory_space<hbm>>
            tpu.wait_dma2 semaphore(%run_scoped3A : memref<!tpu.dma_semaphore, #tpu.memory_space<semaphore_mem>>) src(%arg15 : memref<25x80xf32, #tpu.memory_space<vmem>>) dst(%dma_wait3A_101 : memref<25x80xf32, #tpu.memory_space<hbm>>)
            tpu.yield
          }) : () -> ()
        } else {
        }
        %scan3A_85 = arith.constant 0 : i32
        scf.yield %scan3A_85 : i32
      }
      %scan3A_48 = arith.constant 10 : i32
    } else {
    }
    %eq3A_24 = arith.constant 1 : i32
    %eq3A_25 = arith.cmpi eq, %arg0, %eq3A_24 : i32
    %convert_element_type3A_26 = arith.extui %eq3A_25 : i1 to i32
    %cond3A_27 = arith.constant 0 : i32
    %cond3A_28 = arith.cmpi ne, %convert_element_type3A_26, %cond3A_27 : i32
    scf.if %cond3A_28 {
      %scan3A_42 = arith.constant 0 : i32
      %scan3A_43 = arith.constant 0 : i32
      %scan3A_44 = arith.constant 10 : i32
      %scan3A_45 = arith.addi %scan3A_43, %scan3A_44 : i32
      %scan3A_46 = arith.constant 1 : i32
      %scan3A_47 = scf.for %scan3A_49 = %scan3A_43 to %scan3A_45 step %scan3A_46 iter_args(%scan3A_50 = %scan3A_42) -> (i32)  : i32 {
        "tpu.region"() ({
          %run_scoped3A = tpu.sem_alloc : memref<!tpu.dma_semaphore, #tpu.memory_space<semaphore_mem>>
          %dma_start3A_86 = arith.constant 0 : i32
          %dma_start3A_87 = arith.constant 0 : i32
          %dma_start3A_88 = tpu.memref_slice %arg4[%arg1, %scan3A_49, %dma_start3A_86, %dma_start3A_87] : memref<16x10x25x80xi32, #tpu.memory_space<hbm>> -> memref<1x1x25x80xi32, #tpu.memory_space<hbm>>
          %dma_start3A_89 = tpu.memref_squeeze %dma_start3A_88 : memref<1x1x25x80xi32, #tpu.memory_space<hbm>> -> memref<25x80xi32, #tpu.memory_space<hbm>>
          %dma_start3A_90 = arith.constant 0 : i32
          %dma_start3A_91 = arith.constant 0 : i32
          %dma_start3A_92 = tpu.memref_slice %arg4[%arg1, %scan3A_49, %dma_start3A_90, %dma_start3A_91] : memref<16x10x25x80xi32, #tpu.memory_space<hbm>> -> memref<1x1x25x80xi32, #tpu.memory_space<hbm>>
          %dma_start3A_93 = tpu.memref_squeeze %dma_start3A_92 : memref<1x1x25x80xi32, #tpu.memory_space<hbm>> -> memref<25x80xi32, #tpu.memory_space<hbm>>
          tpu.enqueue_dma source(%dma_start3A_93 : memref<25x80xi32, #tpu.memory_space<hbm>>) target(%arg12 : memref<25x80xi32, #tpu.memory_space<vmem>>) target_semaphore(%run_scoped3A : memref<!tpu.dma_semaphore, #tpu.memory_space<semaphore_mem>>)
          %dma_wait3A_94 = arith.constant 0 : i32
          %dma_wait3A_95 = arith.constant 0 : i32
          %dma_wait3A_96 = tpu.memref_slice %arg4[%arg1, %scan3A_49, %dma_wait3A_94, %dma_wait3A_95] : memref<16x10x25x80xi32, #tpu.memory_space<hbm>> -> memref<1x1x25x80xi32, #tpu.memory_space<hbm>>
          %dma_wait3A_97 = tpu.memref_squeeze %dma_wait3A_96 : memref<1x1x25x80xi32, #tpu.memory_space<hbm>> -> memref<25x80xi32, #tpu.memory_space<hbm>>
          %dma_wait3A_98 = arith.constant 0 : i32
          %dma_wait3A_99 = arith.constant 0 : i32
          %dma_wait3A_100 = tpu.memref_slice %arg4[%arg1, %scan3A_49, %dma_wait3A_98, %dma_wait3A_99] : memref<16x10x25x80xi32, #tpu.memory_space<hbm>> -> memref<1x1x25x80xi32, #tpu.memory_space<hbm>>
          %dma_wait3A_101 = tpu.memref_squeeze %dma_wait3A_100 : memref<1x1x25x80xi32, #tpu.memory_space<hbm>> -> memref<25x80xi32, #tpu.memory_space<hbm>>
          tpu.wait_dma2 semaphore(%run_scoped3A : memref<!tpu.dma_semaphore, #tpu.memory_space<semaphore_mem>>) src(%dma_wait3A_101 : memref<25x80xi32, #tpu.memory_space<hbm>>) dst(%arg12 : memref<25x80xi32, #tpu.memory_space<vmem>>)
          tpu.yield
        }) : () -> ()
        "tpu.region"() ({
          %run_scoped3A = tpu.sem_alloc : memref<!tpu.dma_semaphore, #tpu.memory_space<semaphore_mem>>
          %dma_start3A_86 = arith.constant 0 : i32
          %dma_start3A_87 = arith.constant 0 : i32
          %dma_start3A_88 = tpu.memref_slice %arg5[%arg1, %scan3A_49, %dma_start3A_86, %dma_start3A_87] : memref<16x10x25x80xi32, #tpu.memory_space<hbm>> -> memref<1x1x25x80xi32, #tpu.memory_space<hbm>>
          %dma_start3A_89 = tpu.memref_squeeze %dma_start3A_88 : memref<1x1x25x80xi32, #tpu.memory_space<hbm>> -> memref<25x80xi32, #tpu.memory_space<hbm>>
          %dma_start3A_90 = arith.constant 0 : i32
          %dma_start3A_91 = arith.constant 0 : i32
          %dma_start3A_92 = tpu.memref_slice %arg5[%arg1, %scan3A_49, %dma_start3A_90, %dma_start3A_91] : memref<16x10x25x80xi32, #tpu.memory_space<hbm>> -> memref<1x1x25x80xi32, #tpu.memory_space<hbm>>
          %dma_start3A_93 = tpu.memref_squeeze %dma_start3A_92 : memref<1x1x25x80xi32, #tpu.memory_space<hbm>> -> memref<25x80xi32, #tpu.memory_space<hbm>>
          tpu.enqueue_dma source(%dma_start3A_93 : memref<25x80xi32, #tpu.memory_space<hbm>>) target(%arg13 : memref<25x80xi32, #tpu.memory_space<vmem>>) target_semaphore(%run_scoped3A : memref<!tpu.dma_semaphore, #tpu.memory_space<semaphore_mem>>)
          %dma_wait3A_94 = arith.constant 0 : i32
          %dma_wait3A_95 = arith.constant 0 : i32
          %dma_wait3A_96 = tpu.memref_slice %arg5[%arg1, %scan3A_49, %dma_wait3A_94, %dma_wait3A_95] : memref<16x10x25x80xi32, #tpu.memory_space<hbm>> -> memref<1x1x25x80xi32, #tpu.memory_space<hbm>>
          %dma_wait3A_97 = tpu.memref_squeeze %dma_wait3A_96 : memref<1x1x25x80xi32, #tpu.memory_space<hbm>> -> memref<25x80xi32, #tpu.memory_space<hbm>>
          %dma_wait3A_98 = arith.constant 0 : i32
          %dma_wait3A_99 = arith.constant 0 : i32
          %dma_wait3A_100 = tpu.memref_slice %arg5[%arg1, %scan3A_49, %dma_wait3A_98, %dma_wait3A_99] : memref<16x10x25x80xi32, #tpu.memory_space<hbm>> -> memref<1x1x25x80xi32, #tpu.memory_space<hbm>>
          %dma_wait3A_101 = tpu.memref_squeeze %dma_wait3A_100 : memref<1x1x25x80xi32, #tpu.memory_space<hbm>> -> memref<25x80xi32, #tpu.memory_space<hbm>>
          tpu.wait_dma2 semaphore(%run_scoped3A : memref<!tpu.dma_semaphore, #tpu.memory_space<semaphore_mem>>) src(%dma_wait3A_101 : memref<25x80xi32, #tpu.memory_space<hbm>>) dst(%arg13 : memref<25x80xi32, #tpu.memory_space<vmem>>)
          tpu.yield
        }) : () -> ()
        "tpu.region"() ({
          %run_scoped3A = tpu.sem_alloc : memref<!tpu.dma_semaphore, #tpu.memory_space<semaphore_mem>>
          %dma_start3A_86 = arith.constant 0 : i32
          %dma_start3A_87 = arith.constant 0 : i32
          %dma_start3A_88 = tpu.memref_slice %arg6[%arg1, %scan3A_49, %dma_start3A_86, %dma_start3A_87] : memref<16x10x25x80xf32, #tpu.memory_space<hbm>> -> memref<1x1x25x80xf32, #tpu.memory_space<hbm>>
          %dma_start3A_89 = tpu.memref_squeeze %dma_start3A_88 : memref<1x1x25x80xf32, #tpu.memory_space<hbm>> -> memref<25x80xf32, #tpu.memory_space<hbm>>
          %dma_start3A_90 = arith.constant 0 : i32
          %dma_start3A_91 = arith.constant 0 : i32
          %dma_start3A_92 = tpu.memref_slice %arg6[%arg1, %scan3A_49, %dma_start3A_90, %dma_start3A_91] : memref<16x10x25x80xf32, #tpu.memory_space<hbm>> -> memref<1x1x25x80xf32, #tpu.memory_space<hbm>>
          %dma_start3A_93 = tpu.memref_squeeze %dma_start3A_92 : memref<1x1x25x80xf32, #tpu.memory_space<hbm>> -> memref<25x80xf32, #tpu.memory_space<hbm>>
          tpu.enqueue_dma source(%dma_start3A_93 : memref<25x80xf32, #tpu.memory_space<hbm>>) target(%arg14 : memref<25x80xf32, #tpu.memory_space<vmem>>) target_semaphore(%run_scoped3A : memref<!tpu.dma_semaphore, #tpu.memory_space<semaphore_mem>>)
          %dma_wait3A_94 = arith.constant 0 : i32
          %dma_wait3A_95 = arith.constant 0 : i32
          %dma_wait3A_96 = tpu.memref_slice %arg6[%arg1, %scan3A_49, %dma_wait3A_94, %dma_wait3A_95] : memref<16x10x25x80xf32, #tpu.memory_space<hbm>> -> memref<1x1x25x80xf32, #tpu.memory_space<hbm>>
          %dma_wait3A_97 = tpu.memref_squeeze %dma_wait3A_96 : memref<1x1x25x80xf32, #tpu.memory_space<hbm>> -> memref<25x80xf32, #tpu.memory_space<hbm>>
          %dma_wait3A_98 = arith.constant 0 : i32
          %dma_wait3A_99 = arith.constant 0 : i32
          %dma_wait3A_100 = tpu.memref_slice %arg6[%arg1, %scan3A_49, %dma_wait3A_98, %dma_wait3A_99] : memref<16x10x25x80xf32, #tpu.memory_space<hbm>> -> memref<1x1x25x80xf32, #tpu.memory_space<hbm>>
          %dma_wait3A_101 = tpu.memref_squeeze %dma_wait3A_100 : memref<1x1x25x80xf32, #tpu.memory_space<hbm>> -> memref<25x80xf32, #tpu.memory_space<hbm>>
          tpu.wait_dma2 semaphore(%run_scoped3A : memref<!tpu.dma_semaphore, #tpu.memory_space<semaphore_mem>>) src(%dma_wait3A_101 : memref<25x80xf32, #tpu.memory_space<hbm>>) dst(%arg14 : memref<25x80xf32, #tpu.memory_space<vmem>>)
          tpu.yield
        }) : () -> ()
        %dma_start3A = arith.constant 0 : i32
        %dma_start3A_51 = arith.constant 0 : i32
        %dma_start3A_52 = arith.constant 0 : i32
        %dma_start3A_53 = arith.constant 0 : i32
        %dma_start3A_54 = tpu.memref_slice %arg18[%dma_start3A_51, %dma_start3A_52, %dma_start3A_53] : memref<2x80x128xf32, #tpu.memory_space<vmem>> -> memref<1x80x128xf32, #tpu.memory_space<vmem>>
        %dma_start3A_55 = tpu.memref_squeeze %dma_start3A_54 : memref<1x80x128xf32, #tpu.memory_space<vmem>> -> memref<80x128xf32, #tpu.memory_space<vmem>>
        %dma_start3A_56 = arith.constant 0 : i32
        %dma_start3A_57 = tpu.memref_slice %arg12[%dma_start3A, %dma_start3A_56] : memref<25x80xi32, #tpu.memory_space<vmem>> -> memref<1x80xi32, #tpu.memory_space<vmem>>
        %dma_start3A_58 = tpu.memref_squeeze %dma_start3A_57 : memref<1x80xi32, #tpu.memory_space<vmem>> -> memref<80xi32, #tpu.memory_space<vmem>>
        %dma_start3A_59 = arith.constant 0 : i32
        %dma_start3A_60 = arith.constant 0 : i32
        %dma_start3A_61 = tpu.memref_slice %arg3[%dma_start3A_59, %dma_start3A_60] : memref<10000x128xf32, #tpu.memory_space<hbm>> -> memref<10000x128xf32, #tpu.memory_space<hbm>>
        tpu.enqueue_indirect_dma source(%dma_start3A_61 : memref<10000x128xf32, #tpu.memory_space<hbm>>) target(%dma_start3A_55 : memref<80x128xf32, #tpu.memory_space<vmem>>) offsets(%dma_start3A_58 : memref<80xi32, #tpu.memory_space<vmem>>) semaphore(%arg21 : memref<!tpu.dma_semaphore, #tpu.memory_space<semaphore_mem>>)
        %scan3A_62 = arith.constant 0 : i32
        %scan3A_63 = arith.constant 0 : i32
        %scan3A_64 = arith.constant 25 : i32
        %scan3A_65 = arith.addi %scan3A_63, %scan3A_64 : i32
        %scan3A_66 = arith.constant 1 : i32
        %scan3A_67 = scf.for %scan3A_86 = %scan3A_63 to %scan3A_65 step %scan3A_66 iter_args(%scan3A_87 = %scan3A_62) -> (i32)  : i32 {
          %rem3A = arith.constant 2 : i32
          %rem3A_88 = arith.remsi %scan3A_86, %rem3A : i32
          %add3A = arith.constant 1 : i32
          %add3A_89 = arith.addi %scan3A_86, %add3A : i32
          %rem3A_90 = arith.constant 2 : i32
          %rem3A_91 = arith.remsi %add3A_89, %rem3A_90 : i32
          %dma_wait3A_92 = arith.constant 0 : i32
          %dma_wait3A_93 = arith.constant 0 : i32
          %dma_wait3A_94 = tpu.memref_slice %arg18[%rem3A_88, %dma_wait3A_92, %dma_wait3A_93] : memref<2x80x128xf32, #tpu.memory_space<vmem>> -> memref<1x80x128xf32, #tpu.memory_space<vmem>>
          %dma_wait3A_95 = tpu.memref_squeeze %dma_wait3A_94 : memref<1x80x128xf32, #tpu.memory_space<vmem>> -> memref<80x128xf32, #tpu.memory_space<vmem>>
          %dma_wait3A_96 = arith.constant 0 : i32
          %dma_wait3A_97 = tpu.memref_slice %arg12[%scan3A_86, %dma_wait3A_96] : memref<25x80xi32, #tpu.memory_space<vmem>> -> memref<1x80xi32, #tpu.memory_space<vmem>>
          %dma_wait3A_98 = tpu.memref_squeeze %dma_wait3A_97 : memref<1x80xi32, #tpu.memory_space<vmem>> -> memref<80xi32, #tpu.memory_space<vmem>>
          %dma_wait3A_99 = arith.constant 0 : i32
          %dma_wait3A_100 = arith.constant 0 : i32
          %dma_wait3A_101 = tpu.memref_slice %arg3[%dma_wait3A_99, %dma_wait3A_100] : memref<10000x128xf32, #tpu.memory_space<hbm>> -> memref<10000x128xf32, #tpu.memory_space<hbm>>
          tpu.wait_indirect_dma semaphore(%arg21 : memref<!tpu.dma_semaphore, #tpu.memory_space<semaphore_mem>>) src(%dma_wait3A_101 : memref<10000x128xf32, #tpu.memory_space<hbm>>) dst(%dma_wait3A_95 : memref<80x128xf32, #tpu.memory_space<vmem>>)
          %gt3A = arith.constant 0 : i32
          %gt3A_102 = arith.cmpi sgt, %scan3A_86, %gt3A : i32
          %convert_element_type3A_103 = arith.extui %gt3A_102 : i1 to i32
          %cond3A_104 = arith.constant 0 : i32
          %cond3A_105 = arith.cmpi ne, %convert_element_type3A_103, %cond3A_104 : i32
          scf.if %cond3A_105 {
            %sub3A = arith.constant 1 : i32
            %sub3A_231 = arith.subi %scan3A_86, %sub3A : i32
            %dma_wait3A_232 = arith.constant 0 : i32
            %dma_wait3A_233 = arith.constant 0 : i32
            %dma_wait3A_234 = tpu.memref_slice %arg18[%rem3A_91, %dma_wait3A_232, %dma_wait3A_233] : memref<2x80x128xf32, #tpu.memory_space<vmem>> -> memref<1x80x128xf32, #tpu.memory_space<vmem>>
            %dma_wait3A_235 = tpu.memref_squeeze %dma_wait3A_234 : memref<1x80x128xf32, #tpu.memory_space<vmem>> -> memref<80x128xf32, #tpu.memory_space<vmem>>
            %dma_wait3A_236 = arith.constant 0 : i32
            %dma_wait3A_237 = tpu.memref_slice %arg13[%sub3A_231, %dma_wait3A_236] : memref<25x80xi32, #tpu.memory_space<vmem>> -> memref<1x80xi32, #tpu.memory_space<vmem>>
            %dma_wait3A_238 = tpu.memref_squeeze %dma_wait3A_237 : memref<1x80xi32, #tpu.memory_space<vmem>> -> memref<80xi32, #tpu.memory_space<vmem>>
            %dma_wait3A_239 = arith.constant 0 : i32
            %dma_wait3A_240 = arith.constant 0 : i32
            %dma_wait3A_241 = tpu.memref_slice %arg19[%dma_wait3A_239, %dma_wait3A_240] : memref<10240x128xf32, #tpu.memory_space<vmem_shared>> -> memref<10240x128xf32, #tpu.memory_space<vmem_shared>>
            tpu.wait_indirect_dma semaphore(%arg22 : memref<!tpu.dma_semaphore, #tpu.memory_space<semaphore_mem>>) src(%dma_wait3A_235 : memref<80x128xf32, #tpu.memory_space<vmem>>) dst(%dma_wait3A_241 : memref<10240x128xf32, #tpu.memory_space<vmem_shared>>)
          } else {
          }
          %lt3A = arith.constant 24 : i32
          %lt3A_106 = arith.cmpi slt, %scan3A_86, %lt3A : i32
          %convert_element_type3A_107 = arith.extui %lt3A_106 : i1 to i32
          %cond3A_108 = arith.constant 0 : i32
          %cond3A_109 = arith.cmpi ne, %convert_element_type3A_107, %cond3A_108 : i32
          scf.if %cond3A_109 {
            %add3A_231 = arith.constant 1 : i32
            %add3A_232 = arith.addi %scan3A_86, %add3A_231 : i32
            %dma_start3A_233 = arith.constant 0 : i32
            %dma_start3A_234 = arith.constant 0 : i32
            %dma_start3A_235 = tpu.memref_slice %arg18[%rem3A_91, %dma_start3A_233, %dma_start3A_234] : memref<2x80x128xf32, #tpu.memory_space<vmem>> -> memref<1x80x128xf32, #tpu.memory_space<vmem>>
            %dma_start3A_236 = tpu.memref_squeeze %dma_start3A_235 : memref<1x80x128xf32, #tpu.memory_space<vmem>> -> memref<80x128xf32, #tpu.memory_space<vmem>>
            %dma_start3A_237 = arith.constant 0 : i32
            %dma_start3A_238 = tpu.memref_slice %arg12[%add3A_232, %dma_start3A_237] : memref<25x80xi32, #tpu.memory_space<vmem>> -> memref<1x80xi32, #tpu.memory_space<vmem>>
            %dma_start3A_239 = tpu.memref_squeeze %dma_start3A_238 : memref<1x80xi32, #tpu.memory_space<vmem>> -> memref<80xi32, #tpu.memory_space<vmem>>
            %dma_start3A_240 = arith.constant 0 : i32
            %dma_start3A_241 = arith.constant 0 : i32
            %dma_start3A_242 = tpu.memref_slice %arg3[%dma_start3A_240, %dma_start3A_241] : memref<10000x128xf32, #tpu.memory_space<hbm>> -> memref<10000x128xf32, #tpu.memory_space<hbm>>
            tpu.enqueue_indirect_dma source(%dma_start3A_242 : memref<10000x128xf32, #tpu.memory_space<hbm>>) target(%dma_start3A_236 : memref<80x128xf32, #tpu.memory_space<vmem>>) offsets(%dma_start3A_239 : memref<80xi32, #tpu.memory_space<vmem>>) semaphore(%arg21 : memref<!tpu.dma_semaphore, #tpu.memory_space<semaphore_mem>>)
          } else {
          }
          %get3A = arith.index_cast %scan3A_86 : i32 to index
          %get3A_110 = arith.constant 0 : index
          %get3A_111 = tpu.vector_load %arg12[%get3A, %get3A_110] {strides = array<i32>} : memref<25x80xi32, #tpu.memory_space<vmem>>, vector<16xi32>,
          %get3A_112 = arith.index_cast %scan3A_86 : i32 to index
          %get3A_113 = arith.constant 0 : index
          %get3A_114 = tpu.vector_load %arg13[%get3A_112, %get3A_113] {strides = array<i32>} : memref<25x80xi32, #tpu.memory_space<vmem>>, vector<16xi32>,
          %eq3A_115 = arith.cmpi eq, %get3A_111, %get3A_114 : vector<16xi32>
          %get3A_116 = arith.index_cast %scan3A_86 : i32 to index
          %get3A_117 = arith.constant 0 : index
          %get3A_118 = tpu.vector_load %arg14[%get3A_116, %get3A_117] {strides = array<i32>} : memref<25x80xf32, #tpu.memory_space<vmem>>, vector<16xf32>,
          %jit3A = arith.constant 0.000000e+00 : f32
          %broadcast_in_dim3A = vector.broadcast %jit3A : f32 to vector<16xf32>
          %select_n3A = arith.select %eq3A_115, %broadcast_in_dim3A, %get3A_118 : vector<16xi1>, vector<16xf32>
          %gather3A = tpu.vector_load_idx %arg16[%get3A_111] : memref<10240xf32, #tpu.memory_space<vmem>>[vector<16xi32>], vector<16xf32>,
          %gather3A_119 = tpu.vector_load_idx %arg16[%get3A_114] : memref<10240xf32, #tpu.memory_space<vmem>>[vector<16xi32>], vector<16xf32>,
          %mul3A_120 = arith.mulf %gather3A, %select_n3A : vector<16xf32>
          %mul3A_121 = arith.mulf %mul3A_120, %gather3A_119 : vector<16xf32>
          %neg3A = arith.constant 0.000000e+00 : f32
          %neg3A_122 = vector.broadcast %neg3A : f32 to vector<16xf32>
          %neg3A_123 = arith.subf %neg3A_122, %mul3A_121 : vector<16xf32>
          %swap3A = arith.index_cast %scan3A_86 : i32 to index
          %swap3A_124 = arith.constant 0 : index
          %swap3A_125 = tpu.vector_load %arg15[%swap3A, %swap3A_124] {strides = array<i32>} : memref<25x80xf32, #tpu.memory_space<vmem>>, vector<16xf32>,
          tpu.vector_store %arg15[%swap3A, %swap3A_124], %neg3A_123 {strides = array<i32>} : memref<25x80xf32, #tpu.memory_space<vmem>>, vector<16xf32>,
          %get3A_126 = arith.index_cast %scan3A_86 : i32 to index
          %get3A_127 = arith.constant 16 : index
          %get3A_128 = tpu.vector_load %arg12[%get3A_126, %get3A_127] {strides = array<i32>} : memref<25x80xi32, #tpu.memory_space<vmem>>, vector<16xi32>,
          %get3A_129 = arith.index_cast %scan3A_86 : i32 to index
          %get3A_130 = arith.constant 16 : index
          %get3A_131 = tpu.vector_load %arg13[%get3A_129, %get3A_130] {strides = array<i32>} : memref<25x80xi32, #tpu.memory_space<vmem>>, vector<16xi32>,
          %eq3A_132 = arith.cmpi eq, %get3A_128, %get3A_131 : vector<16xi32>
          %get3A_133 = arith.index_cast %scan3A_86 : i32 to index
          %get3A_134 = arith.constant 16 : index
          %get3A_135 = tpu.vector_load %arg14[%get3A_133, %get3A_134] {strides = array<i32>} : memref<25x80xf32, #tpu.memory_space<vmem>>, vector<16xf32>,
          %jit3A_136 = arith.constant 0.000000e+00 : f32
          %broadcast_in_dim3A_137 = vector.broadcast %jit3A_136 : f32 to vector<16xf32>
          %select_n3A_138 = arith.select %eq3A_132, %broadcast_in_dim3A_137, %get3A_135 : vector<16xi1>, vector<16xf32>
          %gather3A_139 = tpu.vector_load_idx %arg16[%get3A_128] : memref<10240xf32, #tpu.memory_space<vmem>>[vector<16xi32>], vector<16xf32>,
          %gather3A_140 = tpu.vector_load_idx %arg16[%get3A_131] : memref<10240xf32, #tpu.memory_space<vmem>>[vector<16xi32>], vector<16xf32>,
          %mul3A_141 = arith.mulf %gather3A_139, %select_n3A_138 : vector<16xf32>
          %mul3A_142 = arith.mulf %mul3A_141, %gather3A_140 : vector<16xf32>
          %neg3A_143 = arith.constant 0.000000e+00 : f32
          %neg3A_144 = vector.broadcast %neg3A_143 : f32 to vector<16xf32>
          %neg3A_145 = arith.subf %neg3A_144, %mul3A_142 : vector<16xf32>
          %swap3A_146 = arith.index_cast %scan3A_86 : i32 to index
          %swap3A_147 = arith.constant 16 : index
          %swap3A_148 = tpu.vector_load %arg15[%swap3A_146, %swap3A_147] {strides = array<i32>} : memref<25x80xf32, #tpu.memory_space<vmem>>, vector<16xf32>,
          tpu.vector_store %arg15[%swap3A_146, %swap3A_147], %neg3A_145 {strides = array<i32>} : memref<25x80xf32, #tpu.memory_space<vmem>>, vector<16xf32>,
          %get3A_149 = arith.index_cast %scan3A_86 : i32 to index
          %get3A_150 = arith.constant 32 : index
          %get3A_151 = tpu.vector_load %arg12[%get3A_149, %get3A_150] {strides = array<i32>} : memref<25x80xi32, #tpu.memory_space<vmem>>, vector<16xi32>,
          %get3A_152 = arith.index_cast %scan3A_86 : i32 to index
          %get3A_153 = arith.constant 32 : index
          %get3A_154 = tpu.vector_load %arg13[%get3A_152, %get3A_153] {strides = array<i32>} : memref<25x80xi32, #tpu.memory_space<vmem>>, vector<16xi32>,
          %eq3A_155 = arith.cmpi eq, %get3A_151, %get3A_154 : vector<16xi32>
          %get3A_156 = arith.index_cast %scan3A_86 : i32 to index
          %get3A_157 = arith.constant 32 : index
          %get3A_158 = tpu.vector_load %arg14[%get3A_156, %get3A_157] {strides = array<i32>} : memref<25x80xf32, #tpu.memory_space<vmem>>, vector<16xf32>,
          %jit3A_159 = arith.constant 0.000000e+00 : f32
          %broadcast_in_dim3A_160 = vector.broadcast %jit3A_159 : f32 to vector<16xf32>
          %select_n3A_161 = arith.select %eq3A_155, %broadcast_in_dim3A_160, %get3A_158 : vector<16xi1>, vector<16xf32>
          %gather3A_162 = tpu.vector_load_idx %arg16[%get3A_151] : memref<10240xf32, #tpu.memory_space<vmem>>[vector<16xi32>], vector<16xf32>,
          %gather3A_163 = tpu.vector_load_idx %arg16[%get3A_154] : memref<10240xf32, #tpu.memory_space<vmem>>[vector<16xi32>], vector<16xf32>,
          %mul3A_164 = arith.mulf %gather3A_162, %select_n3A_161 : vector<16xf32>
          %mul3A_165 = arith.mulf %mul3A_164, %gather3A_163 : vector<16xf32>
          %neg3A_166 = arith.constant 0.000000e+00 : f32
          %neg3A_167 = vector.broadcast %neg3A_166 : f32 to vector<16xf32>
          %neg3A_168 = arith.subf %neg3A_167, %mul3A_165 : vector<16xf32>
          %swap3A_169 = arith.index_cast %scan3A_86 : i32 to index
          %swap3A_170 = arith.constant 32 : index
          %swap3A_171 = tpu.vector_load %arg15[%swap3A_169, %swap3A_170] {strides = array<i32>} : memref<25x80xf32, #tpu.memory_space<vmem>>, vector<16xf32>,
          tpu.vector_store %arg15[%swap3A_169, %swap3A_170], %neg3A_168 {strides = array<i32>} : memref<25x80xf32, #tpu.memory_space<vmem>>, vector<16xf32>,
          %get3A_172 = arith.index_cast %scan3A_86 : i32 to index
          %get3A_173 = arith.constant 48 : index
          %get3A_174 = tpu.vector_load %arg12[%get3A_172, %get3A_173] {strides = array<i32>} : memref<25x80xi32, #tpu.memory_space<vmem>>, vector<16xi32>,
          %get3A_175 = arith.index_cast %scan3A_86 : i32 to index
          %get3A_176 = arith.constant 48 : index
          %get3A_177 = tpu.vector_load %arg13[%get3A_175, %get3A_176] {strides = array<i32>} : memref<25x80xi32, #tpu.memory_space<vmem>>, vector<16xi32>,
          %eq3A_178 = arith.cmpi eq, %get3A_174, %get3A_177 : vector<16xi32>
          %get3A_179 = arith.index_cast %scan3A_86 : i32 to index
          %get3A_180 = arith.constant 48 : index
          %get3A_181 = tpu.vector_load %arg14[%get3A_179, %get3A_180] {strides = array<i32>} : memref<25x80xf32, #tpu.memory_space<vmem>>, vector<16xf32>,
          %jit3A_182 = arith.constant 0.000000e+00 : f32
          %broadcast_in_dim3A_183 = vector.broadcast %jit3A_182 : f32 to vector<16xf32>
          %select_n3A_184 = arith.select %eq3A_178, %broadcast_in_dim3A_183, %get3A_181 : vector<16xi1>, vector<16xf32>
          %gather3A_185 = tpu.vector_load_idx %arg16[%get3A_174] : memref<10240xf32, #tpu.memory_space<vmem>>[vector<16xi32>], vector<16xf32>,
          %gather3A_186 = tpu.vector_load_idx %arg16[%get3A_177] : memref<10240xf32, #tpu.memory_space<vmem>>[vector<16xi32>], vector<16xf32>,
          %mul3A_187 = arith.mulf %gather3A_185, %select_n3A_184 : vector<16xf32>
          %mul3A_188 = arith.mulf %mul3A_187, %gather3A_186 : vector<16xf32>
          %neg3A_189 = arith.constant 0.000000e+00 : f32
          %neg3A_190 = vector.broadcast %neg3A_189 : f32 to vector<16xf32>
          %neg3A_191 = arith.subf %neg3A_190, %mul3A_188 : vector<16xf32>
          %swap3A_192 = arith.index_cast %scan3A_86 : i32 to index
          %swap3A_193 = arith.constant 48 : index
          %swap3A_194 = tpu.vector_load %arg15[%swap3A_192, %swap3A_193] {strides = array<i32>} : memref<25x80xf32, #tpu.memory_space<vmem>>, vector<16xf32>,
          tpu.vector_store %arg15[%swap3A_192, %swap3A_193], %neg3A_191 {strides = array<i32>} : memref<25x80xf32, #tpu.memory_space<vmem>>, vector<16xf32>,
          %get3A_195 = arith.index_cast %scan3A_86 : i32 to index
          %get3A_196 = arith.constant 64 : index
          %get3A_197 = tpu.vector_load %arg12[%get3A_195, %get3A_196] {strides = array<i32>} : memref<25x80xi32, #tpu.memory_space<vmem>>, vector<16xi32>,
          %get3A_198 = arith.index_cast %scan3A_86 : i32 to index
          %get3A_199 = arith.constant 64 : index
          %get3A_200 = tpu.vector_load %arg13[%get3A_198, %get3A_199] {strides = array<i32>} : memref<25x80xi32, #tpu.memory_space<vmem>>, vector<16xi32>,
          %eq3A_201 = arith.cmpi eq, %get3A_197, %get3A_200 : vector<16xi32>
          %get3A_202 = arith.index_cast %scan3A_86 : i32 to index
          %get3A_203 = arith.constant 64 : index
          %get3A_204 = tpu.vector_load %arg14[%get3A_202, %get3A_203] {strides = array<i32>} : memref<25x80xf32, #tpu.memory_space<vmem>>, vector<16xf32>,
          %jit3A_205 = arith.constant 0.000000e+00 : f32
          %broadcast_in_dim3A_206 = vector.broadcast %jit3A_205 : f32 to vector<16xf32>
          %select_n3A_207 = arith.select %eq3A_201, %broadcast_in_dim3A_206, %get3A_204 : vector<16xi1>, vector<16xf32>
          %gather3A_208 = tpu.vector_load_idx %arg16[%get3A_197] : memref<10240xf32, #tpu.memory_space<vmem>>[vector<16xi32>], vector<16xf32>,
          %gather3A_209 = tpu.vector_load_idx %arg16[%get3A_200] : memref<10240xf32, #tpu.memory_space<vmem>>[vector<16xi32>], vector<16xf32>,
          %mul3A_210 = arith.mulf %gather3A_208, %select_n3A_207 : vector<16xf32>
          %mul3A_211 = arith.mulf %mul3A_210, %gather3A_209 : vector<16xf32>
          %neg3A_212 = arith.constant 0.000000e+00 : f32
          %neg3A_213 = vector.broadcast %neg3A_212 : f32 to vector<16xf32>
          %neg3A_214 = arith.subf %neg3A_213, %mul3A_211 : vector<16xf32>
          %swap3A_215 = arith.index_cast %scan3A_86 : i32 to index
          %swap3A_216 = arith.constant 64 : index
          %swap3A_217 = tpu.vector_load %arg15[%swap3A_215, %swap3A_216] {strides = array<i32>} : memref<25x80xf32, #tpu.memory_space<vmem>>, vector<16xf32>,
          tpu.vector_store %arg15[%swap3A_215, %swap3A_216], %neg3A_214 {strides = array<i32>} : memref<25x80xf32, #tpu.memory_space<vmem>>, vector<16xf32>,
          %parallel_loop3A = arith.constant 0 : i32
          %parallel_loop3A_218 = arith.constant 80 : i32
          %parallel_loop3A_219 = arith.constant 1 : i32
          scf.for %parallel_loop3A_231 = %parallel_loop3A to %parallel_loop3A_218 step %parallel_loop3A_219  : i32 {
            %parallel_loop3A_232 = vector.broadcast %scan3A_86 : i32 to vector<16xi32>
            %parallel_loop3A_233 = vector.broadcast %parallel_loop3A_231 : i32 to vector<16xi32>
            %parallel_loop3A_234 = tpu.vector_load_idx %arg15[%parallel_loop3A_232, %parallel_loop3A_233] : memref<25x80xf32, #tpu.memory_space<vmem>>[vector<16xi32>, vector<16xi32>], vector<16xf32>,
            %parallel_loop3A_235 = arith.index_cast %rem3A_88 : i32 to index
            %parallel_loop3A_236 = arith.index_cast %parallel_loop3A_231 : i32 to index
            %parallel_loop3A_237 = arith.constant 0 : index
            %parallel_loop3A_238 = tpu.vector_load %arg18[%parallel_loop3A_235, %parallel_loop3A_236, %parallel_loop3A_237] {strides = array<i32>} : memref<2x80x128xf32, #tpu.memory_space<vmem>>, vector<16xf32>,
            %parallel_loop3A_239 = arith.mulf %parallel_loop3A_238, %parallel_loop3A_234 : vector<16xf32>
            %parallel_loop3A_240 = arith.index_cast %rem3A_88 : i32 to index
            %parallel_loop3A_241 = arith.index_cast %parallel_loop3A_231 : i32 to index
            %parallel_loop3A_242 = arith.constant 0 : index
            %parallel_loop3A_243 = tpu.vector_load %arg18[%parallel_loop3A_240, %parallel_loop3A_241, %parallel_loop3A_242] {strides = array<i32>} : memref<2x80x128xf32, #tpu.memory_space<vmem>>, vector<16xf32>,
            tpu.vector_store %arg18[%parallel_loop3A_240, %parallel_loop3A_241, %parallel_loop3A_242], %parallel_loop3A_239 {strides = array<i32>} : memref<2x80x128xf32, #tpu.memory_space<vmem>>, vector<16xf32>,
            %parallel_loop3A_244 = arith.index_cast %rem3A_88 : i32 to index
            %parallel_loop3A_245 = arith.index_cast %parallel_loop3A_231 : i32 to index
            %parallel_loop3A_246 = arith.constant 16 : index
            %parallel_loop3A_247 = tpu.vector_load %arg18[%parallel_loop3A_244, %parallel_loop3A_245, %parallel_loop3A_246] {strides = array<i32>} : memref<2x80x128xf32, #tpu.memory_space<vmem>>, vector<16xf32>,
            %parallel_loop3A_248 = arith.mulf %parallel_loop3A_247, %parallel_loop3A_234 : vector<16xf32>
            %parallel_loop3A_249 = arith.index_cast %rem3A_88 : i32 to index
            %parallel_loop3A_250 = arith.index_cast %parallel_loop3A_231 : i32 to index
            %parallel_loop3A_251 = arith.constant 16 : index
            %parallel_loop3A_252 = tpu.vector_load %arg18[%parallel_loop3A_249, %parallel_loop3A_250, %parallel_loop3A_251] {strides = array<i32>} : memref<2x80x128xf32, #tpu.memory_space<vmem>>, vector<16xf32>,
            tpu.vector_store %arg18[%parallel_loop3A_249, %parallel_loop3A_250, %parallel_loop3A_251], %parallel_loop3A_248 {strides = array<i32>} : memref<2x80x128xf32, #tpu.memory_space<vmem>>, vector<16xf32>,
            %parallel_loop3A_253 = arith.index_cast %rem3A_88 : i32 to index
            %parallel_loop3A_254 = arith.index_cast %parallel_loop3A_231 : i32 to index
            %parallel_loop3A_255 = arith.constant 32 : index
            %parallel_loop3A_256 = tpu.vector_load %arg18[%parallel_loop3A_253, %parallel_loop3A_254, %parallel_loop3A_255] {strides = array<i32>} : memref<2x80x128xf32, #tpu.memory_space<vmem>>, vector<16xf32>,
            %parallel_loop3A_257 = arith.mulf %parallel_loop3A_256, %parallel_loop3A_234 : vector<16xf32>
            %parallel_loop3A_258 = arith.index_cast %rem3A_88 : i32 to index
            %parallel_loop3A_259 = arith.index_cast %parallel_loop3A_231 : i32 to index
            %parallel_loop3A_260 = arith.constant 32 : index
            %parallel_loop3A_261 = tpu.vector_load %arg18[%parallel_loop3A_258, %parallel_loop3A_259, %parallel_loop3A_260] {strides = array<i32>} : memref<2x80x128xf32, #tpu.memory_space<vmem>>, vector<16xf32>,
            tpu.vector_store %arg18[%parallel_loop3A_258, %parallel_loop3A_259, %parallel_loop3A_260], %parallel_loop3A_257 {strides = array<i32>} : memref<2x80x128xf32, #tpu.memory_space<vmem>>, vector<16xf32>,
            %parallel_loop3A_262 = arith.index_cast %rem3A_88 : i32 to index
            %parallel_loop3A_263 = arith.index_cast %parallel_loop3A_231 : i32 to index
            %parallel_loop3A_264 = arith.constant 48 : index
            %parallel_loop3A_265 = tpu.vector_load %arg18[%parallel_loop3A_262, %parallel_loop3A_263, %parallel_loop3A_264] {strides = array<i32>} : memref<2x80x128xf32, #tpu.memory_space<vmem>>, vector<16xf32>,
            %parallel_loop3A_266 = arith.mulf %parallel_loop3A_265, %parallel_loop3A_234 : vector<16xf32>
            %parallel_loop3A_267 = arith.index_cast %rem3A_88 : i32 to index
            %parallel_loop3A_268 = arith.index_cast %parallel_loop3A_231 : i32 to index
            %parallel_loop3A_269 = arith.constant 48 : index
            %parallel_loop3A_270 = tpu.vector_load %arg18[%parallel_loop3A_267, %parallel_loop3A_268, %parallel_loop3A_269] {strides = array<i32>} : memref<2x80x128xf32, #tpu.memory_space<vmem>>, vector<16xf32>,
            tpu.vector_store %arg18[%parallel_loop3A_267, %parallel_loop3A_268, %parallel_loop3A_269], %parallel_loop3A_266 {strides = array<i32>} : memref<2x80x128xf32, #tpu.memory_space<vmem>>, vector<16xf32>,
            %parallel_loop3A_271 = arith.index_cast %rem3A_88 : i32 to index
            %parallel_loop3A_272 = arith.index_cast %parallel_loop3A_231 : i32 to index
            %parallel_loop3A_273 = arith.constant 64 : index
            %parallel_loop3A_274 = tpu.vector_load %arg18[%parallel_loop3A_271, %parallel_loop3A_272, %parallel_loop3A_273] {strides = array<i32>} : memref<2x80x128xf32, #tpu.memory_space<vmem>>, vector<16xf32>,
            %parallel_loop3A_275 = arith.mulf %parallel_loop3A_274, %parallel_loop3A_234 : vector<16xf32>
            %parallel_loop3A_276 = arith.index_cast %rem3A_88 : i32 to index
            %parallel_loop3A_277 = arith.index_cast %parallel_loop3A_231 : i32 to index
            %parallel_loop3A_278 = arith.constant 64 : index
            %parallel_loop3A_279 = tpu.vector_load %arg18[%parallel_loop3A_276, %parallel_loop3A_277, %parallel_loop3A_278] {strides = array<i32>} : memref<2x80x128xf32, #tpu.memory_space<vmem>>, vector<16xf32>,
            tpu.vector_store %arg18[%parallel_loop3A_276, %parallel_loop3A_277, %parallel_loop3A_278], %parallel_loop3A_275 {strides = array<i32>} : memref<2x80x128xf32, #tpu.memory_space<vmem>>, vector<16xf32>,
            %parallel_loop3A_280 = arith.index_cast %rem3A_88 : i32 to index
            %parallel_loop3A_281 = arith.index_cast %parallel_loop3A_231 : i32 to index
            %parallel_loop3A_282 = arith.constant 80 : index
            %parallel_loop3A_283 = tpu.vector_load %arg18[%parallel_loop3A_280, %parallel_loop3A_281, %parallel_loop3A_282] {strides = array<i32>} : memref<2x80x128xf32, #tpu.memory_space<vmem>>, vector<16xf32>,
            %parallel_loop3A_284 = arith.mulf %parallel_loop3A_283, %parallel_loop3A_234 : vector<16xf32>
            %parallel_loop3A_285 = arith.index_cast %rem3A_88 : i32 to index
            %parallel_loop3A_286 = arith.index_cast %parallel_loop3A_231 : i32 to index
            %parallel_loop3A_287 = arith.constant 80 : index
            %parallel_loop3A_288 = tpu.vector_load %arg18[%parallel_loop3A_285, %parallel_loop3A_286, %parallel_loop3A_287] {strides = array<i32>} : memref<2x80x128xf32, #tpu.memory_space<vmem>>, vector<16xf32>,
            tpu.vector_store %arg18[%parallel_loop3A_285, %parallel_loop3A_286, %parallel_loop3A_287], %parallel_loop3A_284 {strides = array<i32>} : memref<2x80x128xf32, #tpu.memory_space<vmem>>, vector<16xf32>,
            %parallel_loop3A_289 = arith.index_cast %rem3A_88 : i32 to index
            %parallel_loop3A_290 = arith.index_cast %parallel_loop3A_231 : i32 to index
            %parallel_loop3A_291 = arith.constant 96 : index
            %parallel_loop3A_292 = tpu.vector_load %arg18[%parallel_loop3A_289, %parallel_loop3A_290, %parallel_loop3A_291] {strides = array<i32>} : memref<2x80x128xf32, #tpu.memory_space<vmem>>, vector<16xf32>,
            %parallel_loop3A_293 = arith.mulf %parallel_loop3A_292, %parallel_loop3A_234 : vector<16xf32>
            %parallel_loop3A_294 = arith.index_cast %rem3A_88 : i32 to index
            %parallel_loop3A_295 = arith.index_cast %parallel_loop3A_231 : i32 to index
            %parallel_loop3A_296 = arith.constant 96 : index
            %parallel_loop3A_297 = tpu.vector_load %arg18[%parallel_loop3A_294, %parallel_loop3A_295, %parallel_loop3A_296] {strides = array<i32>} : memref<2x80x128xf32, #tpu.memory_space<vmem>>, vector<16xf32>,
            tpu.vector_store %arg18[%parallel_loop3A_294, %parallel_loop3A_295, %parallel_loop3A_296], %parallel_loop3A_293 {strides = array<i32>} : memref<2x80x128xf32, #tpu.memory_space<vmem>>, vector<16xf32>,
            %parallel_loop3A_298 = arith.index_cast %rem3A_88 : i32 to index
            %parallel_loop3A_299 = arith.index_cast %parallel_loop3A_231 : i32 to index
            %parallel_loop3A_300 = arith.constant 112 : index
            %parallel_loop3A_301 = tpu.vector_load %arg18[%parallel_loop3A_298, %parallel_loop3A_299, %parallel_loop3A_300] {strides = array<i32>} : memref<2x80x128xf32, #tpu.memory_space<vmem>>, vector<16xf32>,
            %parallel_loop3A_302 = arith.mulf %parallel_loop3A_301, %parallel_loop3A_234 : vector<16xf32>
            %parallel_loop3A_303 = arith.index_cast %rem3A_88 : i32 to index
            %parallel_loop3A_304 = arith.index_cast %parallel_loop3A_231 : i32 to index
            %parallel_loop3A_305 = arith.constant 112 : index
            %parallel_loop3A_306 = tpu.vector_load %arg18[%parallel_loop3A_303, %parallel_loop3A_304, %parallel_loop3A_305] {strides = array<i32>} : memref<2x80x128xf32, #tpu.memory_space<vmem>>, vector<16xf32>,
            tpu.vector_store %arg18[%parallel_loop3A_303, %parallel_loop3A_304, %parallel_loop3A_305], %parallel_loop3A_302 {strides = array<i32>} : memref<2x80x128xf32, #tpu.memory_space<vmem>>, vector<16xf32>,
          } {sc.loop_unroll_factor = 8 : i64, sc.parallel_access}
          %dma_start3A_220 = arith.constant 0 : i32
          %dma_start3A_221 = arith.constant 0 : i32
          %dma_start3A_222 = tpu.memref_slice %arg18[%rem3A_88, %dma_start3A_220, %dma_start3A_221] : memref<2x80x128xf32, #tpu.memory_space<vmem>> -> memref<1x80x128xf32, #tpu.memory_space<vmem>>
          %dma_start3A_223 = tpu.memref_squeeze %dma_start3A_222 : memref<1x80x128xf32, #tpu.memory_space<vmem>> -> memref<80x128xf32, #tpu.memory_space<vmem>>
          %dma_start3A_224 = arith.constant 0 : i32
          %dma_start3A_225 = tpu.memref_slice %arg13[%scan3A_86, %dma_start3A_224] : memref<25x80xi32, #tpu.memory_space<vmem>> -> memref<1x80xi32, #tpu.memory_space<vmem>>
          %dma_start3A_226 = tpu.memref_squeeze %dma_start3A_225 : memref<1x80xi32, #tpu.memory_space<vmem>> -> memref<80xi32, #tpu.memory_space<vmem>>
          %dma_start3A_227 = arith.constant 0 : i32
          %dma_start3A_228 = arith.constant 0 : i32
          %dma_start3A_229 = tpu.memref_slice %arg19[%dma_start3A_227, %dma_start3A_228] : memref<10240x128xf32, #tpu.memory_space<vmem_shared>> -> memref<10240x128xf32, #tpu.memory_space<vmem_shared>>
          tpu.enqueue_indirect_dma source(%dma_start3A_223 : memref<80x128xf32, #tpu.memory_space<vmem>>) target(%dma_start3A_229 : memref<10240x128xf32, #tpu.memory_space<vmem_shared>>) offsets(%dma_start3A_226 : memref<80xi32, #tpu.memory_space<vmem>>) semaphore(%arg22 : memref<!tpu.dma_semaphore, #tpu.memory_space<semaphore_mem>>) {add = true}
          %scan3A_230 = arith.constant 0 : i32
          scf.yield %scan3A_230 : i32
        }
        %scan3A_68 = arith.constant 25 : i32
        %dma_wait3A = arith.constant 0 : i32
        %dma_wait3A_69 = arith.constant 24 : i32
        %dma_wait3A_70 = arith.constant 0 : i32
        %dma_wait3A_71 = arith.constant 0 : i32
        %dma_wait3A_72 = tpu.memref_slice %arg18[%dma_wait3A, %dma_wait3A_70, %dma_wait3A_71] : memref<2x80x128xf32, #tpu.memory_space<vmem>> -> memref<1x80x128xf32, #tpu.memory_space<vmem>>
        %dma_wait3A_73 = tpu.memref_squeeze %dma_wait3A_72 : memref<1x80x128xf32, #tpu.memory_space<vmem>> -> memref<80x128xf32, #tpu.memory_space<vmem>>
        %dma_wait3A_74 = arith.constant 0 : i32
        %dma_wait3A_75 = tpu.memref_slice %arg13[%dma_wait3A_69, %dma_wait3A_74] : memref<25x80xi32, #tpu.memory_space<vmem>> -> memref<1x80xi32, #tpu.memory_space<vmem>>
        %dma_wait3A_76 = tpu.memref_squeeze %dma_wait3A_75 : memref<1x80xi32, #tpu.memory_space<vmem>> -> memref<80xi32, #tpu.memory_space<vmem>>
        %dma_wait3A_77 = arith.constant 0 : i32
        %dma_wait3A_78 = arith.constant 0 : i32
        %dma_wait3A_79 = tpu.memref_slice %arg19[%dma_wait3A_77, %dma_wait3A_78] : memref<10240x128xf32, #tpu.memory_space<vmem_shared>> -> memref<10240x128xf32, #tpu.memory_space<vmem_shared>>
        tpu.wait_indirect_dma semaphore(%arg22 : memref<!tpu.dma_semaphore, #tpu.memory_space<semaphore_mem>>) src(%dma_wait3A_73 : memref<80x128xf32, #tpu.memory_space<vmem>>) dst(%dma_wait3A_79 : memref<10240x128xf32, #tpu.memory_space<vmem_shared>>)
        %eq3A_80 = arith.constant 0 : i32
        %eq3A_81 = arith.cmpi eq, %arg0, %eq3A_80 : i32
        %convert_element_type3A_82 = arith.extui %eq3A_81 : i1 to i32
        %cond3A_83 = arith.constant 0 : i32
        %cond3A_84 = arith.cmpi ne, %convert_element_type3A_82, %cond3A_83 : i32
        scf.if %cond3A_84 {
          "tpu.region"() ({
            %run_scoped3A = tpu.sem_alloc : memref<!tpu.dma_semaphore, #tpu.memory_space<semaphore_mem>>
            %dma_start3A_86 = arith.constant 0 : i32
            %dma_start3A_87 = arith.constant 0 : i32
            %dma_start3A_88 = tpu.memref_slice %arg11[%arg1, %scan3A_49, %dma_start3A_86, %dma_start3A_87] : memref<16x10x25x80xf32, #tpu.memory_space<hbm>> -> memref<1x1x25x80xf32, #tpu.memory_space<hbm>>
            %dma_start3A_89 = tpu.memref_squeeze %dma_start3A_88 : memref<1x1x25x80xf32, #tpu.memory_space<hbm>> -> memref<25x80xf32, #tpu.memory_space<hbm>>
            %dma_start3A_90 = arith.constant 0 : i32
            %dma_start3A_91 = arith.constant 0 : i32
            %dma_start3A_92 = tpu.memref_slice %arg11[%arg1, %scan3A_49, %dma_start3A_90, %dma_start3A_91] : memref<16x10x25x80xf32, #tpu.memory_space<hbm>> -> memref<1x1x25x80xf32, #tpu.memory_space<hbm>>
            %dma_start3A_93 = tpu.memref_squeeze %dma_start3A_92 : memref<1x1x25x80xf32, #tpu.memory_space<hbm>> -> memref<25x80xf32, #tpu.memory_space<hbm>>
            tpu.enqueue_dma source(%arg15 : memref<25x80xf32, #tpu.memory_space<vmem>>) target(%dma_start3A_93 : memref<25x80xf32, #tpu.memory_space<hbm>>) target_semaphore(%run_scoped3A : memref<!tpu.dma_semaphore, #tpu.memory_space<semaphore_mem>>)
            %dma_wait3A_94 = arith.constant 0 : i32
            %dma_wait3A_95 = arith.constant 0 : i32
            %dma_wait3A_96 = tpu.memref_slice %arg11[%arg1, %scan3A_49, %dma_wait3A_94, %dma_wait3A_95] : memref<16x10x25x80xf32, #tpu.memory_space<hbm>> -> memref<1x1x25x80xf32, #tpu.memory_space<hbm>>
            %dma_wait3A_97 = tpu.memref_squeeze %dma_wait3A_96 : memref<1x1x25x80xf32, #tpu.memory_space<hbm>> -> memref<25x80xf32, #tpu.memory_space<hbm>>
            %dma_wait3A_98 = arith.constant 0 : i32
            %dma_wait3A_99 = arith.constant 0 : i32
            %dma_wait3A_100 = tpu.memref_slice %arg11[%arg1, %scan3A_49, %dma_wait3A_98, %dma_wait3A_99] : memref<16x10x25x80xf32, #tpu.memory_space<hbm>> -> memref<1x1x25x80xf32, #tpu.memory_space<hbm>>
            %dma_wait3A_101 = tpu.memref_squeeze %dma_wait3A_100 : memref<1x1x25x80xf32, #tpu.memory_space<hbm>> -> memref<25x80xf32, #tpu.memory_space<hbm>>
            tpu.wait_dma2 semaphore(%run_scoped3A : memref<!tpu.dma_semaphore, #tpu.memory_space<semaphore_mem>>) src(%arg15 : memref<25x80xf32, #tpu.memory_space<vmem>>) dst(%dma_wait3A_101 : memref<25x80xf32, #tpu.memory_space<hbm>>)
            tpu.yield
          }) : () -> ()
        } else {
        }
        %scan3A_85 = arith.constant 0 : i32
        scf.yield %scan3A_85 : i32
      }
      %scan3A_48 = arith.constant 10 : i32
    } else {
    }
    %barrier3A_29 = arith.constant 0 : index
    tpu.barrier barrier_id(%barrier3A_29)
    %mul3A_30 = arith.constant 640 : i32
    %mul3A_31 = arith.muli %arg1, %mul3A_30 : i32
    %eq3A_32 = arith.constant 0 : i32
    %eq3A_33 = arith.cmpi eq, %arg0, %eq3A_32 : i32
    %convert_element_type3A_34 = arith.extui %eq3A_33 : i1 to i32
    %cond3A_35 = arith.constant 0 : i32
    %cond3A_36 = arith.cmpi ne, %convert_element_type3A_34, %cond3A_35 : i32
    scf.if %cond3A_36 {
      "tpu.region"() ({
        %run_scoped3A = tpu.sem_alloc : memref<!tpu.dma_semaphore, #tpu.memory_space<semaphore_mem>>
        %dma_start3A = arith.constant 0 : i32
        %dma_start3A_42 = tpu.memref_slice %arg9[%mul3A_31, %dma_start3A] : memref<10240x128xf32, #tpu.memory_space<hbm>> -> memref<640x128xf32, #tpu.memory_space<hbm>>
        %dma_start3A_43 = arith.constant 0 : i32
        %dma_start3A_44 = tpu.memref_slice %arg19[%mul3A_31, %dma_start3A_43] : memref<10240x128xf32, #tpu.memory_space<vmem_shared>> -> memref<640x128xf32, #tpu.memory_space<vmem_shared>>
        tpu.enqueue_dma source(%dma_start3A_44 : memref<640x128xf32, #tpu.memory_space<vmem_shared>>) target(%dma_start3A_42 : memref<640x128xf32, #tpu.memory_space<hbm>>) target_semaphore(%run_scoped3A : memref<!tpu.dma_semaphore, #tpu.memory_space<semaphore_mem>>)
        %dma_wait3A = arith.constant 0 : i32
        %dma_wait3A_45 = tpu.memref_slice %arg9[%mul3A_31, %dma_wait3A] : memref<10240x128xf32, #tpu.memory_space<hbm>> -> memref<640x128xf32, #tpu.memory_space<hbm>>
        %dma_wait3A_46 = arith.constant 0 : i32
        %dma_wait3A_47 = tpu.memref_slice %arg19[%mul3A_31, %dma_wait3A_46] : memref<10240x128xf32, #tpu.memory_space<vmem_shared>> -> memref<640x128xf32, #tpu.memory_space<vmem_shared>>
        tpu.wait_dma2 semaphore(%run_scoped3A : memref<!tpu.dma_semaphore, #tpu.memory_space<semaphore_mem>>) src(%dma_wait3A_47 : memref<640x128xf32, #tpu.memory_space<vmem_shared>>) dst(%dma_wait3A_45 : memref<640x128xf32, #tpu.memory_space<hbm>>)
        tpu.yield
      }) : () -> ()
    } else {
    }
    %eq3A_37 = arith.constant 1 : i32
    %eq3A_38 = arith.cmpi eq, %arg0, %eq3A_37 : i32
    %convert_element_type3A_39 = arith.extui %eq3A_38 : i1 to i32
    %cond3A_40 = arith.constant 0 : i32
    %cond3A_41 = arith.cmpi ne, %convert_element_type3A_39, %cond3A_40 : i32
    scf.if %cond3A_41 {
      "tpu.region"() ({
        %run_scoped3A = tpu.sem_alloc : memref<!tpu.dma_semaphore, #tpu.memory_space<semaphore_mem>>
        %dma_start3A = arith.constant 0 : i32
        %dma_start3A_42 = tpu.memref_slice %arg10[%mul3A_31, %dma_start3A] : memref<10240x128xf32, #tpu.memory_space<hbm>> -> memref<640x128xf32, #tpu.memory_space<hbm>>
        %dma_start3A_43 = arith.constant 0 : i32
        %dma_start3A_44 = tpu.memref_slice %arg19[%mul3A_31, %dma_start3A_43] : memref<10240x128xf32, #tpu.memory_space<vmem_shared>> -> memref<640x128xf32, #tpu.memory_space<vmem_shared>>
        tpu.enqueue_dma source(%dma_start3A_44 : memref<640x128xf32, #tpu.memory_space<vmem_shared>>) target(%dma_start3A_42 : memref<640x128xf32, #tpu.memory_space<hbm>>) target_semaphore(%run_scoped3A : memref<!tpu.dma_semaphore, #tpu.memory_space<semaphore_mem>>)
        %dma_wait3A = arith.constant 0 : i32
        %dma_wait3A_45 = tpu.memref_slice %arg10[%mul3A_31, %dma_wait3A] : memref<10240x128xf32, #tpu.memory_space<hbm>> -> memref<640x128xf32, #tpu.memory_space<hbm>>
        %dma_wait3A_46 = arith.constant 0 : i32
        %dma_wait3A_47 = tpu.memref_slice %arg19[%mul3A_31, %dma_wait3A_46] : memref<10240x128xf32, #tpu.memory_space<vmem_shared>> -> memref<640x128xf32, #tpu.memory_space<vmem_shared>>
        tpu.wait_dma2 semaphore(%run_scoped3A : memref<!tpu.dma_semaphore, #tpu.memory_space<semaphore_mem>>) src(%dma_wait3A_47 : memref<640x128xf32, #tpu.memory_space<vmem_shared>>) dst(%dma_wait3A_45 : memref<640x128xf32, #tpu.memory_space<hbm>>)
        tpu.yield
      }) : () -> ()
    } else {
    }
    return
  }
}

module attributes {stable_mosaic.version = 14 : i64} {
  func.func @_gates_body(%arg0: i32, %arg1: memref<1000x128xf32, #tpu.memory_space<vmem>>, %arg2: memref<1000x128xf32, #tpu.memory_space<vmem>>, %arg3: memref<1000x128xf32, #tpu.memory_space<vmem>>, %arg4: memref<1000x128xf32, #tpu.memory_space<vmem>>, %arg5: memref<128x384xf32, #tpu.memory_space<vmem>>, %arg6: memref<128x384xf32, #tpu.memory_space<vmem>>, %arg7: memref<128x256xf32, #tpu.memory_space<vmem>>, %arg8: memref<128x256xf32, #tpu.memory_space<vmem>>, %arg9: memref<1x384xf32, #tpu.memory_space<vmem>>, %arg10: memref<1000x128xf32, #tpu.memory_space<vmem>>, %arg11: memref<1000x128xf32, #tpu.memory_space<vmem>>, %arg12: memref<1000x128xf32, #tpu.memory_space<vmem>>) attributes {dimension_semantics = [#tpu.dimension_semantics<arbitrary>], iteration_bounds = array<i64: 10>, scalar_prefetch = 0 : i64, scratch_operands = 0 : i64, tpu.core_type = #tpu.core_type<tc>, window_params = [{transform_indices = @transform_0, window_bounds = array<i64: 1000, 128>}, {transform_indices = @transform_1, window_bounds = array<i64: 1000, 128>}, {transform_indices = @transform_2, window_bounds = array<i64: 1000, 128>}, {transform_indices = @transform_3, window_bounds = array<i64: 1000, 128>}, {pipeline_mode = #tpu.pipeline_mode<synchronous>, transform_indices = @transform_4, window_bounds = array<i64: 128, 384>}, {pipeline_mode = #tpu.pipeline_mode<synchronous>, transform_indices = @transform_5, window_bounds = array<i64: 128, 384>}, {pipeline_mode = #tpu.pipeline_mode<synchronous>, transform_indices = @transform_6, window_bounds = array<i64: 128, 256>}, {pipeline_mode = #tpu.pipeline_mode<synchronous>, transform_indices = @transform_7, window_bounds = array<i64: 128, 256>}, {pipeline_mode = #tpu.pipeline_mode<synchronous>, transform_indices = @transform_8, window_bounds = array<i64: 1, 384>}, {transform_indices = @transform_9, window_bounds = array<i64: 1000, 128>}, {transform_indices = @transform_10, window_bounds = array<i64: 1000, 128>}, {transform_indices = @transform_11, window_bounds = array<i64: 1000, 128>}]} {
    %get3A = arith.constant 0 : index
    %get3A_0 = arith.constant 0 : index
    %get3A_1 = vector.load %arg1[%get3A, %get3A_0] : memref<1000x128xf32, #tpu.memory_space<vmem>>, vector<1000x128xf32>
    %get3A_2 = arith.constant 0 : index
    %get3A_3 = arith.constant 0 : index
    %get3A_4 = vector.load %arg2[%get3A_2, %get3A_3] : memref<1000x128xf32, #tpu.memory_space<vmem>>, vector<1000x128xf32>
    %get3A_5 = arith.constant 0 : index
    %get3A_6 = arith.constant 0 : index
    %get3A_7 = vector.load %arg5[%get3A_5, %get3A_6] : memref<128x384xf32, #tpu.memory_space<vmem>>, vector<128x384xf32>
    %dot_general3A = arith.constant dense<0.000000e+00> : vector<1000x384xf32>
    %dot_general3A_8 = tpu.matmul %get3A_1, %get3A_7, %dot_general3A {dimension_numbers = #tpu.dot_dimension_numbers<[1], [0], [0], [1], [0, 0, 1, 1], [], []>, transpose_lhs_hint = false} : vector<1000x128xf32>, vector<128x384xf32>, vector<1000x384xf32> -> vector<1000x384xf32>
    %get3A_9 = arith.constant 0 : index
    %get3A_10 = arith.constant 0 : index
    %get3A_11 = vector.load %arg3[%get3A_9, %get3A_10] : memref<1000x128xf32, #tpu.memory_space<vmem>>, vector<1000x128xf32>
    %get3A_12 = arith.constant 0 : index
    %get3A_13 = arith.constant 0 : index
    %get3A_14 = vector.load %arg6[%get3A_12, %get3A_13] : memref<128x384xf32, #tpu.memory_space<vmem>>, vector<128x384xf32>
    %dot_general3A_15 = arith.constant dense<0.000000e+00> : vector<1000x384xf32>
    %dot_general3A_16 = tpu.matmul %get3A_11, %get3A_14, %dot_general3A_15 {dimension_numbers = #tpu.dot_dimension_numbers<[1], [0], [0], [1], [0, 0, 1, 1], [], []>, transpose_lhs_hint = false} : vector<1000x128xf32>, vector<128x384xf32>, vector<1000x384xf32> -> vector<1000x384xf32>
    %add3A = arith.addf %dot_general3A_8, %dot_general3A_16 : vector<1000x384xf32>
    %get3A_17 = arith.constant 0 : index
    %get3A_18 = arith.constant 0 : index
    %get3A_19 = vector.load %arg9[%get3A_17, %get3A_18] : memref<1x384xf32, #tpu.memory_space<vmem>>, vector<1x384xf32>
    %add3A_20 = vector.broadcast %get3A_19 : vector<1x384xf32> to vector<1000x384xf32>
    %add3A_21 = arith.addf %add3A, %add3A_20 : vector<1000x384xf32>
    %get3A_22 = arith.constant 0 : index
    %get3A_23 = arith.constant 0 : index
    %get3A_24 = vector.load %arg7[%get3A_22, %get3A_23] : memref<128x256xf32, #tpu.memory_space<vmem>>, vector<128x256xf32>
    %dot_general3A_25 = arith.constant dense<0.000000e+00> : vector<1000x256xf32>
    %dot_general3A_26 = tpu.matmul %get3A_4, %get3A_24, %dot_general3A_25 {dimension_numbers = #tpu.dot_dimension_numbers<[1], [0], [0], [1], [0, 0, 1, 1], [], []>, transpose_lhs_hint = false} : vector<1000x128xf32>, vector<128x256xf32>, vector<1000x256xf32> -> vector<1000x256xf32>
    %get3A_27 = arith.constant 0 : index
    %get3A_28 = arith.constant 0 : index
    %get3A_29 = vector.load %arg4[%get3A_27, %get3A_28] : memref<1000x128xf32, #tpu.memory_space<vmem>>, vector<1000x128xf32>
    %get3A_30 = arith.constant 0 : index
    %get3A_31 = arith.constant 0 : index
    %get3A_32 = vector.load %arg8[%get3A_30, %get3A_31] : memref<128x256xf32, #tpu.memory_space<vmem>>, vector<128x256xf32>
    %dot_general3A_33 = arith.constant dense<0.000000e+00> : vector<1000x256xf32>
    %dot_general3A_34 = tpu.matmul %get3A_29, %get3A_32, %dot_general3A_33 {dimension_numbers = #tpu.dot_dimension_numbers<[1], [0], [0], [1], [0, 0, 1, 1], [], []>, transpose_lhs_hint = false} : vector<1000x128xf32>, vector<128x256xf32>, vector<1000x256xf32> -> vector<1000x256xf32>
    %add3A_35 = arith.addf %dot_general3A_26, %dot_general3A_34 : vector<1000x256xf32>
    %slice3A = vector.extract_strided_slice %add3A_21 {offsets = [0, 0], sizes = [1000, 128], strides = [1, 1]} : vector<1000x384xf32> to vector<1000x128xf32>
    %slice3A_36 = vector.extract_strided_slice %add3A_35 {offsets = [0, 0], sizes = [1000, 128], strides = [1, 1]} : vector<1000x256xf32> to vector<1000x128xf32>
    %add3A_37 = arith.addf %slice3A, %slice3A_36 : vector<1000x128xf32>
    %logistic3A = arith.negf %add3A_37 : vector<1000x128xf32>
    %logistic3A_38 = math.exp %logistic3A : vector<1000x128xf32>
    %logistic3A_39 = arith.constant 1.000000e+00 : f32
    %logistic3A_40 = vector.broadcast %logistic3A_39 : f32 to vector<1000x128xf32>
    %logistic3A_41 = arith.addf %logistic3A_40, %logistic3A_38 : vector<1000x128xf32>
    %logistic3A_42 = arith.divf %logistic3A_40, %logistic3A_41 : vector<1000x128xf32>
    %slice3A_43 = vector.extract_strided_slice %add3A_21 {offsets = [0, 128], sizes = [1000, 128], strides = [1, 1]} : vector<1000x384xf32> to vector<1000x128xf32>
    %slice3A_44 = vector.extract_strided_slice %add3A_35 {offsets = [0, 128], sizes = [1000, 128], strides = [1, 1]} : vector<1000x256xf32> to vector<1000x128xf32>
    %add3A_45 = arith.addf %slice3A_43, %slice3A_44 : vector<1000x128xf32>
    %logistic3A_46 = arith.negf %add3A_45 : vector<1000x128xf32>
    %logistic3A_47 = math.exp %logistic3A_46 : vector<1000x128xf32>
    %logistic3A_48 = arith.constant 1.000000e+00 : f32
    %logistic3A_49 = vector.broadcast %logistic3A_48 : f32 to vector<1000x128xf32>
    %logistic3A_50 = arith.addf %logistic3A_49, %logistic3A_47 : vector<1000x128xf32>
    %logistic3A_51 = arith.divf %logistic3A_49, %logistic3A_50 : vector<1000x128xf32>
    %swap3A = arith.constant 0 : index
    %swap3A_52 = arith.constant 0 : index
    %swap3A_53 = vector.load %arg10[%swap3A, %swap3A_52] : memref<1000x128xf32, #tpu.memory_space<vmem>>, vector<1000x128xf32>
    tpu.vector_store %arg10[%swap3A, %swap3A_52], %logistic3A_42 {strides = array<i32>} : memref<1000x128xf32, #tpu.memory_space<vmem>>, vector<1000x128xf32>,
    %mul3A = arith.mulf %get3A_4, %logistic3A_51 : vector<1000x128xf32>
    %swap3A_54 = arith.constant 0 : index
    %swap3A_55 = arith.constant 0 : index
    %swap3A_56 = vector.load %arg11[%swap3A_54, %swap3A_55] : memref<1000x128xf32, #tpu.memory_space<vmem>>, vector<1000x128xf32>
    tpu.vector_store %arg11[%swap3A_54, %swap3A_55], %mul3A {strides = array<i32>} : memref<1000x128xf32, #tpu.memory_space<vmem>>, vector<1000x128xf32>,
    %slice3A_57 = vector.extract_strided_slice %add3A_21 {offsets = [0, 256], sizes = [1000, 128], strides = [1, 1]} : vector<1000x384xf32> to vector<1000x128xf32>
    %swap3A_58 = arith.constant 0 : index
    %swap3A_59 = arith.constant 0 : index
    %swap3A_60 = vector.load %arg12[%swap3A_58, %swap3A_59] : memref<1000x128xf32, #tpu.memory_space<vmem>>, vector<1000x128xf32>
    tpu.vector_store %arg12[%swap3A_58, %swap3A_59], %slice3A_57 {strides = array<i32>} : memref<1000x128xf32, #tpu.memory_space<vmem>>, vector<1000x128xf32>,
    return
  }
  func.func @transform_0(%arg0: i32) -> (i32, i32) {
    %c0_i32 = arith.constant 0 : i32
    %c0_i32_0 = arith.constant 0 : i32
    return %arg0, %c0_i32 : i32, i32
  }
  func.func @transform_1(%arg0: i32) -> (i32, i32) {
    %c0_i32 = arith.constant 0 : i32
    %c0_i32_0 = arith.constant 0 : i32
    return %arg0, %c0_i32 : i32, i32
  }
  func.func @transform_2(%arg0: i32) -> (i32, i32) {
    %c0_i32 = arith.constant 0 : i32
    %c0_i32_0 = arith.constant 0 : i32
    return %arg0, %c0_i32 : i32, i32
  }
  func.func @transform_3(%arg0: i32) -> (i32, i32) {
    %c0_i32 = arith.constant 0 : i32
    %c0_i32_0 = arith.constant 0 : i32
    return %arg0, %c0_i32 : i32, i32
  }
  func.func @transform_4(%arg0: i32) -> (i32, i32) {
    %c0_i32 = arith.constant 0 : i32
    %c0_i32_0 = arith.constant 0 : i32
    %c0_i32_1 = arith.constant 0 : i32
    return %c0_i32, %c0_i32_0 : i32, i32
  }
  func.func @transform_5(%arg0: i32) -> (i32, i32) {
    %c0_i32 = arith.constant 0 : i32
    %c0_i32_0 = arith.constant 0 : i32
    %c0_i32_1 = arith.constant 0 : i32
    return %c0_i32, %c0_i32_0 : i32, i32
  }
  func.func @transform_6(%arg0: i32) -> (i32, i32) {
    %c0_i32 = arith.constant 0 : i32
    %c0_i32_0 = arith.constant 0 : i32
    %c0_i32_1 = arith.constant 0 : i32
    return %c0_i32, %c0_i32_0 : i32, i32
  }
  func.func @transform_7(%arg0: i32) -> (i32, i32) {
    %c0_i32 = arith.constant 0 : i32
    %c0_i32_0 = arith.constant 0 : i32
    %c0_i32_1 = arith.constant 0 : i32
    return %c0_i32, %c0_i32_0 : i32, i32
  }
  func.func @transform_8(%arg0: i32) -> (i32, i32) {
    %c0_i32 = arith.constant 0 : i32
    %c0_i32_0 = arith.constant 0 : i32
    %c0_i32_1 = arith.constant 0 : i32
    return %c0_i32, %c0_i32_0 : i32, i32
  }
  func.func @transform_9(%arg0: i32) -> (i32, i32) {
    %c0_i32 = arith.constant 0 : i32
    %c0_i32_0 = arith.constant 0 : i32
    return %arg0, %c0_i32 : i32, i32
  }
  func.func @transform_10(%arg0: i32) -> (i32, i32) {
    %c0_i32 = arith.constant 0 : i32
    %c0_i32_0 = arith.constant 0 : i32
    return %arg0, %c0_i32 : i32, i32
  }
  func.func @transform_11(%arg0: i32) -> (i32, i32) {
    %c0_i32 = arith.constant 0 : i32
    %c0_i32_0 = arith.constant 0 : i32
    return %arg0, %c0_i32 : i32, i32
  }
}

module attributes {stable_mosaic.version = 14 : i64} {
  func.func @_out_body(%arg0: i32, %arg1: memref<1000x128xf32, #tpu.memory_space<vmem>>, %arg2: memref<1000x128xf32, #tpu.memory_space<vmem>>, %arg3: memref<1000x128xf32, #tpu.memory_space<vmem>>, %arg4: memref<1000x128xf32, #tpu.memory_space<vmem>>, %arg5: memref<1000x128xf32, #tpu.memory_space<vmem>>, %arg6: memref<1000x128xf32, #tpu.memory_space<vmem>>, %arg7: memref<128x128xf32, #tpu.memory_space<vmem>>, %arg8: memref<128x128xf32, #tpu.memory_space<vmem>>, %arg9: memref<128x128xf32, #tpu.memory_space<vmem>>, %arg10: memref<1x128xf32, #tpu.memory_space<vmem>>, %arg11: memref<1x128xf32, #tpu.memory_space<vmem>>, %arg12: memref<1000x128xf32, #tpu.memory_space<vmem>>, %arg13: memref<1000x128xf32, #tpu.memory_space<vmem>>) attributes {dimension_semantics = [#tpu.dimension_semantics<arbitrary>], iteration_bounds = array<i64: 10>, scalar_prefetch = 0 : i64, scratch_operands = 0 : i64, tpu.core_type = #tpu.core_type<tc>, window_params = [{transform_indices = @transform_0, window_bounds = array<i64: 1000, 128>}, {transform_indices = @transform_1, window_bounds = array<i64: 1000, 128>}, {transform_indices = @transform_2, window_bounds = array<i64: 1000, 128>}, {transform_indices = @transform_3, window_bounds = array<i64: 1000, 128>}, {transform_indices = @transform_4, window_bounds = array<i64: 1000, 128>}, {transform_indices = @transform_5, window_bounds = array<i64: 1000, 128>}, {pipeline_mode = #tpu.pipeline_mode<synchronous>, transform_indices = @transform_6, window_bounds = array<i64: 128, 128>}, {pipeline_mode = #tpu.pipeline_mode<synchronous>, transform_indices = @transform_7, window_bounds = array<i64: 128, 128>}, {pipeline_mode = #tpu.pipeline_mode<synchronous>, transform_indices = @transform_8, window_bounds = array<i64: 128, 128>}, {pipeline_mode = #tpu.pipeline_mode<synchronous>, transform_indices = @transform_9, window_bounds = array<i64: 1, 128>}, {pipeline_mode = #tpu.pipeline_mode<synchronous>, transform_indices = @transform_10, window_bounds = array<i64: 1, 128>}, {transform_indices = @transform_11, window_bounds = array<i64: 1000, 128>}, {transform_indices = @transform_12, window_bounds = array<i64: 1000, 128>}]} {
    %get3A = arith.constant 0 : index
    %get3A_0 = arith.constant 0 : index
    %get3A_1 = vector.load %arg3[%get3A, %get3A_0] : memref<1000x128xf32, #tpu.memory_space<vmem>>, vector<1000x128xf32>
    %get3A_2 = arith.constant 0 : index
    %get3A_3 = arith.constant 0 : index
    %get3A_4 = vector.load %arg4[%get3A_2, %get3A_3] : memref<1000x128xf32, #tpu.memory_space<vmem>>, vector<1000x128xf32>
    %add3A = arith.addf %get3A_1, %get3A_4 : vector<1000x128xf32>
    %get3A_5 = arith.constant 0 : index
    %get3A_6 = arith.constant 0 : index
    %get3A_7 = vector.load %arg1[%get3A_5, %get3A_6] : memref<1000x128xf32, #tpu.memory_space<vmem>>, vector<1000x128xf32>
    %get3A_8 = arith.constant 0 : index
    %get3A_9 = arith.constant 0 : index
    %get3A_10 = vector.load %arg2[%get3A_8, %get3A_9] : memref<1000x128xf32, #tpu.memory_space<vmem>>, vector<1000x128xf32>
    %get3A_11 = arith.constant 0 : index
    %get3A_12 = arith.constant 0 : index
    %get3A_13 = vector.load %arg7[%get3A_11, %get3A_12] : memref<128x128xf32, #tpu.memory_space<vmem>>, vector<128x128xf32>
    %dot_general3A = arith.constant dense<0.000000e+00> : vector<1000x128xf32>
    %dot_general3A_14 = tpu.matmul %get3A_10, %get3A_13, %dot_general3A {dimension_numbers = #tpu.dot_dimension_numbers<[1], [0], [0], [1], [0, 0, 1, 1], [], []>, transpose_lhs_hint = false} : vector<1000x128xf32>, vector<128x128xf32>, vector<1000x128xf32> -> vector<1000x128xf32>
    %add3A_15 = arith.addf %get3A_7, %dot_general3A_14 : vector<1000x128xf32>
    %get3A_16 = arith.constant 0 : index
    %get3A_17 = arith.constant 0 : index
    %get3A_18 = vector.load %arg8[%get3A_16, %get3A_17] : memref<128x128xf32, #tpu.memory_space<vmem>>, vector<128x128xf32>
    %dot_general3A_19 = arith.constant dense<0.000000e+00> : vector<1000x128xf32>
    %dot_general3A_20 = tpu.matmul %add3A, %get3A_18, %dot_general3A_19 {dimension_numbers = #tpu.dot_dimension_numbers<[1], [0], [0], [1], [0, 0, 1, 1], [], []>, transpose_lhs_hint = false} : vector<1000x128xf32>, vector<128x128xf32>, vector<1000x128xf32> -> vector<1000x128xf32>
    %add3A_21 = arith.addf %add3A_15, %dot_general3A_20 : vector<1000x128xf32>
    %get3A_22 = arith.constant 0 : index
    %get3A_23 = arith.constant 0 : index
    %get3A_24 = vector.load %arg10[%get3A_22, %get3A_23] : memref<1x128xf32, #tpu.memory_space<vmem>>, vector<1x128xf32>
    %add3A_25 = vector.broadcast %get3A_24 : vector<1x128xf32> to vector<1000x128xf32>
    %add3A_26 = arith.addf %add3A_21, %add3A_25 : vector<1000x128xf32>
    %tanh3A = math.tanh %add3A_26 : vector<1000x128xf32>
    %get3A_27 = arith.constant 0 : index
    %get3A_28 = arith.constant 0 : index
    %get3A_29 = vector.load %arg5[%get3A_27, %get3A_28] : memref<1000x128xf32, #tpu.memory_space<vmem>>, vector<1000x128xf32>
    %get3A_30 = arith.constant 0 : index
    %get3A_31 = arith.constant 0 : index
    %get3A_32 = vector.load %arg6[%get3A_30, %get3A_31] : memref<1000x128xf32, #tpu.memory_space<vmem>>, vector<1000x128xf32>
    %mul3A = arith.mulf %get3A_29, %get3A_32 : vector<1000x128xf32>
    %sub3A = arith.constant 1.000000e+00 : f32
    %sub3A_33 = vector.broadcast %sub3A : f32 to vector<1000x128xf32>
    %sub3A_34 = arith.subf %sub3A_33, %get3A_29 : vector<1000x128xf32>
    %mul3A_35 = arith.mulf %sub3A_34, %tanh3A : vector<1000x128xf32>
    %add3A_36 = arith.addf %mul3A, %mul3A_35 : vector<1000x128xf32>
    %swap3A = arith.constant 0 : index
    %swap3A_37 = arith.constant 0 : index
    %swap3A_38 = vector.load %arg13[%swap3A, %swap3A_37] : memref<1000x128xf32, #tpu.memory_space<vmem>>, vector<1000x128xf32>
    tpu.vector_store %arg13[%swap3A, %swap3A_37], %add3A_36 {strides = array<i32>} : memref<1000x128xf32, #tpu.memory_space<vmem>>, vector<1000x128xf32>,
    %max3A = arith.constant 0.000000e+00 : f32
    %max3A_39 = vector.broadcast %max3A : f32 to vector<1000x128xf32>
    %max3A_40 = arith.maximumf %add3A_36, %max3A_39 : vector<1000x128xf32>
    %get3A_41 = arith.constant 0 : index
    %get3A_42 = arith.constant 0 : index
    %get3A_43 = vector.load %arg9[%get3A_41, %get3A_42] : memref<128x128xf32, #tpu.memory_space<vmem>>, vector<128x128xf32>
    %dot_general3A_44 = arith.constant dense<0.000000e+00> : vector<1000x128xf32>
    %dot_general3A_45 = tpu.matmul %max3A_40, %get3A_43, %dot_general3A_44 {dimension_numbers = #tpu.dot_dimension_numbers<[1], [0], [0], [1], [0, 0, 1, 1], [], []>, transpose_lhs_hint = false} : vector<1000x128xf32>, vector<128x128xf32>, vector<1000x128xf32> -> vector<1000x128xf32>
    %get3A_46 = arith.constant 0 : index
    %get3A_47 = arith.constant 0 : index
    %get3A_48 = vector.load %arg11[%get3A_46, %get3A_47] : memref<1x128xf32, #tpu.memory_space<vmem>>, vector<1x128xf32>
    %add3A_49 = vector.broadcast %get3A_48 : vector<1x128xf32> to vector<1000x128xf32>
    %add3A_50 = arith.addf %dot_general3A_45, %add3A_49 : vector<1000x128xf32>
    %swap3A_51 = arith.constant 0 : index
    %swap3A_52 = arith.constant 0 : index
    %swap3A_53 = vector.load %arg12[%swap3A_51, %swap3A_52] : memref<1000x128xf32, #tpu.memory_space<vmem>>, vector<1000x128xf32>
    tpu.vector_store %arg12[%swap3A_51, %swap3A_52], %add3A_50 {strides = array<i32>} : memref<1000x128xf32, #tpu.memory_space<vmem>>, vector<1000x128xf32>,
    return
  }
  func.func @transform_0(%arg0: i32) -> (i32, i32) {
    %c0_i32 = arith.constant 0 : i32
    %c0_i32_0 = arith.constant 0 : i32
    return %arg0, %c0_i32 : i32, i32
  }
  func.func @transform_1(%arg0: i32) -> (i32, i32) {
    %c0_i32 = arith.constant 0 : i32
    %c0_i32_0 = arith.constant 0 : i32
    return %arg0, %c0_i32 : i32, i32
  }
  func.func @transform_2(%arg0: i32) -> (i32, i32) {
    %c0_i32 = arith.constant 0 : i32
    %c0_i32_0 = arith.constant 0 : i32
    return %arg0, %c0_i32 : i32, i32
  }
  func.func @transform_3(%arg0: i32) -> (i32, i32) {
    %c0_i32 = arith.constant 0 : i32
    %c0_i32_0 = arith.constant 0 : i32
    return %arg0, %c0_i32 : i32, i32
  }
  func.func @transform_4(%arg0: i32) -> (i32, i32) {
    %c0_i32 = arith.constant 0 : i32
    %c0_i32_0 = arith.constant 0 : i32
    return %arg0, %c0_i32 : i32, i32
  }
  func.func @transform_5(%arg0: i32) -> (i32, i32) {
    %c0_i32 = arith.constant 0 : i32
    %c0_i32_0 = arith.constant 0 : i32
    return %arg0, %c0_i32 : i32, i32
  }
  func.func @transform_6(%arg0: i32) -> (i32, i32) {
    %c0_i32 = arith.constant 0 : i32
    %c0_i32_0 = arith.constant 0 : i32
    %c0_i32_1 = arith.constant 0 : i32
    return %c0_i32, %c0_i32_0 : i32, i32
  }
  func.func @transform_7(%arg0: i32) -> (i32, i32) {
    %c0_i32 = arith.constant 0 : i32
    %c0_i32_0 = arith.constant 0 : i32
    %c0_i32_1 = arith.constant 0 : i32
    return %c0_i32, %c0_i32_0 : i32, i32
  }
  func.func @transform_8(%arg0: i32) -> (i32, i32) {
    %c0_i32 = arith.constant 0 : i32
    %c0_i32_0 = arith.constant 0 : i32
    %c0_i32_1 = arith.constant 0 : i32
    return %c0_i32, %c0_i32_0 : i32, i32
  }
  func.func @transform_9(%arg0: i32) -> (i32, i32) {
    %c0_i32 = arith.constant 0 : i32
    %c0_i32_0 = arith.constant 0 : i32
    %c0_i32_1 = arith.constant 0 : i32
    return %c0_i32, %c0_i32_0 : i32, i32
  }
  func.func @transform_10(%arg0: i32) -> (i32, i32) {
    %c0_i32 = arith.constant 0 : i32
    %c0_i32_0 = arith.constant 0 : i32
    %c0_i32_1 = arith.constant 0 : i32
    return %c0_i32, %c0_i32_0 : i32, i32
  }
  func.func @transform_11(%arg0: i32) -> (i32, i32) {
    %c0_i32 = arith.constant 0 : i32
    %c0_i32_0 = arith.constant 0 : i32
    return %arg0, %c0_i32 : i32, i32
  }
  func.func @transform_12(%arg0: i32) -> (i32, i32) {
    %c0_i32 = arith.constant 0 : i32
    %c0_i32_0 = arith.constant 0 : i32
    return %arg0, %c0_i32 : i32, i32
  }
}

</mosaic_0001>

<sc_bundles>
// kernel: kernel.6.cloned.1.call-start
scs
__scs_entry_jumppad:
0x0: {  	(pc) =	sbr.rel $0x88, $3  }
0x1: {  	(tag) =	ssettag $0x0;
	lr =	simm.s32 $0x1  }
0x2: {  	[smem:$0x3F89] =	sst lr;
	_ =	strace $0xD0000000  }
0x3: {  	_ = 	snop  }
0x4: {  	_ = 	snop  }
0x5: {  	_ = 	snop  }
0x6: {  	_ = 	snop  }
0x7: {  	_ = 	snop  }
__scs_overlays_trampoline_lowered:
0x8: {  	[smem:$0x3F98] =	sst s0  }
0x9: {  	[smem:$0x3F99] =	sst s1  }
0xa: {  	[smem:$0x3F9A] =	sst s2  }
0xb: {  	[smem:$0x3F9B] =	sst s3  }
0xc: {  	[smem:$0x3F9C] =	sst s4  }
0xd: {  	[smem:$0x3F9D] =	sst s5  }
0xe: {  	[smem:$0x3F9E] =	sst s6  }
0xf: {  	[smem:$0x3F9F] =	sst s7  }
0x10: {  	[smem:$0x3FA0] =	sst s8  }
0x11: {  	[smem:$0x3FA1] =	sst s9;
	s0 =	simm.s32 @!p0 $0x0  }
0x12: {  	s1 =	sld [smem:$0x3F87];
	s0 =	simm.s32 @p0 $0x1  }
0x13: {  	[smem:$0x3FA2] =	sst s0;
	s0 =	simm.s32 @!p1 $0x0  }
0x14: {  	s2 =	sld [smem:$0x3F86];
	s0 =	simm.s32 @p1 $0x1  }
0x15: {  	[smem:$0x3FA3] =	sst s0;
	s0 =	simm.s32 @!p2 $0x0  }
0x16: {  	s3 =	sld [smem:$0x3FDB];
	s0 =	simm.s32 @p2 $0x1  }
0x17: {  	s4 =	simm.s32 $0x1BF5;
	[smem:$0x3FA5] =	sst s0  }
0x18: {  	s0 =	sld [smem:$0x3F88];
	_ =	swait.ge [sflag:s4], $0x0  }
0x19: {  	s7 =	sld [smem:$0x3F89]  }
0x1a: {  	s8 =	sadd.s32 $0xFFFFE003, lr  }
0x1b: {  	s9 =	sadd.s32 $0xFFFFFEF7, lr;
	s5 =	simm.s32 $0xFFFFFFFF;
	p2 =	slt.u32 s8, $0xFFFFF086  }
0x1c: {  	p1 =	slt.u32 s9, $0xF7A;
	s5 =	simm.s32 @!p2 $0x0  }
0x1d: {  	s5 =	simm.s32 @p1 $0x1;
	p0 =	seq.s32 s7, s2  }
0x1e: {  	s7 =	smul.u32 @!p0 $0xF7A, s2;
	p2 =	seq.s32 @!p0 s5, $0x0  }
0x1f: {  	s9 =	smul.u32 $0xF7A, s1;
	s8 =	simm.s32 @!p0 $0x1BF5;
	p2 =	por !p2, p0  }
0x20: {  	[sflag:s8] =	ssyncset.s32 @!p0 $0xFFFFF086;
	s6 =	sadd.s32 @!p0 s3, s7;
	s7 =	simm.s32 @!p0 $0x108  }
0x21: {  	s3 =	sadd.s32 s3, s9;
	s6 =	sadd.s32 @!p0 $0x88, s6;
	s7 =	simm.s32 @p2 $0x1082  }
0x22: {  	[simem:s7], [sflag:s8] =	dma.local @!p0 [hbm:s6], $0xF7A  }
0x23: {  	s9 =	sor.u32 $0xD0000000, s2;
	s6 =	simm.s32 $0x108;
	_ =	swait.ge @!p0 [sflag:s8], $0x0  }
0x24: {  	s3 =	sadd.s32 $0x88, s3;
	s6 =	simm.s32 @!p1 $0x1082;
	[sflag:s4] =	ssyncset.s32 $0xFFFFF086  }
0x25: {  	[simem:s6], [sflag:s4] =	dma.local [hbm:s3], $0xF7A  }
0x26: {  	[smem:$0x3F89] =	sst s1;
	(tag) =	ssettag s2;
	_ =	strace s9  }
0x27: {  	s1 =	sld [smem:$0x3F99]  }
0x28: {  	s2 =	sld [smem:$0x3F9A]  }
0x29: {  	s4 =	sld [smem:$0x3F9C]  }
0x2a: {  	p0 =	seq.s32 s5, $0x0;
	s5 =	sld [smem:$0x3F9D]  }
0x2b: {  	s6 =	sld [smem:$0x3F9E]  }
0x2c: {  	s7 =	sld [smem:$0x3F9F]  }
0x2d: {  	s3 =	simm.s32 $0x108;
	s8 =	sld [smem:$0x3FA0]  }
0x2e: {  	s3 =	simm.s32 @!p0 $0x1082;
	s9 =	sld [smem:$0x3FA1]  }
0x2f: {  	lr =	sadd.s32 s0, s3;
	s0 =	sld [smem:$0x3F98]  }
0x30: {  	s3 =	sld [smem:$0x3F9B]  }
0x31: {  	[smem:$0x3FA4] =	sst s10  }
0x32: {  	s10 =	sld [smem:$0x3FA2];
	_ =	sdelay $0x3  }
0x33: {  	p0 =	seq.s32 s10, $0x1;
	s10 =	sld [smem:$0x3FA4];
	_ =	sdelay $0x3  }
0x34: {  	[smem:$0x3FA4] =	sst s10  }
0x35: {  	s10 =	sld [smem:$0x3FA3];
	_ =	sdelay $0x3  }
0x36: {  	p1 =	seq.s32 s10, $0x1;
	s10 =	sld [smem:$0x3FA4];
	_ =	sdelay $0x3  }
0x37: {  	[smem:$0x3FA4] =	sst s10  }
0x38: {  	s10 =	sld [smem:$0x3FA5]  }
0x39: {  	_ = 	snop;
	(pc) =	sbr.ind lr, $3  }
0x3a: {  	_ = 	snop  }
0x3b: {  	_ = 	snop  }
0x3c: {  	p2 =	seq.s32 s10, $0x1;
	s10 =	sld [smem:$0x3FA4]  }
0x3d: {  	_ =	shalt  }
0x3e: {  	_ =	shalt  }
0x3f: {  	_ =	shalt  }
0x40: {  	_ =	shalt  }
0x41: {  	_ =	shalt  }
0x42: {  	_ =	shalt  }
0x43: {  	_ =	shalt  }
0x44: {  	_ =	shalt  }
0x45: {  	_ =	shalt  }
0x46: {  	_ =	shalt  }
0x47: {  	_ =	shalt  }
0x48: {  	_ =	shalt  }
0x49: {  	_ =	shalt  }
0x4a: {  	_ =	shalt  }
0x4b: {  	_ =	shalt  }
0x4c: {  	_ =	shalt  }
0x4d: {  	_ =	shalt  }
0x4e: {  	_ =	shalt  }
0x4f: {  	_ =	shalt  }
0x50: {  	_ =	shalt  }
0x51: {  	_ =	shalt  }
0x52: {  	_ =	shalt  }
0x53: {  	_ =	shalt  }
0x54: {  	_ =	shalt  }
0x55: {  	_ =	shalt  }
0x56: {  	_ =	shalt  }
0x57: {  	_ =	shalt  }
0x58: {  	_ =	shalt  }
0x59: {  	_ =	shalt  }
0x5a: {  	_ =	shalt  }
0x5b: {  	_ =	shalt  }
0x5c: {  	_ =	shalt  }
0x5d: {  	_ =	shalt  }
0x5e: {  	_ =	shalt  }
0x5f: {  	_ =	shalt  }
0x60: {  	_ =	shalt  }
0x61: {  	_ =	shalt  }
0x62: {  	_ =	shalt  }
0x63: {  	_ =	shalt  }
0x64: {  	_ =	shalt  }
0x65: {  	_ =	shalt  }
0x66: {  	_ =	shalt  }
0x67: {  	_ =	shalt  }
0x68: {  	_ =	shalt  }
0x69: {  	_ =	shalt  }
0x6a: {  	_ =	shalt  }
0x6b: {  	_ =	shalt  }
0x6c: {  	_ =	shalt  }
0x6d: {  	_ =	shalt  }
0x6e: {  	_ =	shalt  }
0x6f: {  	_ =	shalt  }
0x70: {  	_ =	shalt  }
0x71: {  	_ =	shalt  }
0x72: {  	_ =	shalt  }
0x73: {  	_ =	shalt  }
0x74: {  	_ =	shalt  }
0x75: {  	_ =	shalt  }
0x76: {  	_ =	shalt  }
0x77: {  	_ =	shalt  }
0x78: {  	_ =	shalt  }
0x79: {  	_ =	shalt  }
0x7a: {  	_ =	shalt  }
0x7b: {  	_ =	shalt  }
0x7c: {  	_ =	shalt  }
0x7d: {  	_ =	shalt  }
0x7e: {  	_ =	shalt  }
0x7f: {  	_ =	shalt  }
0x80: {  	_ =	shalt  }
0x81: {  	_ =	shalt  }
0x82: {  	_ =	shalt  }
0x83: {  	_ =	shalt  }
0x84: {  	_ =	shalt  }
0x85: {  	_ =	shalt  }
0x86: {  	_ =	shalt  }
0x87: {  	_ =	shalt  }
.Lfunc_end0:
.L_simem_size_0:
called_computation_lowered:
.L_overlay_start_0:
0x88: {  	s2 =	sld [smem:$0x3FD9]  }
0x89: {  	s3 =	sld [smem:$0x3FFE];
	_ =	sdelay $0x1  }
0x8a: {  	s1 =	srdreg.scid  }
0x8b: {  	s0 =	sand.u32 $0x1, s1  }
0x8c: {  	s14 =	sshll.u32 s0, $0xA;
	s2 =	sadd.s32 s3, s2  }
0x8d: {  	s2 =	sadd.s32 s2, s14  }
0x8e: {  	[smem:$0x3FB0] =	sst s2  }
0x8f: {  	_ = 	snop  }
0x90: {  	s2 =	sld [smem:$0x3FD0];
	_ =	sdelay $0x1  }
0x91: {  	s15 =	sld [smem:$0x3FC9]  }
0x92: {  	s5 =	simm.s32 $0xA;
	s6 =	simm.s32 $0x10;
	s4 =	sld [smem:$0x3FC6]  }
0x93: {  	[smem:s6], [sflag:s5] =	dma.local [hbm:s2], $0x1  }
0x94: {  	_ =	swait.eq [sflag:s5], $0x1  }
0x95: {  	[sflag:s5] =	ssyncset.done $0x0  }
0x96: {  	s16 =	sld [smem:$0x10];
	[sflag:s5] =	ssyncadd.s32 $0xFFFFFFFF  }
0x97: {  	s17 =	sld [smem:$0x11];
	(tm) =	ssettm $0x1  }
0x98: {  	s18 =	sld [smem:$0x3FFB];
	_ =	sdelay $0x3  }
0x99: {  	_ =	strace s18  }
0x9a: {  	s6 =	sld [smem:$0x3FFC];
	_ =	sdelay $0x3  }
0x9b: {  	_ =	strace s6  }
0x9c: {  	s6 =	sld [smem:$0x3FFD];
	_ =	sdelay $0x3  }
0x9d: {  	_ =	strace s6  }
0x9e: {  	_ =	strace $0x8FFFFFFF  }
0x9f: {  	s19 =	sld [smem:$0x3FDB];
	_ =	sdelay $0x1  }
0xa0: {  	s7 =	simm.s32 $_scs_section_size  }
0xa1: {  	s8 =	simm.s32 $_size__tile_overlayer_lowered;
	s9 =	simm.s32 $_tile_overlayer_lowered  }
0xa2: {  	s22 =	simm.s32 $0x1BFF;
	s21 =	sshll.u32 s9, $0x1;
	s6 =	sadd.s32 s7, s19  }
0xa3: {  	s10 =	simm.s32 $0x0;
	s20 =	sshll.u32 s8, $0x1;
	s8 =	sadd.s32 s21, s6  }
0xa4: {  	[timem:s10], [sflag:s22] =	dma.local [hbm:s8], s20  }
0xa5: {  	_ =	swait.ge [sflag:s22], s20  }
0xa6: {  	s7 =	ssub.s32 $0x0, s20;
	[sflag:s22] =	ssyncset.done $0x0  }
0xa7: {  	[sflag:s22] =	ssyncadd.s32 s7;
	_ =	sdelay $0x1  }
0xa8: {  	s23 =	simm.s32 $0x1B8B  }
0xa9: {  	_ =	swait.ge [sflag:s23], $0x1  }
0xaa: {  	[sflag:s23] =	ssyncset.done $0x0  }
0xab: {  	s25 =	simm.s32 $0x1B8E;
	s24 =	sld [smem:$0x3FFE];
	[sflag:s23] =	ssyncadd.s32 $0xFFFFFFFF  }
0xac: {  	s26 =	simm.s32 $execute0_lowered;
	[smem:$0x3FD2] =	sst s25  }
0xad: {  	s8 =	sshll.u32 s26, $0x1;
	_ =	strace $0x80000046;
	[dreg:$0x1] =	wrdreg $0xFFFFFFFF  }
0xae: {  	s28 =	simm.s32 $_size_execute0_lowered;
	s6 =	sadd.s32 s6, s8;
	[dreg:$0x0] =	wrdreg $0x0  }
0xaf: {  	s8 =	sshll.u32 s28, $0x1;
	[dreg:$0x2] =	wrdreg s6  }
0xb0: {  	[dreg:$0x3] =	wrdreg s8  }
0xb1: {  	[dreg:$0x4] =	wrdreg $0xC0  }
0xb2: {  	_ =	task [dreg:s10], $0x5FFFF  }
0xb3: {  	[dreg:$0x1] =	wrdreg $0xFFFFFFFF  }
0xb4: {  	[dreg:$0x0] =	wrdreg $0x60  }
0xb5: {  	[dreg:$0x2] =	wrdreg s15  }
0xb6: {  	[dreg:$0x3] =	wrdreg s4  }
0xb7: {  	[dreg:$0x4] =	wrdreg s17  }
0xb8: {  	[dreg:$0x5] =	wrdreg s16  }
0xb9: {  	[dreg:$0x6] =	wrdreg s24  }
0xba: {  	[dreg:$0x7] =	wrdreg $0xBA800  }
0xbb: {  	[dreg:$0x8] =	wrdreg $0x1FA800  }
0xbc: {  	[dreg:$0x9] =	wrdreg $0x9  }
0xbd: {  	_ =	task.clear_ibuf [dreg:s10], $0xAFFFF;
	_ =	strace $0x90000046  }
0xbe: {  	s29 =	simm.s32 $0x9;
	_ =	strace $0x80000048  }
0xbf: {  	_ =	swait.ge [sflag:s29], $0x1  }
0xc0: {  	[sflag:s29] =	ssyncadd.s32 $0xFFFFFFFF  }
0xc1: {  	_ =	strace $0x90000048  }
0xc2: {  	_ =	sfence  }
0xc3: {  	s30 =	sld [smem:$0x0];
	_ =	sdelay $0x2  }
0xc4: {  	s31 =	sshll.u32 s1, $0xD;
	s1 =	sshrl.u32 s1, $0x2  }
0xc5: {  	s3 =	sand.u32 $0x4000, s31;
	s1 =	sadd.s32 s1, s30  }
0xc6: {  	s0 =	sor.u32 s3, s0;
	s1 =	sshll.u32 s1, $0x11  }
0xc7: {  	s0 =	sor.u32 s1, s0  }
0xc8: {  	s0 =	sadd.s32 $0x8F2B, s0  }
0xc9: {  	[sflag:s0] =	ssyncadd.remote.s32 $0x1  }
0xca: {  	_ =	sfence.sel $0xFFFF  }
0xcb: {  	[dreg:$0x0] =	wrdreg $0xFFFFFFFF;
	(pc) =	sbr.abs _section_cstart, $3  }
0xcc: {  	[dreg:$0x1] =	wrdreg $0xFFFFFFFF  }
0xcd: {  	_ =	task.clear_ibuf [dreg:s10], $0x2FFFF;
	_ =	strace $0x9FFFFFFF  }
0xce: {  	(tm) =	ssettm $0x7FFFFFFF  }
0xcf: {  	_ =	shalt  }
tec
execute0_lowered:
.L_overlay_start_1:
0x0: {  	(tag) =	ssettag $0x1  }
0x1: {  	s0 =	rddreg [dreg:$0x0]  }
0x2: {  	s1 =	rddreg [dreg:$0x1]  }
0x3: {  	s3 =	rddreg [dreg:$0x2]  }
0x4: {  	s5 =	rddreg [dreg:$0x3]  }
0x5: {  	s2 =	rddreg [dreg:$0x4]  }
0x6: {  	s6 =	rddreg [dreg:$0x5]  }
0x7: {  	s7 =	rddreg [dreg:$0x6]  }
0x8: {  	s17 =	stileid.u32;
	s8 =	simm.s32 $0x0;
	s9 =	srdreg.scid  }
0x9: {  	s28 =	simm.s32 $0x6A80;
	s29 =	simm.s32 $0x1;
	s30 =	simm.s32 $0x4000  }
0xa: {  	s31 =	simm.s32 $0x3000;
	s11 =	smul.u32 $0x2800, s17;
	[smem:$0x7FF] =	sst s8  }
0xb: {  	s4 =	smul.u32 $0x280, s17;
	s10 =	sadd.s32 $0x4600, s2;
	s9 =	sand.u32 $0x1, s9  }
0xc: {  	s13 =	sadd.s32 $0x40C00, s2;
	s21 =	sadd.s32 $0x68C00, s2;
	s16 =	smul.u32 $0x50000, s17  }
0xd: {  	s23 =	sshll.u32 s17, $0x6;
	_ =	strace $0x80000047;
	[dreg:$0x9] =	wrdreg s13  }
0xe: {  	s14 =	ssub.s32 $0x2, s9;
	[dreg:$0xa] =	wrdreg s21;
	s13 =	sadd.s32 $0x90C00, s2  }
0xf: {  	s18 =	sor.u32 $0x1C03, s23;
	s21 =	simm.s32 $0x3;
	s23 =	simm.s32 $0x2000  }
0x10: {  	p0 =	sne.s32 s9, $0x0;
	[dreg:$0x8] =	wrdreg s11;
	s11 =	sadd.s32 s11, s2  }
0x11: {  	s12 =	sshrl.u32 s4, $0x3;
	s15 =	sshrl.u32 s14, $0x1;
	s4 =	sadd.s32 s4, s7  }
0x12: {  	s24 =	sshrl.u32 s16, $0x2;
	s16 =	smul.u32 $0xA000, s17;
	[dreg:$0xc] =	wrdreg s18  }
0x13: {  	s12 =	sadd.s32 s12, s2;
	s22 =	ssub.s32 s14, s15;
	s25 =	sadd.s32 s24, s6  }
.Ltmp0:
0x14: {  	s11 =	sadd.s32 $0x18600, s11;
	[dreg:$0xd] =	wrdreg s25;
	(pc) =	sbr.rel .LBB2_1-.Ltmp0, $4  }
0x15: {  	s26 =	sshrl.u32 s4, $0x3;
	s24 =	simm.s32 $0x50;
	[dreg:$0xe] =	wrdreg s11  }
0x16: {  	s12 =	sadd.s32 $0x40600, s12;
	s2 =	smax.u32 s22, $0x1;
	[dreg:$0x10] =	wrdreg s26  }
0x17: {  	s22 =	simm.s32 $0x1000;
	s25 =	simm.s32 $0x2;
	[dreg:$0xb] =	wrdreg s12  }
0x18: {  	s26 =	simm.s32 $0x4;
	[dreg:$0xf] =	wrdreg s2;
	s2 =	simm.s32 $0x0  }
.LBB2_26:
0x19: {  	s4 =	rddreg [dreg:$0x8];
	[bflag:$0x0] =	sbarrier.arrive $0xFFFF  }
0x1a: {  	s18 =	rddreg [dreg:$0xc]  }
0x1b: {  	s4 =	sadd.s32 s9, s4;
	s19 =	rddreg [dreg:$0x11]  }
0x1c: {  	[hbm:s4], [sflag:s18] =	dma.local [spmem:s19], $0x2800  }
0x1d: {  	_ =	swait.ge [sflag:s21], $0x2800  }
0x1e: {  	s2 =	sadd.s32 $0x1, s2;
	s20 =	rddreg [dreg:$0xf]  }
0x1f: {  	p1 =	sne.s32 s2, s20  }
.Ltmp1:
0x20: {  	_ = 	snop;
	(pc) =	sbr.rel @!p1 .LBB2_27-.Ltmp1, $3  }
0x21: {  	_ =	sdelay $0x1  }
0x22: {  	[sflag:s21] =	ssyncset.done $0x0  }
0x23: {  	[sflag:s21] =	ssyncadd.s32 $0xFFFFD800  }
.LBB2_1:
0x24: {  	s4 =	rddreg [dreg:$0xb]  }
0x25: {  	s9 =	rddreg [dreg:$0x10]  }
0x26: {  	[spmem:s9], [sflag:s18] =	dma.local [hbm:s4], $0x50  }
0x27: {  	_ =	swait.ge [sflag:s21], $0x50  }
0x28: {  	[sflag:s21] =	ssyncset.done $0x0  }
0x29: {  	[sflag:s21] =	ssyncadd.s32 $0xFFFFFFB0  }
0x2a: {  	s4 =	simm.s32 $0x0;
	[bflag:$0x0] =	sbarrier.arrive $0xFFFF  }
.LBB2_2:
0x2b: {  	s9 =	sshll.u32 s4, $0xC  }
0x2c: {  	s9 =	sadd.s32 s16, s9  }
0x2d: {  	s9 =	sshrl.u32 s9, $0x3  }
0x2e: {  	s12 =	simm.s32 $0x0;
	s11 =	sadd.s32 s3, s9  }
0x2f: {  	[tilespmem:s12], [sflag:$0x3] =	stream.linear.gather [hbm4b:s11+s12], $0xC80, $0x38;
	[tilespmem:$0x1FD00] =	vst v63  }
0x30: {  	_ =	swait.ge [sflag:s21], $0xC80  }
0x31: {  	[sflag:s21] =	ssyncset.done $0x0  }
0x32: {  	s20 =	sadd.s32 s5, s9;
	[sflag:s21] =	ssyncadd.s32 $0xFFFFF380  }
0x33: {  	[tilespmem:s22], [sflag:$0x3] =	stream.linear.gather [hbm4b:s20+s12], $0xC80, $0x38;
	[tilespmem:$0x1FD00] =	vst v63  }
0x34: {  	_ =	swait.ge [sflag:s21], $0xC80  }
0x35: {  	[sflag:s21] =	ssyncset.done $0x0  }
0x36: {  	s9 =	sadd.s32 s10, s9;
	[sflag:s21] =	ssyncadd.s32 $0xFFFFF380  }
0x37: {  	[tilespmem:s23], [sflag:$0x3] =	stream.linear.gather [hbm4b:s9+s12], $0xC80, $0x38;
	[tilespmem:$0x1FD00] =	vst v63  }
0x38: {  	_ =	swait.ge [sflag:s21], $0xC80  }
0x39: {  	[sflag:s21] =	ssyncset.done $0x0  }
0x3a: {  	s9 =	simm.s32 $0x0;
	[sflag:s21] =	ssyncadd.s32 $0xFFFFF380  }
0x3b: {  	v3 =	vld [tilespmem:s9+$0x2000]  }
0x3c: {  	v2 =	vld [tilespmem:s9+$0x2010]  }
0x3d: {  	v1 =	vld [tilespmem:s9+$0x2020]  }
0x3e: {  	v0 =	vld [tilespmem:s9+$0x2030]  }
0x3f: {  	v8 =	vld [tilespmem:s9+$0x1000]  }
0x40: {  	v12 =	vld [tilespmem:s9+$0x0]  }
0x41: {  	v7 =	vld [tilespmem:s9+$0x10]  }
0x42: {  	v11 =	vld [tilespmem:s9+$0x1010]  }
0x43: {  	v6 =	vld [tilespmem:s9+$0x20]  }
0x44: {  	v10 =	vld [tilespmem:s9+$0x1020]  }
0x45: {  	v5 =	vld [tilespmem:s9+$0x30]  }
0x46: {  	v9 =	vld [tilespmem:s9+$0x1030]  }
0x47: {  	s11 =	simm.s32 $0x200;
	v4 =	vld [tilespmem:s9+$0x40]  }
.LBB2_3:
0x48: {  	p1 =	sne.s32 s11, $0x3000;
	v13 =	vld [tilespmem:s9+$0x1040]  }
0x49: {  	vm0 =	veq.s32 v12, v8;
	v8 =	vld [tilespmem:s9+$0x2040]  }
0x4a: {  	v3 =	vsel vm0, $0x0, v3;
	vm0 =	veq.s32 v7, v11  }
0x4b: {  	v2 =	vsel vm0, $0x0, v2;
	vm0 =	veq.s32 v6, v10;
	[tilespmem:s9+$0x2000] =	vst v3  }
0x4c: {  	v1 =	vsel vm0, $0x0, v1;
	vm0 =	veq.s32 v5, v9;
	[tilespmem:s9+$0x2010] =	vst v2  }
0x4d: {  	v0 =	vsel vm0, $0x0, v0;
	[tilespmem:s9+$0x2020] =	vst v1;
	vm0 =	veq.s32 v4, v13  }
0x4e: {  	s12 =	sshra.s32 s11, $0x2;
	s14 =	sadd.s32 $0x2000, s9;
	[tilespmem:s9+$0x2030] =	vst v0;
	v0 =	vsel vm0, $0x0, v8  }
0x4f: {  	[tilespmem:s9+$0x2040] =	vst v0;
	[spmem:s7] =	stream.indirect.scatter.add.f32 [tilespmem:s14], [sflag:$0x2], $0x1, s9, s24, $0xb8  }
0x50: {  	s9 =	smov.u32 s12;
	v3 =	vld [tilespmem:s12+$0x2000]  }
0x51: {  	v2 =	vld [tilespmem:s9+$0x2010]  }
0x52: {  	v1 =	vld [tilespmem:s9+$0x2020]  }
0x53: {  	v0 =	vld [tilespmem:s9+$0x2030]  }
0x54: {  	v8 =	vld [tilespmem:s9+$0x1000]  }
0x55: {  	v12 =	vld [tilespmem:s9+$0x0]  }
0x56: {  	v7 =	vld [tilespmem:s9+$0x10]  }
0x57: {  	v11 =	vld [tilespmem:s9+$0x1010]  }
.Ltmp2:
0x58: {  	v6 =	vld [tilespmem:s9+$0x20];
	(pc) =	sbr.rel @p1 .LBB2_3-.Ltmp2, $4  }
0x59: {  	v10 =	vld [tilespmem:s9+$0x1020]  }
0x5a: {  	v5 =	vld [tilespmem:s9+$0x30]  }
0x5b: {  	v9 =	vld [tilespmem:s9+$0x1030]  }
0x5c: {  	s11 =	sadd.s32 $0x200, s11;
	v4 =	vld [tilespmem:s9+$0x40]  }
0x5d: {  	v13 =	vld [tilespmem:s9+$0x1040]  }
0x5e: {  	vm0 =	veq.s32 v12, v8;
	v62 =	vld [tilespmem:s9+$0x2040]  }
0x5f: {  	vm12 =	veq.s32 v7, v11;
	v3 =	vsel vm0, $0x0, v3  }
0x60: {  	v2 =	vsel vm12, $0x0, v2;
	vm13 =	veq.s32 v6, v10;
	[tilespmem:s9+$0x2000] =	vst v3  }
0x61: {  	[tilespmem:s9+$0x2010] =	vst v2;
	v1 =	vsel vm13, $0x0, v1;
	vm14 =	veq.s32 v5, v9  }
0x62: {  	[tilespmem:s9+$0x2020] =	vst v1;
	v0 =	vsel vm14, $0x0, v0;
	vm15 =	veq.s32 v4, v13  }
0x63: {  	[tilespmem:s9+$0x2030] =	vst v0;
	v63 =	vsel vm15, $0x0, v62  }
0x64: {  	s11 =	sadd.s32 $0x2000, s9;
	[tilespmem:s9+$0x2040] =	vst v63  }
0x65: {  	[spmem:s7] =	stream.indirect.scatter.add.f32 [tilespmem:s11], [sflag:$0x2], $0x1, s9, s24, $0xb8;
	[tilespmem:$0x1FD00] =	vst v63  }
0x66: {  	_ =	swait.ge [sflag:s25], $0x50  }
0x67: {  	[sflag:s25] =	ssyncset.done $0x0  }
0x68: {  	[sflag:s25] =	ssyncadd.s32 $0xFFFFFFB0  }
0x69: {  	_ =	swait.ge [sflag:s25], $0x50  }
0x6a: {  	[sflag:s25] =	ssyncset.done $0x0  }
0x6b: {  	[sflag:s25] =	ssyncadd.s32 $0xFFFFFFB0  }
0x6c: {  	_ =	swait.ge [sflag:s25], $0x50  }
0x6d: {  	[sflag:s25] =	ssyncset.done $0x0  }
0x6e: {  	[sflag:s25] =	ssyncadd.s32 $0xFFFFFFB0  }
0x6f: {  	_ =	swait.ge [sflag:s25], $0x50  }
0x70: {  	[sflag:s25] =	ssyncset.done $0x0  }
0x71: {  	[sflag:s25] =	ssyncadd.s32 $0xFFFFFFB0  }
0x72: {  	_ =	swait.ge [sflag:s25], $0x50  }
0x73: {  	[sflag:s25] =	ssyncset.done $0x0  }
0x74: {  	[sflag:s25] =	ssyncadd.s32 $0xFFFFFFB0  }
0x75: {  	_ =	swait.ge [sflag:s25], $0x50  }
0x76: {  	[sflag:s25] =	ssyncset.done $0x0  }
0x77: {  	[sflag:s25] =	ssyncadd.s32 $0xFFFFFFB0  }
0x78: {  	_ =	swait.ge [sflag:s25], $0x50  }
0x79: {  	[sflag:s25] =	ssyncset.done $0x0  }
0x7a: {  	[sflag:s25] =	ssyncadd.s32 $0xFFFFFFB0  }
0x7b: {  	_ =	swait.ge [sflag:s25], $0x50  }
0x7c: {  	[sflag:s25] =	ssyncset.done $0x0  }
0x7d: {  	[sflag:s25] =	ssyncadd.s32 $0xFFFFFFB0  }
0x7e: {  	_ =	swait.ge [sflag:s25], $0x50  }
0x7f: {  	[sflag:s25] =	ssyncset.done $0x0  }
0x80: {  	[sflag:s25] =	ssyncadd.s32 $0xFFFFFFB0  }
0x81: {  	_ =	swait.ge [sflag:s25], $0x50  }
0x82: {  	[sflag:s25] =	ssyncset.done $0x0  }
0x83: {  	[sflag:s25] =	ssyncadd.s32 $0xFFFFFFB0  }
0x84: {  	_ =	swait.ge [sflag:s25], $0x50  }
0x85: {  	[sflag:s25] =	ssyncset.done $0x0  }
0x86: {  	[sflag:s25] =	ssyncadd.s32 $0xFFFFFFB0  }
0x87: {  	_ =	swait.ge [sflag:s25], $0x50  }
0x88: {  	[sflag:s25] =	ssyncset.done $0x0  }
0x89: {  	[sflag:s25] =	ssyncadd.s32 $0xFFFFFFB0  }
0x8a: {  	_ =	swait.ge [sflag:s25], $0x50  }
0x8b: {  	[sflag:s25] =	ssyncset.done $0x0  }
0x8c: {  	[sflag:s25] =	ssyncadd.s32 $0xFFFFFFB0  }
0x8d: {  	_ =	swait.ge [sflag:s25], $0x50  }
0x8e: {  	[sflag:s25] =	ssyncset.done $0x0  }
0x8f: {  	[sflag:s25] =	ssyncadd.s32 $0xFFFFFFB0  }
0x90: {  	_ =	swait.ge [sflag:s25], $0x50  }
0x91: {  	[sflag:s25] =	ssyncset.done $0x0  }
0x92: {  	[sflag:s25] =	ssyncadd.s32 $0xFFFFFFB0  }
0x93: {  	_ =	swait.ge [sflag:s25], $0x50  }
0x94: {  	[sflag:s25] =	ssyncset.done $0x0  }
0x95: {  	[sflag:s25] =	ssyncadd.s32 $0xFFFFFFB0  }
0x96: {  	_ =	swait.ge [sflag:s25], $0x50  }
0x97: {  	[sflag:s25] =	ssyncset.done $0x0  }
0x98: {  	[sflag:s25] =	ssyncadd.s32 $0xFFFFFFB0  }
0x99: {  	_ =	swait.ge [sflag:s25], $0x50  }
0x9a: {  	[sflag:s25] =	ssyncset.done $0x0  }
0x9b: {  	[sflag:s25] =	ssyncadd.s32 $0xFFFFFFB0  }
0x9c: {  	_ =	swait.ge [sflag:s25], $0x50  }
0x9d: {  	[sflag:s25] =	ssyncset.done $0x0  }
0x9e: {  	[sflag:s25] =	ssyncadd.s32 $0xFFFFFFB0  }
0x9f: {  	_ =	swait.ge [sflag:s25], $0x50  }
0xa0: {  	[sflag:s25] =	ssyncset.done $0x0  }
0xa1: {  	[sflag:s25] =	ssyncadd.s32 $0xFFFFFFB0  }
0xa2: {  	_ =	swait.ge [sflag:s25], $0x50  }
0xa3: {  	[sflag:s25] =	ssyncset.done $0x0  }
0xa4: {  	[sflag:s25] =	ssyncadd.s32 $0xFFFFFFB0  }
0xa5: {  	_ =	swait.ge [sflag:s25], $0x50  }
0xa6: {  	[sflag:s25] =	ssyncset.done $0x0  }
0xa7: {  	[sflag:s25] =	ssyncadd.s32 $0xFFFFFFB0  }
0xa8: {  	_ =	swait.ge [sflag:s25], $0x50  }
0xa9: {  	[sflag:s25] =	ssyncset.done $0x0  }
0xaa: {  	s4 =	sadd.s32 $0x1, s4;
	[sflag:s25] =	ssyncadd.s32 $0xFFFFFFB0  }
0xab: {  	p1 =	sne.s32 s4, $0xA;
	_ =	swait.ge [sflag:s25], $0x50  }
.Ltmp3:
0xac: {  	[sflag:s25] =	ssyncset.done $0x0;
	(pc) =	sbr.rel @p1 .LBB2_2-.Ltmp3, $4  }
0xad: {  	[sflag:s25] =	ssyncadd.s32 $0xFFFFFFB0  }
0xae: {  	_ =	swait.ge [sflag:s25], $0x50  }
0xaf: {  	[sflag:s25] =	ssyncset.done $0x0  }
0xb0: {  	[sflag:s25] =	ssyncadd.s32 $0xFFFFFFB0  }
0xb1: {  	[bflag:$0x0] =	sbarrier.arrive $0xFFFF;
	s4 =	simm.s32 $0x0;
	s9 =	simm.s32 $0x0  }
.LBB2_6:
0xb2: {  	s11 =	smul.u32 $0x280, s9;
	_ =	sdelay $0x1  }
0xb3: {  	s12 =	simm.s32 $0x6800;
	s11 =	sadd.s32 s11, s7  }
0xb4: {  	[tilespmem:s12], [sflag:$0x3] =	stream.linear.gather [spmem:s11], $0x280, $0x38;
	[tilespmem:$0x1FD00] =	vst v63  }
0xb5: {  	_ =	swait.ge [sflag:s21], $0x280  }
0xb6: {  	[sflag:s21] =	ssyncset.done $0x0  }
0xb7: {  	[sflag:s21] =	ssyncadd.s32 $0xFFFFFD80  }
0xb8: {  	s14 =	simm.s32 $0x10;
	s11 =	simm.s32 $0x0;
	v0 =	vld [tilespmem:s12+$0x0]  }
.LBB2_7:
0xb9: {  	p1 =	sne.s32 s14, $0x270;
	_ =	sdelay $0x3  }
0xba: {  	v1 =	vshra.s32 v0, $0x1  }
0xbb: {  	v1 =	vsub.s32 $0x5F3759DF, v1  }
0xbc: {  	v2 =	vmul.f32 v1, v0;
	_ =	sdelay $0x1  }
0xbd: {  	v2 =	vmul.f32 v1, v2;
	_ =	sdelay $0x1  }
0xbe: {  	v2 =	vmul.f32 $5.000000000e-01, v2;
	_ =	sdelay $0x1  }
0xbf: {  	v2 =	vsub.f32 $1.500000000e+00, v2;
	_ =	sdelay $0x1  }
0xc0: {  	v1 =	vmul.f32 v1, v2;
	_ =	sdelay $0x1  }
0xc1: {  	v2 =	vmul.f32 v1, v0;
	_ =	sdelay $0x1  }
0xc2: {  	v2 =	vmul.f32 v2, v1;
	_ =	sdelay $0x1  }
0xc3: {  	v2 =	vmul.f32 $5.000000000e-01, v2;
	_ =	sdelay $0x1  }
0xc4: {  	v2 =	vsub.f32 $1.500000000e+00, v2;
	_ =	sdelay $0x1  }
0xc5: {  	v1 =	vmul.f32 v2, v1;
	_ =	sdelay $0x1  }
0xc6: {  	v2 =	vmul.f32 v1, v0;
	_ =	sdelay $0x1  }
0xc7: {  	v2 =	vmul.f32 v2, v1;
	_ =	sdelay $0x1  }
0xc8: {  	v2 =	vmul.f32 $5.000000000e-01, v2;
	_ =	sdelay $0x1  }
0xc9: {  	v2 =	vsub.f32 $1.500000000e+00, v2;
	_ =	sdelay $0x1  }
.Ltmp4:
0xca: {  	s15 =	sadd.s32 s11, s4;
	v1 =	vmul.f32 v2, v1;
	(pc) =	sbr.rel @p1 .LBB2_7-.Ltmp4, $4  }
0xcb: {  	s17 =	sand.u32 $0x70, s11;
	s11 =	smov.u32 s14;
	s15 =	sand.u32 $0x7F80, s15;
	vm0 =	vgt.f32 v0, $0.0e+00  }
0xcc: {  	s15 =	sor.u32 s17, s15;
	v0 =	vnsel vm0, $0x0, v1  }
0xcd: {  	s12 =	sadd.s32 $0x10, s12;
	[tilespmem:s15+$0x4000] =	vst v0  }
0xce: {  	s14 =	sadd.s32 $0x10, s14;
	v0 =	vld [tilespmem:s12+$0x0]  }
0xcf: {  	_ =	sdelay $0x3  }
0xd0: {  	v1 =	vshra.s32 v0, $0x1  }
0xd1: {  	v1 =	vsub.s32 $0x5F3759DF, v1  }
0xd2: {  	v2 =	vmul.f32 v1, v0;
	_ =	sdelay $0x1  }
0xd3: {  	v2 =	vmul.f32 v1, v2;
	_ =	sdelay $0x1  }
0xd4: {  	v2 =	vmul.f32 $5.000000000e-01, v2;
	_ =	sdelay $0x1  }
0xd5: {  	v2 =	vsub.f32 $1.500000000e+00, v2;
	_ =	sdelay $0x1  }
0xd6: {  	v1 =	vmul.f32 v1, v2;
	_ =	sdelay $0x1  }
0xd7: {  	v2 =	vmul.f32 v1, v0;
	_ =	sdelay $0x1  }
0xd8: {  	v2 =	vmul.f32 v2, v1;
	_ =	sdelay $0x1  }
0xd9: {  	v2 =	vmul.f32 $5.000000000e-01, v2;
	_ =	sdelay $0x1  }
0xda: {  	v2 =	vsub.f32 $1.500000000e+00, v2;
	_ =	sdelay $0x1  }
0xdb: {  	v1 =	vmul.f32 v2, v1;
	_ =	sdelay $0x1  }
0xdc: {  	v2 =	vmul.f32 v1, v0;
	_ =	sdelay $0x1  }
0xdd: {  	v2 =	vmul.f32 v2, v1;
	_ =	sdelay $0x1  }
0xde: {  	v2 =	vmul.f32 $5.000000000e-01, v2  }
0xdf: {  	s9 =	sadd.s32 $0x1, s9  }
0xe0: {  	p1 =	sne.s32 s9, $0x10;
	v2 =	vsub.f32 $1.500000000e+00, v2  }
.Ltmp5:
0xe1: {  	_ = 	snop;
	(pc) =	sbr.rel @p1 .LBB2_6-.Ltmp5, $4  }
0xe2: {  	s12 =	sadd.s32 s11, s4;
	v1 =	vmul.f32 v2, v1  }
0xe3: {  	s20 =	sand.u32 $0x70, s11;
	s12 =	sand.u32 $0x7F80, s12;
	vm0 =	vgt.f32 v0, $0.0e+00  }
0xe4: {  	s11 =	sor.u32 s20, s12;
	v0 =	vnsel vm0, $0x0, v1  }
0xe5: {  	s4 =	sadd.s32 $0x280, s4;
	[tilespmem:s11+$0x4000] =	vst v0  }
0xe6: {  	s4 =	rddreg [dreg:$0xd]  }
0xe7: {  	s20 =	rddreg [dreg:$0xe];
	s9 =	sshrl.u32 s4, $0x3  }
0xe8: {  	[dreg:$0x11] =	wrdreg s9  }
0xe9: {  	[spmem:s9], [sflag:s18] =	dma.local [hbm:s20], $0x2800  }
.Ltmp6:
0xea: {  	_ =	swait.ge [sflag:s21], $0x2800;
	(pc) =	sbr.rel @p0 .LBB2_18-.Ltmp6, $4  }
0xeb: {  	[sflag:s21] =	ssyncset.done $0x0  }
0xec: {  	[sflag:s21] =	ssyncadd.s32 $0xFFFFD800  }
0xed: {  	[bflag:$0x0] =	sbarrier.arrive $0xFFFF  }
0xee: {  	s11 =	simm.s32 $0x0;
	s12 =	simm.s32 $0x0;
	s14 =	simm.s32 $0x0  }
.LBB2_10:
0xef: {  	s9 =	sshll.u32 s12, $0xC  }
0xf0: {  	s9 =	sadd.s32 s16, s9  }
0xf1: {  	s14 =	sshrl.u32 s9, $0x3  }
0xf2: {  	s9 =	sadd.s32 s3, s14  }
0xf3: {  	[tilespmem:s11], [sflag:$0x4] =	stream.linear.gather [hbm4b:s9+s11], $0xC80, $0x38;
	[tilespmem:$0x1FD00] =	vst v63  }
0xf4: {  	_ =	swait.ge [sflag:s26], $0xC80  }
0xf5: {  	[sflag:s26] =	ssyncset.done $0x0  }
0xf6: {  	s19 =	sadd.s32 s5, s14;
	[sflag:s26] =	ssyncadd.s32 $0xFFFFF380  }
0xf7: {  	[tilespmem:s22], [sflag:$0x4] =	stream.linear.gather [hbm4b:s19+s11], $0xC80, $0x38;
	[tilespmem:$0x1FD00] =	vst v63  }
0xf8: {  	_ =	swait.ge [sflag:s26], $0xC80  }
0xf9: {  	[sflag:s26] =	ssyncset.done $0x0  }
0xfa: {  	s20 =	sadd.s32 s10, s14;
	[sflag:s26] =	ssyncadd.s32 $0xFFFFF380  }
0xfb: {  	[tilespmem:s23], [sflag:$0x4] =	stream.linear.gather [hbm4b:s20+s11], $0xC80, $0x38;
	[tilespmem:$0x1FD00] =	vst v63  }
0xfc: {  	_ =	swait.ge [sflag:s26], $0xC80  }
0xfd: {  	[sflag:s26] =	ssyncset.done $0x0  }
0xfe: {  	s18 =	simm.s32 $0x0;
	[sflag:s26] =	ssyncadd.s32 $0xFFFFF380  }
0xff: {  	[tilespmem:s28], [sflag:$0x1] =	stream.indirect.gather [hbm4b:s0+s24], $0x80, s11, s24, $0xb8;
	[tilespmem:$0x1FD00] =	vst v63  }
.LBB2_11:
0x100: {  	p1 =	seq.s32 s18, $0x0  }
0x101: {  	p2 =	seq.s32 @!p1 s18, $0x18  }
0x102: {  	_ =	swait.ge [sflag:s29], $0x2800;
	p2 =	por p1, !p2  }
.Ltmp7:
0x103: {  	[sflag:s29] =	ssyncset.done $0x0;
	(pc) =	sbr.rel @!p2 .LBB2_13-.Ltmp7, $4  }
0x104: {  	s9 =	simm.s32 @!p1 $0x2;
	[sflag:s29] =	ssyncadd.s32 $0xFFFFD800  }
0x105: {  	_ =	swait.ge @!p1 [sflag:s9], $0x2800  }
0x106: {  	[sflag:s9] =	ssyncset.done @!p1 $0x0  }
0x107: {  	s17 =	sadd.s32 $0x1, s18;
	[sflag:s9] =	ssyncadd.s32 @!p1 $0xFFFFD800  }
0x108: {  	s9 =	sand.u32 $0x1, s17  }
0x109: {  	s15 =	sshll.u32 s17, $0x7;
	p1 =	seq.s32 s9, $0x1;
	s9 =	simm.s32 $0x9280  }
0x10a: {  	s15 =	sand.u32 $0x3FFFFF80, s15;
	s9 =	simm.s32 @!p1 $0x6A80  }
0x10b: {  	[tilespmem:s9], [sflag:$0x1] =	stream.indirect.gather [hbm4b:s0+s24], $0x80, s15, s24, $0xb8;
	[tilespmem:$0x1FD00] =	vst v63  }
.LBB2_13:
0x10c: {  	s9 =	sshll.u32 s18, $0x7  }
0x10d: {  	v0 =	vld [tilespmem:s9+$0x0];
	_ =	sdelay $0x1  }
0x10e: {  	v1 =	vld [tilespmem:s9+$0x1000];
	_ =	sdelay $0x4  }
0x10f: {  	v2 =	vld [tilespmem:s9+$0x2000]  }
0x110: {  	v3 =	vld.idx.msk [tilespmem:v0+s30+$0x0], $0xffff;
	_ =	sdelay $0x1  }
0x111: {  	v4 =	vld.idx.msk [tilespmem:v1+s30+$0x0], $0xffff  }
0x112: {  	vm0 =	veq.s32 v0, v1  }
0x113: {  	v0 =	vsel vm0, $0x0, v2;
	v1 =	vld [tilespmem:s9+$0x10]  }
0x114: {  	v0 =	vmul.f32 v0, v3  }
0x115: {  	v2 =	vld [tilespmem:s9+$0x1010]  }
0x116: {  	v0 =	vmul.f32 v4, v0;
	_ =	sdelay $0x1  }
0x117: {  	v0 =	vsub.f32 $0.0e+00, v0;
	_ =	sdelay $0x1  }
0x118: {  	[tilespmem:s9+$0x3000] =	vst v0;
	v0 =	vld [tilespmem:s9+$0x2010]  }
0x119: {  	v3 =	vld.idx.msk [tilespmem:v1+s30+$0x0], $0xffff;
	_ =	sdelay $0x1  }
0x11a: {  	v4 =	vld.idx.msk [tilespmem:v2+s30+$0x0], $0xffff  }
0x11b: {  	vm12 =	veq.s32 v1, v2  }
0x11c: {  	v1 =	vld [tilespmem:s9+$0x20];
	v0 =	vsel vm12, $0x0, v0  }
0x11d: {  	v0 =	vmul.f32 v0, v3  }
0x11e: {  	v2 =	vld [tilespmem:s9+$0x1020]  }
0x11f: {  	v0 =	vmul.f32 v4, v0;
	_ =	sdelay $0x1  }
0x120: {  	v0 =	vsub.f32 $0.0e+00, v0;
	_ =	sdelay $0x1  }
0x121: {  	[tilespmem:s9+$0x3010] =	vst v0;
	v0 =	vld [tilespmem:s9+$0x2020]  }
0x122: {  	v3 =	vld.idx.msk [tilespmem:v1+s30+$0x0], $0xffff;
	_ =	sdelay $0x1  }
0x123: {  	v4 =	vld.idx.msk [tilespmem:v2+s30+$0x0], $0xffff  }
0x124: {  	vm13 =	veq.s32 v1, v2  }
0x125: {  	v1 =	vld [tilespmem:s9+$0x30];
	v0 =	vsel vm13, $0x0, v0  }
0x126: {  	v0 =	vmul.f32 v0, v3  }
0x127: {  	v2 =	vld [tilespmem:s9+$0x1030]  }
0x128: {  	v0 =	vmul.f32 v4, v0;
	_ =	sdelay $0x1  }
0x129: {  	v0 =	vsub.f32 $0.0e+00, v0;
	_ =	sdelay $0x1  }
0x12a: {  	[tilespmem:s9+$0x3020] =	vst v0;
	v0 =	vld [tilespmem:s9+$0x2030]  }
0x12b: {  	v3 =	vld.idx.msk [tilespmem:v1+s30+$0x0], $0xffff;
	_ =	sdelay $0x1  }
0x12c: {  	v4 =	vld.idx.msk [tilespmem:v2+s30+$0x0], $0xffff  }
0x12d: {  	vm14 =	veq.s32 v1, v2  }
0x12e: {  	v1 =	vld [tilespmem:s9+$0x40];
	v0 =	vsel vm14, $0x0, v0  }
0x12f: {  	v0 =	vmul.f32 v0, v3  }
0x130: {  	v2 =	vld [tilespmem:s9+$0x1040]  }
0x131: {  	v0 =	vmul.f32 v4, v0;
	_ =	sdelay $0x1  }
0x132: {  	v0 =	vsub.f32 $0.0e+00, v0;
	_ =	sdelay $0x1  }
0x133: {  	[tilespmem:s9+$0x3030] =	vst v0;
	v0 =	vld [tilespmem:s9+$0x2040]  }
0x134: {  	v3 =	vld.idx.msk [tilespmem:v1+s30+$0x0], $0xffff;
	_ =	sdelay $0x1  }
0x135: {  	vm15 =	veq.s32 v1, v2;
	v1 =	vld.idx.msk [tilespmem:v2+s30+$0x0], $0xffff;
	_ =	sdelay $0x1  }
0x136: {  	v0 =	vsel vm15, $0x0, v0  }
0x137: {  	v2 =	vmul.f32 v0, v3  }
0x138: {  	s20 =	simm.s32 $0x1  }
0x139: {  	s15 =	simm.s32 $0x0;
	s4 =	simm.s32 $0x7;
	v4 =	vmov s20;
	v1 =	vmul.f32 v1, v2  }
0x13a: {  	s18 =	sand.u32 $0x1, s18;
	v5 =	vmov s4;
	v4 =	vand.u32 $0x79, v4;
	v3 =	vmov s15  }
0x13b: {  	p1 =	seq.s32 s18, $0x1;
	s20 =	simm.s32 $0x2800;
	v0 =	vmov s9;
	v3 =	vand.u32 $0x78, v3;
	v1 =	vsub.f32 $0.0e+00, v1  }
0x13c: {  	v5 =	vand.u32 $0x7F, v5;
	s20 =	simm.s32 @!p1 $0x0;
	v4 =	vor.u32 v0, v4;
	v3 =	vor.u32 v0, v3  }
0x13d: {  	s18 =	sadd.s32 $0x6C80, s20;
	v2 =	vbroadcast v4, $0x0;
	v4 =	vor.u32 v0, v5;
	v3 =	vbroadcast v3, $0x0;
	[tilespmem:s9+$0x3040] =	vst v1  }
0x13e: {  	v4 =	vbroadcast v4, $0x0;
	v5 =	vld [tilespmem:s18+$0xFFFFFE10]  }
0x13f: {  	v6 =	vld [tilespmem:s18+$0xFFFFFE20]  }
0x140: {  	v7 =	vld [tilespmem:s18+$0xFFFFFE30]  }
0x141: {  	v8 =	vld [tilespmem:s18+$0xFFFFFE40]  }
0x142: {  	v9 =	vld [tilespmem:s18+$0xFFFFFE50]  }
0x143: {  	v3 =	vld.idx.msk [tilespmem:v3+s31+$0x0], $0xffff  }
0x144: {  	v1 =	vld.idx.msk [tilespmem:v4+s31+$0x0], $0xffff  }
0x145: {  	v4 =	vld [tilespmem:s18+$0xFFFFFE00]  }
0x146: {  	v12 =	vld [tilespmem:s18+$0x1F0]  }
0x147: {  	v10 =	vld [tilespmem:s18+$0xFFFFFE60]  }
0x148: {  	v13 =	vld [tilespmem:s18+$0xFFFFFE80]  }
0x149: {  	v14 =	vld [tilespmem:s18+$0xFFFFFE90]  }
0x14a: {  	v2 =	vld.idx.msk [tilespmem:v2+s31+$0x0], $0xffff;
	v4 =	vmul.f32 v4, v3  }
0x14b: {  	v15 =	vld [tilespmem:s18+$0xFFFFFEA0];
	v12 =	vmul.f32 v12, v1  }
0x14c: {  	s19 =	simm.s32 $0x2;
	v16 =	vld [tilespmem:s18+$0xFFFFFEB0];
	v5 =	vmul.f32 v5, v3;
	[tilespmem:s18+$0xFFFFFE00] =	vst v4  }
0x14d: {  	v11 =	vmov s19;
	v17 =	vld [tilespmem:s18+$0xFFFFFEC0];
	v6 =	vmul.f32 v6, v3;
	[tilespmem:s18+$0x1F0] =	vst v12  }
0x14e: {  	v7 =	vmul.f32 v7, v3;
	v4 =	vand.u32 $0x7A, v11;
	v11 =	vld [tilespmem:s18+$0xFFFFFE70];
	[tilespmem:s18+$0xFFFFFE10] =	vst v5  }
0x14f: {  	v12 =	vmul.f32 v13, v2;
	v13 =	vld [tilespmem:s18+$0xFFFFFED0];
	[tilespmem:s18+$0xFFFFFE20] =	vst v6;
	v4 =	vor.u32 v0, v4  }
0x150: {  	v5 =	vld [tilespmem:s18+$0xFFFFFEE0];
	v6 =	vmul.f32 v8, v3;
	[tilespmem:s18+$0xFFFFFE30] =	vst v7;
	v4 =	vbroadcast v4, $0x0  }
0x151: {  	v8 =	vld [tilespmem:s18+$0xFFFFFEF0];
	v7 =	vmul.f32 v9, v3;
	[tilespmem:s18+$0xFFFFFE80] =	vst v12  }
0x152: {  	s4 =	simm.s32 $0x3;
	v9 =	vld [tilespmem:s18+$0xFFFFFF00];
	[tilespmem:s18+$0xFFFFFE40] =	vst v6;
	v6 =	vmul.f32 v10, v3  }
0x153: {  	v12 =	vmov s4;
	v10 =	vld [tilespmem:s18+$0xFFFFFF10];
	[tilespmem:s18+$0xFFFFFE50] =	vst v7  }
0x154: {  	v7 =	vld [tilespmem:s18+$0xFFFFFF20];
	v12 =	vand.u32 $0x7B, v12;
	[tilespmem:s18+$0xFFFFFE60] =	vst v6;
	v6 =	vmul.f32 v14, v2  }
0x155: {  	v17 =	vmul.f32 v17, v2;
	v12 =	vor.u32 v0, v12;
	v14 =	vld [tilespmem:s18+$0xFFFFFF40];
	v3 =	vmul.f32 v11, v3  }
0x156: {  	v12 =	vbroadcast v12, $0x0;
	v13 =	vmul.f32 v13, v2;
	[tilespmem:s18+$0xFFFFFE90] =	vst v6;
	v4 =	vld.idx.msk [tilespmem:v4+s31+$0x0], $0xffff  }
0x157: {  	v11 =	vld [tilespmem:s18+$0xFFFFFF30];
	v5 =	vmul.f32 v5, v2;
	[tilespmem:s18+$0xFFFFFE70] =	vst v3;
	v3 =	vmul.f32 v15, v2  }
0x158: {  	v15 =	vmul.f32 v16, v2;
	[tilespmem:s18+$0xFFFFFED0] =	vst v13;
	v2 =	vmul.f32 v8, v2;
	v8 =	vld [tilespmem:s18+$0xFFFFFF90]  }
0x159: {  	[tilespmem:s18+$0xFFFFFEE0] =	vst v5;
	v13 =	vld [tilespmem:s18+$0xFFFFFFD0]  }
0x15a: {  	[tilespmem:s18+$0xFFFFFEA0] =	vst v3;
	v3 =	vld [tilespmem:s18+$0xFFFFFF60]  }
0x15b: {  	[tilespmem:s18+$0xFFFFFEB0] =	vst v15;
	v15 =	vld [tilespmem:s18+$0xFFFFFF70];
	v6 =	vmul.f32 v9, v4  }
0x15c: {  	s19 =	simm.s32 $0x4;
	[tilespmem:s18+$0xFFFFFEF0] =	vst v2;
	v12 =	vld.idx.msk [tilespmem:v12+s31+$0x0], $0xffff;
	v5 =	vmul.f32 v10, v4  }
0x15d: {  	v16 =	vmov s19;
	v9 =	vld [tilespmem:s18+$0xFFFFFF50];
	v2 =	vmul.f32 v7, v4;
	[tilespmem:s18+$0xFFFFFF00] =	vst v6  }
0x15e: {  	v10 =	vld [tilespmem:s18+$0xFFFFFFA0];
	v14 =	vmul.f32 v14, v4;
	v6 =	vand.u32 $0x7C, v16;
	[tilespmem:s18+$0xFFFFFF10] =	vst v5  }
0x15f: {  	v7 =	vld [tilespmem:s18+$0xFFFFFFB0];
	v3 =	vmul.f32 v3, v4;
	[tilespmem:s18+$0xFFFFFF20] =	vst v2;
	v6 =	vor.u32 v0, v6  }
0x160: {  	v16 =	vld [tilespmem:s18+$0xFFFFFF80];
	v5 =	vmul.f32 v11, v4;
	[tilespmem:s18+$0xFFFFFF40] =	vst v14;
	v6 =	vbroadcast v6, $0x0  }
0x161: {  	v11 =	vld [tilespmem:s18+$0xFFFFFFC0];
	[tilespmem:s18+$0xFFFFFF60] =	vst v3;
	v3 =	vmul.f32 v8, v12  }
0x162: {  	v14 =	vld [tilespmem:s18+$0xFFFFFFF0];
	v13 =	vmul.f32 v13, v12;
	[tilespmem:s18+$0xFFFFFF30] =	vst v5  }
0x163: {  	v8 =	vld [tilespmem:s18+$0x10];
	v9 =	vmul.f32 v9, v4;
	[tilespmem:s18+$0xFFFFFF90] =	vst v3  }
0x164: {  	v5 =	vld [tilespmem:s18+$0xFFFFFFE0];
	v4 =	vmul.f32 v15, v4;
	[tilespmem:s18+$0xFFFFFFD0] =	vst v13  }
0x165: {  	s4 =	simm.s32 $0x5;
	v2 =	vmul.f32 v16, v12;
	[tilespmem:s18+$0xFFFFFF50] =	vst v9;
	v9 =	vld [tilespmem:s18+$0x0]  }
0x166: {  	v16 =	vmov s4;
	[tilespmem:s18+$0xFFFFFF70] =	vst v4;
	v4 =	vmul.f32 v10, v12;
	v6 =	vld.idx.msk [tilespmem:v6+s31+$0x0], $0xffff  }
0x167: {  	v3 =	vmul.f32 v7, v12;
	v7 =	vld [tilespmem:s18+$0x30];
	[tilespmem:s18+$0xFFFFFF80] =	vst v2;
	v2 =	vand.u32 $0x7D, v16  }
0x168: {  	v13 =	vld [tilespmem:s18+$0x70];
	[tilespmem:s18+$0xFFFFFFA0] =	vst v4;
	v4 =	vmul.f32 v11, v12;
	v2 =	vor.u32 v0, v2  }
0x169: {  	v10 =	vld [tilespmem:s18+$0x20];
	[tilespmem:s18+$0xFFFFFFB0] =	vst v3;
	v5 =	vmul.f32 v5, v12;
	v2 =	vbroadcast v2, $0x0  }
0x16a: {  	v11 =	vld [tilespmem:s18+$0x40];
	v12 =	vmul.f32 v14, v12;
	[tilespmem:s18+$0xFFFFFFC0] =	vst v4  }
0x16b: {  	s19 =	simm.s32 $0x6;
	v4 =	vld [tilespmem:s18+$0x60];
	[tilespmem:s18+$0xFFFFFFE0] =	vst v5;
	v3 =	vmul.f32 v9, v6  }
0x16c: {  	v15 =	vmov s19;
	[tilespmem:s18+$0xFFFFFFF0] =	vst v12;
	v12 =	vld [tilespmem:s18+$0x90]  }
0x16d: {  	v9 =	vld [tilespmem:s18+$0x50];
	v5 =	vmul.f32 v8, v6;
	[tilespmem:s18+$0x0] =	vst v3;
	v3 =	vand.u32 $0x7E, v15  }
0x16e: {  	v8 =	vld [tilespmem:s18+$0x80];
	v10 =	vmul.f32 v10, v6;
	v3 =	vor.u32 v0, v3  }
0x16f: {  	v2 =	vld.idx.msk [tilespmem:v2+s31+$0x0], $0xffff;
	[tilespmem:s18+$0x10] =	vst v5;
	v5 =	vmul.f32 v7, v6;
	v3 =	vbroadcast v3, $0x0  }
0x170: {  	v7 =	vld [tilespmem:s18+$0xA0];
	[tilespmem:s18+$0x20] =	vst v10;
	v10 =	vmul.f32 v11, v6  }
0x171: {  	v4 =	vmul.f32 v4, v6;
	v11 =	vld [tilespmem:s18+$0xB0];
	[tilespmem:s18+$0x30] =	vst v5  }
0x172: {  	[tilespmem:s18+$0x40] =	vst v10;
	v10 =	vld [tilespmem:s18+$0xD0];
	v5 =	vmul.f32 v9, v6  }
0x173: {  	[tilespmem:s18+$0x60] =	vst v4;
	v9 =	vld [tilespmem:s18+$0xC0]  }
0x174: {  	[tilespmem:s18+$0x50] =	vst v5;
	v5 =	vld [tilespmem:s18+$0xE0];
	v4 =	vmul.f32 v12, v2  }
0x175: {  	[tilespmem:s18+$0xFFFFFEC0] =	vst v17;
	v16 =	vld.idx.msk [tilespmem:v3+s31+$0x0], $0xffff;
	v3 =	vmul.f32 v13, v6  }
0x176: {  	s19 =	simm.s32 $0x9;
	v8 =	vmul.f32 v8, v2;
	[tilespmem:s18+$0x90] =	vst v4;
	v4 =	vmul.f32 v11, v2;
	v11 =	vld [tilespmem:s18+$0x110]  }
0x177: {  	v12 =	vmov s19;
	s19 =	simm.s32 $0xB;
	v6 =	vld [tilespmem:s18+$0xF0];
	[tilespmem:s18+$0x70] =	vst v3;
	v3 =	vmul.f32 v7, v2  }
0x178: {  	s4 =	simm.s32 $0x8;
	v14 =	vmov s19;
	s19 =	simm.s32 $0xC;
	[tilespmem:s18+$0x80] =	vst v8;
	v7 =	vld [tilespmem:s18+$0x100]  }
0x179: {  	v8 =	vmov s4;
	s4 =	simm.s32 $0xA;
	v15 =	vmov s19;
	[tilespmem:s18+$0xA0] =	vst v3;
	v3 =	vmul.f32 v9, v2  }
0x17a: {  	v8 =	vand.u32 $0x78, v8;
	v13 =	vmov s4;
	s4 =	simm.s32 $0xD;
	[tilespmem:s18+$0xB0] =	vst v4;
	v4 =	vmul.f32 v10, v2;
	v9 =	vld [tilespmem:s18+$0x120]  }
0x17b: {  	s19 =	simm.s32 $0xE;
	v10 =	vld [tilespmem:s18+$0x130];
	v17 =	vmov s4;
	v11 =	vmul.f32 v11, v16;
	[tilespmem:s18+$0xC0] =	vst v3;
	v3 =	vmul.f32 v5, v2  }
0x17c: {  	v18 =	vld [tilespmem:s18+$0x140];
	[tilespmem:s18+$0xD0] =	vst v4;
	v5 =	vor.u32 v0, v8;
	v2 =	vmul.f32 v6, v2;
	v6 =	vmov s19  }
0x17d: {  	v8 =	vand.u32 $0x79, v12;
	v12 =	vand.u32 $0x7A, v13;
	v4 =	vmul.f32 v7, v16;
	v7 =	vld [tilespmem:s18+$0x150];
	[tilespmem:s18+$0x110] =	vst v11  }
0x17e: {  	v19 =	vld [tilespmem:s18+$0x160];
	v13 =	vand.u32 $0x7B, v14;
	v14 =	vand.u32 $0x7C, v15;
	v15 =	vand.u32 $0x7E, v6;
	[tilespmem:s18+$0xF0] =	vst v2  }
0x17f: {  	v8 =	vor.u32 v0, v8;
	v2 =	vand.u32 $0x7D, v17;
	v17 =	vld [tilespmem:s18+$0x170];
	[tilespmem:s18+$0x100] =	vst v4;
	v4 =	vmul.f32 v9, v16  }
0x180: {  	v11 =	vor.u32 v0, v13;
	[tilespmem:s18+$0xE0] =	vst v3;
	v3 =	vbroadcast v5, $0x0;
	v5 =	vld [tilespmem:s18+$0x180];
	v9 =	vmul.f32 v10, v16  }
0x181: {  	v6 =	vld [tilespmem:s18+$0x190];
	v11 =	vbroadcast v11, $0x0;
	v10 =	vor.u32 v0, v12;
	v12 =	vmul.f32 v18, v16;
	[tilespmem:s18+$0x120] =	vst v4  }
0x182: {  	v4 =	vbroadcast v8, $0x0;
	[tilespmem:s18+$0x130] =	vst v9;
	v18 =	vmul.f32 v7, v16;
	v7 =	vld [tilespmem:s18+$0x1A0]  }
0x183: {  	s20 =	sadd.s32 $0x6A80, s20;
	v13 =	vor.u32 v0, v14;
	v9 =	vbroadcast v10, $0x0;
	[tilespmem:s18+$0x140] =	vst v12;
	v12 =	vmul.f32 v19, v16;
	v8 =	vld [tilespmem:s18+$0x1B0]  }
0x184: {  	s15 =	simm.s32 $0xF;
	s19 =	sadd.s32 $0x1000, s9;
	s9 =	simm.s32 $0x10;
	v15 =	vor.u32 v0, v15;
	v14 =	vor.u32 v0, v2;
	v10 =	vld [tilespmem:s18+$0x1C0];
	v16 =	vmul.f32 v17, v16;
	[tilespmem:s18+$0x150] =	vst v18  }
.LBB2_14:
0x185: {  	p1 =	slt.u32 s9, $0x48;
	v2 =	vbroadcast v13, $0x0;
	v13 =	vmov s15;
	[tilespmem:s18+$0x160] =	vst v12;
	v5 =	vmul.f32 v5, v1;
	v12 =	vld [tilespmem:s18+$0x1D0]  }
0x186: {  	v14 =	vbroadcast v14, $0x0;
	v13 =	vand.u32 $0x7F, v13;
	[tilespmem:s18+$0x170] =	vst v16;
	v6 =	vmul.f32 v6, v1;
	v16 =	vld [tilespmem:s18+$0x1E0]  }
0x187: {  	v15 =	vbroadcast v15, $0x0;
	v17 =	vld.idx.msk [tilespmem:v3+s31+$0x0], $0xffff;
	v3 =	vor.u32 v0, v13;
	[tilespmem:s18+$0x180] =	vst v5;
	v5 =	vmul.f32 v7, v1  }
0x188: {  	v7 =	vld.idx.msk [tilespmem:v4+s31+$0x0], $0xffff;
	v13 =	vbroadcast v3, $0x0;
	[tilespmem:s18+$0x190] =	vst v6;
	v3 =	vmul.f32 v8, v1  }
0x189: {  	v6 =	vld.idx.msk [tilespmem:v9+s31+$0x0], $0xffff;
	[tilespmem:s18+$0x1A0] =	vst v5;
	v8 =	vmul.f32 v10, v1  }
0x18a: {  	v5 =	vld.idx.msk [tilespmem:v11+s31+$0x0], $0xffff;
	[tilespmem:s18+$0x1B0] =	vst v3;
	v9 =	vmul.f32 v12, v1  }
0x18b: {  	v4 =	vld.idx.msk [tilespmem:v2+s31+$0x0], $0xffff;
	[tilespmem:s18+$0x1C0] =	vst v8;
	v1 =	vmul.f32 v16, v1  }
0x18c: {  	v3 =	vld.idx.msk [tilespmem:v14+s31+$0x0], $0xffff;
	[tilespmem:s18+$0x1D0] =	vst v9  }
0x18d: {  	v2 =	vld.idx.msk [tilespmem:v15+s31+$0x0], $0xffff;
	[tilespmem:s18+$0x1E0] =	vst v1  }
0x18e: {  	s18 =	sadd.s32 $0x400, s18;
	v1 =	vld.idx.msk [tilespmem:v13+s31+$0x0], $0xffff  }
0x18f: {  	v8 =	vld [tilespmem:s18+$0x1F0]  }
0x190: {  	v9 =	vld [tilespmem:s18+$0xFFFFFE00]  }
0x191: {  	v10 =	vld [tilespmem:s18+$0xFFFFFE10]  }
0x192: {  	v11 =	vld [tilespmem:s18+$0xFFFFFE20]  }
0x193: {  	v12 =	vld [tilespmem:s18+$0xFFFFFE30]  }
0x194: {  	v13 =	vld [tilespmem:s18+$0xFFFFFE40];
	v8 =	vmul.f32 v8, v1  }
0x195: {  	v9 =	vmul.f32 v9, v17;
	v14 =	vld [tilespmem:s18+$0xFFFFFE50]  }
0x196: {  	v10 =	vmul.f32 v10, v17;
	v15 =	vld [tilespmem:s18+$0xFFFFFE60];
	[tilespmem:s18+$0x1F0] =	vst v8  }
0x197: {  	[tilespmem:s18+$0xFFFFFE00] =	vst v9;
	v8 =	vmul.f32 v11, v17;
	v9 =	vld [tilespmem:s18+$0xFFFFFE70]  }
0x198: {  	[tilespmem:s18+$0xFFFFFE10] =	vst v10;
	v10 =	vmul.f32 v12, v17;
	v11 =	vld [tilespmem:s18+$0xFFFFFE80]  }
0x199: {  	[tilespmem:s18+$0xFFFFFE20] =	vst v8;
	v8 =	vmul.f32 v13, v17;
	v12 =	vld [tilespmem:s18+$0xFFFFFE90]  }
0x19a: {  	[tilespmem:s18+$0xFFFFFE30] =	vst v10;
	v10 =	vmul.f32 v14, v17;
	v13 =	vld [tilespmem:s18+$0xFFFFFEA0]  }
0x19b: {  	[tilespmem:s18+$0xFFFFFE40] =	vst v8;
	v8 =	vmul.f32 v15, v17;
	v14 =	vld [tilespmem:s18+$0xFFFFFEB0]  }
0x19c: {  	[tilespmem:s18+$0xFFFFFE50] =	vst v10;
	v9 =	vmul.f32 v9, v17;
	v10 =	vld [tilespmem:s18+$0xFFFFFEC0]  }
0x19d: {  	[tilespmem:s18+$0xFFFFFE60] =	vst v8;
	v8 =	vmul.f32 v11, v7;
	v11 =	vld [tilespmem:s18+$0xFFFFFED0]  }
0x19e: {  	[tilespmem:s18+$0xFFFFFE70] =	vst v9;
	v9 =	vmul.f32 v12, v7;
	v12 =	vld [tilespmem:s18+$0xFFFFFEE0]  }
0x19f: {  	[tilespmem:s18+$0xFFFFFE80] =	vst v8;
	v8 =	vmul.f32 v13, v7;
	v13 =	vld [tilespmem:s18+$0xFFFFFEF0]  }
0x1a0: {  	[tilespmem:s18+$0xFFFFFE90] =	vst v9;
	v9 =	vmul.f32 v14, v7;
	v14 =	vld [tilespmem:s18+$0xFFFFFF00]  }
0x1a1: {  	[tilespmem:s18+$0xFFFFFEA0] =	vst v8;
	v8 =	vmul.f32 v10, v7;
	v10 =	vld [tilespmem:s18+$0xFFFFFF10]  }
0x1a2: {  	[tilespmem:s18+$0xFFFFFEB0] =	vst v9;
	v9 =	vmul.f32 v11, v7;
	v11 =	vld [tilespmem:s18+$0xFFFFFF20]  }
0x1a3: {  	[tilespmem:s18+$0xFFFFFEC0] =	vst v8;
	v8 =	vmul.f32 v12, v7;
	v12 =	vld [tilespmem:s18+$0xFFFFFF30]  }
0x1a4: {  	[tilespmem:s18+$0xFFFFFED0] =	vst v9;
	v7 =	vmul.f32 v13, v7;
	v9 =	vld [tilespmem:s18+$0xFFFFFF40]  }
0x1a5: {  	[tilespmem:s18+$0xFFFFFEE0] =	vst v8;
	v8 =	vmul.f32 v14, v6;
	v13 =	vld [tilespmem:s18+$0xFFFFFF50]  }
0x1a6: {  	[tilespmem:s18+$0xFFFFFEF0] =	vst v7;
	v7 =	vmul.f32 v10, v6;
	v10 =	vld [tilespmem:s18+$0xFFFFFF60]  }
0x1a7: {  	[tilespmem:s18+$0xFFFFFF00] =	vst v8;
	v8 =	vmul.f32 v11, v6;
	v11 =	vld [tilespmem:s18+$0xFFFFFF70]  }
0x1a8: {  	[tilespmem:s18+$0xFFFFFF10] =	vst v7;
	v7 =	vmul.f32 v12, v6;
	v12 =	vld [tilespmem:s18+$0xFFFFFF80]  }
0x1a9: {  	[tilespmem:s18+$0xFFFFFF20] =	vst v8;
	v8 =	vmul.f32 v9, v6;
	v9 =	vld [tilespmem:s18+$0xFFFFFF90]  }
0x1aa: {  	[tilespmem:s18+$0xFFFFFF30] =	vst v7;
	v7 =	vmul.f32 v13, v6;
	v13 =	vld [tilespmem:s18+$0xFFFFFFA0]  }
0x1ab: {  	[tilespmem:s18+$0xFFFFFF40] =	vst v8;
	v8 =	vmul.f32 v10, v6;
	v10 =	vld [tilespmem:s18+$0xFFFFFFB0]  }
0x1ac: {  	[tilespmem:s18+$0xFFFFFF50] =	vst v7;
	v6 =	vmul.f32 v11, v6;
	v7 =	vld [tilespmem:s18+$0xFFFFFFC0]  }
0x1ad: {  	[tilespmem:s18+$0xFFFFFF60] =	vst v8;
	v8 =	vmul.f32 v12, v5;
	v11 =	vld [tilespmem:s18+$0xFFFFFFD0]  }
0x1ae: {  	[tilespmem:s18+$0xFFFFFF70] =	vst v6;
	v6 =	vmul.f32 v9, v5;
	v9 =	vld [tilespmem:s18+$0xFFFFFFE0]  }
0x1af: {  	[tilespmem:s18+$0xFFFFFF80] =	vst v8;
	v8 =	vmul.f32 v13, v5;
	v12 =	vld [tilespmem:s18+$0xFFFFFFF0]  }
0x1b0: {  	[tilespmem:s18+$0xFFFFFF90] =	vst v6;
	v6 =	vmul.f32 v10, v5;
	v10 =	vld [tilespmem:s18+$0x0]  }
0x1b1: {  	[tilespmem:s18+$0xFFFFFFA0] =	vst v8;
	v7 =	vmul.f32 v7, v5;
	v8 =	vld [tilespmem:s18+$0x10]  }
0x1b2: {  	[tilespmem:s18+$0xFFFFFFB0] =	vst v6;
	v6 =	vmul.f32 v11, v5;
	v11 =	vld [tilespmem:s18+$0x20]  }
0x1b3: {  	[tilespmem:s18+$0xFFFFFFC0] =	vst v7;
	v7 =	vmul.f32 v9, v5;
	v9 =	vld [tilespmem:s18+$0x30]  }
0x1b4: {  	[tilespmem:s18+$0xFFFFFFD0] =	vst v6;
	v5 =	vmul.f32 v12, v5;
	v6 =	vld [tilespmem:s18+$0x40]  }
0x1b5: {  	[tilespmem:s18+$0xFFFFFFE0] =	vst v7;
	v7 =	vmul.f32 v10, v4;
	v10 =	vld [tilespmem:s18+$0x50]  }
0x1b6: {  	[tilespmem:s18+$0xFFFFFFF0] =	vst v5;
	v5 =	vmul.f32 v8, v4;
	v8 =	vld [tilespmem:s18+$0x60]  }
0x1b7: {  	[tilespmem:s18+$0x0] =	vst v7;
	v7 =	vmul.f32 v11, v4;
	v11 =	vld [tilespmem:s18+$0x70]  }
0x1b8: {  	[tilespmem:s18+$0x10] =	vst v5;
	v5 =	vmul.f32 v9, v4;
	v9 =	vld [tilespmem:s18+$0x80]  }
0x1b9: {  	[tilespmem:s18+$0x20] =	vst v7;
	v6 =	vmul.f32 v6, v4;
	v7 =	vld [tilespmem:s18+$0x90]  }
0x1ba: {  	[tilespmem:s18+$0x30] =	vst v5;
	v5 =	vmul.f32 v10, v4;
	v10 =	vld [tilespmem:s18+$0xA0]  }
0x1bb: {  	[tilespmem:s18+$0x40] =	vst v6;
	v6 =	vmul.f32 v8, v4;
	v8 =	vld [tilespmem:s18+$0xB0]  }
0x1bc: {  	[tilespmem:s18+$0x50] =	vst v5;
	v4 =	vmul.f32 v11, v4;
	v5 =	vld [tilespmem:s18+$0xC0]  }
0x1bd: {  	[tilespmem:s18+$0x60] =	vst v6;
	v6 =	vmul.f32 v9, v3;
	v9 =	vld [tilespmem:s18+$0xD0]  }
0x1be: {  	[tilespmem:s18+$0x70] =	vst v4;
	v4 =	vmul.f32 v7, v3;
	v7 =	vld [tilespmem:s18+$0xE0]  }
0x1bf: {  	[tilespmem:s18+$0x80] =	vst v6;
	v6 =	vmul.f32 v10, v3;
	v10 =	vld [tilespmem:s18+$0xF0]  }
0x1c0: {  	s15 =	sadd.s32 $0x1, s9;
	v11 =	vmov s9;
	[tilespmem:s18+$0x90] =	vst v4;
	v4 =	vmul.f32 v8, v3;
	v8 =	vld [tilespmem:s18+$0x100]  }
0x1c1: {  	s4 =	sadd.s32 $0x3, s9;
	v12 =	vmov s15;
	s15 =	sadd.s32 $0x2, s9;
	v11 =	vand.u32 $0x78, v11;
	[tilespmem:s18+$0xA0] =	vst v6;
	v5 =	vmul.f32 v5, v3;
	v6 =	vld [tilespmem:s18+$0x110]  }
0x1c2: {  	v14 =	vmov s4;
	s4 =	sadd.s32 $0x4, s9;
	v13 =	vmov s15;
	s15 =	sadd.s32 $0x5, s9;
	[tilespmem:s18+$0xB0] =	vst v4;
	v4 =	vmul.f32 v9, v3;
	v9 =	vld [tilespmem:s18+$0x120]  }
0x1c3: {  	v15 =	vmov s4;
	s4 =	sadd.s32 $0x6, s9;
	v16 =	vmov s15;
	[tilespmem:s18+$0xC0] =	vst v5;
	v5 =	vmul.f32 v7, v3;
	v7 =	vld [tilespmem:s18+$0x130]  }
0x1c4: {  	v17 =	vmov s4;
	v11 =	vor.u32 v0, v11;
	[tilespmem:s18+$0xD0] =	vst v4;
	v3 =	vmul.f32 v10, v3;
	v4 =	vld [tilespmem:s18+$0x140]  }
0x1c5: {  	v10 =	vand.u32 $0x79, v12;
	v12 =	vand.u32 $0x7A, v13;
	[tilespmem:s18+$0xE0] =	vst v5;
	v5 =	vmul.f32 v8, v2;
	v8 =	vld [tilespmem:s18+$0x150]  }
0x1c6: {  	v13 =	vand.u32 $0x7B, v14;
	v14 =	vand.u32 $0x7C, v15;
	[tilespmem:s18+$0xF0] =	vst v3;
	v6 =	vmul.f32 v6, v2;
	v15 =	vld [tilespmem:s18+$0x160]  }
0x1c7: {  	v17 =	vand.u32 $0x7E, v17;
	v16 =	vand.u32 $0x7D, v16;
	[tilespmem:s18+$0x100] =	vst v5;
	v9 =	vmul.f32 v9, v2;
	v18 =	vld [tilespmem:s18+$0x170]  }
.Ltmp8:
0x1c8: {  	v10 =	vor.u32 v0, v10;
	v3 =	vbroadcast v11, $0x0;
	[tilespmem:s18+$0x110] =	vst v6;
	v7 =	vmul.f32 v7, v2;
	v5 =	vld [tilespmem:s18+$0x180];
	(pc) =	sbr.rel @p1 .LBB2_14-.Ltmp8, $4  }
0x1c9: {  	v19 =	vor.u32 v0, v13;
	v11 =	vor.u32 v0, v12;
	[tilespmem:s18+$0x120] =	vst v9;
	v12 =	vmul.f32 v4, v2;
	v6 =	vld [tilespmem:s18+$0x190]  }
0x1ca: {  	v13 =	vor.u32 v0, v14;
	v4 =	vbroadcast v10, $0x0;
	[tilespmem:s18+$0x130] =	vst v7;
	v10 =	vmul.f32 v8, v2;
	v7 =	vld [tilespmem:s18+$0x1A0]  }
0x1cb: {  	v14 =	vor.u32 v0, v16;
	v9 =	vbroadcast v11, $0x0;
	[tilespmem:s18+$0x140] =	vst v12;
	v12 =	vmul.f32 v15, v2;
	v8 =	vld [tilespmem:s18+$0x1B0]  }
0x1cc: {  	s15 =	sadd.s32 $0x7, s9;
	s9 =	sadd.s32 $0x8, s9;
	v11 =	vbroadcast v19, $0x0;
	v15 =	vor.u32 v0, v17;
	[tilespmem:s18+$0x150] =	vst v10;
	v16 =	vmul.f32 v18, v2;
	v10 =	vld [tilespmem:s18+$0x1C0]  }
0x1cd: {  	_ =	sdelay $0x1  }
0x1ce: {  	v17 =	vld [tilespmem:s18+$0x1D0]  }
0x1cf: {  	v18 =	vld [tilespmem:s18+$0x1E0]  }
0x1d0: {  	v36 =	vld.idx.msk [tilespmem:v3+s31+$0x0], $0xffff  }
0x1d1: {  	v19 =	vld.idx.msk [tilespmem:v4+s31+$0x0], $0xffff  }
0x1d2: {  	v9 =	vld.idx.msk [tilespmem:v9+s31+$0x0], $0xffff  }
0x1d3: {  	s9 =	sadd.s32 $0x400, s18;
	v11 =	vld.idx.msk [tilespmem:v11+s31+$0x0], $0xffff  }
0x1d4: {  	v38 =	vld [tilespmem:s9+$0x1F0]  }
0x1d5: {  	v40 =	vld [tilespmem:s9+$0xFFFFFE00]  }
0x1d6: {  	[tilespmem:s18+$0x160] =	vst v12;
	v5 =	vmul.f32 v5, v1;
	v42 =	vld [tilespmem:s9+$0xFFFFFE10]  }
0x1d7: {  	[tilespmem:s18+$0x170] =	vst v16;
	v6 =	vmul.f32 v6, v1;
	v44 =	vld [tilespmem:s9+$0xFFFFFE20]  }
0x1d8: {  	v46 =	vld [tilespmem:s9+$0xFFFFFE30];
	[tilespmem:s18+$0x180] =	vst v5;
	v37 =	vmul.f32 v7, v1  }
0x1d9: {  	v47 =	vld [tilespmem:s9+$0xFFFFFE40];
	[tilespmem:s18+$0x190] =	vst v6;
	v39 =	vmul.f32 v8, v1  }
0x1da: {  	v49 =	vld [tilespmem:s9+$0xFFFFFE50];
	[tilespmem:s18+$0x1A0] =	vst v37;
	v41 =	vmul.f32 v10, v1  }
0x1db: {  	v50 =	vld [tilespmem:s9+$0xFFFFFE60];
	[tilespmem:s18+$0x1B0] =	vst v39;
	v43 =	vmul.f32 v17, v1  }
0x1dc: {  	v52 =	vld [tilespmem:s9+$0xFFFFFE70];
	v45 =	vmul.f32 v18, v1;
	[tilespmem:s18+$0x1C0] =	vst v41  }
0x1dd: {  	v53 =	vld [tilespmem:s9+$0xFFFFFE80];
	v48 =	vmul.f32 v40, v36;
	[tilespmem:s18+$0x1D0] =	vst v43  }
0x1de: {  	v55 =	vld [tilespmem:s9+$0xFFFFFE90];
	v10 =	vmul.f32 v42, v36;
	[tilespmem:s18+$0x1E0] =	vst v45  }
0x1df: {  	v57 =	vld [tilespmem:s9+$0xFFFFFEA0];
	v51 =	vmul.f32 v44, v36;
	[tilespmem:s9+$0xFFFFFE00] =	vst v48  }
0x1e0: {  	v59 =	vld [tilespmem:s9+$0xFFFFFEB0];
	v5 =	vmul.f32 v46, v36;
	[tilespmem:s9+$0xFFFFFE10] =	vst v10  }
0x1e1: {  	v61 =	vld [tilespmem:s9+$0xFFFFFEC0];
	v54 =	vmul.f32 v47, v36;
	[tilespmem:s9+$0xFFFFFE20] =	vst v51  }
0x1e2: {  	v63 =	vld [tilespmem:s9+$0xFFFFFED0];
	v56 =	vmul.f32 v49, v36;
	[tilespmem:s9+$0xFFFFFE30] =	vst v5  }
0x1e3: {  	v20 =	vld [tilespmem:s9+$0xFFFFFEF0];
	v58 =	vmul.f32 v50, v36;
	[tilespmem:s9+$0xFFFFFE40] =	vst v54  }
0x1e4: {  	v22 =	vld [tilespmem:s9+$0xFFFFFF00];
	v60 =	vmul.f32 v52, v36;
	[tilespmem:s9+$0xFFFFFE50] =	vst v56  }
0x1e5: {  	v24 =	vld [tilespmem:s9+$0xFFFFFF10];
	v62 =	vmul.f32 v53, v19;
	[tilespmem:s9+$0xFFFFFE60] =	vst v58  }
0x1e6: {  	v26 =	vld [tilespmem:s9+$0xFFFFFF20];
	v16 =	vmul.f32 v55, v19;
	[tilespmem:s9+$0xFFFFFE70] =	vst v60  }
0x1e7: {  	v2 =	vbroadcast v13, $0x0;
	v28 =	vld [tilespmem:s9+$0xFFFFFF30];
	v18 =	vmul.f32 v57, v19;
	[tilespmem:s9+$0xFFFFFE80] =	vst v62  }
0x1e8: {  	v14 =	vbroadcast v14, $0x0;
	v30 =	vld [tilespmem:s9+$0xFFFFFF40];
	v21 =	vmul.f32 v59, v19;
	[tilespmem:s9+$0xFFFFFE90] =	vst v16  }
0x1e9: {  	v32 =	vld [tilespmem:s9+$0xFFFFFF50];
	v23 =	vmul.f32 v61, v19;
	[tilespmem:s9+$0xFFFFFEA0] =	vst v18  }
0x1ea: {  	v34 =	vld [tilespmem:s9+$0xFFFFFF60];
	v25 =	vmul.f32 v63, v19;
	[tilespmem:s9+$0xFFFFFEB0] =	vst v21  }
0x1eb: {  	v12 =	vld [tilespmem:s9+$0x50];
	v29 =	vmul.f32 v20, v19;
	[tilespmem:s9+$0xFFFFFEC0] =	vst v23  }
0x1ec: {  	v17 =	vld [tilespmem:s9+$0xFFFFFEE0];
	v31 =	vmul.f32 v22, v9;
	[tilespmem:s9+$0xFFFFFED0] =	vst v25  }
0x1ed: {  	v35 =	vmov s15;
	v4 =	vld.idx.msk [tilespmem:v2+s31+$0x0], $0xffff;
	v33 =	vmul.f32 v24, v9;
	[tilespmem:s9+$0xFFFFFEF0] =	vst v29  }
0x1ee: {  	v13 =	vand.u32 $0x7F, v35;
	v3 =	vld.idx.msk [tilespmem:v14+s31+$0x0], $0xffff;
	v35 =	vmul.f32 v26, v9;
	[tilespmem:s9+$0xFFFFFF00] =	vst v31  }
0x1ef: {  	v36 =	vld [tilespmem:s9+$0xFFFFFF70];
	v37 =	vmul.f32 v28, v9;
	[tilespmem:s9+$0xFFFFFF10] =	vst v33  }
0x1f0: {  	v15 =	vbroadcast v15, $0x0;
	v39 =	vmul.f32 v30, v9;
	v40 =	vld [tilespmem:s9+$0xFFFFFF90];
	[tilespmem:s9+$0xFFFFFF20] =	vst v35  }
0x1f1: {  	v41 =	vmul.f32 v32, v9;
	v42 =	vld [tilespmem:s9+$0xFFFFFFA0];
	[tilespmem:s9+$0xFFFFFF30] =	vst v37  }
0x1f2: {  	v44 =	vld [tilespmem:s9+$0xFFFFFFB0];
	v43 =	vmul.f32 v34, v9;
	[tilespmem:s9+$0xFFFFFF40] =	vst v39  }
0x1f3: {  	v46 =	vld [tilespmem:s9+$0xFFFFFFC0];
	[tilespmem:s9+$0xFFFFFF50] =	vst v41;
	v27 =	vmul.f32 v17, v19  }
0x1f4: {  	v50 =	vld [tilespmem:s9+$0xFFFFFFE0];
	[tilespmem:s9+$0xFFFFFF60] =	vst v43;
	v45 =	vmul.f32 v36, v9  }
0x1f5: {  	v52 =	vld [tilespmem:s9+$0xFFFFFFF0];
	v49 =	vmul.f32 v40, v11;
	[tilespmem:s9+$0xFFFFFEE0] =	vst v27  }
0x1f6: {  	v2 =	vld.idx.msk [tilespmem:v15+s31+$0x0], $0xffff;
	v51 =	vmul.f32 v42, v11;
	[tilespmem:s9+$0xFFFFFF70] =	vst v45  }
0x1f7: {  	v14 =	vld [tilespmem:s9+$0x60];
	v53 =	vmul.f32 v44, v11;
	[tilespmem:s9+$0xFFFFFF90] =	vst v49  }
0x1f8: {  	v20 =	vld [tilespmem:s9+$0x90];
	v55 =	vmul.f32 v46, v11;
	[tilespmem:s9+$0xFFFFFFA0] =	vst v51  }
0x1f9: {  	v22 =	vld [tilespmem:s9+$0xA0];
	v59 =	vmul.f32 v50, v11;
	[tilespmem:s9+$0xFFFFFFB0] =	vst v53  }
0x1fa: {  	v24 =	vld [tilespmem:s9+$0xB0];
	v61 =	vmul.f32 v52, v11;
	[tilespmem:s9+$0xFFFFFFC0] =	vst v55  }
0x1fb: {  	v48 =	vld [tilespmem:s9+$0xFFFFFFD0];
	v21 =	vmul.f32 v12, v4;
	[tilespmem:s9+$0xFFFFFFE0] =	vst v59  }
0x1fc: {  	v54 =	vld [tilespmem:s9+$0x0];
	v23 =	vmul.f32 v14, v4;
	[tilespmem:s9+$0xFFFFFFF0] =	vst v61  }
0x1fd: {  	v56 =	vld [tilespmem:s9+$0x10];
	v28 =	vmul.f32 v20, v3;
	[tilespmem:s9+$0x50] =	vst v21  }
0x1fe: {  	v58 =	vld [tilespmem:s9+$0x20];
	v30 =	vmul.f32 v22, v3;
	[tilespmem:s9+$0x60] =	vst v23  }
0x1ff: {  	v60 =	vld [tilespmem:s9+$0x30];
	v32 =	vmul.f32 v24, v3;
	[tilespmem:s9+$0x90] =	vst v28  }
0x200: {  	v0 =	vor.u32 v0, v13;
	v62 =	vld [tilespmem:s9+$0x40];
	v57 =	vmul.f32 v48, v11;
	[tilespmem:s9+$0xA0] =	vst v30  }
0x201: {  	v0 =	vbroadcast v0, $0x0;
	v16 =	vld [tilespmem:s9+$0x70];
	v63 =	vmul.f32 v54, v4;
	[tilespmem:s9+$0xB0] =	vst v32  }
0x202: {  	v18 =	vld [tilespmem:s9+$0x80];
	v13 =	vmul.f32 v56, v4;
	[tilespmem:s9+$0xFFFFFFD0] =	vst v57  }
0x203: {  	v25 =	vld [tilespmem:s9+$0xC0];
	v15 =	vmul.f32 v58, v4;
	[tilespmem:s9+$0x0] =	vst v63  }
0x204: {  	v33 =	vld [tilespmem:s9+$0x100];
	v17 =	vmul.f32 v60, v4;
	[tilespmem:s9+$0x10] =	vst v13  }
0x205: {  	v35 =	vld [tilespmem:s9+$0x110];
	v19 =	vmul.f32 v62, v4;
	[tilespmem:s9+$0x20] =	vst v15  }
0x206: {  	v37 =	vld [tilespmem:s9+$0x120];
	v4 =	vmul.f32 v16, v4;
	[tilespmem:s9+$0x30] =	vst v17  }
0x207: {  	v0 =	vld.idx.msk [tilespmem:v0+s31+$0x0], $0xffff;
	v26 =	vmul.f32 v18, v3;
	[tilespmem:s9+$0x40] =	vst v19  }
0x208: {  	v40 =	vld [tilespmem:s9+$0x140];
	v34 =	vmul.f32 v25, v3;
	[tilespmem:s9+$0x70] =	vst v4  }
0x209: {  	v42 =	vld [tilespmem:s9+$0x150];
	v41 =	vmul.f32 v33, v2;
	[tilespmem:s9+$0x80] =	vst v26  }
0x20a: {  	v44 =	vld [tilespmem:s9+$0x160];
	v43 =	vmul.f32 v35, v2;
	[tilespmem:s9+$0xC0] =	vst v34  }
0x20b: {  	v50 =	vld [tilespmem:s9+$0x190];
	v45 =	vmul.f32 v37, v2;
	[tilespmem:s9+$0x100] =	vst v41  }
0x20c: {  	v52 =	vld [tilespmem:s9+$0x1A0];
	v7 =	vmul.f32 v38, v0;
	[tilespmem:s9+$0x110] =	vst v43  }
0x20d: {  	v27 =	vld [tilespmem:s9+$0xD0];
	[tilespmem:s9+$0x120] =	vst v45;
	v49 =	vmul.f32 v40, v2  }
0x20e: {  	v48 =	vld [tilespmem:s9+$0x180];
	[tilespmem:s9+$0x1F0] =	vst v7;
	v51 =	vmul.f32 v42, v2  }
0x20f: {  	v54 =	vld [tilespmem:s9+$0x1B0];
	v53 =	vmul.f32 v44, v2;
	[tilespmem:s9+$0x140] =	vst v49  }
0x210: {  	v55 =	vld [tilespmem:s9+$0x1C0];
	v58 =	vmul.f32 v50, v0;
	[tilespmem:s9+$0x150] =	vst v51  }
0x211: {  	v38 =	vld [tilespmem:s9+$0xFFFFFF80];
	v60 =	vmul.f32 v52, v0;
	[tilespmem:s9+$0x160] =	vst v53  }
0x212: {  	v29 =	vld [tilespmem:s9+$0xE0];
	v36 =	vmul.f32 v27, v3;
	[tilespmem:s9+$0x190] =	vst v58  }
0x213: {  	v31 =	vld [tilespmem:s9+$0xF0];
	v56 =	vmul.f32 v48, v0;
	[tilespmem:s9+$0x1A0] =	vst v60  }
0x214: {  	v57 =	vld [tilespmem:s9+$0x1D0];
	v61 =	vmul.f32 v54, v0;
	[tilespmem:s9+$0xD0] =	vst v36  }
0x215: {  	v59 =	vld [tilespmem:s9+$0x1E0];
	v62 =	vmul.f32 v55, v0;
	[tilespmem:s9+$0x180] =	vst v56  }
0x216: {  	v39 =	vld [tilespmem:s9+$0x130];
	v47 =	vmul.f32 v38, v11;
	[tilespmem:s9+$0x1B0] =	vst v61  }
0x217: {  	v46 =	vld [tilespmem:s9+$0x170];
	v38 =	vmul.f32 v29, v3;
	[tilespmem:s9+$0x1C0] =	vst v62  }
0x218: {  	v3 =	vmul.f32 v31, v3;
	[tilespmem:s9+$0xFFFFFF80] =	vst v47  }
0x219: {  	v63 =	vmul.f32 v57, v0;
	[tilespmem:s9+$0xE0] =	vst v38  }
0x21a: {  	p1 =	sne.s32 s17, $0x19;
	v0 =	vmul.f32 v59, v0;
	[tilespmem:s9+$0xF0] =	vst v3  }
.Ltmp9:
0x21b: {  	v47 =	vmul.f32 v39, v2;
	[tilespmem:s9+$0x1D0] =	vst v63;
	(pc) =	sbr.rel @p1 .LBB2_11-.Ltmp9, $4  }
0x21c: {  	v2 =	vmul.f32 v46, v2;
	[tilespmem:s9+$0x1E0] =	vst v0  }
0x21d: {  	[tilespmem:s9+$0x130] =	vst v47  }
0x21e: {  	s18 =	smov.u32 s17;
	[tilespmem:s9+$0x170] =	vst v2  }
0x21f: {  	[spmem:s6] =	stream.indirect.scatter.add.f32 [tilespmem:s20], [sflag:$0x2], $0x80, s19, s24, $0xb8;
	[tilespmem:$0x1FD00] =	vst v63  }
0x220: {  	_ =	swait.ge [sflag:s25], $0x2800;
	s12 =	sadd.s32 $0x1, s12  }
0x221: {  	[sflag:s25] =	ssyncset.done $0x0;
	p1 =	seq.s32 s12, $0xA  }
.Ltmp10:
0x222: {  	s4 =	sadd.s32 s13, s14;
	[sflag:s25] =	ssyncadd.s32 $0xFFFFD800;
	(pc) =	sbr.rel @!p1 .LBB2_10-.Ltmp10, $4  }
0x223: {  	[hbm4b:s4+s8] =	stream.linear.scatter [tilespmem:s31], [sflag:$0x3], $0xC80, $0x38;
	[tilespmem:$0x1FD00] =	vst v63  }
0x224: {  	_ =	swait.ge [sflag:s21], $0xC80  }
0x225: {  	[sflag:s21] =	ssyncset.done $0x0  }
0x226: {  	[sflag:s21] =	ssyncadd.s32 $0xFFFFF380  }
.Ltmp11:
0x227: {  	(pc) =	sbr.rel .LBB2_26-.Ltmp11, $2  }
0x228: {  	_ =	sdelay $0x2  }
0x229: {  	s9 =	rddreg [dreg:$0x9]  }
.LBB2_18:
0x22a: {  	s4 =	sshll.u32 s14, $0xC  }
0x22b: {  	s4 =	sadd.s32 s16, s4  }
0x22c: {  	s4 =	sshrl.u32 s4, $0x3  }
0x22d: {  	s9 =	sadd.s32 s3, s4  }
0x22e: {  	[tilespmem:s11], [sflag:$0x4] =	stream.linear.gather [hbm4b:s9+s11], $0xC80, $0x38;
	[tilespmem:$0x1FD00] =	vst v63  }
0x22f: {  	_ =	swait.ge [sflag:s26], $0xC80  }
0x230: {  	[sflag:s26] =	ssyncset.done $0x0  }
0x231: {  	s20 =	sadd.s32 s5, s4;
	[sflag:s26] =	ssyncadd.s32 $0xFFFFF380  }
0x232: {  	[tilespmem:s22], [sflag:$0x4] =	stream.linear.gather [hbm4b:s20+s11], $0xC80, $0x38;
	[tilespmem:$0x1FD00] =	vst v63  }
0x233: {  	_ =	swait.ge [sflag:s26], $0xC80  }
0x234: {  	[sflag:s26] =	ssyncset.done $0x0  }
0x235: {  	s4 =	sadd.s32 s10, s4;
	[sflag:s26] =	ssyncadd.s32 $0xFFFFF380  }
0x236: {  	[tilespmem:s23], [sflag:$0x4] =	stream.linear.gather [hbm4b:s4+s11], $0xC80, $0x38;
	[tilespmem:$0x1FD00] =	vst v63  }
0x237: {  	_ =	swait.ge [sflag:s26], $0xC80  }
0x238: {  	[sflag:s26] =	ssyncset.done $0x0  }
0x239: {  	s17 =	simm.s32 $0x0;
	[sflag:s26] =	ssyncadd.s32 $0xFFFFF380  }
0x23a: {  	[tilespmem:s28], [sflag:$0x1] =	stream.indirect.gather [hbm4b:s1+s24], $0x80, s11, s24, $0xb8;
	[tilespmem:$0x1FD00] =	vst v63  }
.LBB2_19:
0x23b: {  	p1 =	seq.s32 s17, $0x0  }
0x23c: {  	p2 =	seq.s32 @!p1 s17, $0x18  }
0x23d: {  	_ =	swait.ge [sflag:s29], $0x2800;
	p2 =	por p1, !p2  }
.Ltmp12:
0x23e: {  	[sflag:s29] =	ssyncset.done $0x0;
	(pc) =	sbr.rel @!p2 .LBB2_21-.Ltmp12, $4  }
0x23f: {  	s4 =	simm.s32 @!p1 $0x2;
	[sflag:s29] =	ssyncadd.s32 $0xFFFFD800  }
0x240: {  	_ =	swait.ge @!p1 [sflag:s4], $0x2800  }
0x241: {  	[sflag:s4] =	ssyncset.done @!p1 $0x0  }
0x242: {  	s12 =	sadd.s32 $0x1, s17;
	[sflag:s4] =	ssyncadd.s32 @!p1 $0xFFFFD800  }
0x243: {  	s4 =	sand.u32 $0x1, s12  }
0x244: {  	s9 =	sshll.u32 s12, $0x7;
	p1 =	seq.s32 s4, $0x1;
	s4 =	simm.s32 $0x9280  }
0x245: {  	s9 =	sand.u32 $0x3FFFFF80, s9;
	s4 =	simm.s32 @!p1 $0x6A80  }
0x246: {  	[tilespmem:s4], [sflag:$0x1] =	stream.indirect.gather [hbm4b:s1+s24], $0x80, s9, s24, $0xb8;
	[tilespmem:$0x1FD00] =	vst v63  }
.LBB2_21:
0x247: {  	s9 =	sshll.u32 s17, $0x7  }
0x248: {  	v0 =	vld [tilespmem:s9+$0x0];
	_ =	sdelay $0x1  }
0x249: {  	v1 =	vld [tilespmem:s9+$0x1000];
	_ =	sdelay $0x4  }
0x24a: {  	v2 =	vld [tilespmem:s9+$0x2000]  }
0x24b: {  	v3 =	vld.idx.msk [tilespmem:v0+s30+$0x0], $0xffff;
	_ =	sdelay $0x1  }
0x24c: {  	v4 =	vld.idx.msk [tilespmem:v1+s30+$0x0], $0xffff  }
0x24d: {  	vm0 =	veq.s32 v0, v1  }
0x24e: {  	v0 =	vsel vm0, $0x0, v2;
	v1 =	vld [tilespmem:s9+$0x10]  }
0x24f: {  	v0 =	vmul.f32 v0, v3  }
0x250: {  	v2 =	vld [tilespmem:s9+$0x1010]  }
0x251: {  	v0 =	vmul.f32 v4, v0;
	_ =	sdelay $0x1  }
0x252: {  	v0 =	vsub.f32 $0.0e+00, v0;
	_ =	sdelay $0x1  }
0x253: {  	[tilespmem:s9+$0x3000] =	vst v0;
	v0 =	vld [tilespmem:s9+$0x2010]  }
0x254: {  	v3 =	vld.idx.msk [tilespmem:v1+s30+$0x0], $0xffff;
	_ =	sdelay $0x1  }
0x255: {  	v4 =	vld.idx.msk [tilespmem:v2+s30+$0x0], $0xffff  }
0x256: {  	vm12 =	veq.s32 v1, v2  }
0x257: {  	v1 =	vld [tilespmem:s9+$0x20];
	v0 =	vsel vm12, $0x0, v0  }
0x258: {  	v0 =	vmul.f32 v0, v3  }
0x259: {  	v2 =	vld [tilespmem:s9+$0x1020]  }
0x25a: {  	v0 =	vmul.f32 v4, v0;
	_ =	sdelay $0x1  }
0x25b: {  	v0 =	vsub.f32 $0.0e+00, v0;
	_ =	sdelay $0x1  }
0x25c: {  	[tilespmem:s9+$0x3010] =	vst v0;
	v0 =	vld [tilespmem:s9+$0x2020]  }
0x25d: {  	v3 =	vld.idx.msk [tilespmem:v1+s30+$0x0], $0xffff;
	_ =	sdelay $0x1  }
0x25e: {  	v4 =	vld.idx.msk [tilespmem:v2+s30+$0x0], $0xffff  }
0x25f: {  	vm13 =	veq.s32 v1, v2  }
0x260: {  	v1 =	vld [tilespmem:s9+$0x30];
	v0 =	vsel vm13, $0x0, v0  }
0x261: {  	v0 =	vmul.f32 v0, v3  }
0x262: {  	v2 =	vld [tilespmem:s9+$0x1030]  }
0x263: {  	v0 =	vmul.f32 v4, v0;
	_ =	sdelay $0x1  }
0x264: {  	v0 =	vsub.f32 $0.0e+00, v0;
	_ =	sdelay $0x1  }
0x265: {  	[tilespmem:s9+$0x3020] =	vst v0;
	v0 =	vld [tilespmem:s9+$0x2030]  }
0x266: {  	v3 =	vld.idx.msk [tilespmem:v1+s30+$0x0], $0xffff;
	_ =	sdelay $0x1  }
0x267: {  	v4 =	vld.idx.msk [tilespmem:v2+s30+$0x0], $0xffff  }
0x268: {  	vm14 =	veq.s32 v1, v2  }
0x269: {  	v1 =	vld [tilespmem:s9+$0x40];
	v0 =	vsel vm14, $0x0, v0  }
0x26a: {  	v0 =	vmul.f32 v0, v3  }
0x26b: {  	v2 =	vld [tilespmem:s9+$0x1040]  }
0x26c: {  	v0 =	vmul.f32 v4, v0;
	_ =	sdelay $0x1  }
0x26d: {  	v0 =	vsub.f32 $0.0e+00, v0;
	_ =	sdelay $0x1  }
0x26e: {  	[tilespmem:s9+$0x3030] =	vst v0;
	v0 =	vld [tilespmem:s9+$0x2040]  }
0x26f: {  	v3 =	vld.idx.msk [tilespmem:v1+s30+$0x0], $0xffff;
	_ =	sdelay $0x1  }
0x270: {  	vm15 =	veq.s32 v1, v2;
	v1 =	vld.idx.msk [tilespmem:v2+s30+$0x0], $0xffff;
	_ =	sdelay $0x1  }
0x271: {  	v0 =	vsel vm15, $0x0, v0  }
0x272: {  	v2 =	vmul.f32 v0, v3  }
0x273: {  	s20 =	simm.s32 $0x1  }
0x274: {  	s4 =	simm.s32 $0x0;
	s15 =	simm.s32 $0x7;
	v4 =	vmov s20;
	v1 =	vmul.f32 v1, v2  }
0x275: {  	s17 =	sand.u32 $0x1, s17;
	v5 =	vmov s15;
	v4 =	vand.u32 $0x79, v4;
	v3 =	vmov s4  }
0x276: {  	s19 =	simm.s32 $0x2800;
	p1 =	seq.s32 s17, $0x1;
	v0 =	vmov s9;
	v3 =	vand.u32 $0x78, v3;
	v1 =	vsub.f32 $0.0e+00, v1  }
0x277: {  	v5 =	vand.u32 $0x7F, v5;
	s19 =	simm.s32 @!p1 $0x0;
	v4 =	vor.u32 v0, v4;
	v3 =	vor.u32 v0, v3  }
0x278: {  	s17 =	sadd.s32 $0x6C80, s19;
	v2 =	vbroadcast v4, $0x0;
	v4 =	vor.u32 v0, v5;
	v3 =	vbroadcast v3, $0x0;
	[tilespmem:s9+$0x3040] =	vst v1  }
0x279: {  	v4 =	vbroadcast v4, $0x0;
	v5 =	vld [tilespmem:s17+$0xFFFFFE10]  }
0x27a: {  	v6 =	vld [tilespmem:s17+$0xFFFFFE20]  }
0x27b: {  	v7 =	vld [tilespmem:s17+$0xFFFFFE30]  }
0x27c: {  	v8 =	vld [tilespmem:s17+$0xFFFFFE40]  }
0x27d: {  	v9 =	vld [tilespmem:s17+$0xFFFFFE50]  }
0x27e: {  	v3 =	vld.idx.msk [tilespmem:v3+s31+$0x0], $0xffff  }
0x27f: {  	v1 =	vld.idx.msk [tilespmem:v4+s31+$0x0], $0xffff  }
0x280: {  	v4 =	vld [tilespmem:s17+$0xFFFFFE00]  }
0x281: {  	v12 =	vld [tilespmem:s17+$0x1F0]  }
0x282: {  	v10 =	vld [tilespmem:s17+$0xFFFFFE60]  }
0x283: {  	v13 =	vld [tilespmem:s17+$0xFFFFFE80]  }
0x284: {  	v14 =	vld [tilespmem:s17+$0xFFFFFE90]  }
0x285: {  	v2 =	vld.idx.msk [tilespmem:v2+s31+$0x0], $0xffff;
	v4 =	vmul.f32 v4, v3  }
0x286: {  	v15 =	vld [tilespmem:s17+$0xFFFFFEA0];
	v12 =	vmul.f32 v12, v1  }
0x287: {  	s18 =	simm.s32 $0x2;
	v16 =	vld [tilespmem:s17+$0xFFFFFEB0];
	v5 =	vmul.f32 v5, v3;
	[tilespmem:s17+$0xFFFFFE00] =	vst v4  }
0x288: {  	v11 =	vmov s18;
	v17 =	vld [tilespmem:s17+$0xFFFFFEC0];
	v6 =	vmul.f32 v6, v3;
	[tilespmem:s17+$0x1F0] =	vst v12  }
0x289: {  	v7 =	vmul.f32 v7, v3;
	v4 =	vand.u32 $0x7A, v11;
	v11 =	vld [tilespmem:s17+$0xFFFFFE70];
	[tilespmem:s17+$0xFFFFFE10] =	vst v5  }
0x28a: {  	v12 =	vmul.f32 v13, v2;
	v13 =	vld [tilespmem:s17+$0xFFFFFED0];
	[tilespmem:s17+$0xFFFFFE20] =	vst v6;
	v4 =	vor.u32 v0, v4  }
0x28b: {  	v5 =	vld [tilespmem:s17+$0xFFFFFEE0];
	v6 =	vmul.f32 v8, v3;
	[tilespmem:s17+$0xFFFFFE30] =	vst v7;
	v4 =	vbroadcast v4, $0x0  }
0x28c: {  	v8 =	vld [tilespmem:s17+$0xFFFFFEF0];
	v7 =	vmul.f32 v9, v3;
	[tilespmem:s17+$0xFFFFFE80] =	vst v12  }
0x28d: {  	s20 =	simm.s32 $0x3;
	v9 =	vld [tilespmem:s17+$0xFFFFFF00];
	[tilespmem:s17+$0xFFFFFE40] =	vst v6;
	v6 =	vmul.f32 v10, v3  }
0x28e: {  	v12 =	vmov s20;
	v10 =	vld [tilespmem:s17+$0xFFFFFF10];
	[tilespmem:s17+$0xFFFFFE50] =	vst v7  }
0x28f: {  	v7 =	vld [tilespmem:s17+$0xFFFFFF20];
	v12 =	vand.u32 $0x7B, v12;
	[tilespmem:s17+$0xFFFFFE60] =	vst v6;
	v6 =	vmul.f32 v14, v2  }
0x290: {  	v17 =	vmul.f32 v17, v2;
	v12 =	vor.u32 v0, v12;
	v14 =	vld [tilespmem:s17+$0xFFFFFF40];
	v3 =	vmul.f32 v11, v3  }
0x291: {  	v12 =	vbroadcast v12, $0x0;
	v13 =	vmul.f32 v13, v2;
	[tilespmem:s17+$0xFFFFFE90] =	vst v6;
	v4 =	vld.idx.msk [tilespmem:v4+s31+$0x0], $0xffff  }
0x292: {  	v11 =	vld [tilespmem:s17+$0xFFFFFF30];
	v5 =	vmul.f32 v5, v2;
	[tilespmem:s17+$0xFFFFFE70] =	vst v3;
	v3 =	vmul.f32 v15, v2  }
0x293: {  	v15 =	vmul.f32 v16, v2;
	[tilespmem:s17+$0xFFFFFED0] =	vst v13;
	v2 =	vmul.f32 v8, v2;
	v8 =	vld [tilespmem:s17+$0xFFFFFF90]  }
0x294: {  	[tilespmem:s17+$0xFFFFFEE0] =	vst v5;
	v13 =	vld [tilespmem:s17+$0xFFFFFFD0]  }
0x295: {  	[tilespmem:s17+$0xFFFFFEA0] =	vst v3;
	v3 =	vld [tilespmem:s17+$0xFFFFFF60]  }
0x296: {  	[tilespmem:s17+$0xFFFFFEB0] =	vst v15;
	v15 =	vld [tilespmem:s17+$0xFFFFFF70];
	v6 =	vmul.f32 v9, v4  }
0x297: {  	s15 =	simm.s32 $0x4;
	[tilespmem:s17+$0xFFFFFEF0] =	vst v2;
	v12 =	vld.idx.msk [tilespmem:v12+s31+$0x0], $0xffff;
	v5 =	vmul.f32 v10, v4  }
0x298: {  	v16 =	vmov s15;
	v9 =	vld [tilespmem:s17+$0xFFFFFF50];
	v2 =	vmul.f32 v7, v4;
	[tilespmem:s17+$0xFFFFFF00] =	vst v6  }
0x299: {  	v10 =	vld [tilespmem:s17+$0xFFFFFFA0];
	v14 =	vmul.f32 v14, v4;
	v6 =	vand.u32 $0x7C, v16;
	[tilespmem:s17+$0xFFFFFF10] =	vst v5  }
0x29a: {  	v7 =	vld [tilespmem:s17+$0xFFFFFFB0];
	v3 =	vmul.f32 v3, v4;
	[tilespmem:s17+$0xFFFFFF20] =	vst v2;
	v6 =	vor.u32 v0, v6  }
0x29b: {  	v16 =	vld [tilespmem:s17+$0xFFFFFF80];
	v5 =	vmul.f32 v11, v4;
	[tilespmem:s17+$0xFFFFFF40] =	vst v14;
	v6 =	vbroadcast v6, $0x0  }
0x29c: {  	v11 =	vld [tilespmem:s17+$0xFFFFFFC0];
	[tilespmem:s17+$0xFFFFFF60] =	vst v3;
	v3 =	vmul.f32 v8, v12  }
0x29d: {  	v14 =	vld [tilespmem:s17+$0xFFFFFFF0];
	v13 =	vmul.f32 v13, v12;
	[tilespmem:s17+$0xFFFFFF30] =	vst v5  }
0x29e: {  	v8 =	vld [tilespmem:s17+$0x10];
	v9 =	vmul.f32 v9, v4;
	[tilespmem:s17+$0xFFFFFF90] =	vst v3  }
0x29f: {  	v5 =	vld [tilespmem:s17+$0xFFFFFFE0];
	v4 =	vmul.f32 v15, v4;
	[tilespmem:s17+$0xFFFFFFD0] =	vst v13  }
0x2a0: {  	s18 =	simm.s32 $0x5;
	v2 =	vmul.f32 v16, v12;
	[tilespmem:s17+$0xFFFFFF50] =	vst v9;
	v9 =	vld [tilespmem:s17+$0x0]  }
0x2a1: {  	v16 =	vmov s18;
	[tilespmem:s17+$0xFFFFFF70] =	vst v4;
	v4 =	vmul.f32 v10, v12;
	v6 =	vld.idx.msk [tilespmem:v6+s31+$0x0], $0xffff  }
0x2a2: {  	v3 =	vmul.f32 v7, v12;
	v7 =	vld [tilespmem:s17+$0x30];
	[tilespmem:s17+$0xFFFFFF80] =	vst v2;
	v2 =	vand.u32 $0x7D, v16  }
0x2a3: {  	v13 =	vld [tilespmem:s17+$0x70];
	[tilespmem:s17+$0xFFFFFFA0] =	vst v4;
	v4 =	vmul.f32 v11, v12;
	v2 =	vor.u32 v0, v2  }
0x2a4: {  	v10 =	vld [tilespmem:s17+$0x20];
	[tilespmem:s17+$0xFFFFFFB0] =	vst v3;
	v5 =	vmul.f32 v5, v12;
	v2 =	vbroadcast v2, $0x0  }
0x2a5: {  	v11 =	vld [tilespmem:s17+$0x40];
	v12 =	vmul.f32 v14, v12;
	[tilespmem:s17+$0xFFFFFFC0] =	vst v4  }
0x2a6: {  	s20 =	simm.s32 $0x6;
	v4 =	vld [tilespmem:s17+$0x60];
	[tilespmem:s17+$0xFFFFFFE0] =	vst v5;
	v3 =	vmul.f32 v9, v6  }
0x2a7: {  	v15 =	vmov s20;
	[tilespmem:s17+$0xFFFFFFF0] =	vst v12;
	v12 =	vld [tilespmem:s17+$0x90]  }
0x2a8: {  	v9 =	vld [tilespmem:s17+$0x50];
	v5 =	vmul.f32 v8, v6;
	[tilespmem:s17+$0x0] =	vst v3;
	v3 =	vand.u32 $0x7E, v15  }
0x2a9: {  	v8 =	vld [tilespmem:s17+$0x80];
	v10 =	vmul.f32 v10, v6;
	v3 =	vor.u32 v0, v3  }
0x2aa: {  	v2 =	vld.idx.msk [tilespmem:v2+s31+$0x0], $0xffff;
	[tilespmem:s17+$0x10] =	vst v5;
	v5 =	vmul.f32 v7, v6;
	v3 =	vbroadcast v3, $0x0  }
0x2ab: {  	v7 =	vld [tilespmem:s17+$0xA0];
	[tilespmem:s17+$0x20] =	vst v10;
	v10 =	vmul.f32 v11, v6  }
0x2ac: {  	v4 =	vmul.f32 v4, v6;
	v11 =	vld [tilespmem:s17+$0xB0];
	[tilespmem:s17+$0x30] =	vst v5  }
0x2ad: {  	[tilespmem:s17+$0x40] =	vst v10;
	v10 =	vld [tilespmem:s17+$0xD0];
	v5 =	vmul.f32 v9, v6  }
0x2ae: {  	[tilespmem:s17+$0x60] =	vst v4;
	v9 =	vld [tilespmem:s17+$0xC0]  }
0x2af: {  	[tilespmem:s17+$0x50] =	vst v5;
	v5 =	vld [tilespmem:s17+$0xE0];
	v4 =	vmul.f32 v12, v2  }
0x2b0: {  	[tilespmem:s17+$0xFFFFFEC0] =	vst v17;
	v16 =	vld.idx.msk [tilespmem:v3+s31+$0x0], $0xffff;
	v3 =	vmul.f32 v13, v6  }
0x2b1: {  	v8 =	vmul.f32 v8, v2;
	[tilespmem:s17+$0x90] =	vst v4;
	v4 =	vmul.f32 v11, v2;
	v11 =	vld [tilespmem:s17+$0x110]  }
0x2b2: {  	s15 =	simm.s32 $0x8;
	s18 =	simm.s32 $0x9;
	v6 =	vld [tilespmem:s17+$0xF0];
	[tilespmem:s17+$0x70] =	vst v3;
	v3 =	vmul.f32 v7, v2  }
0x2b3: {  	v12 =	vmov s18;
	s18 =	simm.s32 $0xD;
	[tilespmem:s17+$0x80] =	vst v8;
	v8 =	vmov s15;
	v7 =	vld [tilespmem:s17+$0x100]  }
0x2b4: {  	s20 =	simm.s32 $0xA;
	v17 =	vmov s18;
	s15 =	simm.s32 $0xB;
	v8 =	vand.u32 $0x78, v8;
	[tilespmem:s17+$0xA0] =	vst v3;
	v3 =	vmul.f32 v9, v2  }
0x2b5: {  	v13 =	vmov s20;
	v14 =	vmov s15;
	s15 =	simm.s32 $0xC;
	[tilespmem:s17+$0xB0] =	vst v4;
	v4 =	vmul.f32 v10, v2;
	v9 =	vld [tilespmem:s17+$0x120]  }
0x2b6: {  	s20 =	simm.s32 $0xE;
	v10 =	vld [tilespmem:s17+$0x130];
	v15 =	vmov s15;
	v11 =	vmul.f32 v11, v16;
	[tilespmem:s17+$0xC0] =	vst v3;
	v3 =	vmul.f32 v5, v2  }
0x2b7: {  	v18 =	vld [tilespmem:s17+$0x140];
	[tilespmem:s17+$0xD0] =	vst v4;
	v5 =	vor.u32 v0, v8;
	v2 =	vmul.f32 v6, v2;
	v6 =	vmov s20  }
0x2b8: {  	v8 =	vand.u32 $0x79, v12;
	v12 =	vand.u32 $0x7A, v13;
	v4 =	vmul.f32 v7, v16;
	v7 =	vld [tilespmem:s17+$0x150];
	[tilespmem:s17+$0x110] =	vst v11  }
0x2b9: {  	v19 =	vld [tilespmem:s17+$0x160];
	v13 =	vand.u32 $0x7B, v14;
	v14 =	vand.u32 $0x7C, v15;
	v15 =	vand.u32 $0x7E, v6;
	[tilespmem:s17+$0xF0] =	vst v2  }
0x2ba: {  	v8 =	vor.u32 v0, v8;
	v2 =	vand.u32 $0x7D, v17;
	v17 =	vld [tilespmem:s17+$0x170];
	[tilespmem:s17+$0x100] =	vst v4;
	v4 =	vmul.f32 v9, v16  }
0x2bb: {  	v11 =	vor.u32 v0, v13;
	[tilespmem:s17+$0xE0] =	vst v3;
	v3 =	vbroadcast v5, $0x0;
	v5 =	vld [tilespmem:s17+$0x180];
	v9 =	vmul.f32 v10, v16  }
0x2bc: {  	v6 =	vld [tilespmem:s17+$0x190];
	v11 =	vbroadcast v11, $0x0;
	v10 =	vor.u32 v0, v12;
	v12 =	vmul.f32 v18, v16;
	[tilespmem:s17+$0x120] =	vst v4  }
0x2bd: {  	v4 =	vbroadcast v8, $0x0;
	[tilespmem:s17+$0x130] =	vst v9;
	v18 =	vmul.f32 v7, v16;
	v7 =	vld [tilespmem:s17+$0x1A0]  }
0x2be: {  	s19 =	sadd.s32 $0x6A80, s19;
	v13 =	vor.u32 v0, v14;
	v9 =	vbroadcast v10, $0x0;
	[tilespmem:s17+$0x140] =	vst v12;
	v12 =	vmul.f32 v19, v16;
	v8 =	vld [tilespmem:s17+$0x1B0]  }
0x2bf: {  	s18 =	sadd.s32 $0x1000, s9;
	s9 =	simm.s32 $0x10;
	s15 =	simm.s32 $0xF;
	v15 =	vor.u32 v0, v15;
	v14 =	vor.u32 v0, v2;
	v10 =	vld [tilespmem:s17+$0x1C0];
	v16 =	vmul.f32 v17, v16;
	[tilespmem:s17+$0x150] =	vst v18  }
.LBB2_22:
0x2c0: {  	p1 =	slt.u32 s9, $0x48;
	v2 =	vbroadcast v13, $0x0;
	v13 =	vmov s15;
	[tilespmem:s17+$0x160] =	vst v12;
	v5 =	vmul.f32 v5, v1;
	v12 =	vld [tilespmem:s17+$0x1D0]  }
0x2c1: {  	v14 =	vbroadcast v14, $0x0;
	v13 =	vand.u32 $0x7F, v13;
	[tilespmem:s17+$0x170] =	vst v16;
	v6 =	vmul.f32 v6, v1;
	v16 =	vld [tilespmem:s17+$0x1E0]  }
0x2c2: {  	v15 =	vbroadcast v15, $0x0;
	v17 =	vld.idx.msk [tilespmem:v3+s31+$0x0], $0xffff;
	v3 =	vor.u32 v0, v13;
	[tilespmem:s17+$0x180] =	vst v5;
	v5 =	vmul.f32 v7, v1  }
0x2c3: {  	v7 =	vld.idx.msk [tilespmem:v4+s31+$0x0], $0xffff;
	v13 =	vbroadcast v3, $0x0;
	[tilespmem:s17+$0x190] =	vst v6;
	v3 =	vmul.f32 v8, v1  }
0x2c4: {  	v6 =	vld.idx.msk [tilespmem:v9+s31+$0x0], $0xffff;
	[tilespmem:s17+$0x1A0] =	vst v5;
	v8 =	vmul.f32 v10, v1  }
0x2c5: {  	v5 =	vld.idx.msk [tilespmem:v11+s31+$0x0], $0xffff;
	[tilespmem:s17+$0x1B0] =	vst v3;
	v9 =	vmul.f32 v12, v1  }
0x2c6: {  	v4 =	vld.idx.msk [tilespmem:v2+s31+$0x0], $0xffff;
	[tilespmem:s17+$0x1C0] =	vst v8;
	v1 =	vmul.f32 v16, v1  }
0x2c7: {  	v3 =	vld.idx.msk [tilespmem:v14+s31+$0x0], $0xffff;
	[tilespmem:s17+$0x1D0] =	vst v9  }
0x2c8: {  	v2 =	vld.idx.msk [tilespmem:v15+s31+$0x0], $0xffff;
	[tilespmem:s17+$0x1E0] =	vst v1  }
0x2c9: {  	s17 =	sadd.s32 $0x400, s17;
	v1 =	vld.idx.msk [tilespmem:v13+s31+$0x0], $0xffff  }
0x2ca: {  	v8 =	vld [tilespmem:s17+$0x1F0]  }
0x2cb: {  	v9 =	vld [tilespmem:s17+$0xFFFFFE00]  }
0x2cc: {  	v10 =	vld [tilespmem:s17+$0xFFFFFE10]  }
0x2cd: {  	v11 =	vld [tilespmem:s17+$0xFFFFFE20]  }
0x2ce: {  	v12 =	vld [tilespmem:s17+$0xFFFFFE30]  }
0x2cf: {  	v13 =	vld [tilespmem:s17+$0xFFFFFE40];
	v8 =	vmul.f32 v8, v1  }
0x2d0: {  	v9 =	vmul.f32 v9, v17;
	v14 =	vld [tilespmem:s17+$0xFFFFFE50]  }
0x2d1: {  	v10 =	vmul.f32 v10, v17;
	v15 =	vld [tilespmem:s17+$0xFFFFFE60];
	[tilespmem:s17+$0x1F0] =	vst v8  }
0x2d2: {  	[tilespmem:s17+$0xFFFFFE00] =	vst v9;
	v8 =	vmul.f32 v11, v17;
	v9 =	vld [tilespmem:s17+$0xFFFFFE70]  }
0x2d3: {  	[tilespmem:s17+$0xFFFFFE10] =	vst v10;
	v10 =	vmul.f32 v12, v17;
	v11 =	vld [tilespmem:s17+$0xFFFFFE80]  }
0x2d4: {  	[tilespmem:s17+$0xFFFFFE20] =	vst v8;
	v8 =	vmul.f32 v13, v17;
	v12 =	vld [tilespmem:s17+$0xFFFFFE90]  }
0x2d5: {  	[tilespmem:s17+$0xFFFFFE30] =	vst v10;
	v10 =	vmul.f32 v14, v17;
	v13 =	vld [tilespmem:s17+$0xFFFFFEA0]  }
0x2d6: {  	[tilespmem:s17+$0xFFFFFE40] =	vst v8;
	v8 =	vmul.f32 v15, v17;
	v14 =	vld [tilespmem:s17+$0xFFFFFEB0]  }
0x2d7: {  	[tilespmem:s17+$0xFFFFFE50] =	vst v10;
	v9 =	vmul.f32 v9, v17;
	v10 =	vld [tilespmem:s17+$0xFFFFFEC0]  }
0x2d8: {  	[tilespmem:s17+$0xFFFFFE60] =	vst v8;
	v8 =	vmul.f32 v11, v7;
	v11 =	vld [tilespmem:s17+$0xFFFFFED0]  }
0x2d9: {  	[tilespmem:s17+$0xFFFFFE70] =	vst v9;
	v9 =	vmul.f32 v12, v7;
	v12 =	vld [tilespmem:s17+$0xFFFFFEE0]  }
0x2da: {  	[tilespmem:s17+$0xFFFFFE80] =	vst v8;
	v8 =	vmul.f32 v13, v7;
	v13 =	vld [tilespmem:s17+$0xFFFFFEF0]  }
0x2db: {  	[tilespmem:s17+$0xFFFFFE90] =	vst v9;
	v9 =	vmul.f32 v14, v7;
	v14 =	vld [tilespmem:s17+$0xFFFFFF00]  }
0x2dc: {  	[tilespmem:s17+$0xFFFFFEA0] =	vst v8;
	v8 =	vmul.f32 v10, v7;
	v10 =	vld [tilespmem:s17+$0xFFFFFF10]  }
0x2dd: {  	[tilespmem:s17+$0xFFFFFEB0] =	vst v9;
	v9 =	vmul.f32 v11, v7;
	v11 =	vld [tilespmem:s17+$0xFFFFFF20]  }
0x2de: {  	[tilespmem:s17+$0xFFFFFEC0] =	vst v8;
	v8 =	vmul.f32 v12, v7;
	v12 =	vld [tilespmem:s17+$0xFFFFFF30]  }
0x2df: {  	[tilespmem:s17+$0xFFFFFED0] =	vst v9;
	v7 =	vmul.f32 v13, v7;
	v9 =	vld [tilespmem:s17+$0xFFFFFF40]  }
0x2e0: {  	[tilespmem:s17+$0xFFFFFEE0] =	vst v8;
	v8 =	vmul.f32 v14, v6;
	v13 =	vld [tilespmem:s17+$0xFFFFFF50]  }
0x2e1: {  	[tilespmem:s17+$0xFFFFFEF0] =	vst v7;
	v7 =	vmul.f32 v10, v6;
	v10 =	vld [tilespmem:s17+$0xFFFFFF60]  }
0x2e2: {  	[tilespmem:s17+$0xFFFFFF00] =	vst v8;
	v8 =	vmul.f32 v11, v6;
	v11 =	vld [tilespmem:s17+$0xFFFFFF70]  }
0x2e3: {  	[tilespmem:s17+$0xFFFFFF10] =	vst v7;
	v7 =	vmul.f32 v12, v6;
	v12 =	vld [tilespmem:s17+$0xFFFFFF80]  }
0x2e4: {  	[tilespmem:s17+$0xFFFFFF20] =	vst v8;
	v8 =	vmul.f32 v9, v6;
	v9 =	vld [tilespmem:s17+$0xFFFFFF90]  }
0x2e5: {  	[tilespmem:s17+$0xFFFFFF30] =	vst v7;
	v7 =	vmul.f32 v13, v6;
	v13 =	vld [tilespmem:s17+$0xFFFFFFA0]  }
0x2e6: {  	[tilespmem:s17+$0xFFFFFF40] =	vst v8;
	v8 =	vmul.f32 v10, v6;
	v10 =	vld [tilespmem:s17+$0xFFFFFFB0]  }
0x2e7: {  	[tilespmem:s17+$0xFFFFFF50] =	vst v7;
	v6 =	vmul.f32 v11, v6;
	v7 =	vld [tilespmem:s17+$0xFFFFFFC0]  }
0x2e8: {  	[tilespmem:s17+$0xFFFFFF60] =	vst v8;
	v8 =	vmul.f32 v12, v5;
	v11 =	vld [tilespmem:s17+$0xFFFFFFD0]  }
0x2e9: {  	[tilespmem:s17+$0xFFFFFF70] =	vst v6;
	v6 =	vmul.f32 v9, v5;
	v9 =	vld [tilespmem:s17+$0xFFFFFFE0]  }
0x2ea: {  	[tilespmem:s17+$0xFFFFFF80] =	vst v8;
	v8 =	vmul.f32 v13, v5;
	v12 =	vld [tilespmem:s17+$0xFFFFFFF0]  }
0x2eb: {  	[tilespmem:s17+$0xFFFFFF90] =	vst v6;
	v6 =	vmul.f32 v10, v5;
	v10 =	vld [tilespmem:s17+$0x0]  }
0x2ec: {  	[tilespmem:s17+$0xFFFFFFA0] =	vst v8;
	v7 =	vmul.f32 v7, v5;
	v8 =	vld [tilespmem:s17+$0x10]  }
0x2ed: {  	[tilespmem:s17+$0xFFFFFFB0] =	vst v6;
	v6 =	vmul.f32 v11, v5;
	v11 =	vld [tilespmem:s17+$0x20]  }
0x2ee: {  	[tilespmem:s17+$0xFFFFFFC0] =	vst v7;
	v7 =	vmul.f32 v9, v5;
	v9 =	vld [tilespmem:s17+$0x30]  }
0x2ef: {  	[tilespmem:s17+$0xFFFFFFD0] =	vst v6;
	v5 =	vmul.f32 v12, v5;
	v6 =	vld [tilespmem:s17+$0x40]  }
0x2f0: {  	[tilespmem:s17+$0xFFFFFFE0] =	vst v7;
	v7 =	vmul.f32 v10, v4;
	v10 =	vld [tilespmem:s17+$0x50]  }
0x2f1: {  	[tilespmem:s17+$0xFFFFFFF0] =	vst v5;
	v5 =	vmul.f32 v8, v4;
	v8 =	vld [tilespmem:s17+$0x60]  }
0x2f2: {  	[tilespmem:s17+$0x0] =	vst v7;
	v7 =	vmul.f32 v11, v4;
	v11 =	vld [tilespmem:s17+$0x70]  }
0x2f3: {  	[tilespmem:s17+$0x10] =	vst v5;
	v5 =	vmul.f32 v9, v4;
	v9 =	vld [tilespmem:s17+$0x80]  }
0x2f4: {  	[tilespmem:s17+$0x20] =	vst v7;
	v6 =	vmul.f32 v6, v4;
	v7 =	vld [tilespmem:s17+$0x90]  }
0x2f5: {  	[tilespmem:s17+$0x30] =	vst v5;
	v5 =	vmul.f32 v10, v4;
	v10 =	vld [tilespmem:s17+$0xA0]  }
0x2f6: {  	[tilespmem:s17+$0x40] =	vst v6;
	v6 =	vmul.f32 v8, v4;
	v8 =	vld [tilespmem:s17+$0xB0]  }
0x2f7: {  	[tilespmem:s17+$0x50] =	vst v5;
	v4 =	vmul.f32 v11, v4;
	v5 =	vld [tilespmem:s17+$0xC0]  }
0x2f8: {  	[tilespmem:s17+$0x60] =	vst v6;
	v6 =	vmul.f32 v9, v3;
	v9 =	vld [tilespmem:s17+$0xD0]  }
0x2f9: {  	[tilespmem:s17+$0x70] =	vst v4;
	v4 =	vmul.f32 v7, v3;
	v7 =	vld [tilespmem:s17+$0xE0]  }
0x2fa: {  	[tilespmem:s17+$0x80] =	vst v6;
	v6 =	vmul.f32 v10, v3;
	v10 =	vld [tilespmem:s17+$0xF0]  }
0x2fb: {  	s4 =	sadd.s32 $0x1, s9;
	v11 =	vmov s9;
	[tilespmem:s17+$0x90] =	vst v4;
	v4 =	vmul.f32 v8, v3;
	v8 =	vld [tilespmem:s17+$0x100]  }
0x2fc: {  	s15 =	sadd.s32 $0x3, s9;
	v12 =	vmov s4;
	s4 =	sadd.s32 $0x2, s9;
	v11 =	vand.u32 $0x78, v11;
	[tilespmem:s17+$0xA0] =	vst v6;
	v5 =	vmul.f32 v5, v3;
	v6 =	vld [tilespmem:s17+$0x110]  }
0x2fd: {  	v14 =	vmov s15;
	s15 =	sadd.s32 $0x5, s9;
	v13 =	vmov s4;
	s4 =	sadd.s32 $0x4, s9;
	[tilespmem:s17+$0xB0] =	vst v4;
	v4 =	vmul.f32 v9, v3;
	v9 =	vld [tilespmem:s17+$0x120]  }
0x2fe: {  	v16 =	vmov s15;
	v15 =	vmov s4;
	s4 =	sadd.s32 $0x6, s9;
	[tilespmem:s17+$0xC0] =	vst v5;
	v5 =	vmul.f32 v7, v3;
	v7 =	vld [tilespmem:s17+$0x130]  }
0x2ff: {  	v17 =	vmov s4;
	v11 =	vor.u32 v0, v11;
	[tilespmem:s17+$0xD0] =	vst v4;
	v3 =	vmul.f32 v10, v3;
	v4 =	vld [tilespmem:s17+$0x140]  }
0x300: {  	v10 =	vand.u32 $0x79, v12;
	v12 =	vand.u32 $0x7A, v13;
	[tilespmem:s17+$0xE0] =	vst v5;
	v5 =	vmul.f32 v8, v2;
	v8 =	vld [tilespmem:s17+$0x150]  }
0x301: {  	v13 =	vand.u32 $0x7B, v14;
	v14 =	vand.u32 $0x7C, v15;
	[tilespmem:s17+$0xF0] =	vst v3;
	v6 =	vmul.f32 v6, v2;
	v15 =	vld [tilespmem:s17+$0x160]  }
0x302: {  	v16 =	vand.u32 $0x7D, v16;
	v17 =	vand.u32 $0x7E, v17;
	[tilespmem:s17+$0x100] =	vst v5;
	v9 =	vmul.f32 v9, v2;
	v18 =	vld [tilespmem:s17+$0x170]  }
.Ltmp13:
0x303: {  	v10 =	vor.u32 v0, v10;
	v3 =	vbroadcast v11, $0x0;
	[tilespmem:s17+$0x110] =	vst v6;
	v7 =	vmul.f32 v7, v2;
	v5 =	vld [tilespmem:s17+$0x180];
	(pc) =	sbr.rel @p1 .LBB2_22-.Ltmp13, $4  }
0x304: {  	v19 =	vor.u32 v0, v13;
	v11 =	vor.u32 v0, v12;
	[tilespmem:s17+$0x120] =	vst v9;
	v12 =	vmul.f32 v4, v2;
	v6 =	vld [tilespmem:s17+$0x190]  }
0x305: {  	v13 =	vor.u32 v0, v14;
	v4 =	vbroadcast v10, $0x0;
	[tilespmem:s17+$0x130] =	vst v7;
	v10 =	vmul.f32 v8, v2;
	v7 =	vld [tilespmem:s17+$0x1A0]  }
0x306: {  	v14 =	vor.u32 v0, v16;
	v9 =	vbroadcast v11, $0x0;
	[tilespmem:s17+$0x140] =	vst v12;
	v12 =	vmul.f32 v15, v2;
	v8 =	vld [tilespmem:s17+$0x1B0]  }
0x307: {  	s15 =	sadd.s32 $0x7, s9;
	s9 =	sadd.s32 $0x8, s9;
	v11 =	vbroadcast v19, $0x0;
	v15 =	vor.u32 v0, v17;
	[tilespmem:s17+$0x150] =	vst v10;
	v16 =	vmul.f32 v18, v2;
	v10 =	vld [tilespmem:s17+$0x1C0]  }
0x308: {  	_ =	sdelay $0x1  }
0x309: {  	v17 =	vld [tilespmem:s17+$0x1D0]  }
0x30a: {  	v18 =	vld [tilespmem:s17+$0x1E0]  }
0x30b: {  	v36 =	vld.idx.msk [tilespmem:v3+s31+$0x0], $0xffff  }
0x30c: {  	v19 =	vld.idx.msk [tilespmem:v4+s31+$0x0], $0xffff  }
0x30d: {  	v9 =	vld.idx.msk [tilespmem:v9+s31+$0x0], $0xffff  }
0x30e: {  	s9 =	sadd.s32 $0x400, s17;
	v11 =	vld.idx.msk [tilespmem:v11+s31+$0x0], $0xffff  }
0x30f: {  	v38 =	vld [tilespmem:s9+$0x1F0]  }
0x310: {  	v40 =	vld [tilespmem:s9+$0xFFFFFE00]  }
0x311: {  	[tilespmem:s17+$0x160] =	vst v12;
	v5 =	vmul.f32 v5, v1;
	v42 =	vld [tilespmem:s9+$0xFFFFFE10]  }
0x312: {  	[tilespmem:s17+$0x170] =	vst v16;
	v6 =	vmul.f32 v6, v1;
	v44 =	vld [tilespmem:s9+$0xFFFFFE20]  }
0x313: {  	v46 =	vld [tilespmem:s9+$0xFFFFFE30];
	[tilespmem:s17+$0x180] =	vst v5;
	v37 =	vmul.f32 v7, v1  }
0x314: {  	v47 =	vld [tilespmem:s9+$0xFFFFFE40];
	[tilespmem:s17+$0x190] =	vst v6;
	v39 =	vmul.f32 v8, v1  }
0x315: {  	v49 =	vld [tilespmem:s9+$0xFFFFFE50];
	[tilespmem:s17+$0x1A0] =	vst v37;
	v41 =	vmul.f32 v10, v1  }
0x316: {  	v50 =	vld [tilespmem:s9+$0xFFFFFE60];
	[tilespmem:s17+$0x1B0] =	vst v39;
	v43 =	vmul.f32 v17, v1  }
0x317: {  	v52 =	vld [tilespmem:s9+$0xFFFFFE70];
	v45 =	vmul.f32 v18, v1;
	[tilespmem:s17+$0x1C0] =	vst v41  }
0x318: {  	v53 =	vld [tilespmem:s9+$0xFFFFFE80];
	v48 =	vmul.f32 v40, v36;
	[tilespmem:s17+$0x1D0] =	vst v43  }
0x319: {  	v55 =	vld [tilespmem:s9+$0xFFFFFE90];
	v10 =	vmul.f32 v42, v36;
	[tilespmem:s17+$0x1E0] =	vst v45  }
0x31a: {  	v57 =	vld [tilespmem:s9+$0xFFFFFEA0];
	v51 =	vmul.f32 v44, v36;
	[tilespmem:s9+$0xFFFFFE00] =	vst v48  }
0x31b: {  	v59 =	vld [tilespmem:s9+$0xFFFFFEB0];
	v5 =	vmul.f32 v46, v36;
	[tilespmem:s9+$0xFFFFFE10] =	vst v10  }
0x31c: {  	v61 =	vld [tilespmem:s9+$0xFFFFFEC0];
	v54 =	vmul.f32 v47, v36;
	[tilespmem:s9+$0xFFFFFE20] =	vst v51  }
0x31d: {  	v63 =	vld [tilespmem:s9+$0xFFFFFED0];
	v56 =	vmul.f32 v49, v36;
	[tilespmem:s9+$0xFFFFFE30] =	vst v5  }
0x31e: {  	v20 =	vld [tilespmem:s9+$0xFFFFFEF0];
	v58 =	vmul.f32 v50, v36;
	[tilespmem:s9+$0xFFFFFE40] =	vst v54  }
0x31f: {  	v22 =	vld [tilespmem:s9+$0xFFFFFF00];
	v60 =	vmul.f32 v52, v36;
	[tilespmem:s9+$0xFFFFFE50] =	vst v56  }
0x320: {  	v24 =	vld [tilespmem:s9+$0xFFFFFF10];
	v62 =	vmul.f32 v53, v19;
	[tilespmem:s9+$0xFFFFFE60] =	vst v58  }
0x321: {  	v26 =	vld [tilespmem:s9+$0xFFFFFF20];
	v16 =	vmul.f32 v55, v19;
	[tilespmem:s9+$0xFFFFFE70] =	vst v60  }
0x322: {  	v2 =	vbroadcast v13, $0x0;
	v28 =	vld [tilespmem:s9+$0xFFFFFF30];
	v18 =	vmul.f32 v57, v19;
	[tilespmem:s9+$0xFFFFFE80] =	vst v62  }
0x323: {  	v14 =	vbroadcast v14, $0x0;
	v30 =	vld [tilespmem:s9+$0xFFFFFF40];
	v21 =	vmul.f32 v59, v19;
	[tilespmem:s9+$0xFFFFFE90] =	vst v16  }
0x324: {  	v32 =	vld [tilespmem:s9+$0xFFFFFF50];
	v23 =	vmul.f32 v61, v19;
	[tilespmem:s9+$0xFFFFFEA0] =	vst v18  }
0x325: {  	v34 =	vld [tilespmem:s9+$0xFFFFFF60];
	v25 =	vmul.f32 v63, v19;
	[tilespmem:s9+$0xFFFFFEB0] =	vst v21  }
0x326: {  	v12 =	vld [tilespmem:s9+$0x50];
	v29 =	vmul.f32 v20, v19;
	[tilespmem:s9+$0xFFFFFEC0] =	vst v23  }
0x327: {  	v17 =	vld [tilespmem:s9+$0xFFFFFEE0];
	v31 =	vmul.f32 v22, v9;
	[tilespmem:s9+$0xFFFFFED0] =	vst v25  }
0x328: {  	v35 =	vmov s15;
	v4 =	vld.idx.msk [tilespmem:v2+s31+$0x0], $0xffff;
	v33 =	vmul.f32 v24, v9;
	[tilespmem:s9+$0xFFFFFEF0] =	vst v29  }
0x329: {  	v13 =	vand.u32 $0x7F, v35;
	v3 =	vld.idx.msk [tilespmem:v14+s31+$0x0], $0xffff;
	v35 =	vmul.f32 v26, v9;
	[tilespmem:s9+$0xFFFFFF00] =	vst v31  }
0x32a: {  	v36 =	vld [tilespmem:s9+$0xFFFFFF70];
	v37 =	vmul.f32 v28, v9;
	[tilespmem:s9+$0xFFFFFF10] =	vst v33  }
0x32b: {  	v15 =	vbroadcast v15, $0x0;
	v39 =	vmul.f32 v30, v9;
	v40 =	vld [tilespmem:s9+$0xFFFFFF90];
	[tilespmem:s9+$0xFFFFFF20] =	vst v35  }
0x32c: {  	v41 =	vmul.f32 v32, v9;
	v42 =	vld [tilespmem:s9+$0xFFFFFFA0];
	[tilespmem:s9+$0xFFFFFF30] =	vst v37  }
0x32d: {  	v44 =	vld [tilespmem:s9+$0xFFFFFFB0];
	v43 =	vmul.f32 v34, v9;
	[tilespmem:s9+$0xFFFFFF40] =	vst v39  }
0x32e: {  	v46 =	vld [tilespmem:s9+$0xFFFFFFC0];
	[tilespmem:s9+$0xFFFFFF50] =	vst v41;
	v27 =	vmul.f32 v17, v19  }
0x32f: {  	v50 =	vld [tilespmem:s9+$0xFFFFFFE0];
	[tilespmem:s9+$0xFFFFFF60] =	vst v43;
	v45 =	vmul.f32 v36, v9  }
0x330: {  	v52 =	vld [tilespmem:s9+$0xFFFFFFF0];
	v49 =	vmul.f32 v40, v11;
	[tilespmem:s9+$0xFFFFFEE0] =	vst v27  }
0x331: {  	v2 =	vld.idx.msk [tilespmem:v15+s31+$0x0], $0xffff;
	v51 =	vmul.f32 v42, v11;
	[tilespmem:s9+$0xFFFFFF70] =	vst v45  }
0x332: {  	v14 =	vld [tilespmem:s9+$0x60];
	v53 =	vmul.f32 v44, v11;
	[tilespmem:s9+$0xFFFFFF90] =	vst v49  }
0x333: {  	v20 =	vld [tilespmem:s9+$0x90];
	v55 =	vmul.f32 v46, v11;
	[tilespmem:s9+$0xFFFFFFA0] =	vst v51  }
0x334: {  	v22 =	vld [tilespmem:s9+$0xA0];
	v59 =	vmul.f32 v50, v11;
	[tilespmem:s9+$0xFFFFFFB0] =	vst v53  }
0x335: {  	v24 =	vld [tilespmem:s9+$0xB0];
	v61 =	vmul.f32 v52, v11;
	[tilespmem:s9+$0xFFFFFFC0] =	vst v55  }
0x336: {  	v48 =	vld [tilespmem:s9+$0xFFFFFFD0];
	v21 =	vmul.f32 v12, v4;
	[tilespmem:s9+$0xFFFFFFE0] =	vst v59  }
0x337: {  	v54 =	vld [tilespmem:s9+$0x0];
	v23 =	vmul.f32 v14, v4;
	[tilespmem:s9+$0xFFFFFFF0] =	vst v61  }
0x338: {  	v56 =	vld [tilespmem:s9+$0x10];
	v28 =	vmul.f32 v20, v3;
	[tilespmem:s9+$0x50] =	vst v21  }
0x339: {  	v58 =	vld [tilespmem:s9+$0x20];
	v30 =	vmul.f32 v22, v3;
	[tilespmem:s9+$0x60] =	vst v23  }
0x33a: {  	v60 =	vld [tilespmem:s9+$0x30];
	v32 =	vmul.f32 v24, v3;
	[tilespmem:s9+$0x90] =	vst v28  }
0x33b: {  	v0 =	vor.u32 v0, v13;
	v62 =	vld [tilespmem:s9+$0x40];
	v57 =	vmul.f32 v48, v11;
	[tilespmem:s9+$0xA0] =	vst v30  }
0x33c: {  	v0 =	vbroadcast v0, $0x0;
	v16 =	vld [tilespmem:s9+$0x70];
	v63 =	vmul.f32 v54, v4;
	[tilespmem:s9+$0xB0] =	vst v32  }
0x33d: {  	v18 =	vld [tilespmem:s9+$0x80];
	v13 =	vmul.f32 v56, v4;
	[tilespmem:s9+$0xFFFFFFD0] =	vst v57  }
0x33e: {  	v25 =	vld [tilespmem:s9+$0xC0];
	v15 =	vmul.f32 v58, v4;
	[tilespmem:s9+$0x0] =	vst v63  }
0x33f: {  	v33 =	vld [tilespmem:s9+$0x100];
	v17 =	vmul.f32 v60, v4;
	[tilespmem:s9+$0x10] =	vst v13  }
0x340: {  	v35 =	vld [tilespmem:s9+$0x110];
	v19 =	vmul.f32 v62, v4;
	[tilespmem:s9+$0x20] =	vst v15  }
0x341: {  	v37 =	vld [tilespmem:s9+$0x120];
	v4 =	vmul.f32 v16, v4;
	[tilespmem:s9+$0x30] =	vst v17  }
0x342: {  	v0 =	vld.idx.msk [tilespmem:v0+s31+$0x0], $0xffff;
	v26 =	vmul.f32 v18, v3;
	[tilespmem:s9+$0x40] =	vst v19  }
0x343: {  	v40 =	vld [tilespmem:s9+$0x140];
	v34 =	vmul.f32 v25, v3;
	[tilespmem:s9+$0x70] =	vst v4  }
0x344: {  	v42 =	vld [tilespmem:s9+$0x150];
	v41 =	vmul.f32 v33, v2;
	[tilespmem:s9+$0x80] =	vst v26  }
0x345: {  	v44 =	vld [tilespmem:s9+$0x160];
	v43 =	vmul.f32 v35, v2;
	[tilespmem:s9+$0xC0] =	vst v34  }
0x346: {  	v50 =	vld [tilespmem:s9+$0x190];
	v45 =	vmul.f32 v37, v2;
	[tilespmem:s9+$0x100] =	vst v41  }
0x347: {  	v52 =	vld [tilespmem:s9+$0x1A0];
	v7 =	vmul.f32 v38, v0;
	[tilespmem:s9+$0x110] =	vst v43  }
0x348: {  	v27 =	vld [tilespmem:s9+$0xD0];
	[tilespmem:s9+$0x120] =	vst v45;
	v49 =	vmul.f32 v40, v2  }
0x349: {  	v48 =	vld [tilespmem:s9+$0x180];
	[tilespmem:s9+$0x1F0] =	vst v7;
	v51 =	vmul.f32 v42, v2  }
0x34a: {  	v54 =	vld [tilespmem:s9+$0x1B0];
	v53 =	vmul.f32 v44, v2;
	[tilespmem:s9+$0x140] =	vst v49  }
0x34b: {  	v55 =	vld [tilespmem:s9+$0x1C0];
	v58 =	vmul.f32 v50, v0;
	[tilespmem:s9+$0x150] =	vst v51  }
0x34c: {  	v38 =	vld [tilespmem:s9+$0xFFFFFF80];
	v60 =	vmul.f32 v52, v0;
	[tilespmem:s9+$0x160] =	vst v53  }
0x34d: {  	v29 =	vld [tilespmem:s9+$0xE0];
	v36 =	vmul.f32 v27, v3;
	[tilespmem:s9+$0x190] =	vst v58  }
0x34e: {  	v31 =	vld [tilespmem:s9+$0xF0];
	v56 =	vmul.f32 v48, v0;
	[tilespmem:s9+$0x1A0] =	vst v60  }
0x34f: {  	v57 =	vld [tilespmem:s9+$0x1D0];
	v61 =	vmul.f32 v54, v0;
	[tilespmem:s9+$0xD0] =	vst v36  }
0x350: {  	v59 =	vld [tilespmem:s9+$0x1E0];
	v62 =	vmul.f32 v55, v0;
	[tilespmem:s9+$0x180] =	vst v56  }
0x351: {  	v39 =	vld [tilespmem:s9+$0x130];
	v47 =	vmul.f32 v38, v11;
	[tilespmem:s9+$0x1B0] =	vst v61  }
0x352: {  	v46 =	vld [tilespmem:s9+$0x170];
	v38 =	vmul.f32 v29, v3;
	[tilespmem:s9+$0x1C0] =	vst v62  }
0x353: {  	v3 =	vmul.f32 v31, v3;
	[tilespmem:s9+$0xFFFFFF80] =	vst v47  }
0x354: {  	v63 =	vmul.f32 v57, v0;
	[tilespmem:s9+$0xE0] =	vst v38  }
0x355: {  	p1 =	sne.s32 s12, $0x19;
	v0 =	vmul.f32 v59, v0;
	[tilespmem:s9+$0xF0] =	vst v3  }
.Ltmp14:
0x356: {  	v47 =	vmul.f32 v39, v2;
	[tilespmem:s9+$0x1D0] =	vst v63;
	(pc) =	sbr.rel @p1 .LBB2_19-.Ltmp14, $4  }
0x357: {  	v2 =	vmul.f32 v46, v2;
	[tilespmem:s9+$0x1E0] =	vst v0  }
0x358: {  	[tilespmem:s9+$0x130] =	vst v47  }
0x359: {  	s17 =	smov.u32 s12;
	[tilespmem:s9+$0x170] =	vst v2  }
0x35a: {  	[spmem:s6] =	stream.indirect.scatter.add.f32 [tilespmem:s19], [sflag:$0x2], $0x80, s18, s24, $0xb8;
	[tilespmem:$0x1FD00] =	vst v63  }
0x35b: {  	s14 =	sadd.s32 $0x1, s14  }
0x35c: {  	p1 =	sne.s32 s14, $0xA  }
.Ltmp15:
0x35d: {  	_ = 	snop;
	(pc) =	sbr.rel @p1 .LBB2_18-.Ltmp15, $4  }
0x35e: {  	_ = 	snop  }
0x35f: {  	_ =	swait.ge [sflag:s25], $0x2800  }
0x360: {  	[sflag:s25] =	ssyncset.done $0x0  }
0x361: {  	[sflag:s25] =	ssyncadd.s32 $0xFFFFD800  }
.Ltmp16:
0x362: {  	(pc) =	sbr.rel .LBB2_26-.Ltmp16, $2  }
0x363: {  	_ =	sdelay $0x2  }
0x364: {  	s9 =	rddreg [dreg:$0xa]  }
.LBB2_27:
0x365: {  	_ =	sfence.sel $0x180000  }
0x366: {  	[bflag:$0x0] =	sbarrier.arrive $0xFFFF  }
0x367: {  	_ =	strace $0x90000047  }
0x368: {  	s0 =	stileid.u32;
	[bflag:$0x2] =	sbarrier.arrive $0xFFFF  }
0x369: {  	p0 =	sne.s32 s0, $0x0;
	s0 =	rddreg [dreg:$0x7]  }
0x36a: {  	s0 =	sadd.s32 @!p0 $0x100000, s0  }
0x36b: {  	[sflag:s0] =	ssyncadd.tile.s32 @!p0 $0x1;
	_ =	shalt  }
.Lfunc_end2:
_tile_overlayer_lowered:
.L_overlay_start_2:
0x36c: {  	(tag) =	ssettag $0x2  }
0x36d: {  	s0 =	rddreg [dreg:$0x0];
	s2 =	stileid.u32  }
0x36e: {  	s1 =	rddreg [dreg:$0x1];
	p0 =	sne.s32 s2, $0x0  }
0x36f: {  	s3 =	rddreg [dreg:$0x2];
	[bflag:$0x3] =	sbarrier.arrive $0xFFFF;
	s2 =	simm.s32 @!p0 $0x1C03  }
0x370: {  	[timem:s3], [sflag:s2] =	dma.local @!p0 [hbm:s0], s1  }
0x371: {  	s0 =	simm.s32 @!p0 $0x3  }
0x372: {  	_ =	swait.ge @!p0 [sflag:s0], s1  }
0x373: {  	s1 =	ssub.s32 @!p0 $0x0, s1;
	[sflag:s0] =	ssyncset.done @!p0 $0x0  }
0x374: {  	[sflag:s0] =	ssyncadd.s32 @!p0 s1  }
0x375: {  	[bflag:$0x3] =	sbarrier.arrive $0xFFFF  }
0x376: {  	_ =	shalt  }

// kernel: kernel.9.cloned.1.call-start
scs
__scs_entry_jumppad:
0x0: {  	(pc) =	sbr.rel $0x88, $3  }
0x1: {  	(tag) =	ssettag $0x0;
	lr =	simm.s32 $0x1  }
0x2: {  	[smem:$0x3F89] =	sst lr;
	_ =	strace $0xD0000000  }
0x3: {  	_ = 	snop  }
0x4: {  	_ = 	snop  }
0x5: {  	_ = 	snop  }
0x6: {  	_ = 	snop  }
0x7: {  	_ = 	snop  }
__scs_overlays_trampoline_lowered:
0x8: {  	[smem:$0x3F98] =	sst s0  }
0x9: {  	[smem:$0x3F99] =	sst s1  }
0xa: {  	[smem:$0x3F9A] =	sst s2  }
0xb: {  	[smem:$0x3F9B] =	sst s3  }
0xc: {  	[smem:$0x3F9C] =	sst s4  }
0xd: {  	[smem:$0x3F9D] =	sst s5  }
0xe: {  	[smem:$0x3F9E] =	sst s6  }
0xf: {  	[smem:$0x3F9F] =	sst s7  }
0x10: {  	[smem:$0x3FA0] =	sst s8  }
0x11: {  	[smem:$0x3FA1] =	sst s9;
	s0 =	simm.s32 @!p0 $0x0  }
0x12: {  	s1 =	sld [smem:$0x3F87];
	s0 =	simm.s32 @p0 $0x1  }
0x13: {  	[smem:$0x3FA2] =	sst s0;
	s0 =	simm.s32 @!p1 $0x0  }
0x14: {  	s2 =	sld [smem:$0x3F86];
	s0 =	simm.s32 @p1 $0x1  }
0x15: {  	[smem:$0x3FA3] =	sst s0;
	s0 =	simm.s32 @!p2 $0x0  }
0x16: {  	s3 =	sld [smem:$0x3FDB];
	s0 =	simm.s32 @p2 $0x1  }
0x17: {  	s4 =	simm.s32 $0x1BF5;
	[smem:$0x3FA5] =	sst s0  }
0x18: {  	s0 =	sld [smem:$0x3F88];
	_ =	swait.ge [sflag:s4], $0x0  }
0x19: {  	s7 =	sld [smem:$0x3F89]  }
0x1a: {  	s8 =	sadd.s32 $0xFFFFE003, lr  }
0x1b: {  	s9 =	sadd.s32 $0xFFFFFEF7, lr;
	s5 =	simm.s32 $0xFFFFFFFF;
	p2 =	slt.u32 s8, $0xFFFFF086  }
0x1c: {  	p1 =	slt.u32 s9, $0xF7A;
	s5 =	simm.s32 @!p2 $0x0  }
0x1d: {  	s5 =	simm.s32 @p1 $0x1;
	p0 =	seq.s32 s7, s2  }
0x1e: {  	s7 =	smul.u32 @!p0 $0xF7A, s2;
	p2 =	seq.s32 @!p0 s5, $0x0  }
0x1f: {  	s9 =	smul.u32 $0xF7A, s1;
	s8 =	simm.s32 @!p0 $0x1BF5;
	p2 =	por !p2, p0  }
0x20: {  	[sflag:s8] =	ssyncset.s32 @!p0 $0xFFFFF086;
	s6 =	sadd.s32 @!p0 s3, s7;
	s7 =	simm.s32 @!p0 $0x108  }
0x21: {  	s3 =	sadd.s32 s3, s9;
	s6 =	sadd.s32 @!p0 $0x88, s6;
	s7 =	simm.s32 @p2 $0x1082  }
0x22: {  	[simem:s7], [sflag:s8] =	dma.local @!p0 [hbm:s6], $0xF7A  }
0x23: {  	s9 =	sor.u32 $0xD0000000, s2;
	s6 =	simm.s32 $0x108;
	_ =	swait.ge @!p0 [sflag:s8], $0x0  }
0x24: {  	s3 =	sadd.s32 $0x88, s3;
	s6 =	simm.s32 @!p1 $0x1082;
	[sflag:s4] =	ssyncset.s32 $0xFFFFF086  }
0x25: {  	[simem:s6], [sflag:s4] =	dma.local [hbm:s3], $0xF7A  }
0x26: {  	[smem:$0x3F89] =	sst s1;
	(tag) =	ssettag s2;
	_ =	strace s9  }
0x27: {  	s1 =	sld [smem:$0x3F99]  }
0x28: {  	s2 =	sld [smem:$0x3F9A]  }
0x29: {  	s4 =	sld [smem:$0x3F9C]  }
0x2a: {  	p0 =	seq.s32 s5, $0x0;
	s5 =	sld [smem:$0x3F9D]  }
0x2b: {  	s6 =	sld [smem:$0x3F9E]  }
0x2c: {  	s7 =	sld [smem:$0x3F9F]  }
0x2d: {  	s3 =	simm.s32 $0x108;
	s8 =	sld [smem:$0x3FA0]  }
0x2e: {  	s3 =	simm.s32 @!p0 $0x1082;
	s9 =	sld [smem:$0x3FA1]  }
0x2f: {  	lr =	sadd.s32 s0, s3;
	s0 =	sld [smem:$0x3F98]  }
0x30: {  	s3 =	sld [smem:$0x3F9B]  }
0x31: {  	[smem:$0x3FA4] =	sst s10  }
0x32: {  	s10 =	sld [smem:$0x3FA2];
	_ =	sdelay $0x3  }
0x33: {  	p0 =	seq.s32 s10, $0x1;
	s10 =	sld [smem:$0x3FA4];
	_ =	sdelay $0x3  }
0x34: {  	[smem:$0x3FA4] =	sst s10  }
0x35: {  	s10 =	sld [smem:$0x3FA3];
	_ =	sdelay $0x3  }
0x36: {  	p1 =	seq.s32 s10, $0x1;
	s10 =	sld [smem:$0x3FA4];
	_ =	sdelay $0x3  }
0x37: {  	[smem:$0x3FA4] =	sst s10  }
0x38: {  	s10 =	sld [smem:$0x3FA5]  }
0x39: {  	_ = 	snop;
	(pc) =	sbr.ind lr, $3  }
0x3a: {  	_ = 	snop  }
0x3b: {  	_ = 	snop  }
0x3c: {  	p2 =	seq.s32 s10, $0x1;
	s10 =	sld [smem:$0x3FA4]  }
0x3d: {  	_ =	shalt  }
0x3e: {  	_ =	shalt  }
0x3f: {  	_ =	shalt  }
0x40: {  	_ =	shalt  }
0x41: {  	_ =	shalt  }
0x42: {  	_ =	shalt  }
0x43: {  	_ =	shalt  }
0x44: {  	_ =	shalt  }
0x45: {  	_ =	shalt  }
0x46: {  	_ =	shalt  }
0x47: {  	_ =	shalt  }
0x48: {  	_ =	shalt  }
0x49: {  	_ =	shalt  }
0x4a: {  	_ =	shalt  }
0x4b: {  	_ =	shalt  }
0x4c: {  	_ =	shalt  }
0x4d: {  	_ =	shalt  }
0x4e: {  	_ =	shalt  }
0x4f: {  	_ =	shalt  }
0x50: {  	_ =	shalt  }
0x51: {  	_ =	shalt  }
0x52: {  	_ =	shalt  }
0x53: {  	_ =	shalt  }
0x54: {  	_ =	shalt  }
0x55: {  	_ =	shalt  }
0x56: {  	_ =	shalt  }
0x57: {  	_ =	shalt  }
0x58: {  	_ =	shalt  }
0x59: {  	_ =	shalt  }
0x5a: {  	_ =	shalt  }
0x5b: {  	_ =	shalt  }
0x5c: {  	_ =	shalt  }
0x5d: {  	_ =	shalt  }
0x5e: {  	_ =	shalt  }
0x5f: {  	_ =	shalt  }
0x60: {  	_ =	shalt  }
0x61: {  	_ =	shalt  }
0x62: {  	_ =	shalt  }
0x63: {  	_ =	shalt  }
0x64: {  	_ =	shalt  }
0x65: {  	_ =	shalt  }
0x66: {  	_ =	shalt  }
0x67: {  	_ =	shalt  }
0x68: {  	_ =	shalt  }
0x69: {  	_ =	shalt  }
0x6a: {  	_ =	shalt  }
0x6b: {  	_ =	shalt  }
0x6c: {  	_ =	shalt  }
0x6d: {  	_ =	shalt  }
0x6e: {  	_ =	shalt  }
0x6f: {  	_ =	shalt  }
0x70: {  	_ =	shalt  }
0x71: {  	_ =	shalt  }
0x72: {  	_ =	shalt  }
0x73: {  	_ =	shalt  }
0x74: {  	_ =	shalt  }
0x75: {  	_ =	shalt  }
0x76: {  	_ =	shalt  }
0x77: {  	_ =	shalt  }
0x78: {  	_ =	shalt  }
0x79: {  	_ =	shalt  }
0x7a: {  	_ =	shalt  }
0x7b: {  	_ =	shalt  }
0x7c: {  	_ =	shalt  }
0x7d: {  	_ =	shalt  }
0x7e: {  	_ =	shalt  }
0x7f: {  	_ =	shalt  }
0x80: {  	_ =	shalt  }
0x81: {  	_ =	shalt  }
0x82: {  	_ =	shalt  }
0x83: {  	_ =	shalt  }
0x84: {  	_ =	shalt  }
0x85: {  	_ =	shalt  }
0x86: {  	_ =	shalt  }
0x87: {  	_ =	shalt  }
.Lfunc_end0:
.L_simem_size_0:
called_computation.1_lowered:
.L_overlay_start_0:
0x88: {  	s2 =	sld [smem:$0x3FD9]  }
0x89: {  	s3 =	sld [smem:$0x3FFE];
	_ =	sdelay $0x1  }
0x8a: {  	s1 =	srdreg.scid  }
0x8b: {  	s0 =	sand.u32 $0x1, s1  }
0x8c: {  	s14 =	sshll.u32 s0, $0xA;
	s2 =	sadd.s32 s3, s2  }
0x8d: {  	s2 =	sadd.s32 s2, s14  }
0x8e: {  	[smem:$0x3FB0] =	sst s2  }
0x8f: {  	_ = 	snop  }
0x90: {  	s2 =	sld [smem:$0x3FD0];
	_ =	sdelay $0x2  }
0x91: {  	s15 =	simm.s32 $0xA;
	s4 =	simm.s32 $0x10  }
0x92: {  	[smem:s4], [sflag:s15] =	dma.local [hbm:s2], $0x1  }
0x93: {  	_ =	swait.eq [sflag:s15], $0x1  }
0x94: {  	[sflag:s15] =	ssyncset.done $0x0  }
0x95: {  	[sflag:s15] =	ssyncadd.s32 $0xFFFFFFFF  }
0x96: {  	s16 =	sld [smem:$0x11];
	(tm) =	ssettm $0x1  }
0x97: {  	s17 =	sld [smem:$0x3FFB];
	_ =	sdelay $0x3  }
0x98: {  	_ =	strace s17  }
0x99: {  	s3 =	sld [smem:$0x3FFC];
	_ =	sdelay $0x3  }
0x9a: {  	_ =	strace s3  }
0x9b: {  	s3 =	sld [smem:$0x3FFD];
	_ =	sdelay $0x3  }
0x9c: {  	_ =	strace s3  }
0x9d: {  	_ =	strace $0x8FFFFFFF  }
0x9e: {  	s18 =	sld [smem:$0x3FDB];
	_ =	sdelay $0x1  }
0x9f: {  	s19 =	simm.s32 $_scs_section_size  }
0xa0: {  	s5 =	simm.s32 $_size__tile_overlayer_lowered;
	s6 =	simm.s32 $_tile_overlayer_lowered  }
0xa1: {  	s22 =	simm.s32 $0x1BFF;
	s21 =	sshll.u32 s6, $0x1;
	s3 =	sadd.s32 s19, s18  }
0xa2: {  	s7 =	simm.s32 $0x0;
	s20 =	sshll.u32 s5, $0x1;
	s5 =	sadd.s32 s21, s3  }
0xa3: {  	[timem:s7], [sflag:s22] =	dma.local [hbm:s5], s20  }
0xa4: {  	_ =	swait.ge [sflag:s22], s20  }
0xa5: {  	s4 =	ssub.s32 $0x0, s20;
	[sflag:s22] =	ssyncset.done $0x0  }
0xa6: {  	[sflag:s22] =	ssyncadd.s32 s4;
	_ =	sdelay $0x1  }
0xa7: {  	s23 =	simm.s32 $0x1B8B  }
0xa8: {  	_ =	swait.ge [sflag:s23], $0x1  }
0xa9: {  	[sflag:s23] =	ssyncset.done $0x0  }
0xaa: {  	s25 =	simm.s32 $0x1B8E;
	s24 =	sld [smem:$0x3FFE];
	[sflag:s23] =	ssyncadd.s32 $0xFFFFFFFF  }
0xab: {  	s26 =	simm.s32 $execute0_lowered;
	[smem:$0x3FD2] =	sst s25  }
0xac: {  	s5 =	sshll.u32 s26, $0x1;
	_ =	strace $0x80000049;
	[dreg:$0x1] =	wrdreg $0xFFFFFFFF  }
0xad: {  	s28 =	simm.s32 $_size_execute0_lowered;
	s3 =	sadd.s32 s3, s5;
	[dreg:$0x0] =	wrdreg $0x0  }
0xae: {  	s5 =	sshll.u32 s28, $0x1;
	[dreg:$0x2] =	wrdreg s3  }
0xaf: {  	[dreg:$0x3] =	wrdreg s5  }
0xb0: {  	[dreg:$0x4] =	wrdreg $0xC0  }
0xb1: {  	_ =	task [dreg:s7], $0x5FFFF  }
0xb2: {  	[dreg:$0x1] =	wrdreg $0xFFFFFFFF  }
0xb3: {  	[dreg:$0x0] =	wrdreg $0x60  }
0xb4: {  	[dreg:$0x2] =	wrdreg s16  }
0xb5: {  	[dreg:$0x3] =	wrdreg s24  }
0xb6: {  	[dreg:$0x4] =	wrdreg $0xA8000  }
0xb7: {  	[dreg:$0x5] =	wrdreg $0x9  }
0xb8: {  	_ =	task.clear_ibuf [dreg:s7], $0x6FFFF;
	_ =	strace $0x90000049  }
0xb9: {  	s29 =	simm.s32 $0x9;
	_ =	strace $0x8000004B  }
0xba: {  	_ =	swait.ge [sflag:s29], $0x1  }
0xbb: {  	[sflag:s29] =	ssyncadd.s32 $0xFFFFFFFF  }
0xbc: {  	_ =	strace $0x9000004B  }
0xbd: {  	_ =	sfence  }
0xbe: {  	s30 =	sld [smem:$0x0];
	_ =	sdelay $0x2  }
0xbf: {  	s31 =	sshll.u32 s1, $0xD;
	s1 =	sshrl.u32 s1, $0x2  }
0xc0: {  	s3 =	sand.u32 $0x4000, s31;
	s1 =	sadd.s32 s1, s30  }
0xc1: {  	s0 =	sor.u32 s3, s0;
	s1 =	sshll.u32 s1, $0x11  }
0xc2: {  	s0 =	sor.u32 s1, s0  }
0xc3: {  	s0 =	sadd.s32 $0x8F2B, s0  }
0xc4: {  	[sflag:s0] =	ssyncadd.remote.s32 $0x1  }
0xc5: {  	_ =	sfence.sel $0xFFFF  }
0xc6: {  	[dreg:$0x0] =	wrdreg $0xFFFFFFFF;
	(pc) =	sbr.abs _section_cstart, $3  }
0xc7: {  	[dreg:$0x1] =	wrdreg $0xFFFFFFFF  }
0xc8: {  	_ =	task.clear_ibuf [dreg:s7], $0x2FFFF;
	_ =	strace $0x9FFFFFFF  }
0xc9: {  	(tm) =	ssettm $0x7FFFFFFF  }
tec
execute0_lowered:
.L_overlay_start_1:
0x0: {  	(tag) =	ssettag $0x1  }
0x1: {  	s1 =	rddreg [dreg:$0x0]  }
0x2: {  	s8 =	rddreg [dreg:$0x1]  }
0x3: {  	s3 =	rddreg [dreg:$0x2]  }
0x4: {  	s0 =	rddreg [dreg:$0x3]  }
0x5: {  	s4 =	simm.s32 $0x0;
	s2 =	stileid.u32;
	s5 =	srdreg.scid  }
0x6: {  	s16 =	simm.s32 $0x2000;
	s17 =	simm.s32 $0x50;
	s18 =	simm.s32 $0x3000  }
0x7: {  	s19 =	simm.s32 $0x1;
	s20 =	simm.s32 $0x2;
	[smem:$0x7FF] =	sst s4  }
0x8: {  	s9 =	smul.u32 $0x2800, s2;
	s10 =	sand.u32 $0x1, s5;
	s5 =	sadd.s32 $0xA4C00, s8  }
0x9: {  	s6 =	sadd.s32 $0xB8C00, s8;
	s7 =	sadd.s32 $0x90C00, s8;
	s13 =	smul.u32 $0x50000, s2  }
0xa: {  	s31 =	sshll.u32 s2, $0x6;
	_ =	strace $0x8000004A;
	s11 =	smul.u32 $0x28000, s10  }
0xb: {  	s26 =	ssub.s32 $0x2, s10;
	s29 =	sshll.u32 s10, $0x4;
	s12 =	sadd.s32 s9, s8  }
0xc: {  	s28 =	sshrl.u32 s26, $0x1;
	s10 =	sor.u32 s2, s29;
	s30 =	sshrl.u32 s13, $0x2  }
0xd: {  	s9 =	sadd.s32 s9, s11;
	s15 =	ssub.s32 s26, s28;
	s13 =	sadd.s32 s30, s3  }
0xe: {  	s10 =	smul.u32 $0x5000, s10;
	s14 =	sadd.s32 s9, s8;
	s8 =	sadd.s32 $0x18600, s12  }
0xf: {  	s9 =	sor.u32 $0x1C03, s31;
	s12 =	smax.u32 s15, $0x1;
	s13 =	sshrl.u32 s13, $0x3  }
0x10: {  	s15 =	simm.s32 $0x1000;
	s11 =	sadd.s32 $0xCCC00, s14;
	s14 =	simm.s32 $0x3  }
.LBB2_1:
0x11: {  	[spmem:s13], [sflag:s9] =	dma.local [hbm:s8], $0x2800  }
0x12: {  	_ =	swait.ge [sflag:s14], $0x2800  }
0x13: {  	[sflag:s14] =	ssyncset.done $0x0  }
0x14: {  	[sflag:s14] =	ssyncadd.s32 $0xFFFFD800  }
0x15: {  	s21 =	simm.s32 $0x0;
	[bflag:$0x0] =	sbarrier.arrive $0xFFFF  }
.LBB2_2:
0x16: {  	s22 =	sshll.u32 s21, $0xC  }
0x17: {  	s22 =	sadd.s32 s10, s22  }
0x18: {  	s22 =	sshrl.u32 s22, $0x3  }
0x19: {  	s25 =	simm.s32 $0x0;
	s23 =	sadd.s32 s5, s22  }
0x1a: {  	[tilespmem:s25], [sflag:$0x3] =	stream.linear.gather [hbm4b:s23+s25], $0xC80, $0x38;
	[tilespmem:$0x1E800] =	vst v63  }
0x1b: {  	_ =	swait.ge [sflag:s14], $0xC80  }
0x1c: {  	[sflag:s14] =	ssyncset.done $0x0  }
0x1d: {  	s31 =	sadd.s32 s6, s22;
	[sflag:s14] =	ssyncadd.s32 $0xFFFFF380  }
0x1e: {  	[tilespmem:s15], [sflag:$0x3] =	stream.linear.gather [hbm4b:s31+s25], $0xC80, $0x38;
	[tilespmem:$0x1E800] =	vst v63  }
0x1f: {  	_ =	swait.ge [sflag:s14], $0xC80  }
0x20: {  	[sflag:s14] =	ssyncset.done $0x0  }
0x21: {  	s22 =	sadd.s32 s7, s22;
	[sflag:s14] =	ssyncadd.s32 $0xFFFFF380  }
0x22: {  	[tilespmem:s16], [sflag:$0x3] =	stream.linear.gather [hbm4b:s22+s25], $0xC80, $0x38;
	[tilespmem:$0x1E800] =	vst v63  }
0x23: {  	_ =	swait.ge [sflag:s14], $0xC80  }
0x24: {  	[sflag:s14] =	ssyncset.done $0x0  }
0x25: {  	s22 =	simm.s32 $0x33F0;
	[sflag:s14] =	ssyncadd.s32 $0xFFFFF380  }
0x26: {  	[tilespmem:s18], [sflag:$0x1] =	stream.indirect.gather [hbm4b:s1+s17], $0x80, s25, s17, $0xb8;
	[tilespmem:$0x1E800] =	vst v63  }
.LBB2_3:
0x27: {  	_ =	swait.ge [sflag:s19], $0x2800  }
0x28: {  	p0 =	slt.u32 s25, $0x2;
	[sflag:s19] =	ssyncset.done $0x0  }
0x29: {  	s24 =	simm.s32 @!p0 $0x2;
	[sflag:s19] =	ssyncadd.s32 $0xFFFFD800  }
0x2a: {  	s26 =	smul.u32 $0xAB, s25;
	p1 =	seq.s32 @!p0 s25, $0x18;
	_ =	swait.ge @!p0 [sflag:s24], $0x2800  }
0x2b: {  	p1 =	por p0, !p1;
	[sflag:s24] =	ssyncset.done @!p0 $0x0  }
0x2c: {  	[sflag:s24] =	ssyncadd.s32 @!p0 $0xFFFFD800;
	s24 =	sadd.s32 @p1 $0xAB, s26  }
0x2d: {  	s24 =	sshrl.u32 @p1 s24, $0x9  }
0x2e: {  	s24 =	sand.u32 @p1 $0x7F, s24  }
0x2f: {  	s24 =	smul.u32 @p1 $0x3, s24  }
0x30: {  	s23 =	sadd.s32 $0x1, s25  }
0x31: {  	s24 =	ssub.s32 @p1 s23, s24  }
0x32: {  	s24 =	sand.u32 @p1 $0xFF, s24  }
0x33: {  	s24 =	smul.u32 @p1 $0xA000, s24;
	_ =	sdelay $0x1  }
0x34: {  	s28 =	sshll.u32 @p1 s23, $0x7;
	s24 =	sshrl.u32 @p1 s24, $0x2  }
0x35: {  	s28 =	sand.u32 @p1 $0x3FFFFF80, s28;
	s24 =	sadd.s32 @p1 $0x3000, s24  }
0x36: {  	[tilespmem:s24], [sflag:$0x1] =	stream.indirect.gather @p1 [hbm4b:s1+s17], $0x80, s28, s17, $0xb8;
	[tilespmem:$0x1E800] =	vst v63  }
0x37: {  	s28 =	simm.s32 $0x0  }
0x38: {  	s24 =	sshll.u32 s25, $0x7;
	v0 =	vmov s28  }
0x39: {  	v3 =	vmov s24;
	s28 =	simm.s32 $0x1;
	v0 =	vand.u32 $0x78, v0  }
0x3a: {  	v1 =	vmov s28;
	s28 =	simm.s32 $0x2;
	v0 =	vor.u32 v3, v0  }
0x3b: {  	v1 =	vand.u32 $0x79, v1;
	v2 =	vmov s28;
	s28 =	simm.s32 $0x3;
	v0 =	vbroadcast v0, $0x0  }
0x3c: {  	v1 =	vor.u32 v3, v1;
	v2 =	vand.u32 $0x7A, v2;
	v4 =	vmov s28  }
0x3d: {  	s28 =	simm.s32 $0x4;
	v1 =	vbroadcast v1, $0x0;
	v2 =	vor.u32 v3, v2;
	v4 =	vand.u32 $0x7B, v4  }
0x3e: {  	v5 =	vmov s28;
	s28 =	simm.s32 $0x5;
	v2 =	vbroadcast v2, $0x0;
	v4 =	vor.u32 v3, v4  }
0x3f: {  	s29 =	smulhi.u32 $0xAAAAAAAB, s25;
	v5 =	vand.u32 $0x7C, v5;
	v6 =	vmov s28;
	s28 =	simm.s32 $0x6;
	v4 =	vbroadcast v4, $0x0  }
0x40: {  	v5 =	vor.u32 v3, v5;
	v6 =	vand.u32 $0x7D, v6;
	v7 =	vmov s28  }
0x41: {  	s28 =	sshrl.u32 s29, $0x1;
	v5 =	vbroadcast v5, $0x0;
	v6 =	vor.u32 v3, v6;
	v7 =	vand.u32 $0x7E, v7  }
0x42: {  	s29 =	simm.s32 $0x7;
	s28 =	smul.u32 $0xFFFE2000, s28;
	v11 =	vbroadcast v6, $0x0;
	v6 =	vor.u32 v3, v7  }
0x43: {  	v7 =	vmov s29;
	v9 =	vld.idx.msk [tilespmem:v0+s16+$0x0], $0xffff;
	v12 =	vbroadcast v6, $0x0  }
0x44: {  	v0 =	vand.u32 $0x7F, v7;
	s28 =	sshra.s32 s28, $0x2;
	v8 =	vld.idx.msk [tilespmem:v1+s16+$0x0], $0xffff  }
0x45: {  	v1 =	vor.u32 v3, v0;
	v0 =	vmov s28;
	v6 =	vld.idx.msk [tilespmem:v2+s16+$0x0], $0xffff  }
0x46: {  	v1 =	vbroadcast v1, $0x0;
	v10 =	vld.idx.msk [tilespmem:v4+s16+$0x0], $0xffff  }
0x47: {  	v7 =	vld.idx.msk [tilespmem:v5+s16+$0x0], $0xffff  }
0x48: {  	v5 =	vld.idx.msk [tilespmem:v11+s16+$0x0], $0xffff  }
0x49: {  	v4 =	vld.idx.msk [tilespmem:v12+s16+$0x0], $0xffff  }
0x4a: {  	s28 =	simm.s32 $0x8;
	v11 =	vld.idx.msk [tilespmem:v0+s22+$0xFFFFFF90 ss:$0x1], $0xffff  }
0x4b: {  	v2 =	vmov s28;
	v13 =	vld.idx.msk [tilespmem:v0+s22+$0xFFFFFC90 ss:$0x1], $0xffff  }
0x4c: {  	v2 =	vand.u32 $0x78, v2;
	v12 =	vld.idx.msk [tilespmem:v1+s16+$0x0], $0xffff  }
0x4d: {  	v1 =	vor.u32 v3, v2;
	v2 =	vld.idx.msk [tilespmem:v0+s22+$0xFFFFFC10 ss:$0x1], $0xffff  }
0x4e: {  	v15 =	vld.idx.msk [tilespmem:v0+s22+$0xFFFFFD90 ss:$0x1], $0xffff;
	v1 =	vbroadcast v1, $0x0  }
0x4f: {  	v14 =	vld.idx.msk [tilespmem:v0+s22+$0xFFFFFD10 ss:$0x1], $0xffff  }
0x50: {  	v17 =	vld.idx.msk [tilespmem:v0+s22+$0xFFFFFE90 ss:$0x1], $0xffff;
	v13 =	vmul.f32 v13, v8  }
0x51: {  	v16 =	vld.idx.msk [tilespmem:v0+s22+$0xFFFFFE10 ss:$0x1], $0xffff;
	v11 =	vmul.f32 v11, v12  }
0x52: {  	v18 =	vld.idx.msk [tilespmem:v0+s22+$0xFFFFFF10 ss:$0x1], $0xffff;
	v2 =	vmul.f32 v2, v9;
	[tilespmem:v0+s22+$0xFFFFFC90 ss:$0x1] =	vst.idx.msk $0xffff, v13  }
0x53: {  	s28 =	simm.s32 $0x9;
	v13 =	vmul.f32 v15, v10;
	v15 =	vld.idx.msk [tilespmem:v0+s22+$0xFFFFFCA0 ss:$0x1], $0xffff;
	[tilespmem:v0+s22+$0xFFFFFF90 ss:$0x1] =	vst.idx.msk $0xffff, v11  }
0x54: {  	v19 =	vmov s28;
	v1 =	vld.idx.msk [tilespmem:v1+s16+$0x0], $0xffff;
	[tilespmem:v0+s22+$0xFFFFFC10 ss:$0x1] =	vst.idx.msk $0xffff, v2;
	v2 =	vmul.f32 v14, v6  }
0x55: {  	v11 =	vand.u32 $0x79, v19;
	[tilespmem:v0+s22+$0xFFFFFD90 ss:$0x1] =	vst.idx.msk $0xffff, v13;
	v13 =	vmul.f32 v17, v5;
	v14 =	vld.idx.msk [tilespmem:v0+s22+$0xFFFFFFA0 ss:$0x1], $0xffff  }
0x56: {  	v11 =	vor.u32 v3, v11;
	v19 =	vld.idx.msk [tilespmem:v0+s22+$0xFFFFFC20 ss:$0x1], $0xffff;
	[tilespmem:v0+s22+$0xFFFFFD10 ss:$0x1] =	vst.idx.msk $0xffff, v2;
	v2 =	vmul.f32 v16, v7  }
0x57: {  	v17 =	vld.idx.msk [tilespmem:v0+s22+$0xFFFFFDA0 ss:$0x1], $0xffff;
	v11 =	vbroadcast v11, $0x0;
	[tilespmem:v0+s22+$0xFFFFFE90 ss:$0x1] =	vst.idx.msk $0xffff, v13  }
0x58: {  	v16 =	vld.idx.msk [tilespmem:v0+s22+$0xFFFFFD20 ss:$0x1], $0xffff;
	[tilespmem:v0+s22+$0xFFFFFE10 ss:$0x1] =	vst.idx.msk $0xffff, v2;
	v2 =	vmul.f32 v18, v4  }
0x59: {  	v13 =	vld.idx.msk [tilespmem:v0+s22+$0xFFFFFEA0 ss:$0x1], $0xffff;
	v15 =	vmul.f32 v15, v8  }
0x5a: {  	v18 =	vld.idx.msk [tilespmem:v0+s22+$0xFFFFFE20 ss:$0x1], $0xffff;
	[tilespmem:v0+s22+$0xFFFFFF10 ss:$0x1] =	vst.idx.msk $0xffff, v2;
	v14 =	vmul.f32 v14, v12  }
0x5b: {  	v19 =	vmul.f32 v19, v9;
	[tilespmem:v0+s22+$0xFFFFFCA0 ss:$0x1] =	vst.idx.msk $0xffff, v15;
	v20 =	vld.idx.msk [tilespmem:v0+s22+$0xFFFFFF20 ss:$0x1], $0xffff  }
0x5c: {  	s28 =	simm.s32 $0xA;
	v15 =	vmul.f32 v17, v10;
	v17 =	vld.idx.msk [tilespmem:v0+s22+$0xFFFFFCB0 ss:$0x1], $0xffff;
	[tilespmem:v0+s22+$0xFFFFFFA0 ss:$0x1] =	vst.idx.msk $0xffff, v14  }
0x5d: {  	v2 =	vld.idx.msk [tilespmem:v11+s16+$0x0], $0xffff;
	v11 =	vmov s28;
	[tilespmem:v0+s22+$0xFFFFFC20 ss:$0x1] =	vst.idx.msk $0xffff, v19;
	v14 =	vmul.f32 v16, v6  }
0x5e: {  	[tilespmem:v0+s22+$0xFFFFFDA0 ss:$0x1] =	vst.idx.msk $0xffff, v15;
	v13 =	vmul.f32 v13, v5;
	v11 =	vand.u32 $0x7A, v11;
	v16 =	vld.idx.msk [tilespmem:v0+s22+$0xFFFFFFB0 ss:$0x1], $0xffff  }
0x5f: {  	v19 =	vld.idx.msk [tilespmem:v0+s22+$0xFFFFFC30 ss:$0x1], $0xffff;
	v11 =	vor.u32 v3, v11;
	[tilespmem:v0+s22+$0xFFFFFD20 ss:$0x1] =	vst.idx.msk $0xffff, v14;
	v14 =	vmul.f32 v18, v7  }
0x60: {  	v15 =	vld.idx.msk [tilespmem:v0+s22+$0xFFFFFDB0 ss:$0x1], $0xffff;
	[tilespmem:v0+s22+$0xFFFFFEA0 ss:$0x1] =	vst.idx.msk $0xffff, v13;
	v11 =	vbroadcast v11, $0x0  }
0x61: {  	v18 =	vld.idx.msk [tilespmem:v0+s22+$0xFFFFFD30 ss:$0x1], $0xffff;
	[tilespmem:v0+s22+$0xFFFFFE20 ss:$0x1] =	vst.idx.msk $0xffff, v14;
	v14 =	vmul.f32 v20, v4  }
0x62: {  	v13 =	vld.idx.msk [tilespmem:v0+s22+$0xFFFFFEB0 ss:$0x1], $0xffff;
	v17 =	vmul.f32 v17, v8  }
0x63: {  	v20 =	vld.idx.msk [tilespmem:v0+s22+$0xFFFFFE30 ss:$0x1], $0xffff;
	[tilespmem:v0+s22+$0xFFFFFF20 ss:$0x1] =	vst.idx.msk $0xffff, v14;
	v14 =	vmul.f32 v16, v12  }
0x64: {  	v16 =	vmul.f32 v19, v9;
	[tilespmem:v0+s22+$0xFFFFFCB0 ss:$0x1] =	vst.idx.msk $0xffff, v17;
	v19 =	vld.idx.msk [tilespmem:v0+s22+$0xFFFFFF30 ss:$0x1], $0xffff  }
0x65: {  	s28 =	simm.s32 $0xB;
	v15 =	vmul.f32 v15, v10;
	v17 =	vld.idx.msk [tilespmem:v0+s22+$0xFFFFFCC0 ss:$0x1], $0xffff;
	[tilespmem:v0+s22+$0xFFFFFFB0 ss:$0x1] =	vst.idx.msk $0xffff, v14  }
0x66: {  	v21 =	vmov s28;
	[tilespmem:v0+s22+$0xFFFFFC30 ss:$0x1] =	vst.idx.msk $0xffff, v16;
	v16 =	vmul.f32 v18, v6;
	v11 =	vld.idx.msk [tilespmem:v11+s16+$0x0], $0xffff  }
0x67: {  	v14 =	vand.u32 $0x7B, v21;
	[tilespmem:v0+s22+$0xFFFFFDB0 ss:$0x1] =	vst.idx.msk $0xffff, v15;
	v13 =	vmul.f32 v13, v5;
	v18 =	vld.idx.msk [tilespmem:v0+s22+$0xFFFFFFC0 ss:$0x1], $0xffff  }
0x68: {  	v14 =	vor.u32 v3, v14;
	v21 =	vld.idx.msk [tilespmem:v0+s22+$0xFFFFFC40 ss:$0x1], $0xffff;
	[tilespmem:v0+s22+$0xFFFFFD30 ss:$0x1] =	vst.idx.msk $0xffff, v16;
	v16 =	vmul.f32 v20, v7  }
0x69: {  	v15 =	vld.idx.msk [tilespmem:v0+s22+$0xFFFFFDC0 ss:$0x1], $0xffff;
	v14 =	vbroadcast v14, $0x0;
	[tilespmem:v0+s22+$0xFFFFFEB0 ss:$0x1] =	vst.idx.msk $0xffff, v13  }
0x6a: {  	v20 =	vld.idx.msk [tilespmem:v0+s22+$0xFFFFFD40 ss:$0x1], $0xffff;
	[tilespmem:v0+s22+$0xFFFFFE30 ss:$0x1] =	vst.idx.msk $0xffff, v16;
	v16 =	vmul.f32 v19, v4  }
0x6b: {  	v22 =	vld.idx.msk [tilespmem:v0+s22+$0xFFFFFEC0 ss:$0x1], $0xffff;
	v17 =	vmul.f32 v17, v8  }
0x6c: {  	v19 =	vld.idx.msk [tilespmem:v0+s22+$0xFFFFFE40 ss:$0x1], $0xffff;
	[tilespmem:v0+s22+$0xFFFFFF30 ss:$0x1] =	vst.idx.msk $0xffff, v16;
	v16 =	vmul.f32 v18, v12  }
0x6d: {  	v18 =	vmul.f32 v21, v9;
	[tilespmem:v0+s22+$0xFFFFFCC0 ss:$0x1] =	vst.idx.msk $0xffff, v17;
	v21 =	vld.idx.msk [tilespmem:v0+s22+$0xFFFFFF40 ss:$0x1], $0xffff  }
0x6e: {  	s28 =	simm.s32 $0xC;
	v15 =	vmul.f32 v15, v10;
	v17 =	vld.idx.msk [tilespmem:v0+s22+$0xFFFFFCD0 ss:$0x1], $0xffff;
	[tilespmem:v0+s22+$0xFFFFFFC0 ss:$0x1] =	vst.idx.msk $0xffff, v16  }
0x6f: {  	v13 =	vld.idx.msk [tilespmem:v14+s16+$0x0], $0xffff;
	v14 =	vmov s28;
	[tilespmem:v0+s22+$0xFFFFFC40 ss:$0x1] =	vst.idx.msk $0xffff, v18;
	v16 =	vmul.f32 v20, v6  }
0x70: {  	[tilespmem:v0+s22+$0xFFFFFDC0 ss:$0x1] =	vst.idx.msk $0xffff, v15;
	v15 =	vmul.f32 v22, v5;
	v14 =	vand.u32 $0x7C, v14;
	v18 =	vld.idx.msk [tilespmem:v0+s22+$0xFFFFFFD0 ss:$0x1], $0xffff  }
0x71: {  	v20 =	vld.idx.msk [tilespmem:v0+s22+$0xFFFFFC50 ss:$0x1], $0xffff;
	v14 =	vor.u32 v3, v14;
	[tilespmem:v0+s22+$0xFFFFFD40 ss:$0x1] =	vst.idx.msk $0xffff, v16;
	v16 =	vmul.f32 v19, v7  }
0x72: {  	v22 =	vld.idx.msk [tilespmem:v0+s22+$0xFFFFFDD0 ss:$0x1], $0xffff;
	[tilespmem:v0+s22+$0xFFFFFEC0 ss:$0x1] =	vst.idx.msk $0xffff, v15;
	v14 =	vbroadcast v14, $0x0  }
0x73: {  	v19 =	vld.idx.msk [tilespmem:v0+s22+$0xFFFFFD50 ss:$0x1], $0xffff;
	[tilespmem:v0+s22+$0xFFFFFE40 ss:$0x1] =	vst.idx.msk $0xffff, v16;
	v16 =	vmul.f32 v21, v4  }
0x74: {  	v15 =	vld.idx.msk [tilespmem:v0+s22+$0xFFFFFED0 ss:$0x1], $0xffff;
	v17 =	vmul.f32 v17, v8  }
0x75: {  	v21 =	vld.idx.msk [tilespmem:v0+s22+$0xFFFFFE50 ss:$0x1], $0xffff;
	[tilespmem:v0+s22+$0xFFFFFF40 ss:$0x1] =	vst.idx.msk $0xffff, v16;
	v16 =	vmul.f32 v18, v12  }
0x76: {  	s28 =	simm.s32 $0xD;
	v18 =	vmul.f32 v20, v9;
	[tilespmem:v0+s22+$0xFFFFFCD0 ss:$0x1] =	vst.idx.msk $0xffff, v17;
	v20 =	vld.idx.msk [tilespmem:v0+s22+$0xFFFFFF50 ss:$0x1], $0xffff  }
0x77: {  	v23 =	vmov s28;
	v17 =	vmul.f32 v22, v10;
	v22 =	vld.idx.msk [tilespmem:v0+s22+$0xFFFFFCE0 ss:$0x1], $0xffff;
	[tilespmem:v0+s22+$0xFFFFFFD0 ss:$0x1] =	vst.idx.msk $0xffff, v16  }
0x78: {  	v16 =	vand.u32 $0x7D, v23;
	[tilespmem:v0+s22+$0xFFFFFC50 ss:$0x1] =	vst.idx.msk $0xffff, v18;
	v18 =	vmul.f32 v19, v6;
	v14 =	vld.idx.msk [tilespmem:v14+s16+$0x0], $0xffff  }
0x79: {  	[tilespmem:v0+s22+$0xFFFFFDD0 ss:$0x1] =	vst.idx.msk $0xffff, v17;
	v15 =	vmul.f32 v15, v5;
	v19 =	vld.idx.msk [tilespmem:v0+s22+$0xFFFFFFE0 ss:$0x1], $0xffff;
	v16 =	vor.u32 v3, v16  }
0x7a: {  	v23 =	vld.idx.msk [tilespmem:v0+s22+$0xFFFFFC60 ss:$0x1], $0xffff;
	v16 =	vbroadcast v16, $0x0;
	[tilespmem:v0+s22+$0xFFFFFD50 ss:$0x1] =	vst.idx.msk $0xffff, v18;
	v18 =	vmul.f32 v21, v7  }
0x7b: {  	v17 =	vld.idx.msk [tilespmem:v0+s22+$0xFFFFFDE0 ss:$0x1], $0xffff;
	[tilespmem:v0+s22+$0xFFFFFED0 ss:$0x1] =	vst.idx.msk $0xffff, v15  }
0x7c: {  	v21 =	vld.idx.msk [tilespmem:v0+s22+$0xFFFFFD60 ss:$0x1], $0xffff;
	[tilespmem:v0+s22+$0xFFFFFE50 ss:$0x1] =	vst.idx.msk $0xffff, v18;
	v18 =	vmul.f32 v20, v4  }
0x7d: {  	v24 =	vld.idx.msk [tilespmem:v0+s22+$0xFFFFFEE0 ss:$0x1], $0xffff;
	v22 =	vmul.f32 v22, v8  }
0x7e: {  	v20 =	vld.idx.msk [tilespmem:v0+s22+$0xFFFFFE60 ss:$0x1], $0xffff;
	[tilespmem:v0+s22+$0xFFFFFF50 ss:$0x1] =	vst.idx.msk $0xffff, v18;
	v18 =	vmul.f32 v19, v12  }
0x7f: {  	s28 =	simm.s32 $0xE;
	v19 =	vmul.f32 v23, v9;
	[tilespmem:v0+s22+$0xFFFFFCE0 ss:$0x1] =	vst.idx.msk $0xffff, v22;
	v23 =	vld.idx.msk [tilespmem:v0+s22+$0xFFFFFF60 ss:$0x1], $0xffff  }
0x80: {  	s26 =	sshrl.u32 s26, $0x9;
	v17 =	vmul.f32 v17, v10;
	v15 =	vld.idx.msk [tilespmem:v16+s16+$0x0], $0xffff;
	v16 =	vmov s28;
	[tilespmem:v0+s22+$0xFFFFFFE0 ss:$0x1] =	vst.idx.msk $0xffff, v18  }
0x81: {  	s26 =	sand.u32 $0x7F, s26;
	v22 =	vld.idx.msk [tilespmem:v0+s22+$0xFFFFFCF0 ss:$0x1], $0xffff;
	[tilespmem:v0+s22+$0xFFFFFC60 ss:$0x1] =	vst.idx.msk $0xffff, v19;
	v18 =	vmul.f32 v21, v6;
	v16 =	vand.u32 $0x7E, v16  }
0x82: {  	s26 =	smul.u32 $0x3, s26;
	[tilespmem:v0+s22+$0xFFFFFDE0 ss:$0x1] =	vst.idx.msk $0xffff, v17;
	v17 =	vmul.f32 v24, v5;
	v25 =	vld.idx.msk [tilespmem:v0+s22+$0xFFFFFFF0 ss:$0x1], $0xffff;
	v16 =	vor.u32 v3, v16  }
0x83: {  	v26 =	vld.idx.msk [tilespmem:v0+s22+$0xFFFFFC70 ss:$0x1], $0xffff;
	[tilespmem:v0+s22+$0xFFFFFD60 ss:$0x1] =	vst.idx.msk $0xffff, v18;
	v18 =	vmul.f32 v20, v7;
	v16 =	vbroadcast v16, $0x0  }
0x84: {  	s31 =	ssub.s32 s25, s26;
	v20 =	vld.idx.msk [tilespmem:v0+s22+$0xFFFFFDF0 ss:$0x1], $0xffff;
	[tilespmem:v0+s22+$0xFFFFFEE0 ss:$0x1] =	vst.idx.msk $0xffff, v17  }
0x85: {  	s25 =	sand.u32 $0xFF, s31;
	v21 =	vld.idx.msk [tilespmem:v0+s22+$0xFFFFFD70 ss:$0x1], $0xffff;
	[tilespmem:v0+s22+$0xFFFFFE60 ss:$0x1] =	vst.idx.msk $0xffff, v18;
	v18 =	vmul.f32 v23, v4  }
0x86: {  	s25 =	smul.u32 $0xA000, s25;
	v17 =	vld.idx.msk [tilespmem:v0+s22+$0xFFFFFEF0 ss:$0x1], $0xffff  }
0x87: {  	v19 =	vld.idx.msk [tilespmem:v0+s22+$0xFFFFFE70 ss:$0x1], $0xffff;
	[tilespmem:v0+s22+$0xFFFFFF60 ss:$0x1] =	vst.idx.msk $0xffff, v18;
	v63 =	vmul.f32 v25, v12  }
0x88: {  	s30 =	simm.s32 $0xF;
	s26 =	smov.u32 s22;
	s25 =	sshrl.u32 s25, $0x2;
	v23 =	vmul.f32 v26, v9;
	v18 =	vld.idx.msk [tilespmem:v0+s22+$0xFFFFFF70 ss:$0x1], $0xffff  }
0x89: {  	s25 =	sadd.s32 $0x3000, s25;
	s29 =	simm.s32 $0x10;
	s28 =	smov.u32 s22;
	v22 =	vmul.f32 v22, v8;
	[tilespmem:v0+s22+$0xFFFFFFF0 ss:$0x1] =	vst.idx.msk $0xffff, v63;
	v16 =	vld.idx.msk [tilespmem:v16+s16+$0x0], $0xffff  }
.LBB2_4:
0x8a: {  	p0 =	slt.u32 s29, $0x48;
	v24 =	vmov s30;
	[tilespmem:v0+s28+$0xFFFFFC70 ss:$0x1] =	vst.idx.msk $0xffff, v23;
	v21 =	vmul.f32 v21, v6;
	v23 =	vld.idx.msk [tilespmem:v0+s28+$0x0 ss:$0x1], $0xffff  }
0x8b: {  	v20 =	vmul.f32 v20, v10;
	v24 =	vand.u32 $0x7F, v24;
	v25 =	vld.idx.msk [tilespmem:v0+s28+$0xFFFFFC80 ss:$0x1], $0xffff;
	[tilespmem:v0+s28+$0xFFFFFCF0 ss:$0x1] =	vst.idx.msk $0xffff, v22  }
0x8c: {  	v19 =	vmul.f32 v19, v7;
	v22 =	vor.u32 v3, v24;
	v24 =	vld.idx.msk [tilespmem:v0+s28+$0xFFFFFD00 ss:$0x1], $0xffff;
	[tilespmem:v0+s28+$0xFFFFFD70 ss:$0x1] =	vst.idx.msk $0xffff, v21  }
0x8d: {  	v17 =	vmul.f32 v17, v5;
	v21 =	vbroadcast v22, $0x0;
	v22 =	vld.idx.msk [tilespmem:v0+s28+$0xFFFFFD80 ss:$0x1], $0xffff;
	[tilespmem:v0+s28+$0xFFFFFDF0 ss:$0x1] =	vst.idx.msk $0xffff, v20  }
0x8e: {  	v18 =	vmul.f32 v18, v4;
	v20 =	vld.idx.msk [tilespmem:v0+s28+$0xFFFFFE00 ss:$0x1], $0xffff;
	[tilespmem:v0+s28+$0xFFFFFE70 ss:$0x1] =	vst.idx.msk $0xffff, v19  }
0x8f: {  	v19 =	vld.idx.msk [tilespmem:v0+s28+$0xFFFFFE80 ss:$0x1], $0xffff;
	[tilespmem:v0+s28+$0xFFFFFEF0 ss:$0x1] =	vst.idx.msk $0xffff, v17  }
0x90: {  	v12 =	vmul.f32 v23, v12;
	v17 =	vld.idx.msk [tilespmem:v0+s28+$0xFFFFFF00 ss:$0x1], $0xffff;
	[tilespmem:v0+s28+$0xFFFFFF70 ss:$0x1] =	vst.idx.msk $0xffff, v18  }
0x91: {  	v18 =	vmul.f32 v25, v9;
	s28 =	sadd.s32 $0x400, s28;
	v9 =	vmov v1;
	v23 =	vld.idx.msk [tilespmem:v0+s26+$0xFFFFFF80 ss:$0x1], $0xffff  }
0x92: {  	v1 =	vmov s29;
	v24 =	vmul.f32 v24, v8;
	v8 =	vmov v2;
	v25 =	vld.idx.msk [tilespmem:v0+s28+$0xFFFFFF90 ss:$0x1], $0xffff;
	[tilespmem:v0+s26+$0x0 ss:$0x1] =	vst.idx.msk $0xffff, v12  }
0x93: {  	v1 =	vand.u32 $0x78, v1;
	v2 =	vmul.f32 v22, v6;
	v6 =	vmov v11;
	v12 =	vld.idx.msk [tilespmem:v21+s16+$0x0], $0xffff;
	[tilespmem:v0+s26+$0xFFFFFC80 ss:$0x1] =	vst.idx.msk $0xffff, v18  }
0x94: {  	v1 =	vor.u32 v3, v1;
	v18 =	vmul.f32 v20, v10;
	v11 =	vld.idx.msk [tilespmem:v0+s28+$0xFFFFFC10 ss:$0x1], $0xffff;
	[tilespmem:v0+s26+$0xFFFFFD00 ss:$0x1] =	vst.idx.msk $0xffff, v24  }
0x95: {  	v1 =	vbroadcast v1, $0x0;
	v10 =	vmov v13;
	v20 =	vld.idx.msk [tilespmem:v0+s28+$0xFFFFFC90 ss:$0x1], $0xffff;
	[tilespmem:v0+s26+$0xFFFFFD80 ss:$0x1] =	vst.idx.msk $0xffff, v2;
	v2 =	vmul.f32 v19, v7  }
0x96: {  	v17 =	vmul.f32 v17, v5;
	v7 =	vmov v14;
	v5 =	vmov v15;
	v13 =	vld.idx.msk [tilespmem:v0+s28+$0xFFFFFD10 ss:$0x1], $0xffff;
	[tilespmem:v0+s26+$0xFFFFFE00 ss:$0x1] =	vst.idx.msk $0xffff, v18  }
0x97: {  	v14 =	vld.idx.msk [tilespmem:v0+s28+$0xFFFFFD90 ss:$0x1], $0xffff;
	[tilespmem:v0+s26+$0xFFFFFE80 ss:$0x1] =	vst.idx.msk $0xffff, v2;
	v2 =	vmul.f32 v23, v4;
	v4 =	vmov v16  }
0x98: {  	v15 =	vld.idx.msk [tilespmem:v0+s28+$0xFFFFFE10 ss:$0x1], $0xffff;
	[tilespmem:v0+s26+$0xFFFFFF00 ss:$0x1] =	vst.idx.msk $0xffff, v17  }
0x99: {  	v17 =	vmul.f32 v25, v12;
	v16 =	vld.idx.msk [tilespmem:v0+s28+$0xFFFFFE90 ss:$0x1], $0xffff;
	[tilespmem:v0+s26+$0xFFFFFF80 ss:$0x1] =	vst.idx.msk $0xffff, v2;
	s26 =	smov.u32 s28  }
0x9a: {  	s30 =	sadd.s32 $0x1, s29;
	v2 =	vmul.f32 v11, v9;
	v11 =	vld.idx.msk [tilespmem:v0+s28+$0xFFFFFF10 ss:$0x1], $0xffff  }
0x9b: {  	v18 =	vmov s30;
	v19 =	vmul.f32 v20, v8;
	v1 =	vld.idx.msk [tilespmem:v1+s16+$0x0], $0xffff;
	[tilespmem:v0+s28+$0xFFFFFF90 ss:$0x1] =	vst.idx.msk $0xffff, v17  }
0x9c: {  	v17 =	vand.u32 $0x79, v18;
	[tilespmem:v0+s28+$0xFFFFFC10 ss:$0x1] =	vst.idx.msk $0xffff, v2;
	v2 =	vmul.f32 v13, v6;
	v13 =	vld.idx.msk [tilespmem:v0+s28+$0xFFFFFFA0 ss:$0x1], $0xffff  }
0x9d: {  	v17 =	vor.u32 v3, v17;
	v14 =	vmul.f32 v14, v10;
	v18 =	vld.idx.msk [tilespmem:v0+s28+$0xFFFFFC20 ss:$0x1], $0xffff;
	[tilespmem:v0+s28+$0xFFFFFC90 ss:$0x1] =	vst.idx.msk $0xffff, v19  }
0x9e: {  	v17 =	vbroadcast v17, $0x0;
	v19 =	vld.idx.msk [tilespmem:v0+s28+$0xFFFFFCA0 ss:$0x1], $0xffff;
	[tilespmem:v0+s28+$0xFFFFFD10 ss:$0x1] =	vst.idx.msk $0xffff, v2;
	v2 =	vmul.f32 v15, v7  }
0x9f: {  	v15 =	vld.idx.msk [tilespmem:v0+s28+$0xFFFFFD20 ss:$0x1], $0xffff;
	[tilespmem:v0+s28+$0xFFFFFD90 ss:$0x1] =	vst.idx.msk $0xffff, v14;
	v14 =	vmul.f32 v16, v5  }
0xa0: {  	v16 =	vld.idx.msk [tilespmem:v0+s28+$0xFFFFFDA0 ss:$0x1], $0xffff;
	[tilespmem:v0+s28+$0xFFFFFE10 ss:$0x1] =	vst.idx.msk $0xffff, v2;
	v2 =	vmul.f32 v11, v4  }
0xa1: {  	v11 =	vld.idx.msk [tilespmem:v0+s28+$0xFFFFFE20 ss:$0x1], $0xffff;
	[tilespmem:v0+s28+$0xFFFFFE90 ss:$0x1] =	vst.idx.msk $0xffff, v14  }
0xa2: {  	v13 =	vmul.f32 v13, v12;
	v14 =	vld.idx.msk [tilespmem:v0+s28+$0xFFFFFEA0 ss:$0x1], $0xffff;
	[tilespmem:v0+s28+$0xFFFFFF10 ss:$0x1] =	vst.idx.msk $0xffff, v2  }
0xa3: {  	s30 =	sadd.s32 $0x2, s29;
	v18 =	vmul.f32 v18, v9;
	v20 =	vld.idx.msk [tilespmem:v0+s28+$0xFFFFFF20 ss:$0x1], $0xffff  }
0xa4: {  	v19 =	vmul.f32 v19, v8;
	v2 =	vld.idx.msk [tilespmem:v17+s16+$0x0], $0xffff;
	v17 =	vmov s30;
	[tilespmem:v0+s28+$0xFFFFFFA0 ss:$0x1] =	vst.idx.msk $0xffff, v13  }
0xa5: {  	v15 =	vmul.f32 v15, v6;
	v13 =	vand.u32 $0x7A, v17;
	[tilespmem:v0+s28+$0xFFFFFC20 ss:$0x1] =	vst.idx.msk $0xffff, v18;
	v17 =	vld.idx.msk [tilespmem:v0+s28+$0xFFFFFFB0 ss:$0x1], $0xffff  }
0xa6: {  	v16 =	vmul.f32 v16, v10;
	v13 =	vor.u32 v3, v13;
	v18 =	vld.idx.msk [tilespmem:v0+s28+$0xFFFFFC30 ss:$0x1], $0xffff;
	[tilespmem:v0+s28+$0xFFFFFCA0 ss:$0x1] =	vst.idx.msk $0xffff, v19  }
0xa7: {  	v11 =	vmul.f32 v11, v7;
	v13 =	vbroadcast v13, $0x0;
	v19 =	vld.idx.msk [tilespmem:v0+s28+$0xFFFFFCB0 ss:$0x1], $0xffff;
	[tilespmem:v0+s28+$0xFFFFFD20 ss:$0x1] =	vst.idx.msk $0xffff, v15  }
0xa8: {  	v14 =	vmul.f32 v14, v5;
	v15 =	vld.idx.msk [tilespmem:v0+s28+$0xFFFFFD30 ss:$0x1], $0xffff;
	[tilespmem:v0+s28+$0xFFFFFDA0 ss:$0x1] =	vst.idx.msk $0xffff, v16  }
0xa9: {  	v16 =	vld.idx.msk [tilespmem:v0+s28+$0xFFFFFDB0 ss:$0x1], $0xffff;
	[tilespmem:v0+s28+$0xFFFFFE20 ss:$0x1] =	vst.idx.msk $0xffff, v11;
	v11 =	vmul.f32 v20, v4  }
0xaa: {  	v20 =	vld.idx.msk [tilespmem:v0+s28+$0xFFFFFE30 ss:$0x1], $0xffff;
	[tilespmem:v0+s28+$0xFFFFFEA0 ss:$0x1] =	vst.idx.msk $0xffff, v14  }
0xab: {  	v17 =	vmul.f32 v17, v12;
	v14 =	vld.idx.msk [tilespmem:v0+s28+$0xFFFFFEB0 ss:$0x1], $0xffff;
	[tilespmem:v0+s28+$0xFFFFFF20 ss:$0x1] =	vst.idx.msk $0xffff, v11  }
0xac: {  	s30 =	sadd.s32 $0x3, s29;
	v18 =	vmul.f32 v18, v9;
	v21 =	vld.idx.msk [tilespmem:v0+s28+$0xFFFFFF30 ss:$0x1], $0xffff  }
0xad: {  	v19 =	vmul.f32 v19, v8;
	v11 =	vld.idx.msk [tilespmem:v13+s16+$0x0], $0xffff;
	v13 =	vmov s30;
	[tilespmem:v0+s28+$0xFFFFFFB0 ss:$0x1] =	vst.idx.msk $0xffff, v17  }
0xae: {  	v15 =	vmul.f32 v15, v6;
	v13 =	vand.u32 $0x7B, v13;
	[tilespmem:v0+s28+$0xFFFFFC30 ss:$0x1] =	vst.idx.msk $0xffff, v18;
	v17 =	vld.idx.msk [tilespmem:v0+s28+$0xFFFFFFC0 ss:$0x1], $0xffff  }
0xaf: {  	v16 =	vmul.f32 v16, v10;
	v13 =	vor.u32 v3, v13;
	v18 =	vld.idx.msk [tilespmem:v0+s28+$0xFFFFFC40 ss:$0x1], $0xffff;
	[tilespmem:v0+s28+$0xFFFFFCB0 ss:$0x1] =	vst.idx.msk $0xffff, v19  }
0xb0: {  	v13 =	vbroadcast v13, $0x0;
	v19 =	vld.idx.msk [tilespmem:v0+s28+$0xFFFFFCC0 ss:$0x1], $0xffff;
	[tilespmem:v0+s28+$0xFFFFFD30 ss:$0x1] =	vst.idx.msk $0xffff, v15;
	v15 =	vmul.f32 v20, v7  }
0xb1: {  	v14 =	vmul.f32 v14, v5;
	v20 =	vld.idx.msk [tilespmem:v0+s28+$0xFFFFFD40 ss:$0x1], $0xffff;
	[tilespmem:v0+s28+$0xFFFFFDB0 ss:$0x1] =	vst.idx.msk $0xffff, v16  }
0xb2: {  	v16 =	vld.idx.msk [tilespmem:v0+s28+$0xFFFFFDC0 ss:$0x1], $0xffff;
	[tilespmem:v0+s28+$0xFFFFFE30 ss:$0x1] =	vst.idx.msk $0xffff, v15;
	v15 =	vmul.f32 v21, v4  }
0xb3: {  	v21 =	vld.idx.msk [tilespmem:v0+s28+$0xFFFFFE40 ss:$0x1], $0xffff;
	[tilespmem:v0+s28+$0xFFFFFEB0 ss:$0x1] =	vst.idx.msk $0xffff, v14  }
0xb4: {  	v14 =	vld.idx.msk [tilespmem:v0+s28+$0xFFFFFEC0 ss:$0x1], $0xffff;
	[tilespmem:v0+s28+$0xFFFFFF30 ss:$0x1] =	vst.idx.msk $0xffff, v15;
	v15 =	vmul.f32 v17, v12  }
0xb5: {  	s30 =	sadd.s32 $0x4, s29;
	v17 =	vmul.f32 v18, v9;
	v18 =	vld.idx.msk [tilespmem:v0+s28+$0xFFFFFF40 ss:$0x1], $0xffff  }
0xb6: {  	v22 =	vmov s30;
	v19 =	vmul.f32 v19, v8;
	v13 =	vld.idx.msk [tilespmem:v13+s16+$0x0], $0xffff;
	[tilespmem:v0+s28+$0xFFFFFFC0 ss:$0x1] =	vst.idx.msk $0xffff, v15  }
0xb7: {  	v15 =	vand.u32 $0x7C, v22;
	[tilespmem:v0+s28+$0xFFFFFC40 ss:$0x1] =	vst.idx.msk $0xffff, v17;
	v17 =	vmul.f32 v20, v6;
	v20 =	vld.idx.msk [tilespmem:v0+s28+$0xFFFFFFD0 ss:$0x1], $0xffff  }
0xb8: {  	v15 =	vor.u32 v3, v15;
	v16 =	vmul.f32 v16, v10;
	v22 =	vld.idx.msk [tilespmem:v0+s28+$0xFFFFFC50 ss:$0x1], $0xffff;
	[tilespmem:v0+s28+$0xFFFFFCC0 ss:$0x1] =	vst.idx.msk $0xffff, v19  }
0xb9: {  	v15 =	vbroadcast v15, $0x0;
	v19 =	vld.idx.msk [tilespmem:v0+s28+$0xFFFFFCD0 ss:$0x1], $0xffff;
	[tilespmem:v0+s28+$0xFFFFFD40 ss:$0x1] =	vst.idx.msk $0xffff, v17;
	v17 =	vmul.f32 v21, v7  }
0xba: {  	v14 =	vmul.f32 v14, v5;
	v21 =	vld.idx.msk [tilespmem:v0+s28+$0xFFFFFD50 ss:$0x1], $0xffff;
	[tilespmem:v0+s28+$0xFFFFFDC0 ss:$0x1] =	vst.idx.msk $0xffff, v16  }
0xbb: {  	v16 =	vld.idx.msk [tilespmem:v0+s28+$0xFFFFFDD0 ss:$0x1], $0xffff;
	[tilespmem:v0+s28+$0xFFFFFE40 ss:$0x1] =	vst.idx.msk $0xffff, v17;
	v17 =	vmul.f32 v18, v4  }
0xbc: {  	v18 =	vld.idx.msk [tilespmem:v0+s28+$0xFFFFFE50 ss:$0x1], $0xffff;
	[tilespmem:v0+s28+$0xFFFFFEC0 ss:$0x1] =	vst.idx.msk $0xffff, v14  }
0xbd: {  	v23 =	vld.idx.msk [tilespmem:v0+s28+$0xFFFFFED0 ss:$0x1], $0xffff;
	[tilespmem:v0+s28+$0xFFFFFF40 ss:$0x1] =	vst.idx.msk $0xffff, v17;
	v17 =	vmul.f32 v20, v12  }
0xbe: {  	s30 =	sadd.s32 $0x5, s29;
	v20 =	vmul.f32 v22, v9;
	v22 =	vld.idx.msk [tilespmem:v0+s28+$0xFFFFFF50 ss:$0x1], $0xffff  }
0xbf: {  	v19 =	vmul.f32 v19, v8;
	v14 =	vld.idx.msk [tilespmem:v15+s16+$0x0], $0xffff;
	v15 =	vmov s30;
	[tilespmem:v0+s28+$0xFFFFFFD0 ss:$0x1] =	vst.idx.msk $0xffff, v17  }
0xc0: {  	v17 =	vmul.f32 v21, v6;
	v15 =	vand.u32 $0x7D, v15;
	[tilespmem:v0+s28+$0xFFFFFC50 ss:$0x1] =	vst.idx.msk $0xffff, v20;
	v20 =	vld.idx.msk [tilespmem:v0+s28+$0xFFFFFFE0 ss:$0x1], $0xffff  }
0xc1: {  	v16 =	vmul.f32 v16, v10;
	v15 =	vor.u32 v3, v15;
	v21 =	vld.idx.msk [tilespmem:v0+s28+$0xFFFFFC60 ss:$0x1], $0xffff;
	[tilespmem:v0+s28+$0xFFFFFCD0 ss:$0x1] =	vst.idx.msk $0xffff, v19  }
0xc2: {  	v15 =	vbroadcast v15, $0x0;
	v19 =	vld.idx.msk [tilespmem:v0+s28+$0xFFFFFCE0 ss:$0x1], $0xffff;
	[tilespmem:v0+s28+$0xFFFFFD50 ss:$0x1] =	vst.idx.msk $0xffff, v17;
	v17 =	vmul.f32 v18, v7  }
0xc3: {  	v18 =	vld.idx.msk [tilespmem:v0+s28+$0xFFFFFD60 ss:$0x1], $0xffff;
	[tilespmem:v0+s28+$0xFFFFFDD0 ss:$0x1] =	vst.idx.msk $0xffff, v16;
	v16 =	vmul.f32 v23, v5  }
0xc4: {  	v23 =	vld.idx.msk [tilespmem:v0+s28+$0xFFFFFDE0 ss:$0x1], $0xffff;
	[tilespmem:v0+s28+$0xFFFFFE50 ss:$0x1] =	vst.idx.msk $0xffff, v17;
	v17 =	vmul.f32 v22, v4  }
0xc5: {  	v22 =	vld.idx.msk [tilespmem:v0+s28+$0xFFFFFE60 ss:$0x1], $0xffff;
	[tilespmem:v0+s28+$0xFFFFFED0 ss:$0x1] =	vst.idx.msk $0xffff, v16  }
0xc6: {  	v16 =	vld.idx.msk [tilespmem:v0+s28+$0xFFFFFEE0 ss:$0x1], $0xffff;
	[tilespmem:v0+s28+$0xFFFFFF50 ss:$0x1] =	vst.idx.msk $0xffff, v17;
	v17 =	vmul.f32 v20, v12  }
0xc7: {  	s30 =	sadd.s32 $0x6, s29;
	v20 =	vmul.f32 v21, v9;
	v24 =	vld.idx.msk [tilespmem:v0+s28+$0xFFFFFF60 ss:$0x1], $0xffff  }
0xc8: {  	v21 =	vmov s30;
	v19 =	vmul.f32 v19, v8;
	v15 =	vld.idx.msk [tilespmem:v15+s16+$0x0], $0xffff;
	[tilespmem:v0+s28+$0xFFFFFFE0 ss:$0x1] =	vst.idx.msk $0xffff, v17  }
0xc9: {  	v17 =	vand.u32 $0x7E, v21;
	v18 =	vmul.f32 v18, v6;
	[tilespmem:v0+s28+$0xFFFFFC60 ss:$0x1] =	vst.idx.msk $0xffff, v20;
	v25 =	vld.idx.msk [tilespmem:v0+s28+$0xFFFFFFF0 ss:$0x1], $0xffff  }
0xca: {  	v17 =	vor.u32 v3, v17;
	v26 =	vld.idx.msk [tilespmem:v0+s28+$0xFFFFFC70 ss:$0x1], $0xffff;
	[tilespmem:v0+s28+$0xFFFFFCE0 ss:$0x1] =	vst.idx.msk $0xffff, v19;
	v19 =	vmul.f32 v23, v10  }
0xcb: {  	v27 =	vbroadcast v17, $0x0;
	v17 =	vmul.f32 v22, v7;
	v28 =	vld.idx.msk [tilespmem:v0+s28+$0xFFFFFCF0 ss:$0x1], $0xffff;
	[tilespmem:v0+s28+$0xFFFFFD60 ss:$0x1] =	vst.idx.msk $0xffff, v18  }
0xcc: {  	v16 =	vmul.f32 v16, v5;
	v21 =	vld.idx.msk [tilespmem:v0+s28+$0xFFFFFD70 ss:$0x1], $0xffff;
	[tilespmem:v0+s28+$0xFFFFFDE0 ss:$0x1] =	vst.idx.msk $0xffff, v19  }
.Ltmp0:
0xcd: {  	v18 =	vmul.f32 v24, v4;
	v20 =	vld.idx.msk [tilespmem:v0+s28+$0xFFFFFDF0 ss:$0x1], $0xffff;
	[tilespmem:v0+s28+$0xFFFFFE60 ss:$0x1] =	vst.idx.msk $0xffff, v17;
	(pc) =	sbr.rel @p0 .LBB2_4-.Ltmp0, $4  }
0xce: {  	v19 =	vld.idx.msk [tilespmem:v0+s28+$0xFFFFFE70 ss:$0x1], $0xffff;
	[tilespmem:v0+s28+$0xFFFFFEE0 ss:$0x1] =	vst.idx.msk $0xffff, v16  }
0xcf: {  	v24 =	vmul.f32 v25, v12;
	v17 =	vld.idx.msk [tilespmem:v0+s28+$0xFFFFFEF0 ss:$0x1], $0xffff;
	[tilespmem:v0+s28+$0xFFFFFF60 ss:$0x1] =	vst.idx.msk $0xffff, v18  }
0xd0: {  	v23 =	vmul.f32 v26, v9;
	v18 =	vld.idx.msk [tilespmem:v0+s28+$0xFFFFFF70 ss:$0x1], $0xffff  }
0xd1: {  	s30 =	sadd.s32 $0x7, s29;
	s29 =	sadd.s32 $0x8, s29;
	v22 =	vmul.f32 v28, v8;
	v16 =	vld.idx.msk [tilespmem:v27+s16+$0x0], $0xffff;
	[tilespmem:v0+s28+$0xFFFFFFF0 ss:$0x1] =	vst.idx.msk $0xffff, v24  }
0xd2: {  	_ =	sdelay $0x3  }
0xd3: {  	[tilespmem:v0+s28+$0xFFFFFC70 ss:$0x1] =	vst.idx.msk $0xffff, v23;
	v29 =	vld.idx.msk [tilespmem:v0+s28+$0x0 ss:$0x1], $0xffff  }
0xd4: {  	v21 =	vmul.f32 v21, v6;
	s31 =	sadd.s32 $0x400, s28;
	v25 =	vld.idx.msk [tilespmem:v0+s28+$0xFFFFFC80 ss:$0x1], $0xffff  }
0xd5: {  	v20 =	vmul.f32 v20, v10;
	[tilespmem:v0+s28+$0xFFFFFCF0 ss:$0x1] =	vst.idx.msk $0xffff, v22;
	v30 =	vld.idx.msk [tilespmem:v0+s31+$0xFFFFFF90 ss:$0x1], $0xffff  }
0xd6: {  	v19 =	vmul.f32 v19, v7;
	v32 =	vld.idx.msk [tilespmem:v0+s31+$0xFFFFFC10 ss:$0x1], $0xffff;
	[tilespmem:v0+s28+$0xFFFFFD70 ss:$0x1] =	vst.idx.msk $0xffff, v21  }
0xd7: {  	v36 =	vld.idx.msk [tilespmem:v0+s31+$0xFFFFFD10 ss:$0x1], $0xffff;
	[tilespmem:v0+s28+$0xFFFFFDF0 ss:$0x1] =	vst.idx.msk $0xffff, v20;
	v17 =	vmul.f32 v17, v5  }
0xd8: {  	v40 =	vld.idx.msk [tilespmem:v0+s31+$0xFFFFFE10 ss:$0x1], $0xffff;
	[tilespmem:v0+s28+$0xFFFFFE70 ss:$0x1] =	vst.idx.msk $0xffff, v19;
	v18 =	vmul.f32 v18, v4  }
0xd9: {  	v42 =	vld.idx.msk [tilespmem:v0+s31+$0xFFFFFE90 ss:$0x1], $0xffff;
	[tilespmem:v0+s28+$0xFFFFFEF0 ss:$0x1] =	vst.idx.msk $0xffff, v17;
	v12 =	vmul.f32 v29, v12  }
0xda: {  	v24 =	vmov s30;
	v44 =	vld.idx.msk [tilespmem:v0+s31+$0xFFFFFF10 ss:$0x1], $0xffff;
	[tilespmem:v0+s28+$0xFFFFFF70 ss:$0x1] =	vst.idx.msk $0xffff, v18;
	v9 =	vmul.f32 v25, v9  }
0xdb: {  	v24 =	vand.u32 $0x7F, v24;
	v22 =	vld.idx.msk [tilespmem:v0+s28+$0xFFFFFD00 ss:$0x1], $0xffff;
	v43 =	vmul.f32 v32, v1;
	[tilespmem:v0+s26+$0x0 ss:$0x1] =	vst.idx.msk $0xffff, v12  }
0xdc: {  	v3 =	vor.u32 v3, v24;
	v21 =	vld.idx.msk [tilespmem:v0+s28+$0xFFFFFD80 ss:$0x1], $0xffff;
	v45 =	vmul.f32 v36, v11;
	[tilespmem:v0+s26+$0xFFFFFC80 ss:$0x1] =	vst.idx.msk $0xffff, v9  }
0xdd: {  	v3 =	vbroadcast v3, $0x0;
	v20 =	vld.idx.msk [tilespmem:v0+s28+$0xFFFFFE00 ss:$0x1], $0xffff;
	v47 =	vmul.f32 v40, v14;
	[tilespmem:v0+s31+$0xFFFFFC10 ss:$0x1] =	vst.idx.msk $0xffff, v43  }
0xde: {  	v34 =	vld.idx.msk [tilespmem:v0+s31+$0xFFFFFC90 ss:$0x1], $0xffff;
	v49 =	vmul.f32 v42, v15;
	[tilespmem:v0+s31+$0xFFFFFD10 ss:$0x1] =	vst.idx.msk $0xffff, v45  }
0xdf: {  	v19 =	vld.idx.msk [tilespmem:v0+s28+$0xFFFFFE80 ss:$0x1], $0xffff;
	v51 =	vmul.f32 v44, v16;
	[tilespmem:v0+s31+$0xFFFFFE10 ss:$0x1] =	vst.idx.msk $0xffff, v47  }
0xe0: {  	v38 =	vld.idx.msk [tilespmem:v0+s31+$0xFFFFFD90 ss:$0x1], $0xffff;
	v8 =	vmul.f32 v22, v8;
	[tilespmem:v0+s31+$0xFFFFFE90 ss:$0x1] =	vst.idx.msk $0xffff, v49  }
0xe1: {  	v17 =	vld.idx.msk [tilespmem:v0+s28+$0xFFFFFF00 ss:$0x1], $0xffff;
	v31 =	vmul.f32 v21, v6;
	[tilespmem:v0+s31+$0xFFFFFF10 ss:$0x1] =	vst.idx.msk $0xffff, v51  }
0xe2: {  	v18 =	vld.idx.msk [tilespmem:v0+s26+$0xFFFFFF80 ss:$0x1], $0xffff;
	v33 =	vmul.f32 v20, v10;
	[tilespmem:v0+s26+$0xFFFFFD00 ss:$0x1] =	vst.idx.msk $0xffff, v8  }
0xe3: {  	v10 =	vmul.f32 v34, v2;
	v3 =	vld.idx.msk [tilespmem:v3+s16+$0x0], $0xffff;
	[tilespmem:v0+s26+$0xFFFFFD80 ss:$0x1] =	vst.idx.msk $0xffff, v31  }
0xe4: {  	v35 =	vmul.f32 v19, v7;
	v46 =	vld.idx.msk [tilespmem:v0+s31+$0xFFFFFC20 ss:$0x1], $0xffff;
	[tilespmem:v0+s26+$0xFFFFFE00 ss:$0x1] =	vst.idx.msk $0xffff, v33  }
0xe5: {  	v8 =	vmul.f32 v38, v13;
	v48 =	vld.idx.msk [tilespmem:v0+s31+$0xFFFFFD20 ss:$0x1], $0xffff;
	[tilespmem:v0+s31+$0xFFFFFC90 ss:$0x1] =	vst.idx.msk $0xffff, v10  }
0xe6: {  	v52 =	vld.idx.msk [tilespmem:v0+s31+$0xFFFFFE20 ss:$0x1], $0xffff;
	v37 =	vmul.f32 v17, v5;
	[tilespmem:v0+s26+$0xFFFFFE80 ss:$0x1] =	vst.idx.msk $0xffff, v35  }
0xe7: {  	v54 =	vld.idx.msk [tilespmem:v0+s31+$0xFFFFFF20 ss:$0x1], $0xffff;
	v39 =	vmul.f32 v18, v4;
	[tilespmem:v0+s31+$0xFFFFFD90 ss:$0x1] =	vst.idx.msk $0xffff, v8  }
0xe8: {  	v10 =	vld.idx.msk [tilespmem:v0+s31+$0xFFFFFCA0 ss:$0x1], $0xffff;
	[tilespmem:v0+s26+$0xFFFFFF00 ss:$0x1] =	vst.idx.msk $0xffff, v37;
	v41 =	vmul.f32 v30, v3  }
0xe9: {  	v8 =	vld.idx.msk [tilespmem:v0+s31+$0xFFFFFEA0 ss:$0x1], $0xffff;
	[tilespmem:v0+s26+$0xFFFFFF80 ss:$0x1] =	vst.idx.msk $0xffff, v39;
	v53 =	vmul.f32 v46, v1  }
0xea: {  	v50 =	vld.idx.msk [tilespmem:v0+s31+$0xFFFFFDA0 ss:$0x1], $0xffff;
	v55 =	vmul.f32 v48, v11;
	[tilespmem:v0+s31+$0xFFFFFF90 ss:$0x1] =	vst.idx.msk $0xffff, v41  }
0xeb: {  	v59 =	vmul.f32 v52, v14;
	[tilespmem:v0+s31+$0xFFFFFC20 ss:$0x1] =	vst.idx.msk $0xffff, v53;
	v5 =	vld.idx.msk [tilespmem:v0+s31+$0xFFFFFFA0 ss:$0x1], $0xffff  }
0xec: {  	v61 =	vmul.f32 v54, v16;
	[tilespmem:v0+s31+$0xFFFFFD20 ss:$0x1] =	vst.idx.msk $0xffff, v55;
	v56 =	vld.idx.msk [tilespmem:v0+s31+$0xFFFFFC30 ss:$0x1], $0xffff  }
0xed: {  	v10 =	vmul.f32 v10, v2;
	[tilespmem:v0+s31+$0xFFFFFE20 ss:$0x1] =	vst.idx.msk $0xffff, v59;
	v60 =	vld.idx.msk [tilespmem:v0+s31+$0xFFFFFD30 ss:$0x1], $0xffff  }
0xee: {  	v8 =	vmul.f32 v8, v15;
	[tilespmem:v0+s31+$0xFFFFFF20 ss:$0x1] =	vst.idx.msk $0xffff, v61;
	v62 =	vld.idx.msk [tilespmem:v0+s31+$0xFFFFFE30 ss:$0x1], $0xffff  }
0xef: {  	v57 =	vmul.f32 v50, v13;
	v17 =	vld.idx.msk [tilespmem:v0+s31+$0xFFFFFF30 ss:$0x1], $0xffff;
	[tilespmem:v0+s31+$0xFFFFFCA0 ss:$0x1] =	vst.idx.msk $0xffff, v10  }
0xf0: {  	[tilespmem:v0+s31+$0xFFFFFEA0 ss:$0x1] =	vst.idx.msk $0xffff, v8;
	v58 =	vld.idx.msk [tilespmem:v0+s31+$0xFFFFFCB0 ss:$0x1], $0xffff;
	v5 =	vmul.f32 v5, v3  }
0xf1: {  	[tilespmem:v0+s31+$0xFFFFFDA0 ss:$0x1] =	vst.idx.msk $0xffff, v57;
	v8 =	vld.idx.msk [tilespmem:v0+s31+$0xFFFFFEB0 ss:$0x1], $0xffff;
	v63 =	vmul.f32 v56, v1  }
0xf2: {  	v10 =	vld.idx.msk [tilespmem:v0+s31+$0xFFFFFDB0 ss:$0x1], $0xffff;
	v18 =	vmul.f32 v60, v11;
	[tilespmem:v0+s31+$0xFFFFFFA0 ss:$0x1] =	vst.idx.msk $0xffff, v5  }
0xf3: {  	v20 =	vmul.f32 v62, v14;
	[tilespmem:v0+s31+$0xFFFFFC30 ss:$0x1] =	vst.idx.msk $0xffff, v63;
	v5 =	vld.idx.msk [tilespmem:v0+s31+$0xFFFFFFB0 ss:$0x1], $0xffff  }
0xf4: {  	v22 =	vmul.f32 v17, v16;
	[tilespmem:v0+s31+$0xFFFFFD30 ss:$0x1] =	vst.idx.msk $0xffff, v18;
	v19 =	vld.idx.msk [tilespmem:v0+s31+$0xFFFFFC40 ss:$0x1], $0xffff  }
0xf5: {  	v12 =	vmul.f32 v58, v2;
	[tilespmem:v0+s31+$0xFFFFFE30 ss:$0x1] =	vst.idx.msk $0xffff, v20;
	v21 =	vld.idx.msk [tilespmem:v0+s31+$0xFFFFFD40 ss:$0x1], $0xffff  }
0xf6: {  	v8 =	vmul.f32 v8, v15;
	[tilespmem:v0+s31+$0xFFFFFF30 ss:$0x1] =	vst.idx.msk $0xffff, v22;
	v23 =	vld.idx.msk [tilespmem:v0+s31+$0xFFFFFE40 ss:$0x1], $0xffff  }
0xf7: {  	v10 =	vmul.f32 v10, v13;
	v25 =	vld.idx.msk [tilespmem:v0+s31+$0xFFFFFF40 ss:$0x1], $0xffff;
	[tilespmem:v0+s31+$0xFFFFFCB0 ss:$0x1] =	vst.idx.msk $0xffff, v12  }
0xf8: {  	[tilespmem:v0+s31+$0xFFFFFEB0 ss:$0x1] =	vst.idx.msk $0xffff, v8;
	v12 =	vld.idx.msk [tilespmem:v0+s31+$0xFFFFFCC0 ss:$0x1], $0xffff;
	v5 =	vmul.f32 v5, v3  }
0xf9: {  	[tilespmem:v0+s31+$0xFFFFFDB0 ss:$0x1] =	vst.idx.msk $0xffff, v10;
	v8 =	vld.idx.msk [tilespmem:v0+s31+$0xFFFFFEC0 ss:$0x1], $0xffff;
	v24 =	vmul.f32 v19, v1  }
0xfa: {  	v10 =	vld.idx.msk [tilespmem:v0+s31+$0xFFFFFDC0 ss:$0x1], $0xffff;
	v26 =	vmul.f32 v21, v11;
	[tilespmem:v0+s31+$0xFFFFFFB0 ss:$0x1] =	vst.idx.msk $0xffff, v5  }
0xfb: {  	v28 =	vmul.f32 v23, v14;
	[tilespmem:v0+s31+$0xFFFFFC40 ss:$0x1] =	vst.idx.msk $0xffff, v24;
	v5 =	vld.idx.msk [tilespmem:v0+s31+$0xFFFFFFC0 ss:$0x1], $0xffff  }
0xfc: {  	v30 =	vmul.f32 v25, v16;
	[tilespmem:v0+s31+$0xFFFFFD40 ss:$0x1] =	vst.idx.msk $0xffff, v26;
	v27 =	vld.idx.msk [tilespmem:v0+s31+$0xFFFFFC50 ss:$0x1], $0xffff  }
0xfd: {  	v12 =	vmul.f32 v12, v2;
	[tilespmem:v0+s31+$0xFFFFFE40 ss:$0x1] =	vst.idx.msk $0xffff, v28;
	v29 =	vld.idx.msk [tilespmem:v0+s31+$0xFFFFFD50 ss:$0x1], $0xffff  }
0xfe: {  	v8 =	vmul.f32 v8, v15;
	[tilespmem:v0+s31+$0xFFFFFF40 ss:$0x1] =	vst.idx.msk $0xffff, v30;
	v31 =	vld.idx.msk [tilespmem:v0+s31+$0xFFFFFE50 ss:$0x1], $0xffff  }
0xff: {  	v10 =	vmul.f32 v10, v13;
	v33 =	vld.idx.msk [tilespmem:v0+s31+$0xFFFFFF50 ss:$0x1], $0xffff;
	[tilespmem:v0+s31+$0xFFFFFCC0 ss:$0x1] =	vst.idx.msk $0xffff, v12  }
0x100: {  	[tilespmem:v0+s31+$0xFFFFFEC0 ss:$0x1] =	vst.idx.msk $0xffff, v8;
	v12 =	vld.idx.msk [tilespmem:v0+s31+$0xFFFFFCD0 ss:$0x1], $0xffff;
	v5 =	vmul.f32 v5, v3  }
0x101: {  	[tilespmem:v0+s31+$0xFFFFFDC0 ss:$0x1] =	vst.idx.msk $0xffff, v10;
	v8 =	vld.idx.msk [tilespmem:v0+s31+$0xFFFFFED0 ss:$0x1], $0xffff;
	v32 =	vmul.f32 v27, v1  }
0x102: {  	v10 =	vld.idx.msk [tilespmem:v0+s31+$0xFFFFFDD0 ss:$0x1], $0xffff;
	v34 =	vmul.f32 v29, v11;
	[tilespmem:v0+s31+$0xFFFFFFC0 ss:$0x1] =	vst.idx.msk $0xffff, v5  }
0x103: {  	v36 =	vmul.f32 v31, v14;
	[tilespmem:v0+s31+$0xFFFFFC50 ss:$0x1] =	vst.idx.msk $0xffff, v32;
	v5 =	vld.idx.msk [tilespmem:v0+s31+$0xFFFFFFD0 ss:$0x1], $0xffff  }
0x104: {  	v38 =	vmul.f32 v33, v16;
	[tilespmem:v0+s31+$0xFFFFFD50 ss:$0x1] =	vst.idx.msk $0xffff, v34;
	v35 =	vld.idx.msk [tilespmem:v0+s31+$0xFFFFFC60 ss:$0x1], $0xffff  }
0x105: {  	v12 =	vmul.f32 v12, v2;
	[tilespmem:v0+s31+$0xFFFFFE50 ss:$0x1] =	vst.idx.msk $0xffff, v36;
	v37 =	vld.idx.msk [tilespmem:v0+s31+$0xFFFFFD60 ss:$0x1], $0xffff  }
0x106: {  	v8 =	vmul.f32 v8, v15;
	[tilespmem:v0+s31+$0xFFFFFF50 ss:$0x1] =	vst.idx.msk $0xffff, v38;
	v39 =	vld.idx.msk [tilespmem:v0+s31+$0xFFFFFE60 ss:$0x1], $0xffff  }
0x107: {  	v10 =	vmul.f32 v10, v13;
	v41 =	vld.idx.msk [tilespmem:v0+s31+$0xFFFFFF60 ss:$0x1], $0xffff;
	[tilespmem:v0+s31+$0xFFFFFCD0 ss:$0x1] =	vst.idx.msk $0xffff, v12  }
0x108: {  	[tilespmem:v0+s31+$0xFFFFFED0 ss:$0x1] =	vst.idx.msk $0xffff, v8;
	v12 =	vld.idx.msk [tilespmem:v0+s31+$0xFFFFFCE0 ss:$0x1], $0xffff;
	v5 =	vmul.f32 v5, v3  }
0x109: {  	[tilespmem:v0+s31+$0xFFFFFDD0 ss:$0x1] =	vst.idx.msk $0xffff, v10;
	v8 =	vld.idx.msk [tilespmem:v0+s31+$0xFFFFFEE0 ss:$0x1], $0xffff;
	v40 =	vmul.f32 v35, v1  }
0x10a: {  	v10 =	vld.idx.msk [tilespmem:v0+s31+$0xFFFFFDE0 ss:$0x1], $0xffff;
	v42 =	vmul.f32 v37, v11;
	[tilespmem:v0+s31+$0xFFFFFFD0 ss:$0x1] =	vst.idx.msk $0xffff, v5  }
0x10b: {  	v44 =	vmul.f32 v39, v14;
	[tilespmem:v0+s31+$0xFFFFFC60 ss:$0x1] =	vst.idx.msk $0xffff, v40;
	v5 =	vld.idx.msk [tilespmem:v0+s31+$0xFFFFFFE0 ss:$0x1], $0xffff  }
0x10c: {  	v46 =	vmul.f32 v41, v16;
	[tilespmem:v0+s31+$0xFFFFFD60 ss:$0x1] =	vst.idx.msk $0xffff, v42;
	v43 =	vld.idx.msk [tilespmem:v0+s31+$0xFFFFFC70 ss:$0x1], $0xffff  }
0x10d: {  	v12 =	vmul.f32 v12, v2;
	[tilespmem:v0+s31+$0xFFFFFE60 ss:$0x1] =	vst.idx.msk $0xffff, v44;
	v45 =	vld.idx.msk [tilespmem:v0+s31+$0xFFFFFD70 ss:$0x1], $0xffff  }
0x10e: {  	v8 =	vmul.f32 v8, v15;
	[tilespmem:v0+s31+$0xFFFFFF60 ss:$0x1] =	vst.idx.msk $0xffff, v46;
	v47 =	vld.idx.msk [tilespmem:v0+s31+$0xFFFFFE70 ss:$0x1], $0xffff  }
0x10f: {  	v10 =	vmul.f32 v10, v13;
	v49 =	vld.idx.msk [tilespmem:v0+s31+$0xFFFFFF70 ss:$0x1], $0xffff;
	[tilespmem:v0+s31+$0xFFFFFCE0 ss:$0x1] =	vst.idx.msk $0xffff, v12  }
0x110: {  	[tilespmem:v0+s31+$0xFFFFFEE0 ss:$0x1] =	vst.idx.msk $0xffff, v8;
	v12 =	vld.idx.msk [tilespmem:v0+s31+$0xFFFFFCF0 ss:$0x1], $0xffff;
	v5 =	vmul.f32 v5, v3  }
0x111: {  	[tilespmem:v0+s31+$0xFFFFFDE0 ss:$0x1] =	vst.idx.msk $0xffff, v10;
	v8 =	vld.idx.msk [tilespmem:v0+s31+$0xFFFFFEF0 ss:$0x1], $0xffff;
	v48 =	vmul.f32 v43, v1  }
0x112: {  	v10 =	vld.idx.msk [tilespmem:v0+s31+$0xFFFFFDF0 ss:$0x1], $0xffff;
	v50 =	vmul.f32 v45, v11;
	[tilespmem:v0+s31+$0xFFFFFFE0 ss:$0x1] =	vst.idx.msk $0xffff, v5  }
0x113: {  	v52 =	vmul.f32 v47, v14;
	[tilespmem:v0+s31+$0xFFFFFC70 ss:$0x1] =	vst.idx.msk $0xffff, v48;
	v5 =	vld.idx.msk [tilespmem:v0+s31+$0xFFFFFFF0 ss:$0x1], $0xffff  }
0x114: {  	v54 =	vmul.f32 v49, v16;
	[tilespmem:v0+s31+$0xFFFFFD70 ss:$0x1] =	vst.idx.msk $0xffff, v50;
	v51 =	vld.idx.msk [tilespmem:v0+s31+$0xFFFFFC80 ss:$0x1], $0xffff  }
0x115: {  	v12 =	vmul.f32 v12, v2;
	[tilespmem:v0+s31+$0xFFFFFE70 ss:$0x1] =	vst.idx.msk $0xffff, v52;
	v53 =	vld.idx.msk [tilespmem:v0+s31+$0xFFFFFD80 ss:$0x1], $0xffff  }
0x116: {  	v8 =	vmul.f32 v8, v15;
	[tilespmem:v0+s31+$0xFFFFFF70 ss:$0x1] =	vst.idx.msk $0xffff, v54;
	v55 =	vld.idx.msk [tilespmem:v0+s31+$0xFFFFFE80 ss:$0x1], $0xffff  }
0x117: {  	v10 =	vmul.f32 v10, v13;
	v4 =	vld.idx.msk [tilespmem:v0+s31+$0xFFFFFF80 ss:$0x1], $0xffff;
	[tilespmem:v0+s31+$0xFFFFFCF0 ss:$0x1] =	vst.idx.msk $0xffff, v12  }
0x118: {  	[tilespmem:v0+s31+$0xFFFFFEF0 ss:$0x1] =	vst.idx.msk $0xffff, v8;
	v12 =	vld.idx.msk [tilespmem:v0+s31+$0xFFFFFD00 ss:$0x1], $0xffff;
	v5 =	vmul.f32 v5, v3  }
0x119: {  	[tilespmem:v0+s31+$0xFFFFFDF0 ss:$0x1] =	vst.idx.msk $0xffff, v10;
	v56 =	vld.idx.msk [tilespmem:v0+s31+$0xFFFFFF00 ss:$0x1], $0xffff;
	v57 =	vmul.f32 v51, v1  }
0x11a: {  	v10 =	vld.idx.msk [tilespmem:v0+s31+$0xFFFFFE00 ss:$0x1], $0xffff;
	v59 =	vmul.f32 v53, v11;
	[tilespmem:v0+s31+$0xFFFFFFF0 ss:$0x1] =	vst.idx.msk $0xffff, v5  }
0x11b: {  	v61 =	vmul.f32 v55, v14;
	[tilespmem:v0+s31+$0xFFFFFC80 ss:$0x1] =	vst.idx.msk $0xffff, v57;
	v5 =	vld.idx.msk [tilespmem:v0+s31+$0x0 ss:$0x1], $0xffff  }
0x11c: {  	v63 =	vmul.f32 v4, v16;
	[tilespmem:v0+s31+$0xFFFFFD80 ss:$0x1] =	vst.idx.msk $0xffff, v59  }
0x11d: {  	v58 =	vmul.f32 v12, v2;
	[tilespmem:v0+s31+$0xFFFFFE80 ss:$0x1] =	vst.idx.msk $0xffff, v61  }
0x11e: {  	v62 =	vmul.f32 v56, v15;
	[tilespmem:v0+s31+$0xFFFFFF80 ss:$0x1] =	vst.idx.msk $0xffff, v63  }
0x11f: {  	p0 =	sne.s32 s23, $0x19;
	v60 =	vmul.f32 v10, v13;
	[tilespmem:v0+s31+$0xFFFFFD00 ss:$0x1] =	vst.idx.msk $0xffff, v58  }
.Ltmp1:
0x120: {  	[tilespmem:v0+s31+$0xFFFFFF00 ss:$0x1] =	vst.idx.msk $0xffff, v62;
	v3 =	vmul.f32 v5, v3;
	(pc) =	sbr.rel @p0 .LBB2_3-.Ltmp1, $4  }
0x121: {  	s24 =	sand.u32 $0x3FFFFF80, s24;
	[tilespmem:v0+s31+$0xFFFFFE00 ss:$0x1] =	vst.idx.msk $0xffff, v60  }
0x122: {  	s24 =	sadd.s32 $0x1000, s24;
	[tilespmem:v0+s31+$0x0 ss:$0x1] =	vst.idx.msk $0xffff, v3  }
0x123: {  	[spmem:s3] =	stream.indirect.scatter.add.f32 [tilespmem:s25], [sflag:$0x2], $0x80, s24, s17, $0xb8;
	[tilespmem:$0x1E800] =	vst v63  }
0x124: {  	s22 =	sadd.s32 $0x2800, s22;
	s25 =	smov.u32 s23  }
0x125: {  	s21 =	sadd.s32 $0x1, s21  }
0x126: {  	_ =	swait.ge [sflag:s20], $0x2800;
	p0 =	sne.s32 s21, $0x5  }
.Ltmp2:
0x127: {  	[sflag:s20] =	ssyncset.done $0x0;
	(pc) =	sbr.rel @p0 .LBB2_2-.Ltmp2, $4  }
0x128: {  	[sflag:s20] =	ssyncadd.s32 $0xFFFFD800  }
0x129: {  	_ =	swait.ge [sflag:s20], $0x2800  }
0x12a: {  	[sflag:s20] =	ssyncset.done $0x0  }
0x12b: {  	[sflag:s20] =	ssyncadd.s32 $0xFFFFD800  }
0x12c: {  	s4 =	sadd.s32 $0x1, s4  }
0x12d: {  	p0 =	sne.s32 s4, s12  }
.Ltmp3:
0x12e: {  	[bflag:$0x0] =	sbarrier.arrive $0xFFFF;
	(pc) =	sbr.rel @p0 .LBB2_1-.Ltmp3, $4  }
0x12f: {  	[hbm:s11], [sflag:s9] =	dma.local [spmem:s13], $0x2800  }
0x130: {  	_ =	swait.ge [sflag:s14], $0x2800  }
0x131: {  	[sflag:s14] =	ssyncset.done $0x0  }
0x132: {  	[sflag:s14] =	ssyncadd.s32 $0xFFFFD800  }
0x133: {  	_ =	sfence.sel $0x180000  }
0x134: {  	[bflag:$0x0] =	sbarrier.arrive $0xFFFF  }
0x135: {  	p0 =	sne.s32 s2, $0x0;
	_ =	strace $0x9000004A  }
0x136: {  	s0 =	sadd.s32 @!p0 $0x100000, s0;
	[bflag:$0x2] =	sbarrier.arrive $0xFFFF  }
0x137: {  	[sflag:s0] =	ssyncadd.tile.s32 @!p0 $0x1;
	_ =	shalt  }
.Lfunc_end2:
_tile_overlayer_lowered:
.L_overlay_start_2:
0x138: {  	(tag) =	ssettag $0x2  }
0x139: {  	s0 =	rddreg [dreg:$0x0];
	s2 =	stileid.u32  }
0x13a: {  	s1 =	rddreg [dreg:$0x1];
	p0 =	sne.s32 s2, $0x0  }
0x13b: {  	s3 =	rddreg [dreg:$0x2];
	[bflag:$0x3] =	sbarrier.arrive $0xFFFF;
	s2 =	simm.s32 @!p0 $0x1C03  }
0x13c: {  	[timem:s3], [sflag:s2] =	dma.local @!p0 [hbm:s0], s1  }
0x13d: {  	s0 =	simm.s32 @!p0 $0x3  }
0x13e: {  	_ =	swait.ge @!p0 [sflag:s0], s1  }
0x13f: {  	s1 =	ssub.s32 @!p0 $0x0, s1;
	[sflag:s0] =	ssyncset.done @!p0 $0x0  }
0x140: {  	[sflag:s0] =	ssyncadd.s32 @!p0 s1  }
0x141: {  	[bflag:$0x3] =	sbarrier.arrive $0xFFFF  }
0x142: {  	_ =	shalt  }

</sc_bundles>
